<compile_context>
chip_gen: v7x
topology: tpu7x:2x2x1
jax: 0.10.2.dev20260603
libtpu: 0.0.44.dev20260713+nightly
codegen_flags: <defaults>
</compile_context>

<pallas_src>
import functools

import jax
import jax.numpy as jnp
from jax import lax
from jax.experimental import pallas as pl
from jax.experimental.pallas import tpu as pltpu
from jax.experimental.pallas import tpu_sc as plsc

_CHUNK = 128
_NCORES = 2
_NSUB = 16
_NW = _NCORES * _NSUB
_DEGW = 16
_IDXG = 4
_HH = 64


def _plan(n, n_streams):
    n_pad = ((n + 8 * _NSUB - 1) // (8 * _NSUB)) * (8 * _NSUB)
    rows_per_tile = n_pad // _NSUB
    cmax = ((-(-n_streams // _NW) + 7) // 8) * 8
    q64, rem = divmod(rows_per_tile, _CHUNK)
    return n_pad, rows_per_tile, cmax, q64, rem


def _seg_sum_half(h_half, src2d, dst2d, n_streams):
    n = h_half.shape[0]
    n_pad, rows_per_tile, cmax, q64, rem = _plan(n, n_streams)
    zrow = jnp.zeros((_CHUNK, _HH), jnp.float32)

    mesh = plsc.VectorSubcoreMesh(core_axis_name="c", subcore_axis_name="s")

    @functools.partial(
        pl.kernel,
        mesh=mesh,
        out_type=jax.ShapeDtypeStruct((_NCORES, n_pad, _HH), jnp.float32),
        scratch_types=[
            pltpu.VMEM((2, _IDXG, _CHUNK), jnp.int32),
            pltpu.VMEM((2, _IDXG, _CHUNK), jnp.int32),
            pltpu.VMEM((2, _CHUNK, _HH), jnp.float32),
            pltpu.VMEM_SHARED((n_pad, _HH), jnp.float32),
            pltpu.SemaphoreType.DMA,
            pltpu.SemaphoreType.DMA,
            pltpu.SemaphoreType.DMA,
            pltpu.SemaphoreType.DMA,
        ],
        compiler_params=pltpu.CompilerParams(use_tc_tiling_on_sc=False),
    )
    def seg_kernel(h_hbm, src_hbm, dst_hbm, zrow_hbm, parts_hbm,
                   srcg, dstg, rows, acc, g0, g1, s0, s1):
        cid = lax.axis_index("c")
        sid = lax.axis_index("s")
        w = cid * _NSUB + sid
        base = w * cmax
        cnt = jnp.clip(n_streams - base, 0, cmax)
        row0 = sid * rows_per_tile

        pltpu.sync_copy(zrow_hbm, rows.at[0])
        for j in range(q64):
            pltpu.sync_copy(rows.at[0],
                            acc.at[pl.ds(row0 + j * _CHUNK, _CHUNK)])
        if rem:
            pltpu.sync_copy(rows.at[0, pl.ds(0, rem)],
                            acc.at[pl.ds(row0 + q64 * _CHUNK, rem)])
        plsc.subcore_barrier()

        def load_idx_group(g):
            slot = g & 1
            pltpu.sync_copy(src_hbm.at[pl.ds(base + g * _IDXG, _IDXG)],
                            srcg.at[slot])
            pltpu.sync_copy(dst_hbm.at[pl.ds(base + g * _IDXG, _IDXG)],
                            dstg.at[slot])

        def src_at(k):
            return srcg.at[(k // _IDXG) & 1, k % _IDXG]

        def dst_at(k):
            return dstg.at[(k // _IDXG) & 1, k % _IDXG]

        def half_iter(k, b, gsem, gsem_n, ssem, ssem_n):
            pltpu.make_async_copy(h_hbm.at[src_at(k)], rows.at[b],
                                  gsem).wait()

            @pl.when(k + 1 < cnt)
            def _():
                @pl.when(k >= 1)
                def _():
                    pltpu.make_async_copy(
                        rows.at[1 - b], acc.at[dst_at(k - 1)], ssem_n).wait()

                pltpu.async_copy(h_hbm.at[src_at(k + 1)], rows.at[1 - b],
                                 gsem_n)

            pltpu.async_copy(rows.at[b], acc.at[dst_at(k)], ssem, add=True)

        def body(k, carry):
            @pl.when((((k + 1) % _IDXG) == 0) & (k + 1 < cnt))
            def _():
                load_idx_group((k + 1) // _IDXG)

            @pl.when((k & 1) == 0)
            def _():
                half_iter(k, 0, g0, g1, s0, s1)

            @pl.when((k & 1) == 1)
            def _():
                half_iter(k, 1, g1, g0, s1, s0)

            return carry

        def drain_scatter(k, b, ssem):
            pltpu.make_async_copy(rows.at[b], acc.at[dst_at(k)], ssem).wait()

        @pl.when(cnt > 0)
        def _():
            load_idx_group(0)
            pltpu.async_copy(h_hbm.at[src_at(0)], rows.at[0], g0)
            lax.fori_loop(0, cnt, body, 0)

            last = cnt - 1

            @pl.when((last & 1) == 0)
            def _():
                drain_scatter(last, 0, s0)

                @pl.when(cnt >= 2)
                def _():
                    drain_scatter(last - 1, 1, s1)

            @pl.when((last & 1) == 1)
            def _():
                drain_scatter(last, 1, s1)

                @pl.when(cnt >= 2)
                def _():
                    drain_scatter(last - 1, 0, s0)

        plsc.subcore_barrier()
        for j in range(q64):
            pltpu.sync_copy(acc.at[pl.ds(row0 + j * _CHUNK, _CHUNK)],
                            rows.at[0])
            pltpu.sync_copy(rows.at[0],
                            parts_hbm.at[cid, pl.ds(row0 + j * _CHUNK,
                                                    _CHUNK)])
        if rem:
            pltpu.sync_copy(acc.at[pl.ds(row0 + q64 * _CHUNK, rem)],
                            rows.at[0, pl.ds(0, rem)])
            pltpu.sync_copy(rows.at[0, pl.ds(0, rem)],
                            parts_hbm.at[cid, pl.ds(row0 + q64 * _CHUNK,
                                                    rem)])

    return seg_kernel(h_half, src2d, dst2d, zrow)


def _deg_sc(dst2d, n, n_streams):
    n_pad, rows_per_tile, cmax, q64, rem = _plan(n, n_streams)
    zdeg = jnp.zeros((_CHUNK, _DEGW), jnp.float32)
    ones16 = jnp.ones((_CHUNK, _DEGW), jnp.float32)

    mesh = plsc.VectorSubcoreMesh(core_axis_name="c", subcore_axis_name="s")

    @functools.partial(
        pl.kernel,
        mesh=mesh,
        out_type=jax.ShapeDtypeStruct((_NCORES, n_pad, _DEGW), jnp.float32),
        scratch_types=[
            pltpu.VMEM((_IDXG, _CHUNK), jnp.int32),
            pltpu.VMEM((_CHUNK, _DEGW), jnp.float32),
            pltpu.VMEM((_CHUNK, _DEGW), jnp.float32),
            pltpu.VMEM_SHARED((n_pad, _DEGW), jnp.float32),
        ],
        compiler_params=pltpu.CompilerParams(use_tc_tiling_on_sc=False),
    )
    def deg_kernel(dst_hbm, zdeg_hbm, ones_hbm, degp_hbm,
                   dstg, ones_v, deg_v, deg_sh):
        cid = lax.axis_index("c")
        sid = lax.axis_index("s")
        w = cid * _NSUB + sid
        base = w * cmax
        cnt = jnp.clip(n_streams - base, 0, cmax)
        row0 = sid * rows_per_tile

        pltpu.sync_copy(zdeg_hbm, deg_v)
        for j in range(q64):
            pltpu.sync_copy(deg_v,
                            deg_sh.at[pl.ds(row0 + j * _CHUNK, _CHUNK)])
        if rem:
            pltpu.sync_copy(deg_v.at[pl.ds(0, rem)],
                            deg_sh.at[pl.ds(row0 + q64 * _CHUNK, rem)])
        pltpu.sync_copy(ones_hbm, ones_v)
        plsc.subcore_barrier()

        def body(k, carry):
            @pl.when((k % _IDXG) == 0)
            def _():
                g = k // _IDXG
                pltpu.sync_copy(
                    dst_hbm.at[pl.ds(base + g * _IDXG, _IDXG)], dstg)

            pltpu.sync_copy(ones_v, deg_sh.at[dstg.at[k % _IDXG]], add=True)
            return carry

        lax.fori_loop(0, cnt, body, 0)

        plsc.subcore_barrier()
        for j in range(q64):
            pltpu.sync_copy(deg_sh.at[pl.ds(row0 + j * _CHUNK, _CHUNK)],
                            deg_v)
            pltpu.sync_copy(deg_v,
                            degp_hbm.at[cid, pl.ds(row0 + j * _CHUNK,
                                                   _CHUNK)])
        if rem:
            pltpu.sync_copy(deg_sh.at[pl.ds(row0 + q64 * _CHUNK, rem)],
                            deg_v.at[pl.ds(0, rem)])
            pltpu.sync_copy(deg_v.at[pl.ds(0, rem)],
                            degp_hbm.at[cid, pl.ds(row0 + q64 * _CHUNK,
                                                   rem)])

    return deg_kernel(dst2d, zdeg, ones16)


def _enc_body(x_ref, w1_ref, b1_ref, w2_ref, b2_ref, lo_ref, hi_ref):
    a = jnp.dot(x_ref[...], w1_ref[...], preferred_element_type=jnp.float32)
    a = jnp.maximum(a + b1_ref[...], 0.0)
    b = jnp.dot(a, w2_ref[...], preferred_element_type=jnp.float32)
    h = jnp.maximum(b + b2_ref[...], 0.0)
    lo_ref[...] = h[:, :_HH]
    hi_ref[...] = h[:, _HH:]


def _dec_body(plo_ref, phi_ref, degp_ref, hlo_ref, hhi_ref,
              mpwl_ref, mpwh_ref, mpb_ref, w1a_ref, w1bl_ref, w1bh_ref,
              b1_ref, w2_ref, b2_ref, o_ref):
    seg_lo = plo_ref[0] + plo_ref[1]
    seg_hi = phi_ref[0] + phi_ref[1]
    deg = degp_ref[0, :, 0:1] + degp_ref[1, :, 0:1]
    agg = (jnp.dot(seg_lo, mpwl_ref[...], preferred_element_type=jnp.float32)
           + jnp.dot(seg_hi, mpwh_ref[...],
                     preferred_element_type=jnp.float32)
           + deg * mpb_ref[...])
    u = (jnp.dot(agg, w1a_ref[...], preferred_element_type=jnp.float32)
         + jnp.dot(hlo_ref[...], w1bl_ref[...],
                   preferred_element_type=jnp.float32)
         + jnp.dot(hhi_ref[...], w1bh_ref[...],
                   preferred_element_type=jnp.float32)
         + b1_ref[...])
    u = jnp.maximum(u, 0.0)
    v = jnp.dot(u, w2_ref[...], preferred_element_type=jnp.float32)
    o_ref[...] = jnp.tanh(v + b2_ref[...])


def kernel(x, edge_index, steps, enc_W1, enc_b1, enc_W2, enc_b2, mp_W, mp_b,
           dec_W1, dec_b1, dec_W2, dec_b2):
    n, d_in = x.shape
    h_dim = mp_W.shape[0]
    mlp_h = enc_W1.shape[1]
    e = edge_index.shape[1]

    n_streams = e // _CHUNK
    cmax = ((-(-n_streams // _NW) + 7) // 8) * 8
    pad_streams = _NW * cmax

    src = edge_index[0]
    dst = edge_index[1]
    pad_e = pad_streams * _CHUNK - e
    src2d = jnp.pad(src, (0, pad_e)).reshape(pad_streams, _CHUNK)
    dst2d = jnp.pad(dst, (0, pad_e)).reshape(pad_streams, _CHUNK)

    b1e = enc_b1.reshape(1, mlp_h)
    b2e = enc_b2.reshape(1, h_dim)
    mpb = mp_b.reshape(1, h_dim)
    mpw_lo = mp_W[:_HH]
    mpw_hi = mp_W[_HH:]
    w1a = dec_W1[:h_dim]
    w1b_lo = dec_W1[h_dim:h_dim + _HH]
    w1b_hi = dec_W1[h_dim + _HH:]
    b1d = dec_b1.reshape(1, mlp_h)
    b2d = dec_b2.reshape(1, d_in)

    rb = 2000
    grid = (n // rb,)

    def full(shape):
        return pl.BlockSpec(shape, lambda i: tuple(0 for _ in shape))

    enc_call = pl.pallas_call(
        _enc_body,
        grid=grid,
        in_specs=[
            pl.BlockSpec((rb, d_in), lambda i: (i, 0)),
            full((d_in, mlp_h)),
            full((1, mlp_h)),
            full((mlp_h, h_dim)),
            full((1, h_dim)),
        ],
        out_specs=[pl.BlockSpec((rb, _HH), lambda i: (i, 0)),
                   pl.BlockSpec((rb, _HH), lambda i: (i, 0))],
        out_shape=[jax.ShapeDtypeStruct((n, _HH), jnp.float32),
                   jax.ShapeDtypeStruct((n, _HH), jnp.float32)],
    )

    dec_call = pl.pallas_call(
        _dec_body,
        grid=grid,
        in_specs=[
            pl.BlockSpec((_NCORES, rb, _HH), lambda i: (0, i, 0)),
            pl.BlockSpec((_NCORES, rb, _HH), lambda i: (0, i, 0)),
            pl.BlockSpec((_NCORES, rb, _DEGW), lambda i: (0, i, 0)),
            pl.BlockSpec((rb, _HH), lambda i: (i, 0)),
            pl.BlockSpec((rb, _HH), lambda i: (i, 0)),
            full((_HH, h_dim)),
            full((_HH, h_dim)),
            full((1, h_dim)),
            full((h_dim, mlp_h)),
            full((_HH, mlp_h)),
            full((_HH, mlp_h)),
            full((1, mlp_h)),
            full((mlp_h, d_in)),
            full((1, d_in)),
        ],
        out_specs=pl.BlockSpec((rb, d_in), lambda i: (i, 0)),
        out_shape=jax.ShapeDtypeStruct((n, d_in), jnp.float32),
    )

    degp = _deg_sc(dst2d, n, n_streams)[:, :n]

    def body(_, xc):
        h_lo, h_hi = enc_call(xc, enc_W1, b1e, enc_W2, b2e)
        p_lo = _seg_sum_half(h_lo, src2d, dst2d, n_streams)[:, :n]
        p_hi = _seg_sum_half(h_hi, src2d, dst2d, n_streams)[:, :n]
        return dec_call(p_lo, p_hi, degp, h_lo, h_hi,
                        mpw_lo, mpw_hi, mpb, w1a, w1b_lo, w1b_hi,
                        b1d, dec_W2, b2d)

    return lax.fori_loop(0, steps, body, x)

# --- scband reference (transcript-rebuilt; emitter-appended) ---
"""Pipeline reference for scband-gnncasimple-85341000171616 (READ-ONLY COPY).

The authoritative reference and input builder live on the scoring server;
editing this copy changes nothing except your own understanding.
"""

import jax, jax.numpy as jnp
import numpy as np

N = 10000
E = 320000
D_IN = 128
H = 128
MLP_H = 256


def setup_inputs(seed: int = 0) -> dict:
    key = jax.random.key(seed)
    ks = jax.random.split(key, 16)
    x = jax.random.normal(ks[0], (N, D_IN), dtype=jnp.float32)
    edge_index = jax.random.randint(ks[1], (2, E), 0, N, dtype=jnp.int32)
    s = 0.05
    params = {
        'enc_W1': jax.random.normal(ks[2], (D_IN, MLP_H), jnp.float32) * s,
        'enc_b1': jnp.zeros((MLP_H,), jnp.float32),
        'enc_W2': jax.random.normal(ks[3], (MLP_H, H), jnp.float32) * s,
        'enc_b2': jnp.zeros((H,), jnp.float32),
        'mp_W': jax.random.normal(ks[4], (H, H), jnp.float32) * s,
        'mp_b': jnp.zeros((H,), jnp.float32),
        'dec_W1': jax.random.normal(ks[5], (2 * H, MLP_H), jnp.float32) * s,
        'dec_b1': jnp.zeros((MLP_H,), jnp.float32),
        'dec_W2': jax.random.normal(ks[6], (MLP_H, D_IN), jnp.float32) * s,
        'dec_b2': jnp.zeros((D_IN,), jnp.float32),
    }
    out = {'x': x, 'edge_index': edge_index, 'steps': 2}
    out.update(params)
    return out


def reference(x, edge_index, steps, enc_W1, enc_b1, enc_W2, enc_b2, mp_W, mp_b, dec_W1, dec_b1, dec_W2, dec_b2):
    src = edge_index[0]
    dst = edge_index[1]
    n = x.shape[0]

    def body(_, x):
        # encoder MLP: Linear -> ReLU -> Linear -> ReLU (final_activation='relu')
        h = jax.nn.relu(x @ enc_W1 + enc_b1)
        h = jax.nn.relu(h @ enc_W2 + enc_b2)
        # GeneralConv message passing (root_weight=False, aggr='add'):
        # message = lin_msg(x_src); aggregate = scatter-add into dst
        msg = jnp.take(h, src, axis=0) @ mp_W + mp_b
        agg = jax.ops.segment_sum(msg, dst, num_segments=n)
        # connectivity='cat'
        cat = jnp.concatenate([agg, h], axis=-1)
        # decoder MLP: Linear -> ReLU -> Linear -> Tanh
        d = jax.nn.relu(cat @ dec_W1 + dec_b1)
        return jnp.tanh(d @ dec_W2 + dec_b2)

    x = jax.lax.fori_loop(0, steps, body, x)
    return x

if __name__ == "__main__":
    import jax
    _d = setup_inputs()
    print(jax.jit(kernel)(*tuple(_d.values())))

</pallas_src>

<mosaic_0001>
#map = affine_map<(d0, d1) -> (0, 0)>
#map1 = affine_map<(d0, d1) -> (0, 0, 0)>
module attributes {stable_mosaic.version = 14 : i64} {
  func.func @deg_kernel(%arg0: i32, %arg1: i32, %arg2: memref<2560x128xi32, #tpu.memory_space<hbm>>, %arg3: memref<128x16xf32, #tpu.memory_space<hbm>>, %arg4: memref<128x16xf32, #tpu.memory_space<hbm>>, %arg5: memref<2x10112x16xf32, #tpu.memory_space<hbm>>, %arg6: memref<4x128xi32, #tpu.memory_space<vmem>>, %arg7: memref<128x16xf32, #tpu.memory_space<vmem>>, %arg8: memref<128x16xf32, #tpu.memory_space<vmem>>, %arg9: memref<10112x16xf32, #tpu.memory_space<vmem_shared>>) attributes {dimension_semantics = [#tpu.dimension_semantics<core_parallel>, #tpu.dimension_semantics<subcore_parallel>], iteration_bounds = array<i64: 2, 16>, scalar_prefetch = 0 : i64, scratch_operands = 4 : i64, tpu.core_type = #tpu.core_type<sc_vector_subcore>, window_params = [{transform_indices = #map}, {transform_indices = #map}, {transform_indices = #map}, {transform_indices = #map1}]} {
    %mul3A = arith.constant 16 : i32
    %mul3A_0 = arith.muli %arg0, %mul3A : i32
    %add3A = arith.addi %mul3A_0, %arg1 : i32
    %mul3A_1 = arith.constant 80 : i32
    %mul3A_2 = arith.muli %add3A, %mul3A_1 : i32
    %sub3A = arith.constant 2500 : i32
    %sub3A_3 = arith.subi %sub3A, %mul3A_2 : i32
    %jit3A = arith.constant 0 : i32
    %jit3A_4 = arith.constant 80 : i32
    %max3A = arith.maxsi %jit3A, %sub3A_3 : i32
    %min3A = arith.minsi %jit3A_4, %max3A : i32
    %mul3A_5 = arith.constant 632 : i32
    %mul3A_6 = arith.muli %arg1, %mul3A_5 : i32
    "tpu.region"() ({
      %run_scoped3A = tpu.sem_alloc : memref<!tpu.dma_semaphore, #tpu.memory_space<semaphore_mem>>
      tpu.enqueue_dma source(%arg3 : memref<128x16xf32, #tpu.memory_space<hbm>>) target(%arg8 : memref<128x16xf32, #tpu.memory_space<vmem>>) target_semaphore(%run_scoped3A : memref<!tpu.dma_semaphore, #tpu.memory_space<semaphore_mem>>)
      tpu.wait_dma2 semaphore(%run_scoped3A : memref<!tpu.dma_semaphore, #tpu.memory_space<semaphore_mem>>) src(%arg3 : memref<128x16xf32, #tpu.memory_space<hbm>>) dst(%arg8 : memref<128x16xf32, #tpu.memory_space<vmem>>)
      tpu.yield
    }) : () -> ()
    %add3A_7 = arith.constant 0 : i32
    %add3A_8 = arith.addi %mul3A_6, %add3A_7 : i32
    "tpu.region"() ({
      %run_scoped3A = tpu.sem_alloc : memref<!tpu.dma_semaphore, #tpu.memory_space<semaphore_mem>>
      %dma_start3A = arith.constant 0 : i32
      %dma_start3A_47 = tpu.memref_slice %arg9[%add3A_8, %dma_start3A] : memref<10112x16xf32, #tpu.memory_space<vmem_shared>> -> memref<128x16xf32, #tpu.memory_space<vmem_shared>>
      %dma_start3A_48 = arith.constant 0 : i32
      %dma_start3A_49 = tpu.memref_slice %arg9[%add3A_8, %dma_start3A_48] : memref<10112x16xf32, #tpu.memory_space<vmem_shared>> -> memref<128x16xf32, #tpu.memory_space<vmem_shared>>
      tpu.enqueue_dma source(%arg8 : memref<128x16xf32, #tpu.memory_space<vmem>>) target(%dma_start3A_49 : memref<128x16xf32, #tpu.memory_space<vmem_shared>>) target_semaphore(%run_scoped3A : memref<!tpu.dma_semaphore, #tpu.memory_space<semaphore_mem>>)
      %dma_wait3A = arith.constant 0 : i32
      %dma_wait3A_50 = tpu.memref_slice %arg9[%add3A_8, %dma_wait3A] : memref<10112x16xf32, #tpu.memory_space<vmem_shared>> -> memref<128x16xf32, #tpu.memory_space<vmem_shared>>
      %dma_wait3A_51 = arith.constant 0 : i32
      %dma_wait3A_52 = tpu.memref_slice %arg9[%add3A_8, %dma_wait3A_51] : memref<10112x16xf32, #tpu.memory_space<vmem_shared>> -> memref<128x16xf32, #tpu.memory_space<vmem_shared>>
      tpu.wait_dma2 semaphore(%run_scoped3A : memref<!tpu.dma_semaphore, #tpu.memory_space<semaphore_mem>>) src(%arg8 : memref<128x16xf32, #tpu.memory_space<vmem>>) dst(%dma_wait3A_52 : memref<128x16xf32, #tpu.memory_space<vmem_shared>>)
      tpu.yield
    }) : () -> ()
    %add3A_9 = arith.constant 128 : i32
    %add3A_10 = arith.addi %mul3A_6, %add3A_9 : i32
    "tpu.region"() ({
      %run_scoped3A = tpu.sem_alloc : memref<!tpu.dma_semaphore, #tpu.memory_space<semaphore_mem>>
      %dma_start3A = arith.constant 0 : i32
      %dma_start3A_47 = tpu.memref_slice %arg9[%add3A_10, %dma_start3A] : memref<10112x16xf32, #tpu.memory_space<vmem_shared>> -> memref<128x16xf32, #tpu.memory_space<vmem_shared>>
      %dma_start3A_48 = arith.constant 0 : i32
      %dma_start3A_49 = tpu.memref_slice %arg9[%add3A_10, %dma_start3A_48] : memref<10112x16xf32, #tpu.memory_space<vmem_shared>> -> memref<128x16xf32, #tpu.memory_space<vmem_shared>>
      tpu.enqueue_dma source(%arg8 : memref<128x16xf32, #tpu.memory_space<vmem>>) target(%dma_start3A_49 : memref<128x16xf32, #tpu.memory_space<vmem_shared>>) target_semaphore(%run_scoped3A : memref<!tpu.dma_semaphore, #tpu.memory_space<semaphore_mem>>)
      %dma_wait3A = arith.constant 0 : i32
      %dma_wait3A_50 = tpu.memref_slice %arg9[%add3A_10, %dma_wait3A] : memref<10112x16xf32, #tpu.memory_space<vmem_shared>> -> memref<128x16xf32, #tpu.memory_space<vmem_shared>>
      %dma_wait3A_51 = arith.constant 0 : i32
      %dma_wait3A_52 = tpu.memref_slice %arg9[%add3A_10, %dma_wait3A_51] : memref<10112x16xf32, #tpu.memory_space<vmem_shared>> -> memref<128x16xf32, #tpu.memory_space<vmem_shared>>
      tpu.wait_dma2 semaphore(%run_scoped3A : memref<!tpu.dma_semaphore, #tpu.memory_space<semaphore_mem>>) src(%arg8 : memref<128x16xf32, #tpu.memory_space<vmem>>) dst(%dma_wait3A_52 : memref<128x16xf32, #tpu.memory_space<vmem_shared>>)
      tpu.yield
    }) : () -> ()
    %add3A_11 = arith.constant 256 : i32
    %add3A_12 = arith.addi %mul3A_6, %add3A_11 : i32
    "tpu.region"() ({
      %run_scoped3A = tpu.sem_alloc : memref<!tpu.dma_semaphore, #tpu.memory_space<semaphore_mem>>
      %dma_start3A = arith.constant 0 : i32
      %dma_start3A_47 = tpu.memref_slice %arg9[%add3A_12, %dma_start3A] : memref<10112x16xf32, #tpu.memory_space<vmem_shared>> -> memref<128x16xf32, #tpu.memory_space<vmem_shared>>
      %dma_start3A_48 = arith.constant 0 : i32
      %dma_start3A_49 = tpu.memref_slice %arg9[%add3A_12, %dma_start3A_48] : memref<10112x16xf32, #tpu.memory_space<vmem_shared>> -> memref<128x16xf32, #tpu.memory_space<vmem_shared>>
      tpu.enqueue_dma source(%arg8 : memref<128x16xf32, #tpu.memory_space<vmem>>) target(%dma_start3A_49 : memref<128x16xf32, #tpu.memory_space<vmem_shared>>) target_semaphore(%run_scoped3A : memref<!tpu.dma_semaphore, #tpu.memory_space<semaphore_mem>>)
      %dma_wait3A = arith.constant 0 : i32
      %dma_wait3A_50 = tpu.memref_slice %arg9[%add3A_12, %dma_wait3A] : memref<10112x16xf32, #tpu.memory_space<vmem_shared>> -> memref<128x16xf32, #tpu.memory_space<vmem_shared>>
      %dma_wait3A_51 = arith.constant 0 : i32
      %dma_wait3A_52 = tpu.memref_slice %arg9[%add3A_12, %dma_wait3A_51] : memref<10112x16xf32, #tpu.memory_space<vmem_shared>> -> memref<128x16xf32, #tpu.memory_space<vmem_shared>>
      tpu.wait_dma2 semaphore(%run_scoped3A : memref<!tpu.dma_semaphore, #tpu.memory_space<semaphore_mem>>) src(%arg8 : memref<128x16xf32, #tpu.memory_space<vmem>>) dst(%dma_wait3A_52 : memref<128x16xf32, #tpu.memory_space<vmem_shared>>)
      tpu.yield
    }) : () -> ()
    %add3A_13 = arith.constant 384 : i32
    %add3A_14 = arith.addi %mul3A_6, %add3A_13 : i32
    "tpu.region"() ({
      %run_scoped3A = tpu.sem_alloc : memref<!tpu.dma_semaphore, #tpu.memory_space<semaphore_mem>>
      %dma_start3A = arith.constant 0 : i32
      %dma_start3A_47 = tpu.memref_slice %arg9[%add3A_14, %dma_start3A] : memref<10112x16xf32, #tpu.memory_space<vmem_shared>> -> memref<128x16xf32, #tpu.memory_space<vmem_shared>>
      %dma_start3A_48 = arith.constant 0 : i32
      %dma_start3A_49 = tpu.memref_slice %arg9[%add3A_14, %dma_start3A_48] : memref<10112x16xf32, #tpu.memory_space<vmem_shared>> -> memref<128x16xf32, #tpu.memory_space<vmem_shared>>
      tpu.enqueue_dma source(%arg8 : memref<128x16xf32, #tpu.memory_space<vmem>>) target(%dma_start3A_49 : memref<128x16xf32, #tpu.memory_space<vmem_shared>>) target_semaphore(%run_scoped3A : memref<!tpu.dma_semaphore, #tpu.memory_space<semaphore_mem>>)
      %dma_wait3A = arith.constant 0 : i32
      %dma_wait3A_50 = tpu.memref_slice %arg9[%add3A_14, %dma_wait3A] : memref<10112x16xf32, #tpu.memory_space<vmem_shared>> -> memref<128x16xf32, #tpu.memory_space<vmem_shared>>
      %dma_wait3A_51 = arith.constant 0 : i32
      %dma_wait3A_52 = tpu.memref_slice %arg9[%add3A_14, %dma_wait3A_51] : memref<10112x16xf32, #tpu.memory_space<vmem_shared>> -> memref<128x16xf32, #tpu.memory_space<vmem_shared>>
      tpu.wait_dma2 semaphore(%run_scoped3A : memref<!tpu.dma_semaphore, #tpu.memory_space<semaphore_mem>>) src(%arg8 : memref<128x16xf32, #tpu.memory_space<vmem>>) dst(%dma_wait3A_52 : memref<128x16xf32, #tpu.memory_space<vmem_shared>>)
      tpu.yield
    }) : () -> ()
    %add3A_15 = arith.constant 512 : i32
    %add3A_16 = arith.addi %mul3A_6, %add3A_15 : i32
    "tpu.region"() ({
      %run_scoped3A = tpu.sem_alloc : memref<!tpu.dma_semaphore, #tpu.memory_space<semaphore_mem>>
      %dma_start3A = arith.constant 0 : i32
      %dma_start3A_47 = arith.constant 0 : i32
      %dma_start3A_48 = tpu.memref_slice %arg8[%dma_start3A, %dma_start3A_47] : memref<128x16xf32, #tpu.memory_space<vmem>> -> memref<120x16xf32, #tpu.memory_space<vmem>>
      %dma_start3A_49 = arith.constant 0 : i32
      %dma_start3A_50 = tpu.memref_slice %arg9[%add3A_16, %dma_start3A_49] : memref<10112x16xf32, #tpu.memory_space<vmem_shared>> -> memref<120x16xf32, #tpu.memory_space<vmem_shared>>
      %dma_start3A_51 = arith.constant 0 : i32
      %dma_start3A_52 = tpu.memref_slice %arg9[%add3A_16, %dma_start3A_51] : memref<10112x16xf32, #tpu.memory_space<vmem_shared>> -> memref<120x16xf32, #tpu.memory_space<vmem_shared>>
      %dma_start3A_53 = arith.constant 0 : i32
      %dma_start3A_54 = arith.constant 0 : i32
      %dma_start3A_55 = tpu.memref_slice %arg8[%dma_start3A_53, %dma_start3A_54] : memref<128x16xf32, #tpu.memory_space<vmem>> -> memref<120x16xf32, #tpu.memory_space<vmem>>
      tpu.enqueue_dma source(%dma_start3A_55 : memref<120x16xf32, #tpu.memory_space<vmem>>) target(%dma_start3A_52 : memref<120x16xf32, #tpu.memory_space<vmem_shared>>) target_semaphore(%run_scoped3A : memref<!tpu.dma_semaphore, #tpu.memory_space<semaphore_mem>>)
      %dma_wait3A = arith.constant 0 : i32
      %dma_wait3A_56 = arith.constant 0 : i32
      %dma_wait3A_57 = tpu.memref_slice %arg8[%dma_wait3A, %dma_wait3A_56] : memref<128x16xf32, #tpu.memory_space<vmem>> -> memref<120x16xf32, #tpu.memory_space<vmem>>
      %dma_wait3A_58 = arith.constant 0 : i32
      %dma_wait3A_59 = tpu.memref_slice %arg9[%add3A_16, %dma_wait3A_58] : memref<10112x16xf32, #tpu.memory_space<vmem_shared>> -> memref<120x16xf32, #tpu.memory_space<vmem_shared>>
      %dma_wait3A_60 = arith.constant 0 : i32
      %dma_wait3A_61 = tpu.memref_slice %arg9[%add3A_16, %dma_wait3A_60] : memref<10112x16xf32, #tpu.memory_space<vmem_shared>> -> memref<120x16xf32, #tpu.memory_space<vmem_shared>>
      %dma_wait3A_62 = arith.constant 0 : i32
      %dma_wait3A_63 = arith.constant 0 : i32
      %dma_wait3A_64 = tpu.memref_slice %arg8[%dma_wait3A_62, %dma_wait3A_63] : memref<128x16xf32, #tpu.memory_space<vmem>> -> memref<120x16xf32, #tpu.memory_space<vmem>>
      tpu.wait_dma2 semaphore(%run_scoped3A : memref<!tpu.dma_semaphore, #tpu.memory_space<semaphore_mem>>) src(%dma_wait3A_64 : memref<120x16xf32, #tpu.memory_space<vmem>>) dst(%dma_wait3A_61 : memref<120x16xf32, #tpu.memory_space<vmem_shared>>)
      tpu.yield
    }) : () -> ()
    "tpu.region"() ({
      %run_scoped3A = tpu.sem_alloc : memref<!tpu.dma_semaphore, #tpu.memory_space<semaphore_mem>>
      tpu.enqueue_dma source(%arg4 : memref<128x16xf32, #tpu.memory_space<hbm>>) target(%arg7 : memref<128x16xf32, #tpu.memory_space<vmem>>) target_semaphore(%run_scoped3A : memref<!tpu.dma_semaphore, #tpu.memory_space<semaphore_mem>>)
      tpu.wait_dma2 semaphore(%run_scoped3A : memref<!tpu.dma_semaphore, #tpu.memory_space<semaphore_mem>>) src(%arg4 : memref<128x16xf32, #tpu.memory_space<hbm>>) dst(%arg7 : memref<128x16xf32, #tpu.memory_space<vmem>>)
      tpu.yield
    }) : () -> ()
    %barrier3A = arith.constant 0 : index
    tpu.barrier barrier_id(%barrier3A)
    %while3A = arith.constant 0 : i32
    %while3A_17 = arith.constant 0 : i32
    %while3A_18 = arith.subi %min3A, %while3A_17 : i32
    %while3A_19 = arith.addi %while3A_17, %while3A_18 : i32
    %while3A_20 = arith.constant 1 : i32
    %while3A_21 = arith.divsi %while3A_18, %while3A_20 : i32
    %while3A_22 = arith.muli %while3A_21, %while3A_20 : i32
    %while3A_23 = arith.addi %while3A_17, %while3A_22 : i32
    %while3A_24 = arith.constant 1 : i32
    scf.for %while3A_47 = %while3A_17 to %while3A_23 step %while3A_24  : i32 {
      %jit3A_48 = arith.constant 4 : i32
      %eq3A = arith.constant 0 : i32
      %eq3A_49 = arith.cmpi eq, %jit3A_48, %eq3A : i32
      %jit3A_50 = arith.constant 1 : i32
      %select_n3A = arith.select %eq3A_49, %jit3A_50, %jit3A_48 : i32
      %rem3A = arith.remsi %while3A_47, %select_n3A : i32
      %ne3A = arith.constant 0 : i32
      %ne3A_51 = arith.cmpi ne, %rem3A, %ne3A : i32
      %lt3A = arith.constant 0 : i32
      %lt3A_52 = arith.cmpi slt, %rem3A, %lt3A : i32
      %lt3A_53 = arith.constant 0 : i32
      %lt3A_54 = arith.cmpi slt, %select_n3A, %lt3A_53 : i32
      %ne3A_55 = arith.xori %lt3A_52, %lt3A_54 : i1
      %and3A = arith.andi %ne3A_55, %ne3A_51 : i1
      %add3A_56 = arith.addi %rem3A, %select_n3A : i32
      %select_n3A_57 = arith.select %and3A, %add3A_56, %rem3A : i32
      %eq3A_58 = arith.constant 0 : i32
      %eq3A_59 = arith.cmpi eq, %select_n3A_57, %eq3A_58 : i32
      %convert_element_type3A = arith.extui %eq3A_59 : i1 to i32
      %cond3A = arith.constant 0 : i32
      %cond3A_60 = arith.cmpi ne, %convert_element_type3A, %cond3A : i32
      scf.if %cond3A_60 {
        %jit3A_77 = arith.constant 4 : i32
        %div3A = arith.divsi %while3A_47, %jit3A_77 : i32
        %sign3A = arith.constant 0 : i32
        %sign3A_78 = arith.cmpi sgt, %while3A_47, %sign3A : i32
        %sign3A_79 = arith.extui %sign3A_78 : i1 to i32
        %sign3A_80 = arith.constant 0 : i32
        %sign3A_81 = arith.cmpi slt, %while3A_47, %sign3A_80 : i32
        %sign3A_82 = arith.extui %sign3A_81 : i1 to i32
        %sign3A_83 = arith.subi %sign3A_79, %sign3A_82 : i32
        %sign3A_84 = arith.constant 0 : i32
        %sign3A_85 = arith.cmpi sgt, %jit3A_77, %sign3A_84 : i32
        %sign3A_86 = arith.extui %sign3A_85 : i1 to i32
        %sign3A_87 = arith.constant 0 : i32
        %sign3A_88 = arith.cmpi slt, %jit3A_77, %sign3A_87 : i32
        %sign3A_89 = arith.extui %sign3A_88 : i1 to i32
        %sign3A_90 = arith.subi %sign3A_86, %sign3A_89 : i32
        %ne3A_91 = arith.cmpi ne, %sign3A_83, %sign3A_90 : i32
        %rem3A_92 = arith.remsi %while3A_47, %jit3A_77 : i32
        %ne3A_93 = arith.constant 0 : i32
        %ne3A_94 = arith.cmpi ne, %rem3A_92, %ne3A_93 : i32
        %and3A_95 = arith.andi %ne3A_91, %ne3A_94 : i1
        %sub3A_96 = arith.constant 1 : i32
        %sub3A_97 = arith.subi %div3A, %sub3A_96 : i32
        %select_n3A_98 = arith.select %and3A_95, %sub3A_97, %div3A : i32
        %mul3A_99 = arith.constant 4 : i32
        %mul3A_100 = arith.muli %select_n3A_98, %mul3A_99 : i32
        %add3A_101 = arith.addi %mul3A_2, %mul3A_100 : i32
        "tpu.region"() ({
          %run_scoped3A = tpu.sem_alloc : memref<!tpu.dma_semaphore, #tpu.memory_space<semaphore_mem>>
          %dma_start3A = arith.constant 0 : i32
          %dma_start3A_102 = tpu.memref_slice %arg2[%add3A_101, %dma_start3A] : memref<2560x128xi32, #tpu.memory_space<hbm>> -> memref<4x128xi32, #tpu.memory_space<hbm>>
          %dma_start3A_103 = arith.constant 0 : i32
          %dma_start3A_104 = tpu.memref_slice %arg2[%add3A_101, %dma_start3A_103] : memref<2560x128xi32, #tpu.memory_space<hbm>> -> memref<4x128xi32, #tpu.memory_space<hbm>>
          tpu.enqueue_dma source(%dma_start3A_104 : memref<4x128xi32, #tpu.memory_space<hbm>>) target(%arg6 : memref<4x128xi32, #tpu.memory_space<vmem>>) target_semaphore(%run_scoped3A : memref<!tpu.dma_semaphore, #tpu.memory_space<semaphore_mem>>)
          %dma_wait3A = arith.constant 0 : i32
          %dma_wait3A_105 = tpu.memref_slice %arg2[%add3A_101, %dma_wait3A] : memref<2560x128xi32, #tpu.memory_space<hbm>> -> memref<4x128xi32, #tpu.memory_space<hbm>>
          %dma_wait3A_106 = arith.constant 0 : i32
          %dma_wait3A_107 = tpu.memref_slice %arg2[%add3A_101, %dma_wait3A_106] : memref<2560x128xi32, #tpu.memory_space<hbm>> -> memref<4x128xi32, #tpu.memory_space<hbm>>
          tpu.wait_dma2 semaphore(%run_scoped3A : memref<!tpu.dma_semaphore, #tpu.memory_space<semaphore_mem>>) src(%dma_wait3A_107 : memref<4x128xi32, #tpu.memory_space<hbm>>) dst(%arg6 : memref<4x128xi32, #tpu.memory_space<vmem>>)
          tpu.yield
        }) : () -> ()
      } else {
      }
      %jit3A_61 = arith.constant 4 : i32
      %eq3A_62 = arith.constant 0 : i32
      %eq3A_63 = arith.cmpi eq, %jit3A_61, %eq3A_62 : i32
      %jit3A_64 = arith.constant 1 : i32
      %select_n3A_65 = arith.select %eq3A_63, %jit3A_64, %jit3A_61 : i32
      %rem3A_66 = arith.remsi %while3A_47, %select_n3A_65 : i32
      %ne3A_67 = arith.constant 0 : i32
      %ne3A_68 = arith.cmpi ne, %rem3A_66, %ne3A_67 : i32
      %lt3A_69 = arith.constant 0 : i32
      %lt3A_70 = arith.cmpi slt, %rem3A_66, %lt3A_69 : i32
      %lt3A_71 = arith.constant 0 : i32
      %lt3A_72 = arith.cmpi slt, %select_n3A_65, %lt3A_71 : i32
      %ne3A_73 = arith.xori %lt3A_70, %lt3A_72 : i1
      %and3A_74 = arith.andi %ne3A_73, %ne3A_68 : i1
      %add3A_75 = arith.addi %rem3A_66, %select_n3A_65 : i32
      %select_n3A_76 = arith.select %and3A_74, %add3A_75, %rem3A_66 : i32
      "tpu.region"() ({
        %run_scoped3A = tpu.sem_alloc : memref<!tpu.dma_semaphore, #tpu.memory_space<semaphore_mem>>
        %dma_start3A = arith.constant 0 : i32
        %dma_start3A_77 = tpu.memref_slice %arg6[%select_n3A_76, %dma_start3A] : memref<4x128xi32, #tpu.memory_space<vmem>> -> memref<1x128xi32, #tpu.memory_space<vmem>>
        %dma_start3A_78 = tpu.memref_squeeze %dma_start3A_77 : memref<1x128xi32, #tpu.memory_space<vmem>> -> memref<128xi32, #tpu.memory_space<vmem>>
        %dma_start3A_79 = arith.constant 0 : i32
        %dma_start3A_80 = arith.constant 0 : i32
        %dma_start3A_81 = tpu.memref_slice %arg9[%dma_start3A_79, %dma_start3A_80] : memref<10112x16xf32, #tpu.memory_space<vmem_shared>> -> memref<10112x16xf32, #tpu.memory_space<vmem_shared>>
        tpu.enqueue_indirect_dma source(%arg7 : memref<128x16xf32, #tpu.memory_space<vmem>>) target(%dma_start3A_81 : memref<10112x16xf32, #tpu.memory_space<vmem_shared>>) offsets(%dma_start3A_78 : memref<128xi32, #tpu.memory_space<vmem>>) semaphore(%run_scoped3A : memref<!tpu.dma_semaphore, #tpu.memory_space<semaphore_mem>>) {add = true}
        %dma_wait3A = arith.constant 0 : i32
        %dma_wait3A_82 = tpu.memref_slice %arg6[%select_n3A_76, %dma_wait3A] : memref<4x128xi32, #tpu.memory_space<vmem>> -> memref<1x128xi32, #tpu.memory_space<vmem>>
        %dma_wait3A_83 = tpu.memref_squeeze %dma_wait3A_82 : memref<1x128xi32, #tpu.memory_space<vmem>> -> memref<128xi32, #tpu.memory_space<vmem>>
        %dma_wait3A_84 = arith.constant 0 : i32
        %dma_wait3A_85 = arith.constant 0 : i32
        %dma_wait3A_86 = tpu.memref_slice %arg9[%dma_wait3A_84, %dma_wait3A_85] : memref<10112x16xf32, #tpu.memory_space<vmem_shared>> -> memref<10112x16xf32, #tpu.memory_space<vmem_shared>>
        tpu.wait_indirect_dma semaphore(%run_scoped3A : memref<!tpu.dma_semaphore, #tpu.memory_space<semaphore_mem>>) src(%arg7 : memref<128x16xf32, #tpu.memory_space<vmem>>) dst(%dma_wait3A_86 : memref<10112x16xf32, #tpu.memory_space<vmem_shared>>)
        tpu.yield
      }) : () -> ()
    }
    %while3A_25 = arith.constant 1 : i32
    scf.for %while3A_47 = %while3A_23 to %while3A_19 step %while3A_25  : i32 {
      %jit3A_48 = arith.constant 4 : i32
      %eq3A = arith.constant 0 : i32
      %eq3A_49 = arith.cmpi eq, %jit3A_48, %eq3A : i32
      %jit3A_50 = arith.constant 1 : i32
      %select_n3A = arith.select %eq3A_49, %jit3A_50, %jit3A_48 : i32
      %rem3A = arith.remsi %while3A_47, %select_n3A : i32
      %ne3A = arith.constant 0 : i32
      %ne3A_51 = arith.cmpi ne, %rem3A, %ne3A : i32
      %lt3A = arith.constant 0 : i32
      %lt3A_52 = arith.cmpi slt, %rem3A, %lt3A : i32
      %lt3A_53 = arith.constant 0 : i32
      %lt3A_54 = arith.cmpi slt, %select_n3A, %lt3A_53 : i32
      %ne3A_55 = arith.xori %lt3A_52, %lt3A_54 : i1
      %and3A = arith.andi %ne3A_55, %ne3A_51 : i1
      %add3A_56 = arith.addi %rem3A, %select_n3A : i32
      %select_n3A_57 = arith.select %and3A, %add3A_56, %rem3A : i32
      %eq3A_58 = arith.constant 0 : i32
      %eq3A_59 = arith.cmpi eq, %select_n3A_57, %eq3A_58 : i32
      %convert_element_type3A = arith.extui %eq3A_59 : i1 to i32
      %cond3A = arith.constant 0 : i32
      %cond3A_60 = arith.cmpi ne, %convert_element_type3A, %cond3A : i32
      scf.if %cond3A_60 {
        %jit3A_77 = arith.constant 4 : i32
        %div3A = arith.divsi %while3A_47, %jit3A_77 : i32
        %sign3A = arith.constant 0 : i32
        %sign3A_78 = arith.cmpi sgt, %while3A_47, %sign3A : i32
        %sign3A_79 = arith.extui %sign3A_78 : i1 to i32
        %sign3A_80 = arith.constant 0 : i32
        %sign3A_81 = arith.cmpi slt, %while3A_47, %sign3A_80 : i32
        %sign3A_82 = arith.extui %sign3A_81 : i1 to i32
        %sign3A_83 = arith.subi %sign3A_79, %sign3A_82 : i32
        %sign3A_84 = arith.constant 0 : i32
        %sign3A_85 = arith.cmpi sgt, %jit3A_77, %sign3A_84 : i32
        %sign3A_86 = arith.extui %sign3A_85 : i1 to i32
        %sign3A_87 = arith.constant 0 : i32
        %sign3A_88 = arith.cmpi slt, %jit3A_77, %sign3A_87 : i32
        %sign3A_89 = arith.extui %sign3A_88 : i1 to i32
        %sign3A_90 = arith.subi %sign3A_86, %sign3A_89 : i32
        %ne3A_91 = arith.cmpi ne, %sign3A_83, %sign3A_90 : i32
        %rem3A_92 = arith.remsi %while3A_47, %jit3A_77 : i32
        %ne3A_93 = arith.constant 0 : i32
        %ne3A_94 = arith.cmpi ne, %rem3A_92, %ne3A_93 : i32
        %and3A_95 = arith.andi %ne3A_91, %ne3A_94 : i1
        %sub3A_96 = arith.constant 1 : i32
        %sub3A_97 = arith.subi %div3A, %sub3A_96 : i32
        %select_n3A_98 = arith.select %and3A_95, %sub3A_97, %div3A : i32
        %mul3A_99 = arith.constant 4 : i32
        %mul3A_100 = arith.muli %select_n3A_98, %mul3A_99 : i32
        %add3A_101 = arith.addi %mul3A_2, %mul3A_100 : i32
        "tpu.region"() ({
          %run_scoped3A = tpu.sem_alloc : memref<!tpu.dma_semaphore, #tpu.memory_space<semaphore_mem>>
          %dma_start3A = arith.constant 0 : i32
          %dma_start3A_102 = tpu.memref_slice %arg2[%add3A_101, %dma_start3A] : memref<2560x128xi32, #tpu.memory_space<hbm>> -> memref<4x128xi32, #tpu.memory_space<hbm>>
          %dma_start3A_103 = arith.constant 0 : i32
          %dma_start3A_104 = tpu.memref_slice %arg2[%add3A_101, %dma_start3A_103] : memref<2560x128xi32, #tpu.memory_space<hbm>> -> memref<4x128xi32, #tpu.memory_space<hbm>>
          tpu.enqueue_dma source(%dma_start3A_104 : memref<4x128xi32, #tpu.memory_space<hbm>>) target(%arg6 : memref<4x128xi32, #tpu.memory_space<vmem>>) target_semaphore(%run_scoped3A : memref<!tpu.dma_semaphore, #tpu.memory_space<semaphore_mem>>)
          %dma_wait3A = arith.constant 0 : i32
          %dma_wait3A_105 = tpu.memref_slice %arg2[%add3A_101, %dma_wait3A] : memref<2560x128xi32, #tpu.memory_space<hbm>> -> memref<4x128xi32, #tpu.memory_space<hbm>>
          %dma_wait3A_106 = arith.constant 0 : i32
          %dma_wait3A_107 = tpu.memref_slice %arg2[%add3A_101, %dma_wait3A_106] : memref<2560x128xi32, #tpu.memory_space<hbm>> -> memref<4x128xi32, #tpu.memory_space<hbm>>
          tpu.wait_dma2 semaphore(%run_scoped3A : memref<!tpu.dma_semaphore, #tpu.memory_space<semaphore_mem>>) src(%dma_wait3A_107 : memref<4x128xi32, #tpu.memory_space<hbm>>) dst(%arg6 : memref<4x128xi32, #tpu.memory_space<vmem>>)
          tpu.yield
        }) : () -> ()
      } else {
      }
      %jit3A_61 = arith.constant 4 : i32
      %eq3A_62 = arith.constant 0 : i32
      %eq3A_63 = arith.cmpi eq, %jit3A_61, %eq3A_62 : i32
      %jit3A_64 = arith.constant 1 : i32
      %select_n3A_65 = arith.select %eq3A_63, %jit3A_64, %jit3A_61 : i32
      %rem3A_66 = arith.remsi %while3A_47, %select_n3A_65 : i32
      %ne3A_67 = arith.constant 0 : i32
      %ne3A_68 = arith.cmpi ne, %rem3A_66, %ne3A_67 : i32
      %lt3A_69 = arith.constant 0 : i32
      %lt3A_70 = arith.cmpi slt, %rem3A_66, %lt3A_69 : i32
      %lt3A_71 = arith.constant 0 : i32
      %lt3A_72 = arith.cmpi slt, %select_n3A_65, %lt3A_71 : i32
      %ne3A_73 = arith.xori %lt3A_70, %lt3A_72 : i1
      %and3A_74 = arith.andi %ne3A_73, %ne3A_68 : i1
      %add3A_75 = arith.addi %rem3A_66, %select_n3A_65 : i32
      %select_n3A_76 = arith.select %and3A_74, %add3A_75, %rem3A_66 : i32
      "tpu.region"() ({
        %run_scoped3A = tpu.sem_alloc : memref<!tpu.dma_semaphore, #tpu.memory_space<semaphore_mem>>
        %dma_start3A = arith.constant 0 : i32
        %dma_start3A_77 = tpu.memref_slice %arg6[%select_n3A_76, %dma_start3A] : memref<4x128xi32, #tpu.memory_space<vmem>> -> memref<1x128xi32, #tpu.memory_space<vmem>>
        %dma_start3A_78 = tpu.memref_squeeze %dma_start3A_77 : memref<1x128xi32, #tpu.memory_space<vmem>> -> memref<128xi32, #tpu.memory_space<vmem>>
        %dma_start3A_79 = arith.constant 0 : i32
        %dma_start3A_80 = arith.constant 0 : i32
        %dma_start3A_81 = tpu.memref_slice %arg9[%dma_start3A_79, %dma_start3A_80] : memref<10112x16xf32, #tpu.memory_space<vmem_shared>> -> memref<10112x16xf32, #tpu.memory_space<vmem_shared>>
        tpu.enqueue_indirect_dma source(%arg7 : memref<128x16xf32, #tpu.memory_space<vmem>>) target(%dma_start3A_81 : memref<10112x16xf32, #tpu.memory_space<vmem_shared>>) offsets(%dma_start3A_78 : memref<128xi32, #tpu.memory_space<vmem>>) semaphore(%run_scoped3A : memref<!tpu.dma_semaphore, #tpu.memory_space<semaphore_mem>>) {add = true}
        %dma_wait3A = arith.constant 0 : i32
        %dma_wait3A_82 = tpu.memref_slice %arg6[%select_n3A_76, %dma_wait3A] : memref<4x128xi32, #tpu.memory_space<vmem>> -> memref<1x128xi32, #tpu.memory_space<vmem>>
        %dma_wait3A_83 = tpu.memref_squeeze %dma_wait3A_82 : memref<1x128xi32, #tpu.memory_space<vmem>> -> memref<128xi32, #tpu.memory_space<vmem>>
        %dma_wait3A_84 = arith.constant 0 : i32
        %dma_wait3A_85 = arith.constant 0 : i32
        %dma_wait3A_86 = tpu.memref_slice %arg9[%dma_wait3A_84, %dma_wait3A_85] : memref<10112x16xf32, #tpu.memory_space<vmem_shared>> -> memref<10112x16xf32, #tpu.memory_space<vmem_shared>>
        tpu.wait_indirect_dma semaphore(%run_scoped3A : memref<!tpu.dma_semaphore, #tpu.memory_space<semaphore_mem>>) src(%arg7 : memref<128x16xf32, #tpu.memory_space<vmem>>) dst(%dma_wait3A_86 : memref<10112x16xf32, #tpu.memory_space<vmem_shared>>)
        tpu.yield
      }) : () -> ()
    }
    %barrier3A_26 = arith.constant 0 : index
    tpu.barrier barrier_id(%barrier3A_26)
    %add3A_27 = arith.constant 0 : i32
    %add3A_28 = arith.addi %mul3A_6, %add3A_27 : i32
    "tpu.region"() ({
      %run_scoped3A = tpu.sem_alloc : memref<!tpu.dma_semaphore, #tpu.memory_space<semaphore_mem>>
      %dma_start3A = arith.constant 0 : i32
      %dma_start3A_47 = tpu.memref_slice %arg9[%add3A_28, %dma_start3A] : memref<10112x16xf32, #tpu.memory_space<vmem_shared>> -> memref<128x16xf32, #tpu.memory_space<vmem_shared>>
      %dma_start3A_48 = arith.constant 0 : i32
      %dma_start3A_49 = tpu.memref_slice %arg9[%add3A_28, %dma_start3A_48] : memref<10112x16xf32, #tpu.memory_space<vmem_shared>> -> memref<128x16xf32, #tpu.memory_space<vmem_shared>>
      tpu.enqueue_dma source(%dma_start3A_49 : memref<128x16xf32, #tpu.memory_space<vmem_shared>>) target(%arg8 : memref<128x16xf32, #tpu.memory_space<vmem>>) target_semaphore(%run_scoped3A : memref<!tpu.dma_semaphore, #tpu.memory_space<semaphore_mem>>)
      %dma_wait3A = arith.constant 0 : i32
      %dma_wait3A_50 = tpu.memref_slice %arg9[%add3A_28, %dma_wait3A] : memref<10112x16xf32, #tpu.memory_space<vmem_shared>> -> memref<128x16xf32, #tpu.memory_space<vmem_shared>>
      %dma_wait3A_51 = arith.constant 0 : i32
      %dma_wait3A_52 = tpu.memref_slice %arg9[%add3A_28, %dma_wait3A_51] : memref<10112x16xf32, #tpu.memory_space<vmem_shared>> -> memref<128x16xf32, #tpu.memory_space<vmem_shared>>
      tpu.wait_dma2 semaphore(%run_scoped3A : memref<!tpu.dma_semaphore, #tpu.memory_space<semaphore_mem>>) src(%dma_wait3A_52 : memref<128x16xf32, #tpu.memory_space<vmem_shared>>) dst(%arg8 : memref<128x16xf32, #tpu.memory_space<vmem>>)
      tpu.yield
    }) : () -> ()
    %add3A_29 = arith.constant 0 : i32
    %add3A_30 = arith.addi %mul3A_6, %add3A_29 : i32
    "tpu.region"() ({
      %run_scoped3A = tpu.sem_alloc : memref<!tpu.dma_semaphore, #tpu.memory_space<semaphore_mem>>
      %dma_start3A = arith.constant 0 : i32
      %dma_start3A_47 = tpu.memref_slice %arg5[%arg0, %add3A_30, %dma_start3A] : memref<2x10112x16xf32, #tpu.memory_space<hbm>> -> memref<1x128x16xf32, #tpu.memory_space<hbm>>
      %dma_start3A_48 = tpu.memref_squeeze %dma_start3A_47 : memref<1x128x16xf32, #tpu.memory_space<hbm>> -> memref<128x16xf32, #tpu.memory_space<hbm>>
      %dma_start3A_49 = arith.constant 0 : i32
      %dma_start3A_50 = tpu.memref_slice %arg5[%arg0, %add3A_30, %dma_start3A_49] : memref<2x10112x16xf32, #tpu.memory_space<hbm>> -> memref<1x128x16xf32, #tpu.memory_space<hbm>>
      %dma_start3A_51 = tpu.memref_squeeze %dma_start3A_50 : memref<1x128x16xf32, #tpu.memory_space<hbm>> -> memref<128x16xf32, #tpu.memory_space<hbm>>
      tpu.enqueue_dma source(%arg8 : memref<128x16xf32, #tpu.memory_space<vmem>>) target(%dma_start3A_51 : memref<128x16xf32, #tpu.memory_space<hbm>>) target_semaphore(%run_scoped3A : memref<!tpu.dma_semaphore, #tpu.memory_space<semaphore_mem>>)
      %dma_wait3A = arith.constant 0 : i32
      %dma_wait3A_52 = tpu.memref_slice %arg5[%arg0, %add3A_30, %dma_wait3A] : memref<2x10112x16xf32, #tpu.memory_space<hbm>> -> memref<1x128x16xf32, #tpu.memory_space<hbm>>
      %dma_wait3A_53 = tpu.memref_squeeze %dma_wait3A_52 : memref<1x128x16xf32, #tpu.memory_space<hbm>> -> memref<128x16xf32, #tpu.memory_space<hbm>>
      %dma_wait3A_54 = arith.constant 0 : i32
      %dma_wait3A_55 = tpu.memref_slice %arg5[%arg0, %add3A_30, %dma_wait3A_54] : memref<2x10112x16xf32, #tpu.memory_space<hbm>> -> memref<1x128x16xf32, #tpu.memory_space<hbm>>
      %dma_wait3A_56 = tpu.memref_squeeze %dma_wait3A_55 : memref<1x128x16xf32, #tpu.memory_space<hbm>> -> memref<128x16xf32, #tpu.memory_space<hbm>>
      tpu.wait_dma2 semaphore(%run_scoped3A : memref<!tpu.dma_semaphore, #tpu.memory_space<semaphore_mem>>) src(%arg8 : memref<128x16xf32, #tpu.memory_space<vmem>>) dst(%dma_wait3A_56 : memref<128x16xf32, #tpu.memory_space<hbm>>)
      tpu.yield
    }) : () -> ()
    %add3A_31 = arith.constant 128 : i32
    %add3A_32 = arith.addi %mul3A_6, %add3A_31 : i32
    "tpu.region"() ({
      %run_scoped3A = tpu.sem_alloc : memref<!tpu.dma_semaphore, #tpu.memory_space<semaphore_mem>>
      %dma_start3A = arith.constant 0 : i32
      %dma_start3A_47 = tpu.memref_slice %arg9[%add3A_32, %dma_start3A] : memref<10112x16xf32, #tpu.memory_space<vmem_shared>> -> memref<128x16xf32, #tpu.memory_space<vmem_shared>>
      %dma_start3A_48 = arith.constant 0 : i32
      %dma_start3A_49 = tpu.memref_slice %arg9[%add3A_32, %dma_start3A_48] : memref<10112x16xf32, #tpu.memory_space<vmem_shared>> -> memref<128x16xf32, #tpu.memory_space<vmem_shared>>
      tpu.enqueue_dma source(%dma_start3A_49 : memref<128x16xf32, #tpu.memory_space<vmem_shared>>) target(%arg8 : memref<128x16xf32, #tpu.memory_space<vmem>>) target_semaphore(%run_scoped3A : memref<!tpu.dma_semaphore, #tpu.memory_space<semaphore_mem>>)
      %dma_wait3A = arith.constant 0 : i32
      %dma_wait3A_50 = tpu.memref_slice %arg9[%add3A_32, %dma_wait3A] : memref<10112x16xf32, #tpu.memory_space<vmem_shared>> -> memref<128x16xf32, #tpu.memory_space<vmem_shared>>
      %dma_wait3A_51 = arith.constant 0 : i32
      %dma_wait3A_52 = tpu.memref_slice %arg9[%add3A_32, %dma_wait3A_51] : memref<10112x16xf32, #tpu.memory_space<vmem_shared>> -> memref<128x16xf32, #tpu.memory_space<vmem_shared>>
      tpu.wait_dma2 semaphore(%run_scoped3A : memref<!tpu.dma_semaphore, #tpu.memory_space<semaphore_mem>>) src(%dma_wait3A_52 : memref<128x16xf32, #tpu.memory_space<vmem_shared>>) dst(%arg8 : memref<128x16xf32, #tpu.memory_space<vmem>>)
      tpu.yield
    }) : () -> ()
    %add3A_33 = arith.constant 128 : i32
    %add3A_34 = arith.addi %mul3A_6, %add3A_33 : i32
    "tpu.region"() ({
      %run_scoped3A = tpu.sem_alloc : memref<!tpu.dma_semaphore, #tpu.memory_space<semaphore_mem>>
      %dma_start3A = arith.constant 0 : i32
      %dma_start3A_47 = tpu.memref_slice %arg5[%arg0, %add3A_34, %dma_start3A] : memref<2x10112x16xf32, #tpu.memory_space<hbm>> -> memref<1x128x16xf32, #tpu.memory_space<hbm>>
      %dma_start3A_48 = tpu.memref_squeeze %dma_start3A_47 : memref<1x128x16xf32, #tpu.memory_space<hbm>> -> memref<128x16xf32, #tpu.memory_space<hbm>>
      %dma_start3A_49 = arith.constant 0 : i32
      %dma_start3A_50 = tpu.memref_slice %arg5[%arg0, %add3A_34, %dma_start3A_49] : memref<2x10112x16xf32, #tpu.memory_space<hbm>> -> memref<1x128x16xf32, #tpu.memory_space<hbm>>
      %dma_start3A_51 = tpu.memref_squeeze %dma_start3A_50 : memref<1x128x16xf32, #tpu.memory_space<hbm>> -> memref<128x16xf32, #tpu.memory_space<hbm>>
      tpu.enqueue_dma source(%arg8 : memref<128x16xf32, #tpu.memory_space<vmem>>) target(%dma_start3A_51 : memref<128x16xf32, #tpu.memory_space<hbm>>) target_semaphore(%run_scoped3A : memref<!tpu.dma_semaphore, #tpu.memory_space<semaphore_mem>>)
      %dma_wait3A = arith.constant 0 : i32
      %dma_wait3A_52 = tpu.memref_slice %arg5[%arg0, %add3A_34, %dma_wait3A] : memref<2x10112x16xf32, #tpu.memory_space<hbm>> -> memref<1x128x16xf32, #tpu.memory_space<hbm>>
      %dma_wait3A_53 = tpu.memref_squeeze %dma_wait3A_52 : memref<1x128x16xf32, #tpu.memory_space<hbm>> -> memref<128x16xf32, #tpu.memory_space<hbm>>
      %dma_wait3A_54 = arith.constant 0 : i32
      %dma_wait3A_55 = tpu.memref_slice %arg5[%arg0, %add3A_34, %dma_wait3A_54] : memref<2x10112x16xf32, #tpu.memory_space<hbm>> -> memref<1x128x16xf32, #tpu.memory_space<hbm>>
      %dma_wait3A_56 = tpu.memref_squeeze %dma_wait3A_55 : memref<1x128x16xf32, #tpu.memory_space<hbm>> -> memref<128x16xf32, #tpu.memory_space<hbm>>
      tpu.wait_dma2 semaphore(%run_scoped3A : memref<!tpu.dma_semaphore, #tpu.memory_space<semaphore_mem>>) src(%arg8 : memref<128x16xf32, #tpu.memory_space<vmem>>) dst(%dma_wait3A_56 : memref<128x16xf32, #tpu.memory_space<hbm>>)
      tpu.yield
    }) : () -> ()
    %add3A_35 = arith.constant 256 : i32
    %add3A_36 = arith.addi %mul3A_6, %add3A_35 : i32
    "tpu.region"() ({
      %run_scoped3A = tpu.sem_alloc : memref<!tpu.dma_semaphore, #tpu.memory_space<semaphore_mem>>
      %dma_start3A = arith.constant 0 : i32
      %dma_start3A_47 = tpu.memref_slice %arg9[%add3A_36, %dma_start3A] : memref<10112x16xf32, #tpu.memory_space<vmem_shared>> -> memref<128x16xf32, #tpu.memory_space<vmem_shared>>
      %dma_start3A_48 = arith.constant 0 : i32
      %dma_start3A_49 = tpu.memref_slice %arg9[%add3A_36, %dma_start3A_48] : memref<10112x16xf32, #tpu.memory_space<vmem_shared>> -> memref<128x16xf32, #tpu.memory_space<vmem_shared>>
      tpu.enqueue_dma source(%dma_start3A_49 : memref<128x16xf32, #tpu.memory_space<vmem_shared>>) target(%arg8 : memref<128x16xf32, #tpu.memory_space<vmem>>) target_semaphore(%run_scoped3A : memref<!tpu.dma_semaphore, #tpu.memory_space<semaphore_mem>>)
      %dma_wait3A = arith.constant 0 : i32
      %dma_wait3A_50 = tpu.memref_slice %arg9[%add3A_36, %dma_wait3A] : memref<10112x16xf32, #tpu.memory_space<vmem_shared>> -> memref<128x16xf32, #tpu.memory_space<vmem_shared>>
      %dma_wait3A_51 = arith.constant 0 : i32
      %dma_wait3A_52 = tpu.memref_slice %arg9[%add3A_36, %dma_wait3A_51] : memref<10112x16xf32, #tpu.memory_space<vmem_shared>> -> memref<128x16xf32, #tpu.memory_space<vmem_shared>>
      tpu.wait_dma2 semaphore(%run_scoped3A : memref<!tpu.dma_semaphore, #tpu.memory_space<semaphore_mem>>) src(%dma_wait3A_52 : memref<128x16xf32, #tpu.memory_space<vmem_shared>>) dst(%arg8 : memref<128x16xf32, #tpu.memory_space<vmem>>)
      tpu.yield
    }) : () -> ()
    %add3A_37 = arith.constant 256 : i32
    %add3A_38 = arith.addi %mul3A_6, %add3A_37 : i32
    "tpu.region"() ({
      %run_scoped3A = tpu.sem_alloc : memref<!tpu.dma_semaphore, #tpu.memory_space<semaphore_mem>>
      %dma_start3A = arith.constant 0 : i32
      %dma_start3A_47 = tpu.memref_slice %arg5[%arg0, %add3A_38, %dma_start3A] : memref<2x10112x16xf32, #tpu.memory_space<hbm>> -> memref<1x128x16xf32, #tpu.memory_space<hbm>>
      %dma_start3A_48 = tpu.memref_squeeze %dma_start3A_47 : memref<1x128x16xf32, #tpu.memory_space<hbm>> -> memref<128x16xf32, #tpu.memory_space<hbm>>
      %dma_start3A_49 = arith.constant 0 : i32
      %dma_start3A_50 = tpu.memref_slice %arg5[%arg0, %add3A_38, %dma_start3A_49] : memref<2x10112x16xf32, #tpu.memory_space<hbm>> -> memref<1x128x16xf32, #tpu.memory_space<hbm>>
      %dma_start3A_51 = tpu.memref_squeeze %dma_start3A_50 : memref<1x128x16xf32, #tpu.memory_space<hbm>> -> memref<128x16xf32, #tpu.memory_space<hbm>>
      tpu.enqueue_dma source(%arg8 : memref<128x16xf32, #tpu.memory_space<vmem>>) target(%dma_start3A_51 : memref<128x16xf32, #tpu.memory_space<hbm>>) target_semaphore(%run_scoped3A : memref<!tpu.dma_semaphore, #tpu.memory_space<semaphore_mem>>)
      %dma_wait3A = arith.constant 0 : i32
      %dma_wait3A_52 = tpu.memref_slice %arg5[%arg0, %add3A_38, %dma_wait3A] : memref<2x10112x16xf32, #tpu.memory_space<hbm>> -> memref<1x128x16xf32, #tpu.memory_space<hbm>>
      %dma_wait3A_53 = tpu.memref_squeeze %dma_wait3A_52 : memref<1x128x16xf32, #tpu.memory_space<hbm>> -> memref<128x16xf32, #tpu.memory_space<hbm>>
      %dma_wait3A_54 = arith.constant 0 : i32
      %dma_wait3A_55 = tpu.memref_slice %arg5[%arg0, %add3A_38, %dma_wait3A_54] : memref<2x10112x16xf32, #tpu.memory_space<hbm>> -> memref<1x128x16xf32, #tpu.memory_space<hbm>>
      %dma_wait3A_56 = tpu.memref_squeeze %dma_wait3A_55 : memref<1x128x16xf32, #tpu.memory_space<hbm>> -> memref<128x16xf32, #tpu.memory_space<hbm>>
      tpu.wait_dma2 semaphore(%run_scoped3A : memref<!tpu.dma_semaphore, #tpu.memory_space<semaphore_mem>>) src(%arg8 : memref<128x16xf32, #tpu.memory_space<vmem>>) dst(%dma_wait3A_56 : memref<128x16xf32, #tpu.memory_space<hbm>>)
      tpu.yield
    }) : () -> ()
    %add3A_39 = arith.constant 384 : i32
    %add3A_40 = arith.addi %mul3A_6, %add3A_39 : i32
    "tpu.region"() ({
      %run_scoped3A = tpu.sem_alloc : memref<!tpu.dma_semaphore, #tpu.memory_space<semaphore_mem>>
      %dma_start3A = arith.constant 0 : i32
      %dma_start3A_47 = tpu.memref_slice %arg9[%add3A_40, %dma_start3A] : memref<10112x16xf32, #tpu.memory_space<vmem_shared>> -> memref<128x16xf32, #tpu.memory_space<vmem_shared>>
      %dma_start3A_48 = arith.constant 0 : i32
      %dma_start3A_49 = tpu.memref_slice %arg9[%add3A_40, %dma_start3A_48] : memref<10112x16xf32, #tpu.memory_space<vmem_shared>> -> memref<128x16xf32, #tpu.memory_space<vmem_shared>>
      tpu.enqueue_dma source(%dma_start3A_49 : memref<128x16xf32, #tpu.memory_space<vmem_shared>>) target(%arg8 : memref<128x16xf32, #tpu.memory_space<vmem>>) target_semaphore(%run_scoped3A : memref<!tpu.dma_semaphore, #tpu.memory_space<semaphore_mem>>)
      %dma_wait3A = arith.constant 0 : i32
      %dma_wait3A_50 = tpu.memref_slice %arg9[%add3A_40, %dma_wait3A] : memref<10112x16xf32, #tpu.memory_space<vmem_shared>> -> memref<128x16xf32, #tpu.memory_space<vmem_shared>>
      %dma_wait3A_51 = arith.constant 0 : i32
      %dma_wait3A_52 = tpu.memref_slice %arg9[%add3A_40, %dma_wait3A_51] : memref<10112x16xf32, #tpu.memory_space<vmem_shared>> -> memref<128x16xf32, #tpu.memory_space<vmem_shared>>
      tpu.wait_dma2 semaphore(%run_scoped3A : memref<!tpu.dma_semaphore, #tpu.memory_space<semaphore_mem>>) src(%dma_wait3A_52 : memref<128x16xf32, #tpu.memory_space<vmem_shared>>) dst(%arg8 : memref<128x16xf32, #tpu.memory_space<vmem>>)
      tpu.yield
    }) : () -> ()
    %add3A_41 = arith.constant 384 : i32
    %add3A_42 = arith.addi %mul3A_6, %add3A_41 : i32
    "tpu.region"() ({
      %run_scoped3A = tpu.sem_alloc : memref<!tpu.dma_semaphore, #tpu.memory_space<semaphore_mem>>
      %dma_start3A = arith.constant 0 : i32
      %dma_start3A_47 = tpu.memref_slice %arg5[%arg0, %add3A_42, %dma_start3A] : memref<2x10112x16xf32, #tpu.memory_space<hbm>> -> memref<1x128x16xf32, #tpu.memory_space<hbm>>
      %dma_start3A_48 = tpu.memref_squeeze %dma_start3A_47 : memref<1x128x16xf32, #tpu.memory_space<hbm>> -> memref<128x16xf32, #tpu.memory_space<hbm>>
      %dma_start3A_49 = arith.constant 0 : i32
      %dma_start3A_50 = tpu.memref_slice %arg5[%arg0, %add3A_42, %dma_start3A_49] : memref<2x10112x16xf32, #tpu.memory_space<hbm>> -> memref<1x128x16xf32, #tpu.memory_space<hbm>>
      %dma_start3A_51 = tpu.memref_squeeze %dma_start3A_50 : memref<1x128x16xf32, #tpu.memory_space<hbm>> -> memref<128x16xf32, #tpu.memory_space<hbm>>
      tpu.enqueue_dma source(%arg8 : memref<128x16xf32, #tpu.memory_space<vmem>>) target(%dma_start3A_51 : memref<128x16xf32, #tpu.memory_space<hbm>>) target_semaphore(%run_scoped3A : memref<!tpu.dma_semaphore, #tpu.memory_space<semaphore_mem>>)
      %dma_wait3A = arith.constant 0 : i32
      %dma_wait3A_52 = tpu.memref_slice %arg5[%arg0, %add3A_42, %dma_wait3A] : memref<2x10112x16xf32, #tpu.memory_space<hbm>> -> memref<1x128x16xf32, #tpu.memory_space<hbm>>
      %dma_wait3A_53 = tpu.memref_squeeze %dma_wait3A_52 : memref<1x128x16xf32, #tpu.memory_space<hbm>> -> memref<128x16xf32, #tpu.memory_space<hbm>>
      %dma_wait3A_54 = arith.constant 0 : i32
      %dma_wait3A_55 = tpu.memref_slice %arg5[%arg0, %add3A_42, %dma_wait3A_54] : memref<2x10112x16xf32, #tpu.memory_space<hbm>> -> memref<1x128x16xf32, #tpu.memory_space<hbm>>
      %dma_wait3A_56 = tpu.memref_squeeze %dma_wait3A_55 : memref<1x128x16xf32, #tpu.memory_space<hbm>> -> memref<128x16xf32, #tpu.memory_space<hbm>>
      tpu.wait_dma2 semaphore(%run_scoped3A : memref<!tpu.dma_semaphore, #tpu.memory_space<semaphore_mem>>) src(%arg8 : memref<128x16xf32, #tpu.memory_space<vmem>>) dst(%dma_wait3A_56 : memref<128x16xf32, #tpu.memory_space<hbm>>)
      tpu.yield
    }) : () -> ()
    %add3A_43 = arith.constant 512 : i32
    %add3A_44 = arith.addi %mul3A_6, %add3A_43 : i32
    "tpu.region"() ({
      %run_scoped3A = tpu.sem_alloc : memref<!tpu.dma_semaphore, #tpu.memory_space<semaphore_mem>>
      %dma_start3A = arith.constant 0 : i32
      %dma_start3A_47 = arith.constant 0 : i32
      %dma_start3A_48 = tpu.memref_slice %arg8[%dma_start3A, %dma_start3A_47] : memref<128x16xf32, #tpu.memory_space<vmem>> -> memref<120x16xf32, #tpu.memory_space<vmem>>
      %dma_start3A_49 = arith.constant 0 : i32
      %dma_start3A_50 = tpu.memref_slice %arg9[%add3A_44, %dma_start3A_49] : memref<10112x16xf32, #tpu.memory_space<vmem_shared>> -> memref<120x16xf32, #tpu.memory_space<vmem_shared>>
      %dma_start3A_51 = arith.constant 0 : i32
      %dma_start3A_52 = arith.constant 0 : i32
      %dma_start3A_53 = tpu.memref_slice %arg8[%dma_start3A_51, %dma_start3A_52] : memref<128x16xf32, #tpu.memory_space<vmem>> -> memref<120x16xf32, #tpu.memory_space<vmem>>
      %dma_start3A_54 = arith.constant 0 : i32
      %dma_start3A_55 = tpu.memref_slice %arg9[%add3A_44, %dma_start3A_54] : memref<10112x16xf32, #tpu.memory_space<vmem_shared>> -> memref<120x16xf32, #tpu.memory_space<vmem_shared>>
      tpu.enqueue_dma source(%dma_start3A_55 : memref<120x16xf32, #tpu.memory_space<vmem_shared>>) target(%dma_start3A_53 : memref<120x16xf32, #tpu.memory_space<vmem>>) target_semaphore(%run_scoped3A : memref<!tpu.dma_semaphore, #tpu.memory_space<semaphore_mem>>)
      %dma_wait3A = arith.constant 0 : i32
      %dma_wait3A_56 = arith.constant 0 : i32
      %dma_wait3A_57 = tpu.memref_slice %arg8[%dma_wait3A, %dma_wait3A_56] : memref<128x16xf32, #tpu.memory_space<vmem>> -> memref<120x16xf32, #tpu.memory_space<vmem>>
      %dma_wait3A_58 = arith.constant 0 : i32
      %dma_wait3A_59 = tpu.memref_slice %arg9[%add3A_44, %dma_wait3A_58] : memref<10112x16xf32, #tpu.memory_space<vmem_shared>> -> memref<120x16xf32, #tpu.memory_space<vmem_shared>>
      %dma_wait3A_60 = arith.constant 0 : i32
      %dma_wait3A_61 = arith.constant 0 : i32
      %dma_wait3A_62 = tpu.memref_slice %arg8[%dma_wait3A_60, %dma_wait3A_61] : memref<128x16xf32, #tpu.memory_space<vmem>> -> memref<120x16xf32, #tpu.memory_space<vmem>>
      %dma_wait3A_63 = arith.constant 0 : i32
      %dma_wait3A_64 = tpu.memref_slice %arg9[%add3A_44, %dma_wait3A_63] : memref<10112x16xf32, #tpu.memory_space<vmem_shared>> -> memref<120x16xf32, #tpu.memory_space<vmem_shared>>
      tpu.wait_dma2 semaphore(%run_scoped3A : memref<!tpu.dma_semaphore, #tpu.memory_space<semaphore_mem>>) src(%dma_wait3A_64 : memref<120x16xf32, #tpu.memory_space<vmem_shared>>) dst(%dma_wait3A_62 : memref<120x16xf32, #tpu.memory_space<vmem>>)
      tpu.yield
    }) : () -> ()
    %add3A_45 = arith.constant 512 : i32
    %add3A_46 = arith.addi %mul3A_6, %add3A_45 : i32
    "tpu.region"() ({
      %run_scoped3A = tpu.sem_alloc : memref<!tpu.dma_semaphore, #tpu.memory_space<semaphore_mem>>
      %dma_start3A = arith.constant 0 : i32
      %dma_start3A_47 = arith.constant 0 : i32
      %dma_start3A_48 = tpu.memref_slice %arg8[%dma_start3A, %dma_start3A_47] : memref<128x16xf32, #tpu.memory_space<vmem>> -> memref<120x16xf32, #tpu.memory_space<vmem>>
      %dma_start3A_49 = arith.constant 0 : i32
      %dma_start3A_50 = tpu.memref_slice %arg5[%arg0, %add3A_46, %dma_start3A_49] : memref<2x10112x16xf32, #tpu.memory_space<hbm>> -> memref<1x120x16xf32, #tpu.memory_space<hbm>>
      %dma_start3A_51 = tpu.memref_squeeze %dma_start3A_50 : memref<1x120x16xf32, #tpu.memory_space<hbm>> -> memref<120x16xf32, #tpu.memory_space<hbm>>
      %dma_start3A_52 = arith.constant 0 : i32
      %dma_start3A_53 = tpu.memref_slice %arg5[%arg0, %add3A_46, %dma_start3A_52] : memref<2x10112x16xf32, #tpu.memory_space<hbm>> -> memref<1x120x16xf32, #tpu.memory_space<hbm>>
      %dma_start3A_54 = tpu.memref_squeeze %dma_start3A_53 : memref<1x120x16xf32, #tpu.memory_space<hbm>> -> memref<120x16xf32, #tpu.memory_space<hbm>>
      %dma_start3A_55 = arith.constant 0 : i32
      %dma_start3A_56 = arith.constant 0 : i32
      %dma_start3A_57 = tpu.memref_slice %arg8[%dma_start3A_55, %dma_start3A_56] : memref<128x16xf32, #tpu.memory_space<vmem>> -> memref<120x16xf32, #tpu.memory_space<vmem>>
      tpu.enqueue_dma source(%dma_start3A_57 : memref<120x16xf32, #tpu.memory_space<vmem>>) target(%dma_start3A_54 : memref<120x16xf32, #tpu.memory_space<hbm>>) target_semaphore(%run_scoped3A : memref<!tpu.dma_semaphore, #tpu.memory_space<semaphore_mem>>)
      %dma_wait3A = arith.constant 0 : i32
      %dma_wait3A_58 = arith.constant 0 : i32
      %dma_wait3A_59 = tpu.memref_slice %arg8[%dma_wait3A, %dma_wait3A_58] : memref<128x16xf32, #tpu.memory_space<vmem>> -> memref<120x16xf32, #tpu.memory_space<vmem>>
      %dma_wait3A_60 = arith.constant 0 : i32
      %dma_wait3A_61 = tpu.memref_slice %arg5[%arg0, %add3A_46, %dma_wait3A_60] : memref<2x10112x16xf32, #tpu.memory_space<hbm>> -> memref<1x120x16xf32, #tpu.memory_space<hbm>>
      %dma_wait3A_62 = tpu.memref_squeeze %dma_wait3A_61 : memref<1x120x16xf32, #tpu.memory_space<hbm>> -> memref<120x16xf32, #tpu.memory_space<hbm>>
      %dma_wait3A_63 = arith.constant 0 : i32
      %dma_wait3A_64 = tpu.memref_slice %arg5[%arg0, %add3A_46, %dma_wait3A_63] : memref<2x10112x16xf32, #tpu.memory_space<hbm>> -> memref<1x120x16xf32, #tpu.memory_space<hbm>>
      %dma_wait3A_65 = tpu.memref_squeeze %dma_wait3A_64 : memref<1x120x16xf32, #tpu.memory_space<hbm>> -> memref<120x16xf32, #tpu.memory_space<hbm>>
      %dma_wait3A_66 = arith.constant 0 : i32
      %dma_wait3A_67 = arith.constant 0 : i32
      %dma_wait3A_68 = tpu.memref_slice %arg8[%dma_wait3A_66, %dma_wait3A_67] : memref<128x16xf32, #tpu.memory_space<vmem>> -> memref<120x16xf32, #tpu.memory_space<vmem>>
      tpu.wait_dma2 semaphore(%run_scoped3A : memref<!tpu.dma_semaphore, #tpu.memory_space<semaphore_mem>>) src(%dma_wait3A_68 : memref<120x16xf32, #tpu.memory_space<vmem>>) dst(%dma_wait3A_65 : memref<120x16xf32, #tpu.memory_space<hbm>>)
      tpu.yield
    }) : () -> ()
    return
  }
}

#map = affine_map<(d0, d1) -> (0, 0)>
#map1 = affine_map<(d0, d1) -> (0, 0, 0)>
module attributes {stable_mosaic.version = 14 : i64} {
  func.func @seg_kernel(%arg0: i32, %arg1: i32, %arg2: memref<10000x64xf32, #tpu.memory_space<hbm>>, %arg3: memref<2560x128xi32, #tpu.memory_space<hbm>>, %arg4: memref<2560x128xi32, #tpu.memory_space<hbm>>, %arg5: memref<128x64xf32, #tpu.memory_space<hbm>>, %arg6: memref<2x10112x64xf32, #tpu.memory_space<hbm>>, %arg7: memref<2x4x128xi32, #tpu.memory_space<vmem>>, %arg8: memref<2x4x128xi32, #tpu.memory_space<vmem>>, %arg9: memref<2x128x64xf32, #tpu.memory_space<vmem>>, %arg10: memref<10112x64xf32, #tpu.memory_space<vmem_shared>>, %arg11: memref<!tpu.dma_semaphore, #tpu.memory_space<semaphore_mem>>, %arg12: memref<!tpu.dma_semaphore, #tpu.memory_space<semaphore_mem>>, %arg13: memref<!tpu.dma_semaphore, #tpu.memory_space<semaphore_mem>>, %arg14: memref<!tpu.dma_semaphore, #tpu.memory_space<semaphore_mem>>) attributes {dimension_semantics = [#tpu.dimension_semantics<core_parallel>, #tpu.dimension_semantics<subcore_parallel>], iteration_bounds = array<i64: 2, 16>, scalar_prefetch = 0 : i64, scratch_operands = 8 : i64, tpu.core_type = #tpu.core_type<sc_vector_subcore>, window_params = [{transform_indices = #map}, {transform_indices = #map}, {transform_indices = #map}, {transform_indices = #map}, {transform_indices = #map1}]} {
    %mul3A = arith.constant 16 : i32
    %mul3A_0 = arith.muli %arg0, %mul3A : i32
    %add3A = arith.addi %mul3A_0, %arg1 : i32
    %mul3A_1 = arith.constant 80 : i32
    %mul3A_2 = arith.muli %add3A, %mul3A_1 : i32
    %sub3A = arith.constant 2500 : i32
    %sub3A_3 = arith.subi %sub3A, %mul3A_2 : i32
    %jit3A = arith.constant 0 : i32
    %jit3A_4 = arith.constant 80 : i32
    %max3A = arith.maxsi %jit3A, %sub3A_3 : i32
    %min3A = arith.minsi %jit3A_4, %max3A : i32
    %mul3A_5 = arith.constant 632 : i32
    %mul3A_6 = arith.muli %arg1, %mul3A_5 : i32
    %run_scoped3A = arith.constant 0 : i32
    "tpu.region"() ({
      %run_scoped3A_55 = tpu.sem_alloc : memref<!tpu.dma_semaphore, #tpu.memory_space<semaphore_mem>>
      %dma_start3A = arith.constant 0 : i32
      %dma_start3A_56 = arith.constant 0 : i32
      %dma_start3A_57 = tpu.memref_slice %arg9[%run_scoped3A, %dma_start3A, %dma_start3A_56] : memref<2x128x64xf32, #tpu.memory_space<vmem>> -> memref<1x128x64xf32, #tpu.memory_space<vmem>>
      %dma_start3A_58 = tpu.memref_squeeze %dma_start3A_57 : memref<1x128x64xf32, #tpu.memory_space<vmem>> -> memref<128x64xf32, #tpu.memory_space<vmem>>
      %dma_start3A_59 = arith.constant 0 : i32
      %dma_start3A_60 = arith.constant 0 : i32
      %dma_start3A_61 = tpu.memref_slice %arg9[%run_scoped3A, %dma_start3A_59, %dma_start3A_60] : memref<2x128x64xf32, #tpu.memory_space<vmem>> -> memref<1x128x64xf32, #tpu.memory_space<vmem>>
      %dma_start3A_62 = tpu.memref_squeeze %dma_start3A_61 : memref<1x128x64xf32, #tpu.memory_space<vmem>> -> memref<128x64xf32, #tpu.memory_space<vmem>>
      tpu.enqueue_dma source(%arg5 : memref<128x64xf32, #tpu.memory_space<hbm>>) target(%dma_start3A_62 : memref<128x64xf32, #tpu.memory_space<vmem>>) target_semaphore(%run_scoped3A_55 : memref<!tpu.dma_semaphore, #tpu.memory_space<semaphore_mem>>)
      %dma_wait3A = arith.constant 0 : i32
      %dma_wait3A_63 = arith.constant 0 : i32
      %dma_wait3A_64 = tpu.memref_slice %arg9[%run_scoped3A, %dma_wait3A, %dma_wait3A_63] : memref<2x128x64xf32, #tpu.memory_space<vmem>> -> memref<1x128x64xf32, #tpu.memory_space<vmem>>
      %dma_wait3A_65 = tpu.memref_squeeze %dma_wait3A_64 : memref<1x128x64xf32, #tpu.memory_space<vmem>> -> memref<128x64xf32, #tpu.memory_space<vmem>>
      %dma_wait3A_66 = arith.constant 0 : i32
      %dma_wait3A_67 = arith.constant 0 : i32
      %dma_wait3A_68 = tpu.memref_slice %arg9[%run_scoped3A, %dma_wait3A_66, %dma_wait3A_67] : memref<2x128x64xf32, #tpu.memory_space<vmem>> -> memref<1x128x64xf32, #tpu.memory_space<vmem>>
      %dma_wait3A_69 = tpu.memref_squeeze %dma_wait3A_68 : memref<1x128x64xf32, #tpu.memory_space<vmem>> -> memref<128x64xf32, #tpu.memory_space<vmem>>
      tpu.wait_dma2 semaphore(%run_scoped3A_55 : memref<!tpu.dma_semaphore, #tpu.memory_space<semaphore_mem>>) src(%arg5 : memref<128x64xf32, #tpu.memory_space<hbm>>) dst(%dma_wait3A_69 : memref<128x64xf32, #tpu.memory_space<vmem>>)
      tpu.yield
    }) : () -> ()
    %add3A_7 = arith.constant 0 : i32
    %add3A_8 = arith.addi %mul3A_6, %add3A_7 : i32
    %run_scoped3A_9 = arith.constant 0 : i32
    "tpu.region"() ({
      %run_scoped3A_55 = tpu.sem_alloc : memref<!tpu.dma_semaphore, #tpu.memory_space<semaphore_mem>>
      %dma_start3A = arith.constant 0 : i32
      %dma_start3A_56 = arith.constant 0 : i32
      %dma_start3A_57 = tpu.memref_slice %arg9[%run_scoped3A_9, %dma_start3A, %dma_start3A_56] : memref<2x128x64xf32, #tpu.memory_space<vmem>> -> memref<1x128x64xf32, #tpu.memory_space<vmem>>
      %dma_start3A_58 = tpu.memref_squeeze %dma_start3A_57 : memref<1x128x64xf32, #tpu.memory_space<vmem>> -> memref<128x64xf32, #tpu.memory_space<vmem>>
      %dma_start3A_59 = arith.constant 0 : i32
      %dma_start3A_60 = tpu.memref_slice %arg10[%add3A_8, %dma_start3A_59] : memref<10112x64xf32, #tpu.memory_space<vmem_shared>> -> memref<128x64xf32, #tpu.memory_space<vmem_shared>>
      %dma_start3A_61 = arith.constant 0 : i32
      %dma_start3A_62 = tpu.memref_slice %arg10[%add3A_8, %dma_start3A_61] : memref<10112x64xf32, #tpu.memory_space<vmem_shared>> -> memref<128x64xf32, #tpu.memory_space<vmem_shared>>
      %dma_start3A_63 = arith.constant 0 : i32
      %dma_start3A_64 = arith.constant 0 : i32
      %dma_start3A_65 = tpu.memref_slice %arg9[%run_scoped3A_9, %dma_start3A_63, %dma_start3A_64] : memref<2x128x64xf32, #tpu.memory_space<vmem>> -> memref<1x128x64xf32, #tpu.memory_space<vmem>>
      %dma_start3A_66 = tpu.memref_squeeze %dma_start3A_65 : memref<1x128x64xf32, #tpu.memory_space<vmem>> -> memref<128x64xf32, #tpu.memory_space<vmem>>
      tpu.enqueue_dma source(%dma_start3A_66 : memref<128x64xf32, #tpu.memory_space<vmem>>) target(%dma_start3A_62 : memref<128x64xf32, #tpu.memory_space<vmem_shared>>) target_semaphore(%run_scoped3A_55 : memref<!tpu.dma_semaphore, #tpu.memory_space<semaphore_mem>>)
      %dma_wait3A = arith.constant 0 : i32
      %dma_wait3A_67 = arith.constant 0 : i32
      %dma_wait3A_68 = tpu.memref_slice %arg9[%run_scoped3A_9, %dma_wait3A, %dma_wait3A_67] : memref<2x128x64xf32, #tpu.memory_space<vmem>> -> memref<1x128x64xf32, #tpu.memory_space<vmem>>
      %dma_wait3A_69 = tpu.memref_squeeze %dma_wait3A_68 : memref<1x128x64xf32, #tpu.memory_space<vmem>> -> memref<128x64xf32, #tpu.memory_space<vmem>>
      %dma_wait3A_70 = arith.constant 0 : i32
      %dma_wait3A_71 = tpu.memref_slice %arg10[%add3A_8, %dma_wait3A_70] : memref<10112x64xf32, #tpu.memory_space<vmem_shared>> -> memref<128x64xf32, #tpu.memory_space<vmem_shared>>
      %dma_wait3A_72 = arith.constant 0 : i32
      %dma_wait3A_73 = tpu.memref_slice %arg10[%add3A_8, %dma_wait3A_72] : memref<10112x64xf32, #tpu.memory_space<vmem_shared>> -> memref<128x64xf32, #tpu.memory_space<vmem_shared>>
      %dma_wait3A_74 = arith.constant 0 : i32
      %dma_wait3A_75 = arith.constant 0 : i32
      %dma_wait3A_76 = tpu.memref_slice %arg9[%run_scoped3A_9, %dma_wait3A_74, %dma_wait3A_75] : memref<2x128x64xf32, #tpu.memory_space<vmem>> -> memref<1x128x64xf32, #tpu.memory_space<vmem>>
      %dma_wait3A_77 = tpu.memref_squeeze %dma_wait3A_76 : memref<1x128x64xf32, #tpu.memory_space<vmem>> -> memref<128x64xf32, #tpu.memory_space<vmem>>
      tpu.wait_dma2 semaphore(%run_scoped3A_55 : memref<!tpu.dma_semaphore, #tpu.memory_space<semaphore_mem>>) src(%dma_wait3A_77 : memref<128x64xf32, #tpu.memory_space<vmem>>) dst(%dma_wait3A_73 : memref<128x64xf32, #tpu.memory_space<vmem_shared>>)
      tpu.yield
    }) : () -> ()
    %add3A_10 = arith.constant 128 : i32
    %add3A_11 = arith.addi %mul3A_6, %add3A_10 : i32
    %run_scoped3A_12 = arith.constant 0 : i32
    "tpu.region"() ({
      %run_scoped3A_55 = tpu.sem_alloc : memref<!tpu.dma_semaphore, #tpu.memory_space<semaphore_mem>>
      %dma_start3A = arith.constant 0 : i32
      %dma_start3A_56 = arith.constant 0 : i32
      %dma_start3A_57 = tpu.memref_slice %arg9[%run_scoped3A_12, %dma_start3A, %dma_start3A_56] : memref<2x128x64xf32, #tpu.memory_space<vmem>> -> memref<1x128x64xf32, #tpu.memory_space<vmem>>
      %dma_start3A_58 = tpu.memref_squeeze %dma_start3A_57 : memref<1x128x64xf32, #tpu.memory_space<vmem>> -> memref<128x64xf32, #tpu.memory_space<vmem>>
      %dma_start3A_59 = arith.constant 0 : i32
      %dma_start3A_60 = tpu.memref_slice %arg10[%add3A_11, %dma_start3A_59] : memref<10112x64xf32, #tpu.memory_space<vmem_shared>> -> memref<128x64xf32, #tpu.memory_space<vmem_shared>>
      %dma_start3A_61 = arith.constant 0 : i32
      %dma_start3A_62 = tpu.memref_slice %arg10[%add3A_11, %dma_start3A_61] : memref<10112x64xf32, #tpu.memory_space<vmem_shared>> -> memref<128x64xf32, #tpu.memory_space<vmem_shared>>
      %dma_start3A_63 = arith.constant 0 : i32
      %dma_start3A_64 = arith.constant 0 : i32
      %dma_start3A_65 = tpu.memref_slice %arg9[%run_scoped3A_12, %dma_start3A_63, %dma_start3A_64] : memref<2x128x64xf32, #tpu.memory_space<vmem>> -> memref<1x128x64xf32, #tpu.memory_space<vmem>>
      %dma_start3A_66 = tpu.memref_squeeze %dma_start3A_65 : memref<1x128x64xf32, #tpu.memory_space<vmem>> -> memref<128x64xf32, #tpu.memory_space<vmem>>
      tpu.enqueue_dma source(%dma_start3A_66 : memref<128x64xf32, #tpu.memory_space<vmem>>) target(%dma_start3A_62 : memref<128x64xf32, #tpu.memory_space<vmem_shared>>) target_semaphore(%run_scoped3A_55 : memref<!tpu.dma_semaphore, #tpu.memory_space<semaphore_mem>>)
      %dma_wait3A = arith.constant 0 : i32
      %dma_wait3A_67 = arith.constant 0 : i32
      %dma_wait3A_68 = tpu.memref_slice %arg9[%run_scoped3A_12, %dma_wait3A, %dma_wait3A_67] : memref<2x128x64xf32, #tpu.memory_space<vmem>> -> memref<1x128x64xf32, #tpu.memory_space<vmem>>
      %dma_wait3A_69 = tpu.memref_squeeze %dma_wait3A_68 : memref<1x128x64xf32, #tpu.memory_space<vmem>> -> memref<128x64xf32, #tpu.memory_space<vmem>>
      %dma_wait3A_70 = arith.constant 0 : i32
      %dma_wait3A_71 = tpu.memref_slice %arg10[%add3A_11, %dma_wait3A_70] : memref<10112x64xf32, #tpu.memory_space<vmem_shared>> -> memref<128x64xf32, #tpu.memory_space<vmem_shared>>
      %dma_wait3A_72 = arith.constant 0 : i32
      %dma_wait3A_73 = tpu.memref_slice %arg10[%add3A_11, %dma_wait3A_72] : memref<10112x64xf32, #tpu.memory_space<vmem_shared>> -> memref<128x64xf32, #tpu.memory_space<vmem_shared>>
      %dma_wait3A_74 = arith.constant 0 : i32
      %dma_wait3A_75 = arith.constant 0 : i32
      %dma_wait3A_76 = tpu.memref_slice %arg9[%run_scoped3A_12, %dma_wait3A_74, %dma_wait3A_75] : memref<2x128x64xf32, #tpu.memory_space<vmem>> -> memref<1x128x64xf32, #tpu.memory_space<vmem>>
      %dma_wait3A_77 = tpu.memref_squeeze %dma_wait3A_76 : memref<1x128x64xf32, #tpu.memory_space<vmem>> -> memref<128x64xf32, #tpu.memory_space<vmem>>
      tpu.wait_dma2 semaphore(%run_scoped3A_55 : memref<!tpu.dma_semaphore, #tpu.memory_space<semaphore_mem>>) src(%dma_wait3A_77 : memref<128x64xf32, #tpu.memory_space<vmem>>) dst(%dma_wait3A_73 : memref<128x64xf32, #tpu.memory_space<vmem_shared>>)
      tpu.yield
    }) : () -> ()
    %add3A_13 = arith.constant 256 : i32
    %add3A_14 = arith.addi %mul3A_6, %add3A_13 : i32
    %run_scoped3A_15 = arith.constant 0 : i32
    "tpu.region"() ({
      %run_scoped3A_55 = tpu.sem_alloc : memref<!tpu.dma_semaphore, #tpu.memory_space<semaphore_mem>>
      %dma_start3A = arith.constant 0 : i32
      %dma_start3A_56 = arith.constant 0 : i32
      %dma_start3A_57 = tpu.memref_slice %arg9[%run_scoped3A_15, %dma_start3A, %dma_start3A_56] : memref<2x128x64xf32, #tpu.memory_space<vmem>> -> memref<1x128x64xf32, #tpu.memory_space<vmem>>
      %dma_start3A_58 = tpu.memref_squeeze %dma_start3A_57 : memref<1x128x64xf32, #tpu.memory_space<vmem>> -> memref<128x64xf32, #tpu.memory_space<vmem>>
      %dma_start3A_59 = arith.constant 0 : i32
      %dma_start3A_60 = tpu.memref_slice %arg10[%add3A_14, %dma_start3A_59] : memref<10112x64xf32, #tpu.memory_space<vmem_shared>> -> memref<128x64xf32, #tpu.memory_space<vmem_shared>>
      %dma_start3A_61 = arith.constant 0 : i32
      %dma_start3A_62 = tpu.memref_slice %arg10[%add3A_14, %dma_start3A_61] : memref<10112x64xf32, #tpu.memory_space<vmem_shared>> -> memref<128x64xf32, #tpu.memory_space<vmem_shared>>
      %dma_start3A_63 = arith.constant 0 : i32
      %dma_start3A_64 = arith.constant 0 : i32
      %dma_start3A_65 = tpu.memref_slice %arg9[%run_scoped3A_15, %dma_start3A_63, %dma_start3A_64] : memref<2x128x64xf32, #tpu.memory_space<vmem>> -> memref<1x128x64xf32, #tpu.memory_space<vmem>>
      %dma_start3A_66 = tpu.memref_squeeze %dma_start3A_65 : memref<1x128x64xf32, #tpu.memory_space<vmem>> -> memref<128x64xf32, #tpu.memory_space<vmem>>
      tpu.enqueue_dma source(%dma_start3A_66 : memref<128x64xf32, #tpu.memory_space<vmem>>) target(%dma_start3A_62 : memref<128x64xf32, #tpu.memory_space<vmem_shared>>) target_semaphore(%run_scoped3A_55 : memref<!tpu.dma_semaphore, #tpu.memory_space<semaphore_mem>>)
      %dma_wait3A = arith.constant 0 : i32
      %dma_wait3A_67 = arith.constant 0 : i32
      %dma_wait3A_68 = tpu.memref_slice %arg9[%run_scoped3A_15, %dma_wait3A, %dma_wait3A_67] : memref<2x128x64xf32, #tpu.memory_space<vmem>> -> memref<1x128x64xf32, #tpu.memory_space<vmem>>
      %dma_wait3A_69 = tpu.memref_squeeze %dma_wait3A_68 : memref<1x128x64xf32, #tpu.memory_space<vmem>> -> memref<128x64xf32, #tpu.memory_space<vmem>>
      %dma_wait3A_70 = arith.constant 0 : i32
      %dma_wait3A_71 = tpu.memref_slice %arg10[%add3A_14, %dma_wait3A_70] : memref<10112x64xf32, #tpu.memory_space<vmem_shared>> -> memref<128x64xf32, #tpu.memory_space<vmem_shared>>
      %dma_wait3A_72 = arith.constant 0 : i32
      %dma_wait3A_73 = tpu.memref_slice %arg10[%add3A_14, %dma_wait3A_72] : memref<10112x64xf32, #tpu.memory_space<vmem_shared>> -> memref<128x64xf32, #tpu.memory_space<vmem_shared>>
      %dma_wait3A_74 = arith.constant 0 : i32
      %dma_wait3A_75 = arith.constant 0 : i32
      %dma_wait3A_76 = tpu.memref_slice %arg9[%run_scoped3A_15, %dma_wait3A_74, %dma_wait3A_75] : memref<2x128x64xf32, #tpu.memory_space<vmem>> -> memref<1x128x64xf32, #tpu.memory_space<vmem>>
      %dma_wait3A_77 = tpu.memref_squeeze %dma_wait3A_76 : memref<1x128x64xf32, #tpu.memory_space<vmem>> -> memref<128x64xf32, #tpu.memory_space<vmem>>
      tpu.wait_dma2 semaphore(%run_scoped3A_55 : memref<!tpu.dma_semaphore, #tpu.memory_space<semaphore_mem>>) src(%dma_wait3A_77 : memref<128x64xf32, #tpu.memory_space<vmem>>) dst(%dma_wait3A_73 : memref<128x64xf32, #tpu.memory_space<vmem_shared>>)
      tpu.yield
    }) : () -> ()
    %add3A_16 = arith.constant 384 : i32
    %add3A_17 = arith.addi %mul3A_6, %add3A_16 : i32
    %run_scoped3A_18 = arith.constant 0 : i32
    "tpu.region"() ({
      %run_scoped3A_55 = tpu.sem_alloc : memref<!tpu.dma_semaphore, #tpu.memory_space<semaphore_mem>>
      %dma_start3A = arith.constant 0 : i32
      %dma_start3A_56 = arith.constant 0 : i32
      %dma_start3A_57 = tpu.memref_slice %arg9[%run_scoped3A_18, %dma_start3A, %dma_start3A_56] : memref<2x128x64xf32, #tpu.memory_space<vmem>> -> memref<1x128x64xf32, #tpu.memory_space<vmem>>
      %dma_start3A_58 = tpu.memref_squeeze %dma_start3A_57 : memref<1x128x64xf32, #tpu.memory_space<vmem>> -> memref<128x64xf32, #tpu.memory_space<vmem>>
      %dma_start3A_59 = arith.constant 0 : i32
      %dma_start3A_60 = tpu.memref_slice %arg10[%add3A_17, %dma_start3A_59] : memref<10112x64xf32, #tpu.memory_space<vmem_shared>> -> memref<128x64xf32, #tpu.memory_space<vmem_shared>>
      %dma_start3A_61 = arith.constant 0 : i32
      %dma_start3A_62 = tpu.memref_slice %arg10[%add3A_17, %dma_start3A_61] : memref<10112x64xf32, #tpu.memory_space<vmem_shared>> -> memref<128x64xf32, #tpu.memory_space<vmem_shared>>
      %dma_start3A_63 = arith.constant 0 : i32
      %dma_start3A_64 = arith.constant 0 : i32
      %dma_start3A_65 = tpu.memref_slice %arg9[%run_scoped3A_18, %dma_start3A_63, %dma_start3A_64] : memref<2x128x64xf32, #tpu.memory_space<vmem>> -> memref<1x128x64xf32, #tpu.memory_space<vmem>>
      %dma_start3A_66 = tpu.memref_squeeze %dma_start3A_65 : memref<1x128x64xf32, #tpu.memory_space<vmem>> -> memref<128x64xf32, #tpu.memory_space<vmem>>
      tpu.enqueue_dma source(%dma_start3A_66 : memref<128x64xf32, #tpu.memory_space<vmem>>) target(%dma_start3A_62 : memref<128x64xf32, #tpu.memory_space<vmem_shared>>) target_semaphore(%run_scoped3A_55 : memref<!tpu.dma_semaphore, #tpu.memory_space<semaphore_mem>>)
      %dma_wait3A = arith.constant 0 : i32
      %dma_wait3A_67 = arith.constant 0 : i32
      %dma_wait3A_68 = tpu.memref_slice %arg9[%run_scoped3A_18, %dma_wait3A, %dma_wait3A_67] : memref<2x128x64xf32, #tpu.memory_space<vmem>> -> memref<1x128x64xf32, #tpu.memory_space<vmem>>
      %dma_wait3A_69 = tpu.memref_squeeze %dma_wait3A_68 : memref<1x128x64xf32, #tpu.memory_space<vmem>> -> memref<128x64xf32, #tpu.memory_space<vmem>>
      %dma_wait3A_70 = arith.constant 0 : i32
      %dma_wait3A_71 = tpu.memref_slice %arg10[%add3A_17, %dma_wait3A_70] : memref<10112x64xf32, #tpu.memory_space<vmem_shared>> -> memref<128x64xf32, #tpu.memory_space<vmem_shared>>
      %dma_wait3A_72 = arith.constant 0 : i32
      %dma_wait3A_73 = tpu.memref_slice %arg10[%add3A_17, %dma_wait3A_72] : memref<10112x64xf32, #tpu.memory_space<vmem_shared>> -> memref<128x64xf32, #tpu.memory_space<vmem_shared>>
      %dma_wait3A_74 = arith.constant 0 : i32
      %dma_wait3A_75 = arith.constant 0 : i32
      %dma_wait3A_76 = tpu.memref_slice %arg9[%run_scoped3A_18, %dma_wait3A_74, %dma_wait3A_75] : memref<2x128x64xf32, #tpu.memory_space<vmem>> -> memref<1x128x64xf32, #tpu.memory_space<vmem>>
      %dma_wait3A_77 = tpu.memref_squeeze %dma_wait3A_76 : memref<1x128x64xf32, #tpu.memory_space<vmem>> -> memref<128x64xf32, #tpu.memory_space<vmem>>
      tpu.wait_dma2 semaphore(%run_scoped3A_55 : memref<!tpu.dma_semaphore, #tpu.memory_space<semaphore_mem>>) src(%dma_wait3A_77 : memref<128x64xf32, #tpu.memory_space<vmem>>) dst(%dma_wait3A_73 : memref<128x64xf32, #tpu.memory_space<vmem_shared>>)
      tpu.yield
    }) : () -> ()
    %add3A_19 = arith.constant 512 : i32
    %add3A_20 = arith.addi %mul3A_6, %add3A_19 : i32
    %run_scoped3A_21 = arith.constant 0 : i32
    "tpu.region"() ({
      %run_scoped3A_55 = tpu.sem_alloc : memref<!tpu.dma_semaphore, #tpu.memory_space<semaphore_mem>>
      %dma_start3A = arith.constant 0 : i32
      %dma_start3A_56 = arith.constant 0 : i32
      %dma_start3A_57 = tpu.memref_slice %arg9[%run_scoped3A_21, %dma_start3A, %dma_start3A_56] : memref<2x128x64xf32, #tpu.memory_space<vmem>> -> memref<1x120x64xf32, #tpu.memory_space<vmem>>
      %dma_start3A_58 = tpu.memref_squeeze %dma_start3A_57 : memref<1x120x64xf32, #tpu.memory_space<vmem>> -> memref<120x64xf32, #tpu.memory_space<vmem>>
      %dma_start3A_59 = arith.constant 0 : i32
      %dma_start3A_60 = tpu.memref_slice %arg10[%add3A_20, %dma_start3A_59] : memref<10112x64xf32, #tpu.memory_space<vmem_shared>> -> memref<120x64xf32, #tpu.memory_space<vmem_shared>>
      %dma_start3A_61 = arith.constant 0 : i32
      %dma_start3A_62 = tpu.memref_slice %arg10[%add3A_20, %dma_start3A_61] : memref<10112x64xf32, #tpu.memory_space<vmem_shared>> -> memref<120x64xf32, #tpu.memory_space<vmem_shared>>
      %dma_start3A_63 = arith.constant 0 : i32
      %dma_start3A_64 = arith.constant 0 : i32
      %dma_start3A_65 = tpu.memref_slice %arg9[%run_scoped3A_21, %dma_start3A_63, %dma_start3A_64] : memref<2x128x64xf32, #tpu.memory_space<vmem>> -> memref<1x120x64xf32, #tpu.memory_space<vmem>>
      %dma_start3A_66 = tpu.memref_squeeze %dma_start3A_65 : memref<1x120x64xf32, #tpu.memory_space<vmem>> -> memref<120x64xf32, #tpu.memory_space<vmem>>
      tpu.enqueue_dma source(%dma_start3A_66 : memref<120x64xf32, #tpu.memory_space<vmem>>) target(%dma_start3A_62 : memref<120x64xf32, #tpu.memory_space<vmem_shared>>) target_semaphore(%run_scoped3A_55 : memref<!tpu.dma_semaphore, #tpu.memory_space<semaphore_mem>>)
      %dma_wait3A = arith.constant 0 : i32
      %dma_wait3A_67 = arith.constant 0 : i32
      %dma_wait3A_68 = tpu.memref_slice %arg9[%run_scoped3A_21, %dma_wait3A, %dma_wait3A_67] : memref<2x128x64xf32, #tpu.memory_space<vmem>> -> memref<1x120x64xf32, #tpu.memory_space<vmem>>
      %dma_wait3A_69 = tpu.memref_squeeze %dma_wait3A_68 : memref<1x120x64xf32, #tpu.memory_space<vmem>> -> memref<120x64xf32, #tpu.memory_space<vmem>>
      %dma_wait3A_70 = arith.constant 0 : i32
      %dma_wait3A_71 = tpu.memref_slice %arg10[%add3A_20, %dma_wait3A_70] : memref<10112x64xf32, #tpu.memory_space<vmem_shared>> -> memref<120x64xf32, #tpu.memory_space<vmem_shared>>
      %dma_wait3A_72 = arith.constant 0 : i32
      %dma_wait3A_73 = tpu.memref_slice %arg10[%add3A_20, %dma_wait3A_72] : memref<10112x64xf32, #tpu.memory_space<vmem_shared>> -> memref<120x64xf32, #tpu.memory_space<vmem_shared>>
      %dma_wait3A_74 = arith.constant 0 : i32
      %dma_wait3A_75 = arith.constant 0 : i32
      %dma_wait3A_76 = tpu.memref_slice %arg9[%run_scoped3A_21, %dma_wait3A_74, %dma_wait3A_75] : memref<2x128x64xf32, #tpu.memory_space<vmem>> -> memref<1x120x64xf32, #tpu.memory_space<vmem>>
      %dma_wait3A_77 = tpu.memref_squeeze %dma_wait3A_76 : memref<1x120x64xf32, #tpu.memory_space<vmem>> -> memref<120x64xf32, #tpu.memory_space<vmem>>
      tpu.wait_dma2 semaphore(%run_scoped3A_55 : memref<!tpu.dma_semaphore, #tpu.memory_space<semaphore_mem>>) src(%dma_wait3A_77 : memref<120x64xf32, #tpu.memory_space<vmem>>) dst(%dma_wait3A_73 : memref<120x64xf32, #tpu.memory_space<vmem_shared>>)
      tpu.yield
    }) : () -> ()
    %barrier3A = arith.constant 0 : index
    tpu.barrier barrier_id(%barrier3A)
    %gt3A = arith.constant 0 : i32
    %gt3A_22 = arith.cmpi sgt, %min3A, %gt3A : i32
    %convert_element_type3A = arith.extui %gt3A_22 : i1 to i32
    %cond3A = arith.constant 0 : i32
    %cond3A_23 = arith.cmpi ne, %convert_element_type3A, %cond3A : i32
    scf.if %cond3A_23 {
      %add3A_55 = arith.constant 0 : i32
      %add3A_56 = arith.addi %mul3A_2, %add3A_55 : i32
      %run_scoped3A_57 = arith.constant 0 : i32
      "tpu.region"() ({
        %run_scoped3A_96 = tpu.sem_alloc : memref<!tpu.dma_semaphore, #tpu.memory_space<semaphore_mem>>
        %dma_start3A_97 = arith.constant 0 : i32
        %dma_start3A_98 = arith.constant 0 : i32
        %dma_start3A_99 = tpu.memref_slice %arg7[%run_scoped3A_57, %dma_start3A_97, %dma_start3A_98] : memref<2x4x128xi32, #tpu.memory_space<vmem>> -> memref<1x4x128xi32, #tpu.memory_space<vmem>>
        %dma_start3A_100 = tpu.memref_squeeze %dma_start3A_99 : memref<1x4x128xi32, #tpu.memory_space<vmem>> -> memref<4x128xi32, #tpu.memory_space<vmem>>
        %dma_start3A_101 = arith.constant 0 : i32
        %dma_start3A_102 = tpu.memref_slice %arg3[%add3A_56, %dma_start3A_101] : memref<2560x128xi32, #tpu.memory_space<hbm>> -> memref<4x128xi32, #tpu.memory_space<hbm>>
        %dma_start3A_103 = arith.constant 0 : i32
        %dma_start3A_104 = arith.constant 0 : i32
        %dma_start3A_105 = tpu.memref_slice %arg7[%run_scoped3A_57, %dma_start3A_103, %dma_start3A_104] : memref<2x4x128xi32, #tpu.memory_space<vmem>> -> memref<1x4x128xi32, #tpu.memory_space<vmem>>
        %dma_start3A_106 = tpu.memref_squeeze %dma_start3A_105 : memref<1x4x128xi32, #tpu.memory_space<vmem>> -> memref<4x128xi32, #tpu.memory_space<vmem>>
        %dma_start3A_107 = arith.constant 0 : i32
        %dma_start3A_108 = tpu.memref_slice %arg3[%add3A_56, %dma_start3A_107] : memref<2560x128xi32, #tpu.memory_space<hbm>> -> memref<4x128xi32, #tpu.memory_space<hbm>>
        tpu.enqueue_dma source(%dma_start3A_108 : memref<4x128xi32, #tpu.memory_space<hbm>>) target(%dma_start3A_106 : memref<4x128xi32, #tpu.memory_space<vmem>>) target_semaphore(%run_scoped3A_96 : memref<!tpu.dma_semaphore, #tpu.memory_space<semaphore_mem>>)
        %dma_wait3A = arith.constant 0 : i32
        %dma_wait3A_109 = arith.constant 0 : i32
        %dma_wait3A_110 = tpu.memref_slice %arg7[%run_scoped3A_57, %dma_wait3A, %dma_wait3A_109] : memref<2x4x128xi32, #tpu.memory_space<vmem>> -> memref<1x4x128xi32, #tpu.memory_space<vmem>>
        %dma_wait3A_111 = tpu.memref_squeeze %dma_wait3A_110 : memref<1x4x128xi32, #tpu.memory_space<vmem>> -> memref<4x128xi32, #tpu.memory_space<vmem>>
        %dma_wait3A_112 = arith.constant 0 : i32
        %dma_wait3A_113 = tpu.memref_slice %arg3[%add3A_56, %dma_wait3A_112] : memref<2560x128xi32, #tpu.memory_space<hbm>> -> memref<4x128xi32, #tpu.memory_space<hbm>>
        %dma_wait3A_114 = arith.constant 0 : i32
        %dma_wait3A_115 = arith.constant 0 : i32
        %dma_wait3A_116 = tpu.memref_slice %arg7[%run_scoped3A_57, %dma_wait3A_114, %dma_wait3A_115] : memref<2x4x128xi32, #tpu.memory_space<vmem>> -> memref<1x4x128xi32, #tpu.memory_space<vmem>>
        %dma_wait3A_117 = tpu.memref_squeeze %dma_wait3A_116 : memref<1x4x128xi32, #tpu.memory_space<vmem>> -> memref<4x128xi32, #tpu.memory_space<vmem>>
        %dma_wait3A_118 = arith.constant 0 : i32
        %dma_wait3A_119 = tpu.memref_slice %arg3[%add3A_56, %dma_wait3A_118] : memref<2560x128xi32, #tpu.memory_space<hbm>> -> memref<4x128xi32, #tpu.memory_space<hbm>>
        tpu.wait_dma2 semaphore(%run_scoped3A_96 : memref<!tpu.dma_semaphore, #tpu.memory_space<semaphore_mem>>) src(%dma_wait3A_119 : memref<4x128xi32, #tpu.memory_space<hbm>>) dst(%dma_wait3A_117 : memref<4x128xi32, #tpu.memory_space<vmem>>)
        tpu.yield
      }) : () -> ()
      %add3A_58 = arith.constant 0 : i32
      %add3A_59 = arith.addi %mul3A_2, %add3A_58 : i32
      %run_scoped3A_60 = arith.constant 0 : i32
      "tpu.region"() ({
        %run_scoped3A_96 = tpu.sem_alloc : memref<!tpu.dma_semaphore, #tpu.memory_space<semaphore_mem>>
        %dma_start3A_97 = arith.constant 0 : i32
        %dma_start3A_98 = arith.constant 0 : i32
        %dma_start3A_99 = tpu.memref_slice %arg8[%run_scoped3A_60, %dma_start3A_97, %dma_start3A_98] : memref<2x4x128xi32, #tpu.memory_space<vmem>> -> memref<1x4x128xi32, #tpu.memory_space<vmem>>
        %dma_start3A_100 = tpu.memref_squeeze %dma_start3A_99 : memref<1x4x128xi32, #tpu.memory_space<vmem>> -> memref<4x128xi32, #tpu.memory_space<vmem>>
        %dma_start3A_101 = arith.constant 0 : i32
        %dma_start3A_102 = tpu.memref_slice %arg4[%add3A_59, %dma_start3A_101] : memref<2560x128xi32, #tpu.memory_space<hbm>> -> memref<4x128xi32, #tpu.memory_space<hbm>>
        %dma_start3A_103 = arith.constant 0 : i32
        %dma_start3A_104 = arith.constant 0 : i32
        %dma_start3A_105 = tpu.memref_slice %arg8[%run_scoped3A_60, %dma_start3A_103, %dma_start3A_104] : memref<2x4x128xi32, #tpu.memory_space<vmem>> -> memref<1x4x128xi32, #tpu.memory_space<vmem>>
        %dma_start3A_106 = tpu.memref_squeeze %dma_start3A_105 : memref<1x4x128xi32, #tpu.memory_space<vmem>> -> memref<4x128xi32, #tpu.memory_space<vmem>>
        %dma_start3A_107 = arith.constant 0 : i32
        %dma_start3A_108 = tpu.memref_slice %arg4[%add3A_59, %dma_start3A_107] : memref<2560x128xi32, #tpu.memory_space<hbm>> -> memref<4x128xi32, #tpu.memory_space<hbm>>
        tpu.enqueue_dma source(%dma_start3A_108 : memref<4x128xi32, #tpu.memory_space<hbm>>) target(%dma_start3A_106 : memref<4x128xi32, #tpu.memory_space<vmem>>) target_semaphore(%run_scoped3A_96 : memref<!tpu.dma_semaphore, #tpu.memory_space<semaphore_mem>>)
        %dma_wait3A = arith.constant 0 : i32
        %dma_wait3A_109 = arith.constant 0 : i32
        %dma_wait3A_110 = tpu.memref_slice %arg8[%run_scoped3A_60, %dma_wait3A, %dma_wait3A_109] : memref<2x4x128xi32, #tpu.memory_space<vmem>> -> memref<1x4x128xi32, #tpu.memory_space<vmem>>
        %dma_wait3A_111 = tpu.memref_squeeze %dma_wait3A_110 : memref<1x4x128xi32, #tpu.memory_space<vmem>> -> memref<4x128xi32, #tpu.memory_space<vmem>>
        %dma_wait3A_112 = arith.constant 0 : i32
        %dma_wait3A_113 = tpu.memref_slice %arg4[%add3A_59, %dma_wait3A_112] : memref<2560x128xi32, #tpu.memory_space<hbm>> -> memref<4x128xi32, #tpu.memory_space<hbm>>
        %dma_wait3A_114 = arith.constant 0 : i32
        %dma_wait3A_115 = arith.constant 0 : i32
        %dma_wait3A_116 = tpu.memref_slice %arg8[%run_scoped3A_60, %dma_wait3A_114, %dma_wait3A_115] : memref<2x4x128xi32, #tpu.memory_space<vmem>> -> memref<1x4x128xi32, #tpu.memory_space<vmem>>
        %dma_wait3A_117 = tpu.memref_squeeze %dma_wait3A_116 : memref<1x4x128xi32, #tpu.memory_space<vmem>> -> memref<4x128xi32, #tpu.memory_space<vmem>>
        %dma_wait3A_118 = arith.constant 0 : i32
        %dma_wait3A_119 = tpu.memref_slice %arg4[%add3A_59, %dma_wait3A_118] : memref<2560x128xi32, #tpu.memory_space<hbm>> -> memref<4x128xi32, #tpu.memory_space<hbm>>
        tpu.wait_dma2 semaphore(%run_scoped3A_96 : memref<!tpu.dma_semaphore, #tpu.memory_space<semaphore_mem>>) src(%dma_wait3A_119 : memref<4x128xi32, #tpu.memory_space<hbm>>) dst(%dma_wait3A_117 : memref<4x128xi32, #tpu.memory_space<vmem>>)
        tpu.yield
      }) : () -> ()
      %dma_start3A = arith.constant 0 : i32
      %dma_start3A_61 = arith.constant 0 : i32
      %dma_start3A_62 = arith.constant 0 : i32
      %dma_start3A_63 = arith.constant 0 : i32
      %dma_start3A_64 = arith.constant 0 : i32
      %dma_start3A_65 = tpu.memref_slice %arg9[%dma_start3A_62, %dma_start3A_63, %dma_start3A_64] : memref<2x128x64xf32, #tpu.memory_space<vmem>> -> memref<1x128x64xf32, #tpu.memory_space<vmem>>
      %dma_start3A_66 = tpu.memref_squeeze %dma_start3A_65 : memref<1x128x64xf32, #tpu.memory_space<vmem>> -> memref<128x64xf32, #tpu.memory_space<vmem>>
      %dma_start3A_67 = arith.constant 0 : i32
      %dma_start3A_68 = tpu.memref_slice %arg7[%dma_start3A, %dma_start3A_61, %dma_start3A_67] : memref<2x4x128xi32, #tpu.memory_space<vmem>> -> memref<1x1x128xi32, #tpu.memory_space<vmem>>
      %dma_start3A_69 = tpu.memref_squeeze %dma_start3A_68 : memref<1x1x128xi32, #tpu.memory_space<vmem>> -> memref<128xi32, #tpu.memory_space<vmem>>
      %dma_start3A_70 = arith.constant 0 : i32
      %dma_start3A_71 = arith.constant 0 : i32
      %dma_start3A_72 = tpu.memref_slice %arg2[%dma_start3A_70, %dma_start3A_71] : memref<10000x64xf32, #tpu.memory_space<hbm>> -> memref<10000x64xf32, #tpu.memory_space<hbm>>
      tpu.enqueue_indirect_dma source(%dma_start3A_72 : memref<10000x64xf32, #tpu.memory_space<hbm>>) target(%dma_start3A_66 : memref<128x64xf32, #tpu.memory_space<vmem>>) offsets(%dma_start3A_69 : memref<128xi32, #tpu.memory_space<vmem>>) semaphore(%arg11 : memref<!tpu.dma_semaphore, #tpu.memory_space<semaphore_mem>>)
      %while3A = arith.constant 0 : i32
      %while3A_73 = arith.constant 0 : i32
      %while3A_74 = arith.subi %min3A, %while3A_73 : i32
      %while3A_75 = arith.addi %while3A_73, %while3A_74 : i32
      %while3A_76 = arith.constant 1 : i32
      %while3A_77 = arith.divsi %while3A_74, %while3A_76 : i32
      %while3A_78 = arith.muli %while3A_77, %while3A_76 : i32
      %while3A_79 = arith.addi %while3A_73, %while3A_78 : i32
      %while3A_80 = arith.constant 1 : i32
      scf.for %while3A_96 = %while3A_73 to %while3A_79 step %while3A_80  : i32 {
        %add3A_97 = arith.constant 1 : i32
        %add3A_98 = arith.addi %while3A_96, %add3A_97 : i32
        %jit3A_99 = arith.constant 4 : i32
        %eq3A_100 = arith.constant 0 : i32
        %eq3A_101 = arith.cmpi eq, %jit3A_99, %eq3A_100 : i32
        %jit3A_102 = arith.constant 1 : i32
        %select_n3A = arith.select %eq3A_101, %jit3A_102, %jit3A_99 : i32
        %rem3A = arith.remsi %add3A_98, %select_n3A : i32
        %ne3A = arith.constant 0 : i32
        %ne3A_103 = arith.cmpi ne, %rem3A, %ne3A : i32
        %lt3A = arith.constant 0 : i32
        %lt3A_104 = arith.cmpi slt, %rem3A, %lt3A : i32
        %lt3A_105 = arith.constant 0 : i32
        %lt3A_106 = arith.cmpi slt, %select_n3A, %lt3A_105 : i32
        %ne3A_107 = arith.xori %lt3A_104, %lt3A_106 : i1
        %and3A_108 = arith.andi %ne3A_107, %ne3A_103 : i1
        %add3A_109 = arith.addi %rem3A, %select_n3A : i32
        %select_n3A_110 = arith.select %and3A_108, %add3A_109, %rem3A : i32
        %eq3A_111 = arith.constant 0 : i32
        %eq3A_112 = arith.cmpi eq, %select_n3A_110, %eq3A_111 : i32
        %add3A_113 = arith.constant 1 : i32
        %add3A_114 = arith.addi %while3A_96, %add3A_113 : i32
        %lt3A_115 = arith.cmpi slt, %add3A_114, %min3A : i32
        %and3A_116 = arith.andi %eq3A_112, %lt3A_115 : i1
        %convert_element_type3A_117 = arith.extui %and3A_116 : i1 to i32
        %cond3A_118 = arith.constant 0 : i32
        %cond3A_119 = arith.cmpi ne, %convert_element_type3A_117, %cond3A_118 : i32
        scf.if %cond3A_119 {
          %add3A_134 = arith.constant 1 : i32
          %add3A_135 = arith.addi %while3A_96, %add3A_134 : i32
          %jit3A_136 = arith.constant 4 : i32
          %div3A = arith.divsi %add3A_135, %jit3A_136 : i32
          %sign3A = arith.constant 0 : i32
          %sign3A_137 = arith.cmpi sgt, %add3A_135, %sign3A : i32
          %sign3A_138 = arith.extui %sign3A_137 : i1 to i32
          %sign3A_139 = arith.constant 0 : i32
          %sign3A_140 = arith.cmpi slt, %add3A_135, %sign3A_139 : i32
          %sign3A_141 = arith.extui %sign3A_140 : i1 to i32
          %sign3A_142 = arith.subi %sign3A_138, %sign3A_141 : i32
          %sign3A_143 = arith.constant 0 : i32
          %sign3A_144 = arith.cmpi sgt, %jit3A_136, %sign3A_143 : i32
          %sign3A_145 = arith.extui %sign3A_144 : i1 to i32
          %sign3A_146 = arith.constant 0 : i32
          %sign3A_147 = arith.cmpi slt, %jit3A_136, %sign3A_146 : i32
          %sign3A_148 = arith.extui %sign3A_147 : i1 to i32
          %sign3A_149 = arith.subi %sign3A_145, %sign3A_148 : i32
          %ne3A_150 = arith.cmpi ne, %sign3A_142, %sign3A_149 : i32
          %rem3A_151 = arith.remsi %add3A_135, %jit3A_136 : i32
          %ne3A_152 = arith.constant 0 : i32
          %ne3A_153 = arith.cmpi ne, %rem3A_151, %ne3A_152 : i32
          %and3A_154 = arith.andi %ne3A_150, %ne3A_153 : i1
          %sub3A_155 = arith.constant 1 : i32
          %sub3A_156 = arith.subi %div3A, %sub3A_155 : i32
          %select_n3A_157 = arith.select %and3A_154, %sub3A_156, %div3A : i32
          %and3A_158 = arith.constant 1 : i32
          %and3A_159 = arith.andi %select_n3A_157, %and3A_158 : i32
          %mul3A_160 = arith.constant 4 : i32
          %mul3A_161 = arith.muli %select_n3A_157, %mul3A_160 : i32
          %add3A_162 = arith.addi %mul3A_2, %mul3A_161 : i32
          "tpu.region"() ({
            %run_scoped3A_166 = tpu.sem_alloc : memref<!tpu.dma_semaphore, #tpu.memory_space<semaphore_mem>>
            %dma_start3A_167 = arith.constant 0 : i32
            %dma_start3A_168 = arith.constant 0 : i32
            %dma_start3A_169 = tpu.memref_slice %arg7[%and3A_159, %dma_start3A_167, %dma_start3A_168] : memref<2x4x128xi32, #tpu.memory_space<vmem>> -> memref<1x4x128xi32, #tpu.memory_space<vmem>>
            %dma_start3A_170 = tpu.memref_squeeze %dma_start3A_169 : memref<1x4x128xi32, #tpu.memory_space<vmem>> -> memref<4x128xi32, #tpu.memory_space<vmem>>
            %dma_start3A_171 = arith.constant 0 : i32
            %dma_start3A_172 = tpu.memref_slice %arg3[%add3A_162, %dma_start3A_171] : memref<2560x128xi32, #tpu.memory_space<hbm>> -> memref<4x128xi32, #tpu.memory_space<hbm>>
            %dma_start3A_173 = arith.constant 0 : i32
            %dma_start3A_174 = arith.constant 0 : i32
            %dma_start3A_175 = tpu.memref_slice %arg7[%and3A_159, %dma_start3A_173, %dma_start3A_174] : memref<2x4x128xi32, #tpu.memory_space<vmem>> -> memref<1x4x128xi32, #tpu.memory_space<vmem>>
            %dma_start3A_176 = tpu.memref_squeeze %dma_start3A_175 : memref<1x4x128xi32, #tpu.memory_space<vmem>> -> memref<4x128xi32, #tpu.memory_space<vmem>>
            %dma_start3A_177 = arith.constant 0 : i32
            %dma_start3A_178 = tpu.memref_slice %arg3[%add3A_162, %dma_start3A_177] : memref<2560x128xi32, #tpu.memory_space<hbm>> -> memref<4x128xi32, #tpu.memory_space<hbm>>
            tpu.enqueue_dma source(%dma_start3A_178 : memref<4x128xi32, #tpu.memory_space<hbm>>) target(%dma_start3A_176 : memref<4x128xi32, #tpu.memory_space<vmem>>) target_semaphore(%run_scoped3A_166 : memref<!tpu.dma_semaphore, #tpu.memory_space<semaphore_mem>>)
            %dma_wait3A = arith.constant 0 : i32
            %dma_wait3A_179 = arith.constant 0 : i32
            %dma_wait3A_180 = tpu.memref_slice %arg7[%and3A_159, %dma_wait3A, %dma_wait3A_179] : memref<2x4x128xi32, #tpu.memory_space<vmem>> -> memref<1x4x128xi32, #tpu.memory_space<vmem>>
            %dma_wait3A_181 = tpu.memref_squeeze %dma_wait3A_180 : memref<1x4x128xi32, #tpu.memory_space<vmem>> -> memref<4x128xi32, #tpu.memory_space<vmem>>
            %dma_wait3A_182 = arith.constant 0 : i32
            %dma_wait3A_183 = tpu.memref_slice %arg3[%add3A_162, %dma_wait3A_182] : memref<2560x128xi32, #tpu.memory_space<hbm>> -> memref<4x128xi32, #tpu.memory_space<hbm>>
            %dma_wait3A_184 = arith.constant 0 : i32
            %dma_wait3A_185 = arith.constant 0 : i32
            %dma_wait3A_186 = tpu.memref_slice %arg7[%and3A_159, %dma_wait3A_184, %dma_wait3A_185] : memref<2x4x128xi32, #tpu.memory_space<vmem>> -> memref<1x4x128xi32, #tpu.memory_space<vmem>>
            %dma_wait3A_187 = tpu.memref_squeeze %dma_wait3A_186 : memref<1x4x128xi32, #tpu.memory_space<vmem>> -> memref<4x128xi32, #tpu.memory_space<vmem>>
            %dma_wait3A_188 = arith.constant 0 : i32
            %dma_wait3A_189 = tpu.memref_slice %arg3[%add3A_162, %dma_wait3A_188] : memref<2560x128xi32, #tpu.memory_space<hbm>> -> memref<4x128xi32, #tpu.memory_space<hbm>>
            tpu.wait_dma2 semaphore(%run_scoped3A_166 : memref<!tpu.dma_semaphore, #tpu.memory_space<semaphore_mem>>) src(%dma_wait3A_189 : memref<4x128xi32, #tpu.memory_space<hbm>>) dst(%dma_wait3A_187 : memref<4x128xi32, #tpu.memory_space<vmem>>)
            tpu.yield
          }) : () -> ()
          %mul3A_163 = arith.constant 4 : i32
          %mul3A_164 = arith.muli %select_n3A_157, %mul3A_163 : i32
          %add3A_165 = arith.addi %mul3A_2, %mul3A_164 : i32
          "tpu.region"() ({
            %run_scoped3A_166 = tpu.sem_alloc : memref<!tpu.dma_semaphore, #tpu.memory_space<semaphore_mem>>
            %dma_start3A_167 = arith.constant 0 : i32
            %dma_start3A_168 = arith.constant 0 : i32
            %dma_start3A_169 = tpu.memref_slice %arg8[%and3A_159, %dma_start3A_167, %dma_start3A_168] : memref<2x4x128xi32, #tpu.memory_space<vmem>> -> memref<1x4x128xi32, #tpu.memory_space<vmem>>
            %dma_start3A_170 = tpu.memref_squeeze %dma_start3A_169 : memref<1x4x128xi32, #tpu.memory_space<vmem>> -> memref<4x128xi32, #tpu.memory_space<vmem>>
            %dma_start3A_171 = arith.constant 0 : i32
            %dma_start3A_172 = tpu.memref_slice %arg4[%add3A_165, %dma_start3A_171] : memref<2560x128xi32, #tpu.memory_space<hbm>> -> memref<4x128xi32, #tpu.memory_space<hbm>>
            %dma_start3A_173 = arith.constant 0 : i32
            %dma_start3A_174 = arith.constant 0 : i32
            %dma_start3A_175 = tpu.memref_slice %arg8[%and3A_159, %dma_start3A_173, %dma_start3A_174] : memref<2x4x128xi32, #tpu.memory_space<vmem>> -> memref<1x4x128xi32, #tpu.memory_space<vmem>>
            %dma_start3A_176 = tpu.memref_squeeze %dma_start3A_175 : memref<1x4x128xi32, #tpu.memory_space<vmem>> -> memref<4x128xi32, #tpu.memory_space<vmem>>
            %dma_start3A_177 = arith.constant 0 : i32
            %dma_start3A_178 = tpu.memref_slice %arg4[%add3A_165, %dma_start3A_177] : memref<2560x128xi32, #tpu.memory_space<hbm>> -> memref<4x128xi32, #tpu.memory_space<hbm>>
            tpu.enqueue_dma source(%dma_start3A_178 : memref<4x128xi32, #tpu.memory_space<hbm>>) target(%dma_start3A_176 : memref<4x128xi32, #tpu.memory_space<vmem>>) target_semaphore(%run_scoped3A_166 : memref<!tpu.dma_semaphore, #tpu.memory_space<semaphore_mem>>)
            %dma_wait3A = arith.constant 0 : i32
            %dma_wait3A_179 = arith.constant 0 : i32
            %dma_wait3A_180 = tpu.memref_slice %arg8[%and3A_159, %dma_wait3A, %dma_wait3A_179] : memref<2x4x128xi32, #tpu.memory_space<vmem>> -> memref<1x4x128xi32, #tpu.memory_space<vmem>>
            %dma_wait3A_181 = tpu.memref_squeeze %dma_wait3A_180 : memref<1x4x128xi32, #tpu.memory_space<vmem>> -> memref<4x128xi32, #tpu.memory_space<vmem>>
            %dma_wait3A_182 = arith.constant 0 : i32
            %dma_wait3A_183 = tpu.memref_slice %arg4[%add3A_165, %dma_wait3A_182] : memref<2560x128xi32, #tpu.memory_space<hbm>> -> memref<4x128xi32, #tpu.memory_space<hbm>>
            %dma_wait3A_184 = arith.constant 0 : i32
            %dma_wait3A_185 = arith.constant 0 : i32
            %dma_wait3A_186 = tpu.memref_slice %arg8[%and3A_159, %dma_wait3A_184, %dma_wait3A_185] : memref<2x4x128xi32, #tpu.memory_space<vmem>> -> memref<1x4x128xi32, #tpu.memory_space<vmem>>
            %dma_wait3A_187 = tpu.memref_squeeze %dma_wait3A_186 : memref<1x4x128xi32, #tpu.memory_space<vmem>> -> memref<4x128xi32, #tpu.memory_space<vmem>>
            %dma_wait3A_188 = arith.constant 0 : i32
            %dma_wait3A_189 = tpu.memref_slice %arg4[%add3A_165, %dma_wait3A_188] : memref<2560x128xi32, #tpu.memory_space<hbm>> -> memref<4x128xi32, #tpu.memory_space<hbm>>
            tpu.wait_dma2 semaphore(%run_scoped3A_166 : memref<!tpu.dma_semaphore, #tpu.memory_space<semaphore_mem>>) src(%dma_wait3A_189 : memref<4x128xi32, #tpu.memory_space<hbm>>) dst(%dma_wait3A_187 : memref<4x128xi32, #tpu.memory_space<vmem>>)
            tpu.yield
          }) : () -> ()
        } else {
        }
        %and3A_120 = arith.constant 1 : i32
        %and3A_121 = arith.andi %while3A_96, %and3A_120 : i32
        %eq3A_122 = arith.constant 0 : i32
        %eq3A_123 = arith.cmpi eq, %and3A_121, %eq3A_122 : i32
        %convert_element_type3A_124 = arith.extui %eq3A_123 : i1 to i32
        %cond3A_125 = arith.constant 0 : i32
        %cond3A_126 = arith.cmpi ne, %convert_element_type3A_124, %cond3A_125 : i32
        scf.if %cond3A_126 {
          %jit3A_134 = arith.constant 4 : i32
          %div3A = arith.divsi %while3A_96, %jit3A_134 : i32
          %sign3A = arith.constant 0 : i32
          %sign3A_135 = arith.cmpi sgt, %while3A_96, %sign3A : i32
          %sign3A_136 = arith.extui %sign3A_135 : i1 to i32
          %sign3A_137 = arith.constant 0 : i32
          %sign3A_138 = arith.cmpi slt, %while3A_96, %sign3A_137 : i32
          %sign3A_139 = arith.extui %sign3A_138 : i1 to i32
          %sign3A_140 = arith.subi %sign3A_136, %sign3A_139 : i32
          %sign3A_141 = arith.constant 0 : i32
          %sign3A_142 = arith.cmpi sgt, %jit3A_134, %sign3A_141 : i32
          %sign3A_143 = arith.extui %sign3A_142 : i1 to i32
          %sign3A_144 = arith.constant 0 : i32
          %sign3A_145 = arith.cmpi slt, %jit3A_134, %sign3A_144 : i32
          %sign3A_146 = arith.extui %sign3A_145 : i1 to i32
          %sign3A_147 = arith.subi %sign3A_143, %sign3A_146 : i32
          %ne3A_148 = arith.cmpi ne, %sign3A_140, %sign3A_147 : i32
          %rem3A_149 = arith.remsi %while3A_96, %jit3A_134 : i32
          %ne3A_150 = arith.constant 0 : i32
          %ne3A_151 = arith.cmpi ne, %rem3A_149, %ne3A_150 : i32
          %and3A_152 = arith.andi %ne3A_148, %ne3A_151 : i1
          %sub3A_153 = arith.constant 1 : i32
          %sub3A_154 = arith.subi %div3A, %sub3A_153 : i32
          %select_n3A_155 = arith.select %and3A_152, %sub3A_154, %div3A : i32
          %and3A_156 = arith.constant 1 : i32
          %and3A_157 = arith.andi %select_n3A_155, %and3A_156 : i32
          %jit3A_158 = arith.constant 4 : i32
          %eq3A_159 = arith.constant 0 : i32
          %eq3A_160 = arith.cmpi eq, %jit3A_158, %eq3A_159 : i32
          %jit3A_161 = arith.constant 1 : i32
          %select_n3A_162 = arith.select %eq3A_160, %jit3A_161, %jit3A_158 : i32
          %rem3A_163 = arith.remsi %while3A_96, %select_n3A_162 : i32
          %ne3A_164 = arith.constant 0 : i32
          %ne3A_165 = arith.cmpi ne, %rem3A_163, %ne3A_164 : i32
          %lt3A_166 = arith.constant 0 : i32
          %lt3A_167 = arith.cmpi slt, %rem3A_163, %lt3A_166 : i32
          %lt3A_168 = arith.constant 0 : i32
          %lt3A_169 = arith.cmpi slt, %select_n3A_162, %lt3A_168 : i32
          %ne3A_170 = arith.xori %lt3A_167, %lt3A_169 : i1
          %and3A_171 = arith.andi %ne3A_170, %ne3A_165 : i1
          %add3A_172 = arith.addi %rem3A_163, %select_n3A_162 : i32
          %select_n3A_173 = arith.select %and3A_171, %add3A_172, %rem3A_163 : i32
          %dma_wait3A = arith.constant 0 : i32
          %dma_wait3A_174 = arith.constant 0 : i32
          %dma_wait3A_175 = arith.constant 0 : i32
          %dma_wait3A_176 = tpu.memref_slice %arg9[%dma_wait3A, %dma_wait3A_174, %dma_wait3A_175] : memref<2x128x64xf32, #tpu.memory_space<vmem>> -> memref<1x128x64xf32, #tpu.memory_space<vmem>>
          %dma_wait3A_177 = tpu.memref_squeeze %dma_wait3A_176 : memref<1x128x64xf32, #tpu.memory_space<vmem>> -> memref<128x64xf32, #tpu.memory_space<vmem>>
          %dma_wait3A_178 = arith.constant 0 : i32
          %dma_wait3A_179 = tpu.memref_slice %arg7[%and3A_157, %select_n3A_173, %dma_wait3A_178] : memref<2x4x128xi32, #tpu.memory_space<vmem>> -> memref<1x1x128xi32, #tpu.memory_space<vmem>>
          %dma_wait3A_180 = tpu.memref_squeeze %dma_wait3A_179 : memref<1x1x128xi32, #tpu.memory_space<vmem>> -> memref<128xi32, #tpu.memory_space<vmem>>
          %dma_wait3A_181 = arith.constant 0 : i32
          %dma_wait3A_182 = arith.constant 0 : i32
          %dma_wait3A_183 = tpu.memref_slice %arg2[%dma_wait3A_181, %dma_wait3A_182] : memref<10000x64xf32, #tpu.memory_space<hbm>> -> memref<10000x64xf32, #tpu.memory_space<hbm>>
          tpu.wait_indirect_dma semaphore(%arg11 : memref<!tpu.dma_semaphore, #tpu.memory_space<semaphore_mem>>) src(%dma_wait3A_183 : memref<10000x64xf32, #tpu.memory_space<hbm>>) dst(%dma_wait3A_177 : memref<128x64xf32, #tpu.memory_space<vmem>>)
          %add3A_184 = arith.constant 1 : i32
          %add3A_185 = arith.addi %while3A_96, %add3A_184 : i32
          %lt3A_186 = arith.cmpi slt, %add3A_185, %min3A : i32
          %convert_element_type3A_187 = arith.extui %lt3A_186 : i1 to i32
          %cond3A_188 = arith.constant 0 : i32
          %cond3A_189 = arith.cmpi ne, %convert_element_type3A_187, %cond3A_188 : i32
          scf.if %cond3A_189 {
            %ge3A = arith.constant 1 : i32
            %ge3A_243 = arith.cmpi sge, %while3A_96, %ge3A : i32
            %convert_element_type3A_244 = arith.extui %ge3A_243 : i1 to i32
            %cond3A_245 = arith.constant 0 : i32
            %cond3A_246 = arith.cmpi ne, %convert_element_type3A_244, %cond3A_245 : i32
            scf.if %cond3A_246 {
              %sub3A_302 = arith.constant 1 : i32
              %sub3A_303 = arith.subi %while3A_96, %sub3A_302 : i32
              %jit3A_304 = arith.constant 4 : i32
              %div3A_305 = arith.divsi %sub3A_303, %jit3A_304 : i32
              %sign3A_306 = arith.constant 0 : i32
              %sign3A_307 = arith.cmpi sgt, %sub3A_303, %sign3A_306 : i32
              %sign3A_308 = arith.extui %sign3A_307 : i1 to i32
              %sign3A_309 = arith.constant 0 : i32
              %sign3A_310 = arith.cmpi slt, %sub3A_303, %sign3A_309 : i32
              %sign3A_311 = arith.extui %sign3A_310 : i1 to i32
              %sign3A_312 = arith.subi %sign3A_308, %sign3A_311 : i32
              %sign3A_313 = arith.constant 0 : i32
              %sign3A_314 = arith.cmpi sgt, %jit3A_304, %sign3A_313 : i32
              %sign3A_315 = arith.extui %sign3A_314 : i1 to i32
              %sign3A_316 = arith.constant 0 : i32
              %sign3A_317 = arith.cmpi slt, %jit3A_304, %sign3A_316 : i32
              %sign3A_318 = arith.extui %sign3A_317 : i1 to i32
              %sign3A_319 = arith.subi %sign3A_315, %sign3A_318 : i32
              %ne3A_320 = arith.cmpi ne, %sign3A_312, %sign3A_319 : i32
              %rem3A_321 = arith.remsi %sub3A_303, %jit3A_304 : i32
              %ne3A_322 = arith.constant 0 : i32
              %ne3A_323 = arith.cmpi ne, %rem3A_321, %ne3A_322 : i32
              %and3A_324 = arith.andi %ne3A_320, %ne3A_323 : i1
              %sub3A_325 = arith.constant 1 : i32
              %sub3A_326 = arith.subi %div3A_305, %sub3A_325 : i32
              %select_n3A_327 = arith.select %and3A_324, %sub3A_326, %div3A_305 : i32
              %and3A_328 = arith.constant 1 : i32
              %and3A_329 = arith.andi %select_n3A_327, %and3A_328 : i32
              %jit3A_330 = arith.constant 4 : i32
              %eq3A_331 = arith.constant 0 : i32
              %eq3A_332 = arith.cmpi eq, %jit3A_330, %eq3A_331 : i32
              %jit3A_333 = arith.constant 1 : i32
              %select_n3A_334 = arith.select %eq3A_332, %jit3A_333, %jit3A_330 : i32
              %rem3A_335 = arith.remsi %sub3A_303, %select_n3A_334 : i32
              %ne3A_336 = arith.constant 0 : i32
              %ne3A_337 = arith.cmpi ne, %rem3A_335, %ne3A_336 : i32
              %lt3A_338 = arith.constant 0 : i32
              %lt3A_339 = arith.cmpi slt, %rem3A_335, %lt3A_338 : i32
              %lt3A_340 = arith.constant 0 : i32
              %lt3A_341 = arith.cmpi slt, %select_n3A_334, %lt3A_340 : i32
              %ne3A_342 = arith.xori %lt3A_339, %lt3A_341 : i1
              %and3A_343 = arith.andi %ne3A_342, %ne3A_337 : i1
              %add3A_344 = arith.addi %rem3A_335, %select_n3A_334 : i32
              %select_n3A_345 = arith.select %and3A_343, %add3A_344, %rem3A_335 : i32
              %dma_wait3A_346 = arith.constant 1 : i32
              %dma_wait3A_347 = arith.constant 0 : i32
              %dma_wait3A_348 = arith.constant 0 : i32
              %dma_wait3A_349 = tpu.memref_slice %arg9[%dma_wait3A_346, %dma_wait3A_347, %dma_wait3A_348] : memref<2x128x64xf32, #tpu.memory_space<vmem>> -> memref<1x128x64xf32, #tpu.memory_space<vmem>>
              %dma_wait3A_350 = tpu.memref_squeeze %dma_wait3A_349 : memref<1x128x64xf32, #tpu.memory_space<vmem>> -> memref<128x64xf32, #tpu.memory_space<vmem>>
              %dma_wait3A_351 = arith.constant 0 : i32
              %dma_wait3A_352 = tpu.memref_slice %arg8[%and3A_329, %select_n3A_345, %dma_wait3A_351] : memref<2x4x128xi32, #tpu.memory_space<vmem>> -> memref<1x1x128xi32, #tpu.memory_space<vmem>>
              %dma_wait3A_353 = tpu.memref_squeeze %dma_wait3A_352 : memref<1x1x128xi32, #tpu.memory_space<vmem>> -> memref<128xi32, #tpu.memory_space<vmem>>
              %dma_wait3A_354 = arith.constant 0 : i32
              %dma_wait3A_355 = arith.constant 0 : i32
              %dma_wait3A_356 = tpu.memref_slice %arg10[%dma_wait3A_354, %dma_wait3A_355] : memref<10112x64xf32, #tpu.memory_space<vmem_shared>> -> memref<10112x64xf32, #tpu.memory_space<vmem_shared>>
              tpu.wait_indirect_dma semaphore(%arg14 : memref<!tpu.dma_semaphore, #tpu.memory_space<semaphore_mem>>) src(%dma_wait3A_350 : memref<128x64xf32, #tpu.memory_space<vmem>>) dst(%dma_wait3A_356 : memref<10112x64xf32, #tpu.memory_space<vmem_shared>>)
            } else {
            }
            %add3A_247 = arith.constant 1 : i32
            %add3A_248 = arith.addi %while3A_96, %add3A_247 : i32
            %jit3A_249 = arith.constant 4 : i32
            %div3A_250 = arith.divsi %add3A_248, %jit3A_249 : i32
            %sign3A_251 = arith.constant 0 : i32
            %sign3A_252 = arith.cmpi sgt, %add3A_248, %sign3A_251 : i32
            %sign3A_253 = arith.extui %sign3A_252 : i1 to i32
            %sign3A_254 = arith.constant 0 : i32
            %sign3A_255 = arith.cmpi slt, %add3A_248, %sign3A_254 : i32
            %sign3A_256 = arith.extui %sign3A_255 : i1 to i32
            %sign3A_257 = arith.subi %sign3A_253, %sign3A_256 : i32
            %sign3A_258 = arith.constant 0 : i32
            %sign3A_259 = arith.cmpi sgt, %jit3A_249, %sign3A_258 : i32
            %sign3A_260 = arith.extui %sign3A_259 : i1 to i32
            %sign3A_261 = arith.constant 0 : i32
            %sign3A_262 = arith.cmpi slt, %jit3A_249, %sign3A_261 : i32
            %sign3A_263 = arith.extui %sign3A_262 : i1 to i32
            %sign3A_264 = arith.subi %sign3A_260, %sign3A_263 : i32
            %ne3A_265 = arith.cmpi ne, %sign3A_257, %sign3A_264 : i32
            %rem3A_266 = arith.remsi %add3A_248, %jit3A_249 : i32
            %ne3A_267 = arith.constant 0 : i32
            %ne3A_268 = arith.cmpi ne, %rem3A_266, %ne3A_267 : i32
            %and3A_269 = arith.andi %ne3A_265, %ne3A_268 : i1
            %sub3A_270 = arith.constant 1 : i32
            %sub3A_271 = arith.subi %div3A_250, %sub3A_270 : i32
            %select_n3A_272 = arith.select %and3A_269, %sub3A_271, %div3A_250 : i32
            %and3A_273 = arith.constant 1 : i32
            %and3A_274 = arith.andi %select_n3A_272, %and3A_273 : i32
            %jit3A_275 = arith.constant 4 : i32
            %eq3A_276 = arith.constant 0 : i32
            %eq3A_277 = arith.cmpi eq, %jit3A_275, %eq3A_276 : i32
            %jit3A_278 = arith.constant 1 : i32
            %select_n3A_279 = arith.select %eq3A_277, %jit3A_278, %jit3A_275 : i32
            %rem3A_280 = arith.remsi %add3A_248, %select_n3A_279 : i32
            %ne3A_281 = arith.constant 0 : i32
            %ne3A_282 = arith.cmpi ne, %rem3A_280, %ne3A_281 : i32
            %lt3A_283 = arith.constant 0 : i32
            %lt3A_284 = arith.cmpi slt, %rem3A_280, %lt3A_283 : i32
            %lt3A_285 = arith.constant 0 : i32
            %lt3A_286 = arith.cmpi slt, %select_n3A_279, %lt3A_285 : i32
            %ne3A_287 = arith.xori %lt3A_284, %lt3A_286 : i1
            %and3A_288 = arith.andi %ne3A_287, %ne3A_282 : i1
            %add3A_289 = arith.addi %rem3A_280, %select_n3A_279 : i32
            %select_n3A_290 = arith.select %and3A_288, %add3A_289, %rem3A_280 : i32
            %dma_start3A_291 = arith.constant 1 : i32
            %dma_start3A_292 = arith.constant 0 : i32
            %dma_start3A_293 = arith.constant 0 : i32
            %dma_start3A_294 = tpu.memref_slice %arg9[%dma_start3A_291, %dma_start3A_292, %dma_start3A_293] : memref<2x128x64xf32, #tpu.memory_space<vmem>> -> memref<1x128x64xf32, #tpu.memory_space<vmem>>
            %dma_start3A_295 = tpu.memref_squeeze %dma_start3A_294 : memref<1x128x64xf32, #tpu.memory_space<vmem>> -> memref<128x64xf32, #tpu.memory_space<vmem>>
            %dma_start3A_296 = arith.constant 0 : i32
            %dma_start3A_297 = tpu.memref_slice %arg7[%and3A_274, %select_n3A_290, %dma_start3A_296] : memref<2x4x128xi32, #tpu.memory_space<vmem>> -> memref<1x1x128xi32, #tpu.memory_space<vmem>>
            %dma_start3A_298 = tpu.memref_squeeze %dma_start3A_297 : memref<1x1x128xi32, #tpu.memory_space<vmem>> -> memref<128xi32, #tpu.memory_space<vmem>>
            %dma_start3A_299 = arith.constant 0 : i32
            %dma_start3A_300 = arith.constant 0 : i32
            %dma_start3A_301 = tpu.memref_slice %arg2[%dma_start3A_299, %dma_start3A_300] : memref<10000x64xf32, #tpu.memory_space<hbm>> -> memref<10000x64xf32, #tpu.memory_space<hbm>>
            tpu.enqueue_indirect_dma source(%dma_start3A_301 : memref<10000x64xf32, #tpu.memory_space<hbm>>) target(%dma_start3A_295 : memref<128x64xf32, #tpu.memory_space<vmem>>) offsets(%dma_start3A_298 : memref<128xi32, #tpu.memory_space<vmem>>) semaphore(%arg12 : memref<!tpu.dma_semaphore, #tpu.memory_space<semaphore_mem>>)
          } else {
          }
          %jit3A_190 = arith.constant 4 : i32
          %div3A_191 = arith.divsi %while3A_96, %jit3A_190 : i32
          %sign3A_192 = arith.constant 0 : i32
          %sign3A_193 = arith.cmpi sgt, %while3A_96, %sign3A_192 : i32
          %sign3A_194 = arith.extui %sign3A_193 : i1 to i32
          %sign3A_195 = arith.constant 0 : i32
          %sign3A_196 = arith.cmpi slt, %while3A_96, %sign3A_195 : i32
          %sign3A_197 = arith.extui %sign3A_196 : i1 to i32
          %sign3A_198 = arith.subi %sign3A_194, %sign3A_197 : i32
          %sign3A_199 = arith.constant 0 : i32
          %sign3A_200 = arith.cmpi sgt, %jit3A_190, %sign3A_199 : i32
          %sign3A_201 = arith.extui %sign3A_200 : i1 to i32
          %sign3A_202 = arith.constant 0 : i32
          %sign3A_203 = arith.cmpi slt, %jit3A_190, %sign3A_202 : i32
          %sign3A_204 = arith.extui %sign3A_203 : i1 to i32
          %sign3A_205 = arith.subi %sign3A_201, %sign3A_204 : i32
          %ne3A_206 = arith.cmpi ne, %sign3A_198, %sign3A_205 : i32
          %rem3A_207 = arith.remsi %while3A_96, %jit3A_190 : i32
          %ne3A_208 = arith.constant 0 : i32
          %ne3A_209 = arith.cmpi ne, %rem3A_207, %ne3A_208 : i32
          %and3A_210 = arith.andi %ne3A_206, %ne3A_209 : i1
          %sub3A_211 = arith.constant 1 : i32
          %sub3A_212 = arith.subi %div3A_191, %sub3A_211 : i32
          %select_n3A_213 = arith.select %and3A_210, %sub3A_212, %div3A_191 : i32
          %and3A_214 = arith.constant 1 : i32
          %and3A_215 = arith.andi %select_n3A_213, %and3A_214 : i32
          %jit3A_216 = arith.constant 4 : i32
          %eq3A_217 = arith.constant 0 : i32
          %eq3A_218 = arith.cmpi eq, %jit3A_216, %eq3A_217 : i32
          %jit3A_219 = arith.constant 1 : i32
          %select_n3A_220 = arith.select %eq3A_218, %jit3A_219, %jit3A_216 : i32
          %rem3A_221 = arith.remsi %while3A_96, %select_n3A_220 : i32
          %ne3A_222 = arith.constant 0 : i32
          %ne3A_223 = arith.cmpi ne, %rem3A_221, %ne3A_222 : i32
          %lt3A_224 = arith.constant 0 : i32
          %lt3A_225 = arith.cmpi slt, %rem3A_221, %lt3A_224 : i32
          %lt3A_226 = arith.constant 0 : i32
          %lt3A_227 = arith.cmpi slt, %select_n3A_220, %lt3A_226 : i32
          %ne3A_228 = arith.xori %lt3A_225, %lt3A_227 : i1
          %and3A_229 = arith.andi %ne3A_228, %ne3A_223 : i1
          %add3A_230 = arith.addi %rem3A_221, %select_n3A_220 : i32
          %select_n3A_231 = arith.select %and3A_229, %add3A_230, %rem3A_221 : i32
          %dma_start3A_232 = arith.constant 0 : i32
          %dma_start3A_233 = arith.constant 0 : i32
          %dma_start3A_234 = arith.constant 0 : i32
          %dma_start3A_235 = tpu.memref_slice %arg9[%dma_start3A_232, %dma_start3A_233, %dma_start3A_234] : memref<2x128x64xf32, #tpu.memory_space<vmem>> -> memref<1x128x64xf32, #tpu.memory_space<vmem>>
          %dma_start3A_236 = tpu.memref_squeeze %dma_start3A_235 : memref<1x128x64xf32, #tpu.memory_space<vmem>> -> memref<128x64xf32, #tpu.memory_space<vmem>>
          %dma_start3A_237 = arith.constant 0 : i32
          %dma_start3A_238 = tpu.memref_slice %arg8[%and3A_215, %select_n3A_231, %dma_start3A_237] : memref<2x4x128xi32, #tpu.memory_space<vmem>> -> memref<1x1x128xi32, #tpu.memory_space<vmem>>
          %dma_start3A_239 = tpu.memref_squeeze %dma_start3A_238 : memref<1x1x128xi32, #tpu.memory_space<vmem>> -> memref<128xi32, #tpu.memory_space<vmem>>
          %dma_start3A_240 = arith.constant 0 : i32
          %dma_start3A_241 = arith.constant 0 : i32
          %dma_start3A_242 = tpu.memref_slice %arg10[%dma_start3A_240, %dma_start3A_241] : memref<10112x64xf32, #tpu.memory_space<vmem_shared>> -> memref<10112x64xf32, #tpu.memory_space<vmem_shared>>
          tpu.enqueue_indirect_dma source(%dma_start3A_236 : memref<128x64xf32, #tpu.memory_space<vmem>>) target(%dma_start3A_242 : memref<10112x64xf32, #tpu.memory_space<vmem_shared>>) offsets(%dma_start3A_239 : memref<128xi32, #tpu.memory_space<vmem>>) semaphore(%arg13 : memref<!tpu.dma_semaphore, #tpu.memory_space<semaphore_mem>>) {add = true}
        } else {
        }
        %and3A_127 = arith.constant 1 : i32
        %and3A_128 = arith.andi %while3A_96, %and3A_127 : i32
        %eq3A_129 = arith.constant 1 : i32
        %eq3A_130 = arith.cmpi eq, %and3A_128, %eq3A_129 : i32
        %convert_element_type3A_131 = arith.extui %eq3A_130 : i1 to i32
        %cond3A_132 = arith.constant 0 : i32
        %cond3A_133 = arith.cmpi ne, %convert_element_type3A_131, %cond3A_132 : i32
        scf.if %cond3A_133 {
          %jit3A_134 = arith.constant 4 : i32
          %div3A = arith.divsi %while3A_96, %jit3A_134 : i32
          %sign3A = arith.constant 0 : i32
          %sign3A_135 = arith.cmpi sgt, %while3A_96, %sign3A : i32
          %sign3A_136 = arith.extui %sign3A_135 : i1 to i32
          %sign3A_137 = arith.constant 0 : i32
          %sign3A_138 = arith.cmpi slt, %while3A_96, %sign3A_137 : i32
          %sign3A_139 = arith.extui %sign3A_138 : i1 to i32
          %sign3A_140 = arith.subi %sign3A_136, %sign3A_139 : i32
          %sign3A_141 = arith.constant 0 : i32
          %sign3A_142 = arith.cmpi sgt, %jit3A_134, %sign3A_141 : i32
          %sign3A_143 = arith.extui %sign3A_142 : i1 to i32
          %sign3A_144 = arith.constant 0 : i32
          %sign3A_145 = arith.cmpi slt, %jit3A_134, %sign3A_144 : i32
          %sign3A_146 = arith.extui %sign3A_145 : i1 to i32
          %sign3A_147 = arith.subi %sign3A_143, %sign3A_146 : i32
          %ne3A_148 = arith.cmpi ne, %sign3A_140, %sign3A_147 : i32
          %rem3A_149 = arith.remsi %while3A_96, %jit3A_134 : i32
          %ne3A_150 = arith.constant 0 : i32
          %ne3A_151 = arith.cmpi ne, %rem3A_149, %ne3A_150 : i32
          %and3A_152 = arith.andi %ne3A_148, %ne3A_151 : i1
          %sub3A_153 = arith.constant 1 : i32
          %sub3A_154 = arith.subi %div3A, %sub3A_153 : i32
          %select_n3A_155 = arith.select %and3A_152, %sub3A_154, %div3A : i32
          %and3A_156 = arith.constant 1 : i32
          %and3A_157 = arith.andi %select_n3A_155, %and3A_156 : i32
          %jit3A_158 = arith.constant 4 : i32
          %eq3A_159 = arith.constant 0 : i32
          %eq3A_160 = arith.cmpi eq, %jit3A_158, %eq3A_159 : i32
          %jit3A_161 = arith.constant 1 : i32
          %select_n3A_162 = arith.select %eq3A_160, %jit3A_161, %jit3A_158 : i32
          %rem3A_163 = arith.remsi %while3A_96, %select_n3A_162 : i32
          %ne3A_164 = arith.constant 0 : i32
          %ne3A_165 = arith.cmpi ne, %rem3A_163, %ne3A_164 : i32
          %lt3A_166 = arith.constant 0 : i32
          %lt3A_167 = arith.cmpi slt, %rem3A_163, %lt3A_166 : i32
          %lt3A_168 = arith.constant 0 : i32
          %lt3A_169 = arith.cmpi slt, %select_n3A_162, %lt3A_168 : i32
          %ne3A_170 = arith.xori %lt3A_167, %lt3A_169 : i1
          %and3A_171 = arith.andi %ne3A_170, %ne3A_165 : i1
          %add3A_172 = arith.addi %rem3A_163, %select_n3A_162 : i32
          %select_n3A_173 = arith.select %and3A_171, %add3A_172, %rem3A_163 : i32
          %dma_wait3A = arith.constant 1 : i32
          %dma_wait3A_174 = arith.constant 0 : i32
          %dma_wait3A_175 = arith.constant 0 : i32
          %dma_wait3A_176 = tpu.memref_slice %arg9[%dma_wait3A, %dma_wait3A_174, %dma_wait3A_175] : memref<2x128x64xf32, #tpu.memory_space<vmem>> -> memref<1x128x64xf32, #tpu.memory_space<vmem>>
          %dma_wait3A_177 = tpu.memref_squeeze %dma_wait3A_176 : memref<1x128x64xf32, #tpu.memory_space<vmem>> -> memref<128x64xf32, #tpu.memory_space<vmem>>
          %dma_wait3A_178 = arith.constant 0 : i32
          %dma_wait3A_179 = tpu.memref_slice %arg7[%and3A_157, %select_n3A_173, %dma_wait3A_178] : memref<2x4x128xi32, #tpu.memory_space<vmem>> -> memref<1x1x128xi32, #tpu.memory_space<vmem>>
          %dma_wait3A_180 = tpu.memref_squeeze %dma_wait3A_179 : memref<1x1x128xi32, #tpu.memory_space<vmem>> -> memref<128xi32, #tpu.memory_space<vmem>>
          %dma_wait3A_181 = arith.constant 0 : i32
          %dma_wait3A_182 = arith.constant 0 : i32
          %dma_wait3A_183 = tpu.memref_slice %arg2[%dma_wait3A_181, %dma_wait3A_182] : memref<10000x64xf32, #tpu.memory_space<hbm>> -> memref<10000x64xf32, #tpu.memory_space<hbm>>
          tpu.wait_indirect_dma semaphore(%arg12 : memref<!tpu.dma_semaphore, #tpu.memory_space<semaphore_mem>>) src(%dma_wait3A_183 : memref<10000x64xf32, #tpu.memory_space<hbm>>) dst(%dma_wait3A_177 : memref<128x64xf32, #tpu.memory_space<vmem>>)
          %add3A_184 = arith.constant 1 : i32
          %add3A_185 = arith.addi %while3A_96, %add3A_184 : i32
          %lt3A_186 = arith.cmpi slt, %add3A_185, %min3A : i32
          %convert_element_type3A_187 = arith.extui %lt3A_186 : i1 to i32
          %cond3A_188 = arith.constant 0 : i32
          %cond3A_189 = arith.cmpi ne, %convert_element_type3A_187, %cond3A_188 : i32
          scf.if %cond3A_189 {
            %ge3A = arith.constant 1 : i32
            %ge3A_243 = arith.cmpi sge, %while3A_96, %ge3A : i32
            %convert_element_type3A_244 = arith.extui %ge3A_243 : i1 to i32
            %cond3A_245 = arith.constant 0 : i32
            %cond3A_246 = arith.cmpi ne, %convert_element_type3A_244, %cond3A_245 : i32
            scf.if %cond3A_246 {
              %sub3A_302 = arith.constant 1 : i32
              %sub3A_303 = arith.subi %while3A_96, %sub3A_302 : i32
              %jit3A_304 = arith.constant 4 : i32
              %div3A_305 = arith.divsi %sub3A_303, %jit3A_304 : i32
              %sign3A_306 = arith.constant 0 : i32
              %sign3A_307 = arith.cmpi sgt, %sub3A_303, %sign3A_306 : i32
              %sign3A_308 = arith.extui %sign3A_307 : i1 to i32
              %sign3A_309 = arith.constant 0 : i32
              %sign3A_310 = arith.cmpi slt, %sub3A_303, %sign3A_309 : i32
              %sign3A_311 = arith.extui %sign3A_310 : i1 to i32
              %sign3A_312 = arith.subi %sign3A_308, %sign3A_311 : i32
              %sign3A_313 = arith.constant 0 : i32
              %sign3A_314 = arith.cmpi sgt, %jit3A_304, %sign3A_313 : i32
              %sign3A_315 = arith.extui %sign3A_314 : i1 to i32
              %sign3A_316 = arith.constant 0 : i32
              %sign3A_317 = arith.cmpi slt, %jit3A_304, %sign3A_316 : i32
              %sign3A_318 = arith.extui %sign3A_317 : i1 to i32
              %sign3A_319 = arith.subi %sign3A_315, %sign3A_318 : i32
              %ne3A_320 = arith.cmpi ne, %sign3A_312, %sign3A_319 : i32
              %rem3A_321 = arith.remsi %sub3A_303, %jit3A_304 : i32
              %ne3A_322 = arith.constant 0 : i32
              %ne3A_323 = arith.cmpi ne, %rem3A_321, %ne3A_322 : i32
              %and3A_324 = arith.andi %ne3A_320, %ne3A_323 : i1
              %sub3A_325 = arith.constant 1 : i32
              %sub3A_326 = arith.subi %div3A_305, %sub3A_325 : i32
              %select_n3A_327 = arith.select %and3A_324, %sub3A_326, %div3A_305 : i32
              %and3A_328 = arith.constant 1 : i32
              %and3A_329 = arith.andi %select_n3A_327, %and3A_328 : i32
              %jit3A_330 = arith.constant 4 : i32
              %eq3A_331 = arith.constant 0 : i32
              %eq3A_332 = arith.cmpi eq, %jit3A_330, %eq3A_331 : i32
              %jit3A_333 = arith.constant 1 : i32
              %select_n3A_334 = arith.select %eq3A_332, %jit3A_333, %jit3A_330 : i32
              %rem3A_335 = arith.remsi %sub3A_303, %select_n3A_334 : i32
              %ne3A_336 = arith.constant 0 : i32
              %ne3A_337 = arith.cmpi ne, %rem3A_335, %ne3A_336 : i32
              %lt3A_338 = arith.constant 0 : i32
              %lt3A_339 = arith.cmpi slt, %rem3A_335, %lt3A_338 : i32
              %lt3A_340 = arith.constant 0 : i32
              %lt3A_341 = arith.cmpi slt, %select_n3A_334, %lt3A_340 : i32
              %ne3A_342 = arith.xori %lt3A_339, %lt3A_341 : i1
              %and3A_343 = arith.andi %ne3A_342, %ne3A_337 : i1
              %add3A_344 = arith.addi %rem3A_335, %select_n3A_334 : i32
              %select_n3A_345 = arith.select %and3A_343, %add3A_344, %rem3A_335 : i32
              %dma_wait3A_346 = arith.constant 0 : i32
              %dma_wait3A_347 = arith.constant 0 : i32
              %dma_wait3A_348 = arith.constant 0 : i32
              %dma_wait3A_349 = tpu.memref_slice %arg9[%dma_wait3A_346, %dma_wait3A_347, %dma_wait3A_348] : memref<2x128x64xf32, #tpu.memory_space<vmem>> -> memref<1x128x64xf32, #tpu.memory_space<vmem>>
              %dma_wait3A_350 = tpu.memref_squeeze %dma_wait3A_349 : memref<1x128x64xf32, #tpu.memory_space<vmem>> -> memref<128x64xf32, #tpu.memory_space<vmem>>
              %dma_wait3A_351 = arith.constant 0 : i32
              %dma_wait3A_352 = tpu.memref_slice %arg8[%and3A_329, %select_n3A_345, %dma_wait3A_351] : memref<2x4x128xi32, #tpu.memory_space<vmem>> -> memref<1x1x128xi32, #tpu.memory_space<vmem>>
              %dma_wait3A_353 = tpu.memref_squeeze %dma_wait3A_352 : memref<1x1x128xi32, #tpu.memory_space<vmem>> -> memref<128xi32, #tpu.memory_space<vmem>>
              %dma_wait3A_354 = arith.constant 0 : i32
              %dma_wait3A_355 = arith.constant 0 : i32
              %dma_wait3A_356 = tpu.memref_slice %arg10[%dma_wait3A_354, %dma_wait3A_355] : memref<10112x64xf32, #tpu.memory_space<vmem_shared>> -> memref<10112x64xf32, #tpu.memory_space<vmem_shared>>
              tpu.wait_indirect_dma semaphore(%arg13 : memref<!tpu.dma_semaphore, #tpu.memory_space<semaphore_mem>>) src(%dma_wait3A_350 : memref<128x64xf32, #tpu.memory_space<vmem>>) dst(%dma_wait3A_356 : memref<10112x64xf32, #tpu.memory_space<vmem_shared>>)
            } else {
            }
            %add3A_247 = arith.constant 1 : i32
            %add3A_248 = arith.addi %while3A_96, %add3A_247 : i32
            %jit3A_249 = arith.constant 4 : i32
            %div3A_250 = arith.divsi %add3A_248, %jit3A_249 : i32
            %sign3A_251 = arith.constant 0 : i32
            %sign3A_252 = arith.cmpi sgt, %add3A_248, %sign3A_251 : i32
            %sign3A_253 = arith.extui %sign3A_252 : i1 to i32
            %sign3A_254 = arith.constant 0 : i32
            %sign3A_255 = arith.cmpi slt, %add3A_248, %sign3A_254 : i32
            %sign3A_256 = arith.extui %sign3A_255 : i1 to i32
            %sign3A_257 = arith.subi %sign3A_253, %sign3A_256 : i32
            %sign3A_258 = arith.constant 0 : i32
            %sign3A_259 = arith.cmpi sgt, %jit3A_249, %sign3A_258 : i32
            %sign3A_260 = arith.extui %sign3A_259 : i1 to i32
            %sign3A_261 = arith.constant 0 : i32
            %sign3A_262 = arith.cmpi slt, %jit3A_249, %sign3A_261 : i32
            %sign3A_263 = arith.extui %sign3A_262 : i1 to i32
            %sign3A_264 = arith.subi %sign3A_260, %sign3A_263 : i32
            %ne3A_265 = arith.cmpi ne, %sign3A_257, %sign3A_264 : i32
            %rem3A_266 = arith.remsi %add3A_248, %jit3A_249 : i32
            %ne3A_267 = arith.constant 0 : i32
            %ne3A_268 = arith.cmpi ne, %rem3A_266, %ne3A_267 : i32
            %and3A_269 = arith.andi %ne3A_265, %ne3A_268 : i1
            %sub3A_270 = arith.constant 1 : i32
            %sub3A_271 = arith.subi %div3A_250, %sub3A_270 : i32
            %select_n3A_272 = arith.select %and3A_269, %sub3A_271, %div3A_250 : i32
            %and3A_273 = arith.constant 1 : i32
            %and3A_274 = arith.andi %select_n3A_272, %and3A_273 : i32
            %jit3A_275 = arith.constant 4 : i32
            %eq3A_276 = arith.constant 0 : i32
            %eq3A_277 = arith.cmpi eq, %jit3A_275, %eq3A_276 : i32
            %jit3A_278 = arith.constant 1 : i32
            %select_n3A_279 = arith.select %eq3A_277, %jit3A_278, %jit3A_275 : i32
            %rem3A_280 = arith.remsi %add3A_248, %select_n3A_279 : i32
            %ne3A_281 = arith.constant 0 : i32
            %ne3A_282 = arith.cmpi ne, %rem3A_280, %ne3A_281 : i32
            %lt3A_283 = arith.constant 0 : i32
            %lt3A_284 = arith.cmpi slt, %rem3A_280, %lt3A_283 : i32
            %lt3A_285 = arith.constant 0 : i32
            %lt3A_286 = arith.cmpi slt, %select_n3A_279, %lt3A_285 : i32
            %ne3A_287 = arith.xori %lt3A_284, %lt3A_286 : i1
            %and3A_288 = arith.andi %ne3A_287, %ne3A_282 : i1
            %add3A_289 = arith.addi %rem3A_280, %select_n3A_279 : i32
            %select_n3A_290 = arith.select %and3A_288, %add3A_289, %rem3A_280 : i32
            %dma_start3A_291 = arith.constant 0 : i32
            %dma_start3A_292 = arith.constant 0 : i32
            %dma_start3A_293 = arith.constant 0 : i32
            %dma_start3A_294 = tpu.memref_slice %arg9[%dma_start3A_291, %dma_start3A_292, %dma_start3A_293] : memref<2x128x64xf32, #tpu.memory_space<vmem>> -> memref<1x128x64xf32, #tpu.memory_space<vmem>>
            %dma_start3A_295 = tpu.memref_squeeze %dma_start3A_294 : memref<1x128x64xf32, #tpu.memory_space<vmem>> -> memref<128x64xf32, #tpu.memory_space<vmem>>
            %dma_start3A_296 = arith.constant 0 : i32
            %dma_start3A_297 = tpu.memref_slice %arg7[%and3A_274, %select_n3A_290, %dma_start3A_296] : memref<2x4x128xi32, #tpu.memory_space<vmem>> -> memref<1x1x128xi32, #tpu.memory_space<vmem>>
            %dma_start3A_298 = tpu.memref_squeeze %dma_start3A_297 : memref<1x1x128xi32, #tpu.memory_space<vmem>> -> memref<128xi32, #tpu.memory_space<vmem>>
            %dma_start3A_299 = arith.constant 0 : i32
            %dma_start3A_300 = arith.constant 0 : i32
            %dma_start3A_301 = tpu.memref_slice %arg2[%dma_start3A_299, %dma_start3A_300] : memref<10000x64xf32, #tpu.memory_space<hbm>> -> memref<10000x64xf32, #tpu.memory_space<hbm>>
            tpu.enqueue_indirect_dma source(%dma_start3A_301 : memref<10000x64xf32, #tpu.memory_space<hbm>>) target(%dma_start3A_295 : memref<128x64xf32, #tpu.memory_space<vmem>>) offsets(%dma_start3A_298 : memref<128xi32, #tpu.memory_space<vmem>>) semaphore(%arg11 : memref<!tpu.dma_semaphore, #tpu.memory_space<semaphore_mem>>)
          } else {
          }
          %jit3A_190 = arith.constant 4 : i32
          %div3A_191 = arith.divsi %while3A_96, %jit3A_190 : i32
          %sign3A_192 = arith.constant 0 : i32
          %sign3A_193 = arith.cmpi sgt, %while3A_96, %sign3A_192 : i32
          %sign3A_194 = arith.extui %sign3A_193 : i1 to i32
          %sign3A_195 = arith.constant 0 : i32
          %sign3A_196 = arith.cmpi slt, %while3A_96, %sign3A_195 : i32
          %sign3A_197 = arith.extui %sign3A_196 : i1 to i32
          %sign3A_198 = arith.subi %sign3A_194, %sign3A_197 : i32
          %sign3A_199 = arith.constant 0 : i32
          %sign3A_200 = arith.cmpi sgt, %jit3A_190, %sign3A_199 : i32
          %sign3A_201 = arith.extui %sign3A_200 : i1 to i32
          %sign3A_202 = arith.constant 0 : i32
          %sign3A_203 = arith.cmpi slt, %jit3A_190, %sign3A_202 : i32
          %sign3A_204 = arith.extui %sign3A_203 : i1 to i32
          %sign3A_205 = arith.subi %sign3A_201, %sign3A_204 : i32
          %ne3A_206 = arith.cmpi ne, %sign3A_198, %sign3A_205 : i32
          %rem3A_207 = arith.remsi %while3A_96, %jit3A_190 : i32
          %ne3A_208 = arith.constant 0 : i32
          %ne3A_209 = arith.cmpi ne, %rem3A_207, %ne3A_208 : i32
          %and3A_210 = arith.andi %ne3A_206, %ne3A_209 : i1
          %sub3A_211 = arith.constant 1 : i32
          %sub3A_212 = arith.subi %div3A_191, %sub3A_211 : i32
          %select_n3A_213 = arith.select %and3A_210, %sub3A_212, %div3A_191 : i32
          %and3A_214 = arith.constant 1 : i32
          %and3A_215 = arith.andi %select_n3A_213, %and3A_214 : i32
          %jit3A_216 = arith.constant 4 : i32
          %eq3A_217 = arith.constant 0 : i32
          %eq3A_218 = arith.cmpi eq, %jit3A_216, %eq3A_217 : i32
          %jit3A_219 = arith.constant 1 : i32
          %select_n3A_220 = arith.select %eq3A_218, %jit3A_219, %jit3A_216 : i32
          %rem3A_221 = arith.remsi %while3A_96, %select_n3A_220 : i32
          %ne3A_222 = arith.constant 0 : i32
          %ne3A_223 = arith.cmpi ne, %rem3A_221, %ne3A_222 : i32
          %lt3A_224 = arith.constant 0 : i32
          %lt3A_225 = arith.cmpi slt, %rem3A_221, %lt3A_224 : i32
          %lt3A_226 = arith.constant 0 : i32
          %lt3A_227 = arith.cmpi slt, %select_n3A_220, %lt3A_226 : i32
          %ne3A_228 = arith.xori %lt3A_225, %lt3A_227 : i1
          %and3A_229 = arith.andi %ne3A_228, %ne3A_223 : i1
          %add3A_230 = arith.addi %rem3A_221, %select_n3A_220 : i32
          %select_n3A_231 = arith.select %and3A_229, %add3A_230, %rem3A_221 : i32
          %dma_start3A_232 = arith.constant 1 : i32
          %dma_start3A_233 = arith.constant 0 : i32
          %dma_start3A_234 = arith.constant 0 : i32
          %dma_start3A_235 = tpu.memref_slice %arg9[%dma_start3A_232, %dma_start3A_233, %dma_start3A_234] : memref<2x128x64xf32, #tpu.memory_space<vmem>> -> memref<1x128x64xf32, #tpu.memory_space<vmem>>
          %dma_start3A_236 = tpu.memref_squeeze %dma_start3A_235 : memref<1x128x64xf32, #tpu.memory_space<vmem>> -> memref<128x64xf32, #tpu.memory_space<vmem>>
          %dma_start3A_237 = arith.constant 0 : i32
          %dma_start3A_238 = tpu.memref_slice %arg8[%and3A_215, %select_n3A_231, %dma_start3A_237] : memref<2x4x128xi32, #tpu.memory_space<vmem>> -> memref<1x1x128xi32, #tpu.memory_space<vmem>>
          %dma_start3A_239 = tpu.memref_squeeze %dma_start3A_238 : memref<1x1x128xi32, #tpu.memory_space<vmem>> -> memref<128xi32, #tpu.memory_space<vmem>>
          %dma_start3A_240 = arith.constant 0 : i32
          %dma_start3A_241 = arith.constant 0 : i32
          %dma_start3A_242 = tpu.memref_slice %arg10[%dma_start3A_240, %dma_start3A_241] : memref<10112x64xf32, #tpu.memory_space<vmem_shared>> -> memref<10112x64xf32, #tpu.memory_space<vmem_shared>>
          tpu.enqueue_indirect_dma source(%dma_start3A_236 : memref<128x64xf32, #tpu.memory_space<vmem>>) target(%dma_start3A_242 : memref<10112x64xf32, #tpu.memory_space<vmem_shared>>) offsets(%dma_start3A_239 : memref<128xi32, #tpu.memory_space<vmem>>) semaphore(%arg14 : memref<!tpu.dma_semaphore, #tpu.memory_space<semaphore_mem>>) {add = true}
        } else {
        }
      }
      %while3A_81 = arith.constant 1 : i32
      scf.for %while3A_96 = %while3A_79 to %while3A_75 step %while3A_81  : i32 {
        %add3A_97 = arith.constant 1 : i32
        %add3A_98 = arith.addi %while3A_96, %add3A_97 : i32
        %jit3A_99 = arith.constant 4 : i32
        %eq3A_100 = arith.constant 0 : i32
        %eq3A_101 = arith.cmpi eq, %jit3A_99, %eq3A_100 : i32
        %jit3A_102 = arith.constant 1 : i32
        %select_n3A = arith.select %eq3A_101, %jit3A_102, %jit3A_99 : i32
        %rem3A = arith.remsi %add3A_98, %select_n3A : i32
        %ne3A = arith.constant 0 : i32
        %ne3A_103 = arith.cmpi ne, %rem3A, %ne3A : i32
        %lt3A = arith.constant 0 : i32
        %lt3A_104 = arith.cmpi slt, %rem3A, %lt3A : i32
        %lt3A_105 = arith.constant 0 : i32
        %lt3A_106 = arith.cmpi slt, %select_n3A, %lt3A_105 : i32
        %ne3A_107 = arith.xori %lt3A_104, %lt3A_106 : i1
        %and3A_108 = arith.andi %ne3A_107, %ne3A_103 : i1
        %add3A_109 = arith.addi %rem3A, %select_n3A : i32
        %select_n3A_110 = arith.select %and3A_108, %add3A_109, %rem3A : i32
        %eq3A_111 = arith.constant 0 : i32
        %eq3A_112 = arith.cmpi eq, %select_n3A_110, %eq3A_111 : i32
        %add3A_113 = arith.constant 1 : i32
        %add3A_114 = arith.addi %while3A_96, %add3A_113 : i32
        %lt3A_115 = arith.cmpi slt, %add3A_114, %min3A : i32
        %and3A_116 = arith.andi %eq3A_112, %lt3A_115 : i1
        %convert_element_type3A_117 = arith.extui %and3A_116 : i1 to i32
        %cond3A_118 = arith.constant 0 : i32
        %cond3A_119 = arith.cmpi ne, %convert_element_type3A_117, %cond3A_118 : i32
        scf.if %cond3A_119 {
          %add3A_134 = arith.constant 1 : i32
          %add3A_135 = arith.addi %while3A_96, %add3A_134 : i32
          %jit3A_136 = arith.constant 4 : i32
          %div3A = arith.divsi %add3A_135, %jit3A_136 : i32
          %sign3A = arith.constant 0 : i32
          %sign3A_137 = arith.cmpi sgt, %add3A_135, %sign3A : i32
          %sign3A_138 = arith.extui %sign3A_137 : i1 to i32
          %sign3A_139 = arith.constant 0 : i32
          %sign3A_140 = arith.cmpi slt, %add3A_135, %sign3A_139 : i32
          %sign3A_141 = arith.extui %sign3A_140 : i1 to i32
          %sign3A_142 = arith.subi %sign3A_138, %sign3A_141 : i32
          %sign3A_143 = arith.constant 0 : i32
          %sign3A_144 = arith.cmpi sgt, %jit3A_136, %sign3A_143 : i32
          %sign3A_145 = arith.extui %sign3A_144 : i1 to i32
          %sign3A_146 = arith.constant 0 : i32
          %sign3A_147 = arith.cmpi slt, %jit3A_136, %sign3A_146 : i32
          %sign3A_148 = arith.extui %sign3A_147 : i1 to i32
          %sign3A_149 = arith.subi %sign3A_145, %sign3A_148 : i32
          %ne3A_150 = arith.cmpi ne, %sign3A_142, %sign3A_149 : i32
          %rem3A_151 = arith.remsi %add3A_135, %jit3A_136 : i32
          %ne3A_152 = arith.constant 0 : i32
          %ne3A_153 = arith.cmpi ne, %rem3A_151, %ne3A_152 : i32
          %and3A_154 = arith.andi %ne3A_150, %ne3A_153 : i1
          %sub3A_155 = arith.constant 1 : i32
          %sub3A_156 = arith.subi %div3A, %sub3A_155 : i32
          %select_n3A_157 = arith.select %and3A_154, %sub3A_156, %div3A : i32
          %and3A_158 = arith.constant 1 : i32
          %and3A_159 = arith.andi %select_n3A_157, %and3A_158 : i32
          %mul3A_160 = arith.constant 4 : i32
          %mul3A_161 = arith.muli %select_n3A_157, %mul3A_160 : i32
          %add3A_162 = arith.addi %mul3A_2, %mul3A_161 : i32
          "tpu.region"() ({
            %run_scoped3A_166 = tpu.sem_alloc : memref<!tpu.dma_semaphore, #tpu.memory_space<semaphore_mem>>
            %dma_start3A_167 = arith.constant 0 : i32
            %dma_start3A_168 = arith.constant 0 : i32
            %dma_start3A_169 = tpu.memref_slice %arg7[%and3A_159, %dma_start3A_167, %dma_start3A_168] : memref<2x4x128xi32, #tpu.memory_space<vmem>> -> memref<1x4x128xi32, #tpu.memory_space<vmem>>
            %dma_start3A_170 = tpu.memref_squeeze %dma_start3A_169 : memref<1x4x128xi32, #tpu.memory_space<vmem>> -> memref<4x128xi32, #tpu.memory_space<vmem>>
            %dma_start3A_171 = arith.constant 0 : i32
            %dma_start3A_172 = tpu.memref_slice %arg3[%add3A_162, %dma_start3A_171] : memref<2560x128xi32, #tpu.memory_space<hbm>> -> memref<4x128xi32, #tpu.memory_space<hbm>>
            %dma_start3A_173 = arith.constant 0 : i32
            %dma_start3A_174 = arith.constant 0 : i32
            %dma_start3A_175 = tpu.memref_slice %arg7[%and3A_159, %dma_start3A_173, %dma_start3A_174] : memref<2x4x128xi32, #tpu.memory_space<vmem>> -> memref<1x4x128xi32, #tpu.memory_space<vmem>>
            %dma_start3A_176 = tpu.memref_squeeze %dma_start3A_175 : memref<1x4x128xi32, #tpu.memory_space<vmem>> -> memref<4x128xi32, #tpu.memory_space<vmem>>
            %dma_start3A_177 = arith.constant 0 : i32
            %dma_start3A_178 = tpu.memref_slice %arg3[%add3A_162, %dma_start3A_177] : memref<2560x128xi32, #tpu.memory_space<hbm>> -> memref<4x128xi32, #tpu.memory_space<hbm>>
            tpu.enqueue_dma source(%dma_start3A_178 : memref<4x128xi32, #tpu.memory_space<hbm>>) target(%dma_start3A_176 : memref<4x128xi32, #tpu.memory_space<vmem>>) target_semaphore(%run_scoped3A_166 : memref<!tpu.dma_semaphore, #tpu.memory_space<semaphore_mem>>)
            %dma_wait3A = arith.constant 0 : i32
            %dma_wait3A_179 = arith.constant 0 : i32
            %dma_wait3A_180 = tpu.memref_slice %arg7[%and3A_159, %dma_wait3A, %dma_wait3A_179] : memref<2x4x128xi32, #tpu.memory_space<vmem>> -> memref<1x4x128xi32, #tpu.memory_space<vmem>>
            %dma_wait3A_181 = tpu.memref_squeeze %dma_wait3A_180 : memref<1x4x128xi32, #tpu.memory_space<vmem>> -> memref<4x128xi32, #tpu.memory_space<vmem>>
            %dma_wait3A_182 = arith.constant 0 : i32
            %dma_wait3A_183 = tpu.memref_slice %arg3[%add3A_162, %dma_wait3A_182] : memref<2560x128xi32, #tpu.memory_space<hbm>> -> memref<4x128xi32, #tpu.memory_space<hbm>>
            %dma_wait3A_184 = arith.constant 0 : i32
            %dma_wait3A_185 = arith.constant 0 : i32
            %dma_wait3A_186 = tpu.memref_slice %arg7[%and3A_159, %dma_wait3A_184, %dma_wait3A_185] : memref<2x4x128xi32, #tpu.memory_space<vmem>> -> memref<1x4x128xi32, #tpu.memory_space<vmem>>
            %dma_wait3A_187 = tpu.memref_squeeze %dma_wait3A_186 : memref<1x4x128xi32, #tpu.memory_space<vmem>> -> memref<4x128xi32, #tpu.memory_space<vmem>>
            %dma_wait3A_188 = arith.constant 0 : i32
            %dma_wait3A_189 = tpu.memref_slice %arg3[%add3A_162, %dma_wait3A_188] : memref<2560x128xi32, #tpu.memory_space<hbm>> -> memref<4x128xi32, #tpu.memory_space<hbm>>
            tpu.wait_dma2 semaphore(%run_scoped3A_166 : memref<!tpu.dma_semaphore, #tpu.memory_space<semaphore_mem>>) src(%dma_wait3A_189 : memref<4x128xi32, #tpu.memory_space<hbm>>) dst(%dma_wait3A_187 : memref<4x128xi32, #tpu.memory_space<vmem>>)
            tpu.yield
          }) : () -> ()
          %mul3A_163 = arith.constant 4 : i32
          %mul3A_164 = arith.muli %select_n3A_157, %mul3A_163 : i32
          %add3A_165 = arith.addi %mul3A_2, %mul3A_164 : i32
          "tpu.region"() ({
            %run_scoped3A_166 = tpu.sem_alloc : memref<!tpu.dma_semaphore, #tpu.memory_space<semaphore_mem>>
            %dma_start3A_167 = arith.constant 0 : i32
            %dma_start3A_168 = arith.constant 0 : i32
            %dma_start3A_169 = tpu.memref_slice %arg8[%and3A_159, %dma_start3A_167, %dma_start3A_168] : memref<2x4x128xi32, #tpu.memory_space<vmem>> -> memref<1x4x128xi32, #tpu.memory_space<vmem>>
            %dma_start3A_170 = tpu.memref_squeeze %dma_start3A_169 : memref<1x4x128xi32, #tpu.memory_space<vmem>> -> memref<4x128xi32, #tpu.memory_space<vmem>>
            %dma_start3A_171 = arith.constant 0 : i32
            %dma_start3A_172 = tpu.memref_slice %arg4[%add3A_165, %dma_start3A_171] : memref<2560x128xi32, #tpu.memory_space<hbm>> -> memref<4x128xi32, #tpu.memory_space<hbm>>
            %dma_start3A_173 = arith.constant 0 : i32
            %dma_start3A_174 = arith.constant 0 : i32
            %dma_start3A_175 = tpu.memref_slice %arg8[%and3A_159, %dma_start3A_173, %dma_start3A_174] : memref<2x4x128xi32, #tpu.memory_space<vmem>> -> memref<1x4x128xi32, #tpu.memory_space<vmem>>
            %dma_start3A_176 = tpu.memref_squeeze %dma_start3A_175 : memref<1x4x128xi32, #tpu.memory_space<vmem>> -> memref<4x128xi32, #tpu.memory_space<vmem>>
            %dma_start3A_177 = arith.constant 0 : i32
            %dma_start3A_178 = tpu.memref_slice %arg4[%add3A_165, %dma_start3A_177] : memref<2560x128xi32, #tpu.memory_space<hbm>> -> memref<4x128xi32, #tpu.memory_space<hbm>>
            tpu.enqueue_dma source(%dma_start3A_178 : memref<4x128xi32, #tpu.memory_space<hbm>>) target(%dma_start3A_176 : memref<4x128xi32, #tpu.memory_space<vmem>>) target_semaphore(%run_scoped3A_166 : memref<!tpu.dma_semaphore, #tpu.memory_space<semaphore_mem>>)
            %dma_wait3A = arith.constant 0 : i32
            %dma_wait3A_179 = arith.constant 0 : i32
            %dma_wait3A_180 = tpu.memref_slice %arg8[%and3A_159, %dma_wait3A, %dma_wait3A_179] : memref<2x4x128xi32, #tpu.memory_space<vmem>> -> memref<1x4x128xi32, #tpu.memory_space<vmem>>
            %dma_wait3A_181 = tpu.memref_squeeze %dma_wait3A_180 : memref<1x4x128xi32, #tpu.memory_space<vmem>> -> memref<4x128xi32, #tpu.memory_space<vmem>>
            %dma_wait3A_182 = arith.constant 0 : i32
            %dma_wait3A_183 = tpu.memref_slice %arg4[%add3A_165, %dma_wait3A_182] : memref<2560x128xi32, #tpu.memory_space<hbm>> -> memref<4x128xi32, #tpu.memory_space<hbm>>
            %dma_wait3A_184 = arith.constant 0 : i32
            %dma_wait3A_185 = arith.constant 0 : i32
            %dma_wait3A_186 = tpu.memref_slice %arg8[%and3A_159, %dma_wait3A_184, %dma_wait3A_185] : memref<2x4x128xi32, #tpu.memory_space<vmem>> -> memref<1x4x128xi32, #tpu.memory_space<vmem>>
            %dma_wait3A_187 = tpu.memref_squeeze %dma_wait3A_186 : memref<1x4x128xi32, #tpu.memory_space<vmem>> -> memref<4x128xi32, #tpu.memory_space<vmem>>
            %dma_wait3A_188 = arith.constant 0 : i32
            %dma_wait3A_189 = tpu.memref_slice %arg4[%add3A_165, %dma_wait3A_188] : memref<2560x128xi32, #tpu.memory_space<hbm>> -> memref<4x128xi32, #tpu.memory_space<hbm>>
            tpu.wait_dma2 semaphore(%run_scoped3A_166 : memref<!tpu.dma_semaphore, #tpu.memory_space<semaphore_mem>>) src(%dma_wait3A_189 : memref<4x128xi32, #tpu.memory_space<hbm>>) dst(%dma_wait3A_187 : memref<4x128xi32, #tpu.memory_space<vmem>>)
            tpu.yield
          }) : () -> ()
        } else {
        }
        %and3A_120 = arith.constant 1 : i32
        %and3A_121 = arith.andi %while3A_96, %and3A_120 : i32
        %eq3A_122 = arith.constant 0 : i32
        %eq3A_123 = arith.cmpi eq, %and3A_121, %eq3A_122 : i32
        %convert_element_type3A_124 = arith.extui %eq3A_123 : i1 to i32
        %cond3A_125 = arith.constant 0 : i32
        %cond3A_126 = arith.cmpi ne, %convert_element_type3A_124, %cond3A_125 : i32
        scf.if %cond3A_126 {
          %jit3A_134 = arith.constant 4 : i32
          %div3A = arith.divsi %while3A_96, %jit3A_134 : i32
          %sign3A = arith.constant 0 : i32
          %sign3A_135 = arith.cmpi sgt, %while3A_96, %sign3A : i32
          %sign3A_136 = arith.extui %sign3A_135 : i1 to i32
          %sign3A_137 = arith.constant 0 : i32
          %sign3A_138 = arith.cmpi slt, %while3A_96, %sign3A_137 : i32
          %sign3A_139 = arith.extui %sign3A_138 : i1 to i32
          %sign3A_140 = arith.subi %sign3A_136, %sign3A_139 : i32
          %sign3A_141 = arith.constant 0 : i32
          %sign3A_142 = arith.cmpi sgt, %jit3A_134, %sign3A_141 : i32
          %sign3A_143 = arith.extui %sign3A_142 : i1 to i32
          %sign3A_144 = arith.constant 0 : i32
          %sign3A_145 = arith.cmpi slt, %jit3A_134, %sign3A_144 : i32
          %sign3A_146 = arith.extui %sign3A_145 : i1 to i32
          %sign3A_147 = arith.subi %sign3A_143, %sign3A_146 : i32
          %ne3A_148 = arith.cmpi ne, %sign3A_140, %sign3A_147 : i32
          %rem3A_149 = arith.remsi %while3A_96, %jit3A_134 : i32
          %ne3A_150 = arith.constant 0 : i32
          %ne3A_151 = arith.cmpi ne, %rem3A_149, %ne3A_150 : i32
          %and3A_152 = arith.andi %ne3A_148, %ne3A_151 : i1
          %sub3A_153 = arith.constant 1 : i32
          %sub3A_154 = arith.subi %div3A, %sub3A_153 : i32
          %select_n3A_155 = arith.select %and3A_152, %sub3A_154, %div3A : i32
          %and3A_156 = arith.constant 1 : i32
          %and3A_157 = arith.andi %select_n3A_155, %and3A_156 : i32
          %jit3A_158 = arith.constant 4 : i32
          %eq3A_159 = arith.constant 0 : i32
          %eq3A_160 = arith.cmpi eq, %jit3A_158, %eq3A_159 : i32
          %jit3A_161 = arith.constant 1 : i32
          %select_n3A_162 = arith.select %eq3A_160, %jit3A_161, %jit3A_158 : i32
          %rem3A_163 = arith.remsi %while3A_96, %select_n3A_162 : i32
          %ne3A_164 = arith.constant 0 : i32
          %ne3A_165 = arith.cmpi ne, %rem3A_163, %ne3A_164 : i32
          %lt3A_166 = arith.constant 0 : i32
          %lt3A_167 = arith.cmpi slt, %rem3A_163, %lt3A_166 : i32
          %lt3A_168 = arith.constant 0 : i32
          %lt3A_169 = arith.cmpi slt, %select_n3A_162, %lt3A_168 : i32
          %ne3A_170 = arith.xori %lt3A_167, %lt3A_169 : i1
          %and3A_171 = arith.andi %ne3A_170, %ne3A_165 : i1
          %add3A_172 = arith.addi %rem3A_163, %select_n3A_162 : i32
          %select_n3A_173 = arith.select %and3A_171, %add3A_172, %rem3A_163 : i32
          %dma_wait3A = arith.constant 0 : i32
          %dma_wait3A_174 = arith.constant 0 : i32
          %dma_wait3A_175 = arith.constant 0 : i32
          %dma_wait3A_176 = tpu.memref_slice %arg9[%dma_wait3A, %dma_wait3A_174, %dma_wait3A_175] : memref<2x128x64xf32, #tpu.memory_space<vmem>> -> memref<1x128x64xf32, #tpu.memory_space<vmem>>
          %dma_wait3A_177 = tpu.memref_squeeze %dma_wait3A_176 : memref<1x128x64xf32, #tpu.memory_space<vmem>> -> memref<128x64xf32, #tpu.memory_space<vmem>>
          %dma_wait3A_178 = arith.constant 0 : i32
          %dma_wait3A_179 = tpu.memref_slice %arg7[%and3A_157, %select_n3A_173, %dma_wait3A_178] : memref<2x4x128xi32, #tpu.memory_space<vmem>> -> memref<1x1x128xi32, #tpu.memory_space<vmem>>
          %dma_wait3A_180 = tpu.memref_squeeze %dma_wait3A_179 : memref<1x1x128xi32, #tpu.memory_space<vmem>> -> memref<128xi32, #tpu.memory_space<vmem>>
          %dma_wait3A_181 = arith.constant 0 : i32
          %dma_wait3A_182 = arith.constant 0 : i32
          %dma_wait3A_183 = tpu.memref_slice %arg2[%dma_wait3A_181, %dma_wait3A_182] : memref<10000x64xf32, #tpu.memory_space<hbm>> -> memref<10000x64xf32, #tpu.memory_space<hbm>>
          tpu.wait_indirect_dma semaphore(%arg11 : memref<!tpu.dma_semaphore, #tpu.memory_space<semaphore_mem>>) src(%dma_wait3A_183 : memref<10000x64xf32, #tpu.memory_space<hbm>>) dst(%dma_wait3A_177 : memref<128x64xf32, #tpu.memory_space<vmem>>)
          %add3A_184 = arith.constant 1 : i32
          %add3A_185 = arith.addi %while3A_96, %add3A_184 : i32
          %lt3A_186 = arith.cmpi slt, %add3A_185, %min3A : i32
          %convert_element_type3A_187 = arith.extui %lt3A_186 : i1 to i32
          %cond3A_188 = arith.constant 0 : i32
          %cond3A_189 = arith.cmpi ne, %convert_element_type3A_187, %cond3A_188 : i32
          scf.if %cond3A_189 {
            %ge3A = arith.constant 1 : i32
            %ge3A_243 = arith.cmpi sge, %while3A_96, %ge3A : i32
            %convert_element_type3A_244 = arith.extui %ge3A_243 : i1 to i32
            %cond3A_245 = arith.constant 0 : i32
            %cond3A_246 = arith.cmpi ne, %convert_element_type3A_244, %cond3A_245 : i32
            scf.if %cond3A_246 {
              %sub3A_302 = arith.constant 1 : i32
              %sub3A_303 = arith.subi %while3A_96, %sub3A_302 : i32
              %jit3A_304 = arith.constant 4 : i32
              %div3A_305 = arith.divsi %sub3A_303, %jit3A_304 : i32
              %sign3A_306 = arith.constant 0 : i32
              %sign3A_307 = arith.cmpi sgt, %sub3A_303, %sign3A_306 : i32
              %sign3A_308 = arith.extui %sign3A_307 : i1 to i32
              %sign3A_309 = arith.constant 0 : i32
              %sign3A_310 = arith.cmpi slt, %sub3A_303, %sign3A_309 : i32
              %sign3A_311 = arith.extui %sign3A_310 : i1 to i32
              %sign3A_312 = arith.subi %sign3A_308, %sign3A_311 : i32
              %sign3A_313 = arith.constant 0 : i32
              %sign3A_314 = arith.cmpi sgt, %jit3A_304, %sign3A_313 : i32
              %sign3A_315 = arith.extui %sign3A_314 : i1 to i32
              %sign3A_316 = arith.constant 0 : i32
              %sign3A_317 = arith.cmpi slt, %jit3A_304, %sign3A_316 : i32
              %sign3A_318 = arith.extui %sign3A_317 : i1 to i32
              %sign3A_319 = arith.subi %sign3A_315, %sign3A_318 : i32
              %ne3A_320 = arith.cmpi ne, %sign3A_312, %sign3A_319 : i32
              %rem3A_321 = arith.remsi %sub3A_303, %jit3A_304 : i32
              %ne3A_322 = arith.constant 0 : i32
              %ne3A_323 = arith.cmpi ne, %rem3A_321, %ne3A_322 : i32
              %and3A_324 = arith.andi %ne3A_320, %ne3A_323 : i1
              %sub3A_325 = arith.constant 1 : i32
              %sub3A_326 = arith.subi %div3A_305, %sub3A_325 : i32
              %select_n3A_327 = arith.select %and3A_324, %sub3A_326, %div3A_305 : i32
              %and3A_328 = arith.constant 1 : i32
              %and3A_329 = arith.andi %select_n3A_327, %and3A_328 : i32
              %jit3A_330 = arith.constant 4 : i32
              %eq3A_331 = arith.constant 0 : i32
              %eq3A_332 = arith.cmpi eq, %jit3A_330, %eq3A_331 : i32
              %jit3A_333 = arith.constant 1 : i32
              %select_n3A_334 = arith.select %eq3A_332, %jit3A_333, %jit3A_330 : i32
              %rem3A_335 = arith.remsi %sub3A_303, %select_n3A_334 : i32
              %ne3A_336 = arith.constant 0 : i32
              %ne3A_337 = arith.cmpi ne, %rem3A_335, %ne3A_336 : i32
              %lt3A_338 = arith.constant 0 : i32
              %lt3A_339 = arith.cmpi slt, %rem3A_335, %lt3A_338 : i32
              %lt3A_340 = arith.constant 0 : i32
              %lt3A_341 = arith.cmpi slt, %select_n3A_334, %lt3A_340 : i32
              %ne3A_342 = arith.xori %lt3A_339, %lt3A_341 : i1
              %and3A_343 = arith.andi %ne3A_342, %ne3A_337 : i1
              %add3A_344 = arith.addi %rem3A_335, %select_n3A_334 : i32
              %select_n3A_345 = arith.select %and3A_343, %add3A_344, %rem3A_335 : i32
              %dma_wait3A_346 = arith.constant 1 : i32
              %dma_wait3A_347 = arith.constant 0 : i32
              %dma_wait3A_348 = arith.constant 0 : i32
              %dma_wait3A_349 = tpu.memref_slice %arg9[%dma_wait3A_346, %dma_wait3A_347, %dma_wait3A_348] : memref<2x128x64xf32, #tpu.memory_space<vmem>> -> memref<1x128x64xf32, #tpu.memory_space<vmem>>
              %dma_wait3A_350 = tpu.memref_squeeze %dma_wait3A_349 : memref<1x128x64xf32, #tpu.memory_space<vmem>> -> memref<128x64xf32, #tpu.memory_space<vmem>>
              %dma_wait3A_351 = arith.constant 0 : i32
              %dma_wait3A_352 = tpu.memref_slice %arg8[%and3A_329, %select_n3A_345, %dma_wait3A_351] : memref<2x4x128xi32, #tpu.memory_space<vmem>> -> memref<1x1x128xi32, #tpu.memory_space<vmem>>
              %dma_wait3A_353 = tpu.memref_squeeze %dma_wait3A_352 : memref<1x1x128xi32, #tpu.memory_space<vmem>> -> memref<128xi32, #tpu.memory_space<vmem>>
              %dma_wait3A_354 = arith.constant 0 : i32
              %dma_wait3A_355 = arith.constant 0 : i32
              %dma_wait3A_356 = tpu.memref_slice %arg10[%dma_wait3A_354, %dma_wait3A_355] : memref<10112x64xf32, #tpu.memory_space<vmem_shared>> -> memref<10112x64xf32, #tpu.memory_space<vmem_shared>>
              tpu.wait_indirect_dma semaphore(%arg14 : memref<!tpu.dma_semaphore, #tpu.memory_space<semaphore_mem>>) src(%dma_wait3A_350 : memref<128x64xf32, #tpu.memory_space<vmem>>) dst(%dma_wait3A_356 : memref<10112x64xf32, #tpu.memory_space<vmem_shared>>)
            } else {
            }
            %add3A_247 = arith.constant 1 : i32
            %add3A_248 = arith.addi %while3A_96, %add3A_247 : i32
            %jit3A_249 = arith.constant 4 : i32
            %div3A_250 = arith.divsi %add3A_248, %jit3A_249 : i32
            %sign3A_251 = arith.constant 0 : i32
            %sign3A_252 = arith.cmpi sgt, %add3A_248, %sign3A_251 : i32
            %sign3A_253 = arith.extui %sign3A_252 : i1 to i32
            %sign3A_254 = arith.constant 0 : i32
            %sign3A_255 = arith.cmpi slt, %add3A_248, %sign3A_254 : i32
            %sign3A_256 = arith.extui %sign3A_255 : i1 to i32
            %sign3A_257 = arith.subi %sign3A_253, %sign3A_256 : i32
            %sign3A_258 = arith.constant 0 : i32
            %sign3A_259 = arith.cmpi sgt, %jit3A_249, %sign3A_258 : i32
            %sign3A_260 = arith.extui %sign3A_259 : i1 to i32
            %sign3A_261 = arith.constant 0 : i32
            %sign3A_262 = arith.cmpi slt, %jit3A_249, %sign3A_261 : i32
            %sign3A_263 = arith.extui %sign3A_262 : i1 to i32
            %sign3A_264 = arith.subi %sign3A_260, %sign3A_263 : i32
            %ne3A_265 = arith.cmpi ne, %sign3A_257, %sign3A_264 : i32
            %rem3A_266 = arith.remsi %add3A_248, %jit3A_249 : i32
            %ne3A_267 = arith.constant 0 : i32
            %ne3A_268 = arith.cmpi ne, %rem3A_266, %ne3A_267 : i32
            %and3A_269 = arith.andi %ne3A_265, %ne3A_268 : i1
            %sub3A_270 = arith.constant 1 : i32
            %sub3A_271 = arith.subi %div3A_250, %sub3A_270 : i32
            %select_n3A_272 = arith.select %and3A_269, %sub3A_271, %div3A_250 : i32
            %and3A_273 = arith.constant 1 : i32
            %and3A_274 = arith.andi %select_n3A_272, %and3A_273 : i32
            %jit3A_275 = arith.constant 4 : i32
            %eq3A_276 = arith.constant 0 : i32
            %eq3A_277 = arith.cmpi eq, %jit3A_275, %eq3A_276 : i32
            %jit3A_278 = arith.constant 1 : i32
            %select_n3A_279 = arith.select %eq3A_277, %jit3A_278, %jit3A_275 : i32
            %rem3A_280 = arith.remsi %add3A_248, %select_n3A_279 : i32
            %ne3A_281 = arith.constant 0 : i32
            %ne3A_282 = arith.cmpi ne, %rem3A_280, %ne3A_281 : i32
            %lt3A_283 = arith.constant 0 : i32
            %lt3A_284 = arith.cmpi slt, %rem3A_280, %lt3A_283 : i32
            %lt3A_285 = arith.constant 0 : i32
            %lt3A_286 = arith.cmpi slt, %select_n3A_279, %lt3A_285 : i32
            %ne3A_287 = arith.xori %lt3A_284, %lt3A_286 : i1
            %and3A_288 = arith.andi %ne3A_287, %ne3A_282 : i1
            %add3A_289 = arith.addi %rem3A_280, %select_n3A_279 : i32
            %select_n3A_290 = arith.select %and3A_288, %add3A_289, %rem3A_280 : i32
            %dma_start3A_291 = arith.constant 1 : i32
            %dma_start3A_292 = arith.constant 0 : i32
            %dma_start3A_293 = arith.constant 0 : i32
            %dma_start3A_294 = tpu.memref_slice %arg9[%dma_start3A_291, %dma_start3A_292, %dma_start3A_293] : memref<2x128x64xf32, #tpu.memory_space<vmem>> -> memref<1x128x64xf32, #tpu.memory_space<vmem>>
            %dma_start3A_295 = tpu.memref_squeeze %dma_start3A_294 : memref<1x128x64xf32, #tpu.memory_space<vmem>> -> memref<128x64xf32, #tpu.memory_space<vmem>>
            %dma_start3A_296 = arith.constant 0 : i32
            %dma_start3A_297 = tpu.memref_slice %arg7[%and3A_274, %select_n3A_290, %dma_start3A_296] : memref<2x4x128xi32, #tpu.memory_space<vmem>> -> memref<1x1x128xi32, #tpu.memory_space<vmem>>
            %dma_start3A_298 = tpu.memref_squeeze %dma_start3A_297 : memref<1x1x128xi32, #tpu.memory_space<vmem>> -> memref<128xi32, #tpu.memory_space<vmem>>
            %dma_start3A_299 = arith.constant 0 : i32
            %dma_start3A_300 = arith.constant 0 : i32
            %dma_start3A_301 = tpu.memref_slice %arg2[%dma_start3A_299, %dma_start3A_300] : memref<10000x64xf32, #tpu.memory_space<hbm>> -> memref<10000x64xf32, #tpu.memory_space<hbm>>
            tpu.enqueue_indirect_dma source(%dma_start3A_301 : memref<10000x64xf32, #tpu.memory_space<hbm>>) target(%dma_start3A_295 : memref<128x64xf32, #tpu.memory_space<vmem>>) offsets(%dma_start3A_298 : memref<128xi32, #tpu.memory_space<vmem>>) semaphore(%arg12 : memref<!tpu.dma_semaphore, #tpu.memory_space<semaphore_mem>>)
          } else {
          }
          %jit3A_190 = arith.constant 4 : i32
          %div3A_191 = arith.divsi %while3A_96, %jit3A_190 : i32
          %sign3A_192 = arith.constant 0 : i32
          %sign3A_193 = arith.cmpi sgt, %while3A_96, %sign3A_192 : i32
          %sign3A_194 = arith.extui %sign3A_193 : i1 to i32
          %sign3A_195 = arith.constant 0 : i32
          %sign3A_196 = arith.cmpi slt, %while3A_96, %sign3A_195 : i32
          %sign3A_197 = arith.extui %sign3A_196 : i1 to i32
          %sign3A_198 = arith.subi %sign3A_194, %sign3A_197 : i32
          %sign3A_199 = arith.constant 0 : i32
          %sign3A_200 = arith.cmpi sgt, %jit3A_190, %sign3A_199 : i32
          %sign3A_201 = arith.extui %sign3A_200 : i1 to i32
          %sign3A_202 = arith.constant 0 : i32
          %sign3A_203 = arith.cmpi slt, %jit3A_190, %sign3A_202 : i32
          %sign3A_204 = arith.extui %sign3A_203 : i1 to i32
          %sign3A_205 = arith.subi %sign3A_201, %sign3A_204 : i32
          %ne3A_206 = arith.cmpi ne, %sign3A_198, %sign3A_205 : i32
          %rem3A_207 = arith.remsi %while3A_96, %jit3A_190 : i32
          %ne3A_208 = arith.constant 0 : i32
          %ne3A_209 = arith.cmpi ne, %rem3A_207, %ne3A_208 : i32
          %and3A_210 = arith.andi %ne3A_206, %ne3A_209 : i1
          %sub3A_211 = arith.constant 1 : i32
          %sub3A_212 = arith.subi %div3A_191, %sub3A_211 : i32
          %select_n3A_213 = arith.select %and3A_210, %sub3A_212, %div3A_191 : i32
          %and3A_214 = arith.constant 1 : i32
          %and3A_215 = arith.andi %select_n3A_213, %and3A_214 : i32
          %jit3A_216 = arith.constant 4 : i32
          %eq3A_217 = arith.constant 0 : i32
          %eq3A_218 = arith.cmpi eq, %jit3A_216, %eq3A_217 : i32
          %jit3A_219 = arith.constant 1 : i32
          %select_n3A_220 = arith.select %eq3A_218, %jit3A_219, %jit3A_216 : i32
          %rem3A_221 = arith.remsi %while3A_96, %select_n3A_220 : i32
          %ne3A_222 = arith.constant 0 : i32
          %ne3A_223 = arith.cmpi ne, %rem3A_221, %ne3A_222 : i32
          %lt3A_224 = arith.constant 0 : i32
          %lt3A_225 = arith.cmpi slt, %rem3A_221, %lt3A_224 : i32
          %lt3A_226 = arith.constant 0 : i32
          %lt3A_227 = arith.cmpi slt, %select_n3A_220, %lt3A_226 : i32
          %ne3A_228 = arith.xori %lt3A_225, %lt3A_227 : i1
          %and3A_229 = arith.andi %ne3A_228, %ne3A_223 : i1
          %add3A_230 = arith.addi %rem3A_221, %select_n3A_220 : i32
          %select_n3A_231 = arith.select %and3A_229, %add3A_230, %rem3A_221 : i32
          %dma_start3A_232 = arith.constant 0 : i32
          %dma_start3A_233 = arith.constant 0 : i32
          %dma_start3A_234 = arith.constant 0 : i32
          %dma_start3A_235 = tpu.memref_slice %arg9[%dma_start3A_232, %dma_start3A_233, %dma_start3A_234] : memref<2x128x64xf32, #tpu.memory_space<vmem>> -> memref<1x128x64xf32, #tpu.memory_space<vmem>>
          %dma_start3A_236 = tpu.memref_squeeze %dma_start3A_235 : memref<1x128x64xf32, #tpu.memory_space<vmem>> -> memref<128x64xf32, #tpu.memory_space<vmem>>
          %dma_start3A_237 = arith.constant 0 : i32
          %dma_start3A_238 = tpu.memref_slice %arg8[%and3A_215, %select_n3A_231, %dma_start3A_237] : memref<2x4x128xi32, #tpu.memory_space<vmem>> -> memref<1x1x128xi32, #tpu.memory_space<vmem>>
          %dma_start3A_239 = tpu.memref_squeeze %dma_start3A_238 : memref<1x1x128xi32, #tpu.memory_space<vmem>> -> memref<128xi32, #tpu.memory_space<vmem>>
          %dma_start3A_240 = arith.constant 0 : i32
          %dma_start3A_241 = arith.constant 0 : i32
          %dma_start3A_242 = tpu.memref_slice %arg10[%dma_start3A_240, %dma_start3A_241] : memref<10112x64xf32, #tpu.memory_space<vmem_shared>> -> memref<10112x64xf32, #tpu.memory_space<vmem_shared>>
          tpu.enqueue_indirect_dma source(%dma_start3A_236 : memref<128x64xf32, #tpu.memory_space<vmem>>) target(%dma_start3A_242 : memref<10112x64xf32, #tpu.memory_space<vmem_shared>>) offsets(%dma_start3A_239 : memref<128xi32, #tpu.memory_space<vmem>>) semaphore(%arg13 : memref<!tpu.dma_semaphore, #tpu.memory_space<semaphore_mem>>) {add = true}
        } else {
        }
        %and3A_127 = arith.constant 1 : i32
        %and3A_128 = arith.andi %while3A_96, %and3A_127 : i32
        %eq3A_129 = arith.constant 1 : i32
        %eq3A_130 = arith.cmpi eq, %and3A_128, %eq3A_129 : i32
        %convert_element_type3A_131 = arith.extui %eq3A_130 : i1 to i32
        %cond3A_132 = arith.constant 0 : i32
        %cond3A_133 = arith.cmpi ne, %convert_element_type3A_131, %cond3A_132 : i32
        scf.if %cond3A_133 {
          %jit3A_134 = arith.constant 4 : i32
          %div3A = arith.divsi %while3A_96, %jit3A_134 : i32
          %sign3A = arith.constant 0 : i32
          %sign3A_135 = arith.cmpi sgt, %while3A_96, %sign3A : i32
          %sign3A_136 = arith.extui %sign3A_135 : i1 to i32
          %sign3A_137 = arith.constant 0 : i32
          %sign3A_138 = arith.cmpi slt, %while3A_96, %sign3A_137 : i32
          %sign3A_139 = arith.extui %sign3A_138 : i1 to i32
          %sign3A_140 = arith.subi %sign3A_136, %sign3A_139 : i32
          %sign3A_141 = arith.constant 0 : i32
          %sign3A_142 = arith.cmpi sgt, %jit3A_134, %sign3A_141 : i32
          %sign3A_143 = arith.extui %sign3A_142 : i1 to i32
          %sign3A_144 = arith.constant 0 : i32
          %sign3A_145 = arith.cmpi slt, %jit3A_134, %sign3A_144 : i32
          %sign3A_146 = arith.extui %sign3A_145 : i1 to i32
          %sign3A_147 = arith.subi %sign3A_143, %sign3A_146 : i32
          %ne3A_148 = arith.cmpi ne, %sign3A_140, %sign3A_147 : i32
          %rem3A_149 = arith.remsi %while3A_96, %jit3A_134 : i32
          %ne3A_150 = arith.constant 0 : i32
          %ne3A_151 = arith.cmpi ne, %rem3A_149, %ne3A_150 : i32
          %and3A_152 = arith.andi %ne3A_148, %ne3A_151 : i1
          %sub3A_153 = arith.constant 1 : i32
          %sub3A_154 = arith.subi %div3A, %sub3A_153 : i32
          %select_n3A_155 = arith.select %and3A_152, %sub3A_154, %div3A : i32
          %and3A_156 = arith.constant 1 : i32
          %and3A_157 = arith.andi %select_n3A_155, %and3A_156 : i32
          %jit3A_158 = arith.constant 4 : i32
          %eq3A_159 = arith.constant 0 : i32
          %eq3A_160 = arith.cmpi eq, %jit3A_158, %eq3A_159 : i32
          %jit3A_161 = arith.constant 1 : i32
          %select_n3A_162 = arith.select %eq3A_160, %jit3A_161, %jit3A_158 : i32
          %rem3A_163 = arith.remsi %while3A_96, %select_n3A_162 : i32
          %ne3A_164 = arith.constant 0 : i32
          %ne3A_165 = arith.cmpi ne, %rem3A_163, %ne3A_164 : i32
          %lt3A_166 = arith.constant 0 : i32
          %lt3A_167 = arith.cmpi slt, %rem3A_163, %lt3A_166 : i32
          %lt3A_168 = arith.constant 0 : i32
          %lt3A_169 = arith.cmpi slt, %select_n3A_162, %lt3A_168 : i32
          %ne3A_170 = arith.xori %lt3A_167, %lt3A_169 : i1
          %and3A_171 = arith.andi %ne3A_170, %ne3A_165 : i1
          %add3A_172 = arith.addi %rem3A_163, %select_n3A_162 : i32
          %select_n3A_173 = arith.select %and3A_171, %add3A_172, %rem3A_163 : i32
          %dma_wait3A = arith.constant 1 : i32
          %dma_wait3A_174 = arith.constant 0 : i32
          %dma_wait3A_175 = arith.constant 0 : i32
          %dma_wait3A_176 = tpu.memref_slice %arg9[%dma_wait3A, %dma_wait3A_174, %dma_wait3A_175] : memref<2x128x64xf32, #tpu.memory_space<vmem>> -> memref<1x128x64xf32, #tpu.memory_space<vmem>>
          %dma_wait3A_177 = tpu.memref_squeeze %dma_wait3A_176 : memref<1x128x64xf32, #tpu.memory_space<vmem>> -> memref<128x64xf32, #tpu.memory_space<vmem>>
          %dma_wait3A_178 = arith.constant 0 : i32
          %dma_wait3A_179 = tpu.memref_slice %arg7[%and3A_157, %select_n3A_173, %dma_wait3A_178] : memref<2x4x128xi32, #tpu.memory_space<vmem>> -> memref<1x1x128xi32, #tpu.memory_space<vmem>>
          %dma_wait3A_180 = tpu.memref_squeeze %dma_wait3A_179 : memref<1x1x128xi32, #tpu.memory_space<vmem>> -> memref<128xi32, #tpu.memory_space<vmem>>
          %dma_wait3A_181 = arith.constant 0 : i32
          %dma_wait3A_182 = arith.constant 0 : i32
          %dma_wait3A_183 = tpu.memref_slice %arg2[%dma_wait3A_181, %dma_wait3A_182] : memref<10000x64xf32, #tpu.memory_space<hbm>> -> memref<10000x64xf32, #tpu.memory_space<hbm>>
          tpu.wait_indirect_dma semaphore(%arg12 : memref<!tpu.dma_semaphore, #tpu.memory_space<semaphore_mem>>) src(%dma_wait3A_183 : memref<10000x64xf32, #tpu.memory_space<hbm>>) dst(%dma_wait3A_177 : memref<128x64xf32, #tpu.memory_space<vmem>>)
          %add3A_184 = arith.constant 1 : i32
          %add3A_185 = arith.addi %while3A_96, %add3A_184 : i32
          %lt3A_186 = arith.cmpi slt, %add3A_185, %min3A : i32
          %convert_element_type3A_187 = arith.extui %lt3A_186 : i1 to i32
          %cond3A_188 = arith.constant 0 : i32
          %cond3A_189 = arith.cmpi ne, %convert_element_type3A_187, %cond3A_188 : i32
          scf.if %cond3A_189 {
            %ge3A = arith.constant 1 : i32
            %ge3A_243 = arith.cmpi sge, %while3A_96, %ge3A : i32
            %convert_element_type3A_244 = arith.extui %ge3A_243 : i1 to i32
            %cond3A_245 = arith.constant 0 : i32
            %cond3A_246 = arith.cmpi ne, %convert_element_type3A_244, %cond3A_245 : i32
            scf.if %cond3A_246 {
              %sub3A_302 = arith.constant 1 : i32
              %sub3A_303 = arith.subi %while3A_96, %sub3A_302 : i32
              %jit3A_304 = arith.constant 4 : i32
              %div3A_305 = arith.divsi %sub3A_303, %jit3A_304 : i32
              %sign3A_306 = arith.constant 0 : i32
              %sign3A_307 = arith.cmpi sgt, %sub3A_303, %sign3A_306 : i32
              %sign3A_308 = arith.extui %sign3A_307 : i1 to i32
              %sign3A_309 = arith.constant 0 : i32
              %sign3A_310 = arith.cmpi slt, %sub3A_303, %sign3A_309 : i32
              %sign3A_311 = arith.extui %sign3A_310 : i1 to i32
              %sign3A_312 = arith.subi %sign3A_308, %sign3A_311 : i32
              %sign3A_313 = arith.constant 0 : i32
              %sign3A_314 = arith.cmpi sgt, %jit3A_304, %sign3A_313 : i32
              %sign3A_315 = arith.extui %sign3A_314 : i1 to i32
              %sign3A_316 = arith.constant 0 : i32
              %sign3A_317 = arith.cmpi slt, %jit3A_304, %sign3A_316 : i32
              %sign3A_318 = arith.extui %sign3A_317 : i1 to i32
              %sign3A_319 = arith.subi %sign3A_315, %sign3A_318 : i32
              %ne3A_320 = arith.cmpi ne, %sign3A_312, %sign3A_319 : i32
              %rem3A_321 = arith.remsi %sub3A_303, %jit3A_304 : i32
              %ne3A_322 = arith.constant 0 : i32
              %ne3A_323 = arith.cmpi ne, %rem3A_321, %ne3A_322 : i32
              %and3A_324 = arith.andi %ne3A_320, %ne3A_323 : i1
              %sub3A_325 = arith.constant 1 : i32
              %sub3A_326 = arith.subi %div3A_305, %sub3A_325 : i32
              %select_n3A_327 = arith.select %and3A_324, %sub3A_326, %div3A_305 : i32
              %and3A_328 = arith.constant 1 : i32
              %and3A_329 = arith.andi %select_n3A_327, %and3A_328 : i32
              %jit3A_330 = arith.constant 4 : i32
              %eq3A_331 = arith.constant 0 : i32
              %eq3A_332 = arith.cmpi eq, %jit3A_330, %eq3A_331 : i32
              %jit3A_333 = arith.constant 1 : i32
              %select_n3A_334 = arith.select %eq3A_332, %jit3A_333, %jit3A_330 : i32
              %rem3A_335 = arith.remsi %sub3A_303, %select_n3A_334 : i32
              %ne3A_336 = arith.constant 0 : i32
              %ne3A_337 = arith.cmpi ne, %rem3A_335, %ne3A_336 : i32
              %lt3A_338 = arith.constant 0 : i32
              %lt3A_339 = arith.cmpi slt, %rem3A_335, %lt3A_338 : i32
              %lt3A_340 = arith.constant 0 : i32
              %lt3A_341 = arith.cmpi slt, %select_n3A_334, %lt3A_340 : i32
              %ne3A_342 = arith.xori %lt3A_339, %lt3A_341 : i1
              %and3A_343 = arith.andi %ne3A_342, %ne3A_337 : i1
              %add3A_344 = arith.addi %rem3A_335, %select_n3A_334 : i32
              %select_n3A_345 = arith.select %and3A_343, %add3A_344, %rem3A_335 : i32
              %dma_wait3A_346 = arith.constant 0 : i32
              %dma_wait3A_347 = arith.constant 0 : i32
              %dma_wait3A_348 = arith.constant 0 : i32
              %dma_wait3A_349 = tpu.memref_slice %arg9[%dma_wait3A_346, %dma_wait3A_347, %dma_wait3A_348] : memref<2x128x64xf32, #tpu.memory_space<vmem>> -> memref<1x128x64xf32, #tpu.memory_space<vmem>>
              %dma_wait3A_350 = tpu.memref_squeeze %dma_wait3A_349 : memref<1x128x64xf32, #tpu.memory_space<vmem>> -> memref<128x64xf32, #tpu.memory_space<vmem>>
              %dma_wait3A_351 = arith.constant 0 : i32
              %dma_wait3A_352 = tpu.memref_slice %arg8[%and3A_329, %select_n3A_345, %dma_wait3A_351] : memref<2x4x128xi32, #tpu.memory_space<vmem>> -> memref<1x1x128xi32, #tpu.memory_space<vmem>>
              %dma_wait3A_353 = tpu.memref_squeeze %dma_wait3A_352 : memref<1x1x128xi32, #tpu.memory_space<vmem>> -> memref<128xi32, #tpu.memory_space<vmem>>
              %dma_wait3A_354 = arith.constant 0 : i32
              %dma_wait3A_355 = arith.constant 0 : i32
              %dma_wait3A_356 = tpu.memref_slice %arg10[%dma_wait3A_354, %dma_wait3A_355] : memref<10112x64xf32, #tpu.memory_space<vmem_shared>> -> memref<10112x64xf32, #tpu.memory_space<vmem_shared>>
              tpu.wait_indirect_dma semaphore(%arg13 : memref<!tpu.dma_semaphore, #tpu.memory_space<semaphore_mem>>) src(%dma_wait3A_350 : memref<128x64xf32, #tpu.memory_space<vmem>>) dst(%dma_wait3A_356 : memref<10112x64xf32, #tpu.memory_space<vmem_shared>>)
            } else {
            }
            %add3A_247 = arith.constant 1 : i32
            %add3A_248 = arith.addi %while3A_96, %add3A_247 : i32
            %jit3A_249 = arith.constant 4 : i32
            %div3A_250 = arith.divsi %add3A_248, %jit3A_249 : i32
            %sign3A_251 = arith.constant 0 : i32
            %sign3A_252 = arith.cmpi sgt, %add3A_248, %sign3A_251 : i32
            %sign3A_253 = arith.extui %sign3A_252 : i1 to i32
            %sign3A_254 = arith.constant 0 : i32
            %sign3A_255 = arith.cmpi slt, %add3A_248, %sign3A_254 : i32
            %sign3A_256 = arith.extui %sign3A_255 : i1 to i32
            %sign3A_257 = arith.subi %sign3A_253, %sign3A_256 : i32
            %sign3A_258 = arith.constant 0 : i32
            %sign3A_259 = arith.cmpi sgt, %jit3A_249, %sign3A_258 : i32
            %sign3A_260 = arith.extui %sign3A_259 : i1 to i32
            %sign3A_261 = arith.constant 0 : i32
            %sign3A_262 = arith.cmpi slt, %jit3A_249, %sign3A_261 : i32
            %sign3A_263 = arith.extui %sign3A_262 : i1 to i32
            %sign3A_264 = arith.subi %sign3A_260, %sign3A_263 : i32
            %ne3A_265 = arith.cmpi ne, %sign3A_257, %sign3A_264 : i32
            %rem3A_266 = arith.remsi %add3A_248, %jit3A_249 : i32
            %ne3A_267 = arith.constant 0 : i32
            %ne3A_268 = arith.cmpi ne, %rem3A_266, %ne3A_267 : i32
            %and3A_269 = arith.andi %ne3A_265, %ne3A_268 : i1
            %sub3A_270 = arith.constant 1 : i32
            %sub3A_271 = arith.subi %div3A_250, %sub3A_270 : i32
            %select_n3A_272 = arith.select %and3A_269, %sub3A_271, %div3A_250 : i32
            %and3A_273 = arith.constant 1 : i32
            %and3A_274 = arith.andi %select_n3A_272, %and3A_273 : i32
            %jit3A_275 = arith.constant 4 : i32
            %eq3A_276 = arith.constant 0 : i32
            %eq3A_277 = arith.cmpi eq, %jit3A_275, %eq3A_276 : i32
            %jit3A_278 = arith.constant 1 : i32
            %select_n3A_279 = arith.select %eq3A_277, %jit3A_278, %jit3A_275 : i32
            %rem3A_280 = arith.remsi %add3A_248, %select_n3A_279 : i32
            %ne3A_281 = arith.constant 0 : i32
            %ne3A_282 = arith.cmpi ne, %rem3A_280, %ne3A_281 : i32
            %lt3A_283 = arith.constant 0 : i32
            %lt3A_284 = arith.cmpi slt, %rem3A_280, %lt3A_283 : i32
            %lt3A_285 = arith.constant 0 : i32
            %lt3A_286 = arith.cmpi slt, %select_n3A_279, %lt3A_285 : i32
            %ne3A_287 = arith.xori %lt3A_284, %lt3A_286 : i1
            %and3A_288 = arith.andi %ne3A_287, %ne3A_282 : i1
            %add3A_289 = arith.addi %rem3A_280, %select_n3A_279 : i32
            %select_n3A_290 = arith.select %and3A_288, %add3A_289, %rem3A_280 : i32
            %dma_start3A_291 = arith.constant 0 : i32
            %dma_start3A_292 = arith.constant 0 : i32
            %dma_start3A_293 = arith.constant 0 : i32
            %dma_start3A_294 = tpu.memref_slice %arg9[%dma_start3A_291, %dma_start3A_292, %dma_start3A_293] : memref<2x128x64xf32, #tpu.memory_space<vmem>> -> memref<1x128x64xf32, #tpu.memory_space<vmem>>
            %dma_start3A_295 = tpu.memref_squeeze %dma_start3A_294 : memref<1x128x64xf32, #tpu.memory_space<vmem>> -> memref<128x64xf32, #tpu.memory_space<vmem>>
            %dma_start3A_296 = arith.constant 0 : i32
            %dma_start3A_297 = tpu.memref_slice %arg7[%and3A_274, %select_n3A_290, %dma_start3A_296] : memref<2x4x128xi32, #tpu.memory_space<vmem>> -> memref<1x1x128xi32, #tpu.memory_space<vmem>>
            %dma_start3A_298 = tpu.memref_squeeze %dma_start3A_297 : memref<1x1x128xi32, #tpu.memory_space<vmem>> -> memref<128xi32, #tpu.memory_space<vmem>>
            %dma_start3A_299 = arith.constant 0 : i32
            %dma_start3A_300 = arith.constant 0 : i32
            %dma_start3A_301 = tpu.memref_slice %arg2[%dma_start3A_299, %dma_start3A_300] : memref<10000x64xf32, #tpu.memory_space<hbm>> -> memref<10000x64xf32, #tpu.memory_space<hbm>>
            tpu.enqueue_indirect_dma source(%dma_start3A_301 : memref<10000x64xf32, #tpu.memory_space<hbm>>) target(%dma_start3A_295 : memref<128x64xf32, #tpu.memory_space<vmem>>) offsets(%dma_start3A_298 : memref<128xi32, #tpu.memory_space<vmem>>) semaphore(%arg11 : memref<!tpu.dma_semaphore, #tpu.memory_space<semaphore_mem>>)
          } else {
          }
          %jit3A_190 = arith.constant 4 : i32
          %div3A_191 = arith.divsi %while3A_96, %jit3A_190 : i32
          %sign3A_192 = arith.constant 0 : i32
          %sign3A_193 = arith.cmpi sgt, %while3A_96, %sign3A_192 : i32
          %sign3A_194 = arith.extui %sign3A_193 : i1 to i32
          %sign3A_195 = arith.constant 0 : i32
          %sign3A_196 = arith.cmpi slt, %while3A_96, %sign3A_195 : i32
          %sign3A_197 = arith.extui %sign3A_196 : i1 to i32
          %sign3A_198 = arith.subi %sign3A_194, %sign3A_197 : i32
          %sign3A_199 = arith.constant 0 : i32
          %sign3A_200 = arith.cmpi sgt, %jit3A_190, %sign3A_199 : i32
          %sign3A_201 = arith.extui %sign3A_200 : i1 to i32
          %sign3A_202 = arith.constant 0 : i32
          %sign3A_203 = arith.cmpi slt, %jit3A_190, %sign3A_202 : i32
          %sign3A_204 = arith.extui %sign3A_203 : i1 to i32
          %sign3A_205 = arith.subi %sign3A_201, %sign3A_204 : i32
          %ne3A_206 = arith.cmpi ne, %sign3A_198, %sign3A_205 : i32
          %rem3A_207 = arith.remsi %while3A_96, %jit3A_190 : i32
          %ne3A_208 = arith.constant 0 : i32
          %ne3A_209 = arith.cmpi ne, %rem3A_207, %ne3A_208 : i32
          %and3A_210 = arith.andi %ne3A_206, %ne3A_209 : i1
          %sub3A_211 = arith.constant 1 : i32
          %sub3A_212 = arith.subi %div3A_191, %sub3A_211 : i32
          %select_n3A_213 = arith.select %and3A_210, %sub3A_212, %div3A_191 : i32
          %and3A_214 = arith.constant 1 : i32
          %and3A_215 = arith.andi %select_n3A_213, %and3A_214 : i32
          %jit3A_216 = arith.constant 4 : i32
          %eq3A_217 = arith.constant 0 : i32
          %eq3A_218 = arith.cmpi eq, %jit3A_216, %eq3A_217 : i32
          %jit3A_219 = arith.constant 1 : i32
          %select_n3A_220 = arith.select %eq3A_218, %jit3A_219, %jit3A_216 : i32
          %rem3A_221 = arith.remsi %while3A_96, %select_n3A_220 : i32
          %ne3A_222 = arith.constant 0 : i32
          %ne3A_223 = arith.cmpi ne, %rem3A_221, %ne3A_222 : i32
          %lt3A_224 = arith.constant 0 : i32
          %lt3A_225 = arith.cmpi slt, %rem3A_221, %lt3A_224 : i32
          %lt3A_226 = arith.constant 0 : i32
          %lt3A_227 = arith.cmpi slt, %select_n3A_220, %lt3A_226 : i32
          %ne3A_228 = arith.xori %lt3A_225, %lt3A_227 : i1
          %and3A_229 = arith.andi %ne3A_228, %ne3A_223 : i1
          %add3A_230 = arith.addi %rem3A_221, %select_n3A_220 : i32
          %select_n3A_231 = arith.select %and3A_229, %add3A_230, %rem3A_221 : i32
          %dma_start3A_232 = arith.constant 1 : i32
          %dma_start3A_233 = arith.constant 0 : i32
          %dma_start3A_234 = arith.constant 0 : i32
          %dma_start3A_235 = tpu.memref_slice %arg9[%dma_start3A_232, %dma_start3A_233, %dma_start3A_234] : memref<2x128x64xf32, #tpu.memory_space<vmem>> -> memref<1x128x64xf32, #tpu.memory_space<vmem>>
          %dma_start3A_236 = tpu.memref_squeeze %dma_start3A_235 : memref<1x128x64xf32, #tpu.memory_space<vmem>> -> memref<128x64xf32, #tpu.memory_space<vmem>>
          %dma_start3A_237 = arith.constant 0 : i32
          %dma_start3A_238 = tpu.memref_slice %arg8[%and3A_215, %select_n3A_231, %dma_start3A_237] : memref<2x4x128xi32, #tpu.memory_space<vmem>> -> memref<1x1x128xi32, #tpu.memory_space<vmem>>
          %dma_start3A_239 = tpu.memref_squeeze %dma_start3A_238 : memref<1x1x128xi32, #tpu.memory_space<vmem>> -> memref<128xi32, #tpu.memory_space<vmem>>
          %dma_start3A_240 = arith.constant 0 : i32
          %dma_start3A_241 = arith.constant 0 : i32
          %dma_start3A_242 = tpu.memref_slice %arg10[%dma_start3A_240, %dma_start3A_241] : memref<10112x64xf32, #tpu.memory_space<vmem_shared>> -> memref<10112x64xf32, #tpu.memory_space<vmem_shared>>
          tpu.enqueue_indirect_dma source(%dma_start3A_236 : memref<128x64xf32, #tpu.memory_space<vmem>>) target(%dma_start3A_242 : memref<10112x64xf32, #tpu.memory_space<vmem_shared>>) offsets(%dma_start3A_239 : memref<128xi32, #tpu.memory_space<vmem>>) semaphore(%arg14 : memref<!tpu.dma_semaphore, #tpu.memory_space<semaphore_mem>>) {add = true}
        } else {
        }
      }
      %sub3A_82 = arith.constant 1 : i32
      %sub3A_83 = arith.subi %min3A, %sub3A_82 : i32
      %and3A = arith.constant 1 : i32
      %and3A_84 = arith.andi %sub3A_83, %and3A : i32
      %eq3A = arith.constant 0 : i32
      %eq3A_85 = arith.cmpi eq, %and3A_84, %eq3A : i32
      %convert_element_type3A_86 = arith.extui %eq3A_85 : i1 to i32
      %cond3A_87 = arith.constant 0 : i32
      %cond3A_88 = arith.cmpi ne, %convert_element_type3A_86, %cond3A_87 : i32
      scf.if %cond3A_88 {
        %jit3A_96 = arith.constant 4 : i32
        %div3A = arith.divsi %sub3A_83, %jit3A_96 : i32
        %sign3A = arith.constant 0 : i32
        %sign3A_97 = arith.cmpi sgt, %sub3A_83, %sign3A : i32
        %sign3A_98 = arith.extui %sign3A_97 : i1 to i32
        %sign3A_99 = arith.constant 0 : i32
        %sign3A_100 = arith.cmpi slt, %sub3A_83, %sign3A_99 : i32
        %sign3A_101 = arith.extui %sign3A_100 : i1 to i32
        %sign3A_102 = arith.subi %sign3A_98, %sign3A_101 : i32
        %sign3A_103 = arith.constant 0 : i32
        %sign3A_104 = arith.cmpi sgt, %jit3A_96, %sign3A_103 : i32
        %sign3A_105 = arith.extui %sign3A_104 : i1 to i32
        %sign3A_106 = arith.constant 0 : i32
        %sign3A_107 = arith.cmpi slt, %jit3A_96, %sign3A_106 : i32
        %sign3A_108 = arith.extui %sign3A_107 : i1 to i32
        %sign3A_109 = arith.subi %sign3A_105, %sign3A_108 : i32
        %ne3A = arith.cmpi ne, %sign3A_102, %sign3A_109 : i32
        %rem3A = arith.remsi %sub3A_83, %jit3A_96 : i32
        %ne3A_110 = arith.constant 0 : i32
        %ne3A_111 = arith.cmpi ne, %rem3A, %ne3A_110 : i32
        %and3A_112 = arith.andi %ne3A, %ne3A_111 : i1
        %sub3A_113 = arith.constant 1 : i32
        %sub3A_114 = arith.subi %div3A, %sub3A_113 : i32
        %select_n3A = arith.select %and3A_112, %sub3A_114, %div3A : i32
        %and3A_115 = arith.constant 1 : i32
        %and3A_116 = arith.andi %select_n3A, %and3A_115 : i32
        %jit3A_117 = arith.constant 4 : i32
        %eq3A_118 = arith.constant 0 : i32
        %eq3A_119 = arith.cmpi eq, %jit3A_117, %eq3A_118 : i32
        %jit3A_120 = arith.constant 1 : i32
        %select_n3A_121 = arith.select %eq3A_119, %jit3A_120, %jit3A_117 : i32
        %rem3A_122 = arith.remsi %sub3A_83, %select_n3A_121 : i32
        %ne3A_123 = arith.constant 0 : i32
        %ne3A_124 = arith.cmpi ne, %rem3A_122, %ne3A_123 : i32
        %lt3A = arith.constant 0 : i32
        %lt3A_125 = arith.cmpi slt, %rem3A_122, %lt3A : i32
        %lt3A_126 = arith.constant 0 : i32
        %lt3A_127 = arith.cmpi slt, %select_n3A_121, %lt3A_126 : i32
        %ne3A_128 = arith.xori %lt3A_125, %lt3A_127 : i1
        %and3A_129 = arith.andi %ne3A_128, %ne3A_124 : i1
        %add3A_130 = arith.addi %rem3A_122, %select_n3A_121 : i32
        %select_n3A_131 = arith.select %and3A_129, %add3A_130, %rem3A_122 : i32
        %dma_wait3A = arith.constant 0 : i32
        %dma_wait3A_132 = arith.constant 0 : i32
        %dma_wait3A_133 = arith.constant 0 : i32
        %dma_wait3A_134 = tpu.memref_slice %arg9[%dma_wait3A, %dma_wait3A_132, %dma_wait3A_133] : memref<2x128x64xf32, #tpu.memory_space<vmem>> -> memref<1x128x64xf32, #tpu.memory_space<vmem>>
        %dma_wait3A_135 = tpu.memref_squeeze %dma_wait3A_134 : memref<1x128x64xf32, #tpu.memory_space<vmem>> -> memref<128x64xf32, #tpu.memory_space<vmem>>
        %dma_wait3A_136 = arith.constant 0 : i32
        %dma_wait3A_137 = tpu.memref_slice %arg8[%and3A_116, %select_n3A_131, %dma_wait3A_136] : memref<2x4x128xi32, #tpu.memory_space<vmem>> -> memref<1x1x128xi32, #tpu.memory_space<vmem>>
        %dma_wait3A_138 = tpu.memref_squeeze %dma_wait3A_137 : memref<1x1x128xi32, #tpu.memory_space<vmem>> -> memref<128xi32, #tpu.memory_space<vmem>>
        %dma_wait3A_139 = arith.constant 0 : i32
        %dma_wait3A_140 = arith.constant 0 : i32
        %dma_wait3A_141 = tpu.memref_slice %arg10[%dma_wait3A_139, %dma_wait3A_140] : memref<10112x64xf32, #tpu.memory_space<vmem_shared>> -> memref<10112x64xf32, #tpu.memory_space<vmem_shared>>
        tpu.wait_indirect_dma semaphore(%arg13 : memref<!tpu.dma_semaphore, #tpu.memory_space<semaphore_mem>>) src(%dma_wait3A_135 : memref<128x64xf32, #tpu.memory_space<vmem>>) dst(%dma_wait3A_141 : memref<10112x64xf32, #tpu.memory_space<vmem_shared>>)
        %ge3A = arith.constant 2 : i32
        %ge3A_142 = arith.cmpi sge, %min3A, %ge3A : i32
        %convert_element_type3A_143 = arith.extui %ge3A_142 : i1 to i32
        %cond3A_144 = arith.constant 0 : i32
        %cond3A_145 = arith.cmpi ne, %convert_element_type3A_143, %cond3A_144 : i32
        scf.if %cond3A_145 {
          %sub3A_146 = arith.constant 1 : i32
          %sub3A_147 = arith.subi %sub3A_83, %sub3A_146 : i32
          %jit3A_148 = arith.constant 4 : i32
          %div3A_149 = arith.divsi %sub3A_147, %jit3A_148 : i32
          %sign3A_150 = arith.constant 0 : i32
          %sign3A_151 = arith.cmpi sgt, %sub3A_147, %sign3A_150 : i32
          %sign3A_152 = arith.extui %sign3A_151 : i1 to i32
          %sign3A_153 = arith.constant 0 : i32
          %sign3A_154 = arith.cmpi slt, %sub3A_147, %sign3A_153 : i32
          %sign3A_155 = arith.extui %sign3A_154 : i1 to i32
          %sign3A_156 = arith.subi %sign3A_152, %sign3A_155 : i32
          %sign3A_157 = arith.constant 0 : i32
          %sign3A_158 = arith.cmpi sgt, %jit3A_148, %sign3A_157 : i32
          %sign3A_159 = arith.extui %sign3A_158 : i1 to i32
          %sign3A_160 = arith.constant 0 : i32
          %sign3A_161 = arith.cmpi slt, %jit3A_148, %sign3A_160 : i32
          %sign3A_162 = arith.extui %sign3A_161 : i1 to i32
          %sign3A_163 = arith.subi %sign3A_159, %sign3A_162 : i32
          %ne3A_164 = arith.cmpi ne, %sign3A_156, %sign3A_163 : i32
          %rem3A_165 = arith.remsi %sub3A_147, %jit3A_148 : i32
          %ne3A_166 = arith.constant 0 : i32
          %ne3A_167 = arith.cmpi ne, %rem3A_165, %ne3A_166 : i32
          %and3A_168 = arith.andi %ne3A_164, %ne3A_167 : i1
          %sub3A_169 = arith.constant 1 : i32
          %sub3A_170 = arith.subi %div3A_149, %sub3A_169 : i32
          %select_n3A_171 = arith.select %and3A_168, %sub3A_170, %div3A_149 : i32
          %and3A_172 = arith.constant 1 : i32
          %and3A_173 = arith.andi %select_n3A_171, %and3A_172 : i32
          %jit3A_174 = arith.constant 4 : i32
          %eq3A_175 = arith.constant 0 : i32
          %eq3A_176 = arith.cmpi eq, %jit3A_174, %eq3A_175 : i32
          %jit3A_177 = arith.constant 1 : i32
          %select_n3A_178 = arith.select %eq3A_176, %jit3A_177, %jit3A_174 : i32
          %rem3A_179 = arith.remsi %sub3A_147, %select_n3A_178 : i32
          %ne3A_180 = arith.constant 0 : i32
          %ne3A_181 = arith.cmpi ne, %rem3A_179, %ne3A_180 : i32
          %lt3A_182 = arith.constant 0 : i32
          %lt3A_183 = arith.cmpi slt, %rem3A_179, %lt3A_182 : i32
          %lt3A_184 = arith.constant 0 : i32
          %lt3A_185 = arith.cmpi slt, %select_n3A_178, %lt3A_184 : i32
          %ne3A_186 = arith.xori %lt3A_183, %lt3A_185 : i1
          %and3A_187 = arith.andi %ne3A_186, %ne3A_181 : i1
          %add3A_188 = arith.addi %rem3A_179, %select_n3A_178 : i32
          %select_n3A_189 = arith.select %and3A_187, %add3A_188, %rem3A_179 : i32
          %dma_wait3A_190 = arith.constant 1 : i32
          %dma_wait3A_191 = arith.constant 0 : i32
          %dma_wait3A_192 = arith.constant 0 : i32
          %dma_wait3A_193 = tpu.memref_slice %arg9[%dma_wait3A_190, %dma_wait3A_191, %dma_wait3A_192] : memref<2x128x64xf32, #tpu.memory_space<vmem>> -> memref<1x128x64xf32, #tpu.memory_space<vmem>>
          %dma_wait3A_194 = tpu.memref_squeeze %dma_wait3A_193 : memref<1x128x64xf32, #tpu.memory_space<vmem>> -> memref<128x64xf32, #tpu.memory_space<vmem>>
          %dma_wait3A_195 = arith.constant 0 : i32
          %dma_wait3A_196 = tpu.memref_slice %arg8[%and3A_173, %select_n3A_189, %dma_wait3A_195] : memref<2x4x128xi32, #tpu.memory_space<vmem>> -> memref<1x1x128xi32, #tpu.memory_space<vmem>>
          %dma_wait3A_197 = tpu.memref_squeeze %dma_wait3A_196 : memref<1x1x128xi32, #tpu.memory_space<vmem>> -> memref<128xi32, #tpu.memory_space<vmem>>
          %dma_wait3A_198 = arith.constant 0 : i32
          %dma_wait3A_199 = arith.constant 0 : i32
          %dma_wait3A_200 = tpu.memref_slice %arg10[%dma_wait3A_198, %dma_wait3A_199] : memref<10112x64xf32, #tpu.memory_space<vmem_shared>> -> memref<10112x64xf32, #tpu.memory_space<vmem_shared>>
          tpu.wait_indirect_dma semaphore(%arg14 : memref<!tpu.dma_semaphore, #tpu.memory_space<semaphore_mem>>) src(%dma_wait3A_194 : memref<128x64xf32, #tpu.memory_space<vmem>>) dst(%dma_wait3A_200 : memref<10112x64xf32, #tpu.memory_space<vmem_shared>>)
        } else {
        }
      } else {
      }
      %and3A_89 = arith.constant 1 : i32
      %and3A_90 = arith.andi %sub3A_83, %and3A_89 : i32
      %eq3A_91 = arith.constant 1 : i32
      %eq3A_92 = arith.cmpi eq, %and3A_90, %eq3A_91 : i32
      %convert_element_type3A_93 = arith.extui %eq3A_92 : i1 to i32
      %cond3A_94 = arith.constant 0 : i32
      %cond3A_95 = arith.cmpi ne, %convert_element_type3A_93, %cond3A_94 : i32
      scf.if %cond3A_95 {
        %jit3A_96 = arith.constant 4 : i32
        %div3A = arith.divsi %sub3A_83, %jit3A_96 : i32
        %sign3A = arith.constant 0 : i32
        %sign3A_97 = arith.cmpi sgt, %sub3A_83, %sign3A : i32
        %sign3A_98 = arith.extui %sign3A_97 : i1 to i32
        %sign3A_99 = arith.constant 0 : i32
        %sign3A_100 = arith.cmpi slt, %sub3A_83, %sign3A_99 : i32
        %sign3A_101 = arith.extui %sign3A_100 : i1 to i32
        %sign3A_102 = arith.subi %sign3A_98, %sign3A_101 : i32
        %sign3A_103 = arith.constant 0 : i32
        %sign3A_104 = arith.cmpi sgt, %jit3A_96, %sign3A_103 : i32
        %sign3A_105 = arith.extui %sign3A_104 : i1 to i32
        %sign3A_106 = arith.constant 0 : i32
        %sign3A_107 = arith.cmpi slt, %jit3A_96, %sign3A_106 : i32
        %sign3A_108 = arith.extui %sign3A_107 : i1 to i32
        %sign3A_109 = arith.subi %sign3A_105, %sign3A_108 : i32
        %ne3A = arith.cmpi ne, %sign3A_102, %sign3A_109 : i32
        %rem3A = arith.remsi %sub3A_83, %jit3A_96 : i32
        %ne3A_110 = arith.constant 0 : i32
        %ne3A_111 = arith.cmpi ne, %rem3A, %ne3A_110 : i32
        %and3A_112 = arith.andi %ne3A, %ne3A_111 : i1
        %sub3A_113 = arith.constant 1 : i32
        %sub3A_114 = arith.subi %div3A, %sub3A_113 : i32
        %select_n3A = arith.select %and3A_112, %sub3A_114, %div3A : i32
        %and3A_115 = arith.constant 1 : i32
        %and3A_116 = arith.andi %select_n3A, %and3A_115 : i32
        %jit3A_117 = arith.constant 4 : i32
        %eq3A_118 = arith.constant 0 : i32
        %eq3A_119 = arith.cmpi eq, %jit3A_117, %eq3A_118 : i32
        %jit3A_120 = arith.constant 1 : i32
        %select_n3A_121 = arith.select %eq3A_119, %jit3A_120, %jit3A_117 : i32
        %rem3A_122 = arith.remsi %sub3A_83, %select_n3A_121 : i32
        %ne3A_123 = arith.constant 0 : i32
        %ne3A_124 = arith.cmpi ne, %rem3A_122, %ne3A_123 : i32
        %lt3A = arith.constant 0 : i32
        %lt3A_125 = arith.cmpi slt, %rem3A_122, %lt3A : i32
        %lt3A_126 = arith.constant 0 : i32
        %lt3A_127 = arith.cmpi slt, %select_n3A_121, %lt3A_126 : i32
        %ne3A_128 = arith.xori %lt3A_125, %lt3A_127 : i1
        %and3A_129 = arith.andi %ne3A_128, %ne3A_124 : i1
        %add3A_130 = arith.addi %rem3A_122, %select_n3A_121 : i32
        %select_n3A_131 = arith.select %and3A_129, %add3A_130, %rem3A_122 : i32
        %dma_wait3A = arith.constant 1 : i32
        %dma_wait3A_132 = arith.constant 0 : i32
        %dma_wait3A_133 = arith.constant 0 : i32
        %dma_wait3A_134 = tpu.memref_slice %arg9[%dma_wait3A, %dma_wait3A_132, %dma_wait3A_133] : memref<2x128x64xf32, #tpu.memory_space<vmem>> -> memref<1x128x64xf32, #tpu.memory_space<vmem>>
        %dma_wait3A_135 = tpu.memref_squeeze %dma_wait3A_134 : memref<1x128x64xf32, #tpu.memory_space<vmem>> -> memref<128x64xf32, #tpu.memory_space<vmem>>
        %dma_wait3A_136 = arith.constant 0 : i32
        %dma_wait3A_137 = tpu.memref_slice %arg8[%and3A_116, %select_n3A_131, %dma_wait3A_136] : memref<2x4x128xi32, #tpu.memory_space<vmem>> -> memref<1x1x128xi32, #tpu.memory_space<vmem>>
        %dma_wait3A_138 = tpu.memref_squeeze %dma_wait3A_137 : memref<1x1x128xi32, #tpu.memory_space<vmem>> -> memref<128xi32, #tpu.memory_space<vmem>>
        %dma_wait3A_139 = arith.constant 0 : i32
        %dma_wait3A_140 = arith.constant 0 : i32
        %dma_wait3A_141 = tpu.memref_slice %arg10[%dma_wait3A_139, %dma_wait3A_140] : memref<10112x64xf32, #tpu.memory_space<vmem_shared>> -> memref<10112x64xf32, #tpu.memory_space<vmem_shared>>
        tpu.wait_indirect_dma semaphore(%arg14 : memref<!tpu.dma_semaphore, #tpu.memory_space<semaphore_mem>>) src(%dma_wait3A_135 : memref<128x64xf32, #tpu.memory_space<vmem>>) dst(%dma_wait3A_141 : memref<10112x64xf32, #tpu.memory_space<vmem_shared>>)
        %ge3A = arith.constant 2 : i32
        %ge3A_142 = arith.cmpi sge, %min3A, %ge3A : i32
        %convert_element_type3A_143 = arith.extui %ge3A_142 : i1 to i32
        %cond3A_144 = arith.constant 0 : i32
        %cond3A_145 = arith.cmpi ne, %convert_element_type3A_143, %cond3A_144 : i32
        scf.if %cond3A_145 {
          %sub3A_146 = arith.constant 1 : i32
          %sub3A_147 = arith.subi %sub3A_83, %sub3A_146 : i32
          %jit3A_148 = arith.constant 4 : i32
          %div3A_149 = arith.divsi %sub3A_147, %jit3A_148 : i32
          %sign3A_150 = arith.constant 0 : i32
          %sign3A_151 = arith.cmpi sgt, %sub3A_147, %sign3A_150 : i32
          %sign3A_152 = arith.extui %sign3A_151 : i1 to i32
          %sign3A_153 = arith.constant 0 : i32
          %sign3A_154 = arith.cmpi slt, %sub3A_147, %sign3A_153 : i32
          %sign3A_155 = arith.extui %sign3A_154 : i1 to i32
          %sign3A_156 = arith.subi %sign3A_152, %sign3A_155 : i32
          %sign3A_157 = arith.constant 0 : i32
          %sign3A_158 = arith.cmpi sgt, %jit3A_148, %sign3A_157 : i32
          %sign3A_159 = arith.extui %sign3A_158 : i1 to i32
          %sign3A_160 = arith.constant 0 : i32
          %sign3A_161 = arith.cmpi slt, %jit3A_148, %sign3A_160 : i32
          %sign3A_162 = arith.extui %sign3A_161 : i1 to i32
          %sign3A_163 = arith.subi %sign3A_159, %sign3A_162 : i32
          %ne3A_164 = arith.cmpi ne, %sign3A_156, %sign3A_163 : i32
          %rem3A_165 = arith.remsi %sub3A_147, %jit3A_148 : i32
          %ne3A_166 = arith.constant 0 : i32
          %ne3A_167 = arith.cmpi ne, %rem3A_165, %ne3A_166 : i32
          %and3A_168 = arith.andi %ne3A_164, %ne3A_167 : i1
          %sub3A_169 = arith.constant 1 : i32
          %sub3A_170 = arith.subi %div3A_149, %sub3A_169 : i32
          %select_n3A_171 = arith.select %and3A_168, %sub3A_170, %div3A_149 : i32
          %and3A_172 = arith.constant 1 : i32
          %and3A_173 = arith.andi %select_n3A_171, %and3A_172 : i32
          %jit3A_174 = arith.constant 4 : i32
          %eq3A_175 = arith.constant 0 : i32
          %eq3A_176 = arith.cmpi eq, %jit3A_174, %eq3A_175 : i32
          %jit3A_177 = arith.constant 1 : i32
          %select_n3A_178 = arith.select %eq3A_176, %jit3A_177, %jit3A_174 : i32
          %rem3A_179 = arith.remsi %sub3A_147, %select_n3A_178 : i32
          %ne3A_180 = arith.constant 0 : i32
          %ne3A_181 = arith.cmpi ne, %rem3A_179, %ne3A_180 : i32
          %lt3A_182 = arith.constant 0 : i32
          %lt3A_183 = arith.cmpi slt, %rem3A_179, %lt3A_182 : i32
          %lt3A_184 = arith.constant 0 : i32
          %lt3A_185 = arith.cmpi slt, %select_n3A_178, %lt3A_184 : i32
          %ne3A_186 = arith.xori %lt3A_183, %lt3A_185 : i1
          %and3A_187 = arith.andi %ne3A_186, %ne3A_181 : i1
          %add3A_188 = arith.addi %rem3A_179, %select_n3A_178 : i32
          %select_n3A_189 = arith.select %and3A_187, %add3A_188, %rem3A_179 : i32
          %dma_wait3A_190 = arith.constant 0 : i32
          %dma_wait3A_191 = arith.constant 0 : i32
          %dma_wait3A_192 = arith.constant 0 : i32
          %dma_wait3A_193 = tpu.memref_slice %arg9[%dma_wait3A_190, %dma_wait3A_191, %dma_wait3A_192] : memref<2x128x64xf32, #tpu.memory_space<vmem>> -> memref<1x128x64xf32, #tpu.memory_space<vmem>>
          %dma_wait3A_194 = tpu.memref_squeeze %dma_wait3A_193 : memref<1x128x64xf32, #tpu.memory_space<vmem>> -> memref<128x64xf32, #tpu.memory_space<vmem>>
          %dma_wait3A_195 = arith.constant 0 : i32
          %dma_wait3A_196 = tpu.memref_slice %arg8[%and3A_173, %select_n3A_189, %dma_wait3A_195] : memref<2x4x128xi32, #tpu.memory_space<vmem>> -> memref<1x1x128xi32, #tpu.memory_space<vmem>>
          %dma_wait3A_197 = tpu.memref_squeeze %dma_wait3A_196 : memref<1x1x128xi32, #tpu.memory_space<vmem>> -> memref<128xi32, #tpu.memory_space<vmem>>
          %dma_wait3A_198 = arith.constant 0 : i32
          %dma_wait3A_199 = arith.constant 0 : i32
          %dma_wait3A_200 = tpu.memref_slice %arg10[%dma_wait3A_198, %dma_wait3A_199] : memref<10112x64xf32, #tpu.memory_space<vmem_shared>> -> memref<10112x64xf32, #tpu.memory_space<vmem_shared>>
          tpu.wait_indirect_dma semaphore(%arg13 : memref<!tpu.dma_semaphore, #tpu.memory_space<semaphore_mem>>) src(%dma_wait3A_194 : memref<128x64xf32, #tpu.memory_space<vmem>>) dst(%dma_wait3A_200 : memref<10112x64xf32, #tpu.memory_space<vmem_shared>>)
        } else {
        }
      } else {
      }
    } else {
    }
    %barrier3A_24 = arith.constant 0 : index
    tpu.barrier barrier_id(%barrier3A_24)
    %add3A_25 = arith.constant 0 : i32
    %add3A_26 = arith.addi %mul3A_6, %add3A_25 : i32
    %run_scoped3A_27 = arith.constant 0 : i32
    "tpu.region"() ({
      %run_scoped3A_55 = tpu.sem_alloc : memref<!tpu.dma_semaphore, #tpu.memory_space<semaphore_mem>>
      %dma_start3A = arith.constant 0 : i32
      %dma_start3A_56 = arith.constant 0 : i32
      %dma_start3A_57 = tpu.memref_slice %arg9[%run_scoped3A_27, %dma_start3A, %dma_start3A_56] : memref<2x128x64xf32, #tpu.memory_space<vmem>> -> memref<1x128x64xf32, #tpu.memory_space<vmem>>
      %dma_start3A_58 = tpu.memref_squeeze %dma_start3A_57 : memref<1x128x64xf32, #tpu.memory_space<vmem>> -> memref<128x64xf32, #tpu.memory_space<vmem>>
      %dma_start3A_59 = arith.constant 0 : i32
      %dma_start3A_60 = tpu.memref_slice %arg10[%add3A_26, %dma_start3A_59] : memref<10112x64xf32, #tpu.memory_space<vmem_shared>> -> memref<128x64xf32, #tpu.memory_space<vmem_shared>>
      %dma_start3A_61 = arith.constant 0 : i32
      %dma_start3A_62 = arith.constant 0 : i32
      %dma_start3A_63 = tpu.memref_slice %arg9[%run_scoped3A_27, %dma_start3A_61, %dma_start3A_62] : memref<2x128x64xf32, #tpu.memory_space<vmem>> -> memref<1x128x64xf32, #tpu.memory_space<vmem>>
      %dma_start3A_64 = tpu.memref_squeeze %dma_start3A_63 : memref<1x128x64xf32, #tpu.memory_space<vmem>> -> memref<128x64xf32, #tpu.memory_space<vmem>>
      %dma_start3A_65 = arith.constant 0 : i32
      %dma_start3A_66 = tpu.memref_slice %arg10[%add3A_26, %dma_start3A_65] : memref<10112x64xf32, #tpu.memory_space<vmem_shared>> -> memref<128x64xf32, #tpu.memory_space<vmem_shared>>
      tpu.enqueue_dma source(%dma_start3A_66 : memref<128x64xf32, #tpu.memory_space<vmem_shared>>) target(%dma_start3A_64 : memref<128x64xf32, #tpu.memory_space<vmem>>) target_semaphore(%run_scoped3A_55 : memref<!tpu.dma_semaphore, #tpu.memory_space<semaphore_mem>>)
      %dma_wait3A = arith.constant 0 : i32
      %dma_wait3A_67 = arith.constant 0 : i32
      %dma_wait3A_68 = tpu.memref_slice %arg9[%run_scoped3A_27, %dma_wait3A, %dma_wait3A_67] : memref<2x128x64xf32, #tpu.memory_space<vmem>> -> memref<1x128x64xf32, #tpu.memory_space<vmem>>
      %dma_wait3A_69 = tpu.memref_squeeze %dma_wait3A_68 : memref<1x128x64xf32, #tpu.memory_space<vmem>> -> memref<128x64xf32, #tpu.memory_space<vmem>>
      %dma_wait3A_70 = arith.constant 0 : i32
      %dma_wait3A_71 = tpu.memref_slice %arg10[%add3A_26, %dma_wait3A_70] : memref<10112x64xf32, #tpu.memory_space<vmem_shared>> -> memref<128x64xf32, #tpu.memory_space<vmem_shared>>
      %dma_wait3A_72 = arith.constant 0 : i32
      %dma_wait3A_73 = arith.constant 0 : i32
      %dma_wait3A_74 = tpu.memref_slice %arg9[%run_scoped3A_27, %dma_wait3A_72, %dma_wait3A_73] : memref<2x128x64xf32, #tpu.memory_space<vmem>> -> memref<1x128x64xf32, #tpu.memory_space<vmem>>
      %dma_wait3A_75 = tpu.memref_squeeze %dma_wait3A_74 : memref<1x128x64xf32, #tpu.memory_space<vmem>> -> memref<128x64xf32, #tpu.memory_space<vmem>>
      %dma_wait3A_76 = arith.constant 0 : i32
      %dma_wait3A_77 = tpu.memref_slice %arg10[%add3A_26, %dma_wait3A_76] : memref<10112x64xf32, #tpu.memory_space<vmem_shared>> -> memref<128x64xf32, #tpu.memory_space<vmem_shared>>
      tpu.wait_dma2 semaphore(%run_scoped3A_55 : memref<!tpu.dma_semaphore, #tpu.memory_space<semaphore_mem>>) src(%dma_wait3A_77 : memref<128x64xf32, #tpu.memory_space<vmem_shared>>) dst(%dma_wait3A_75 : memref<128x64xf32, #tpu.memory_space<vmem>>)
      tpu.yield
    }) : () -> ()
    %add3A_28 = arith.constant 0 : i32
    %add3A_29 = arith.addi %mul3A_6, %add3A_28 : i32
    %run_scoped3A_30 = arith.constant 0 : i32
    "tpu.region"() ({
      %run_scoped3A_55 = tpu.sem_alloc : memref<!tpu.dma_semaphore, #tpu.memory_space<semaphore_mem>>
      %dma_start3A = arith.constant 0 : i32
      %dma_start3A_56 = arith.constant 0 : i32
      %dma_start3A_57 = tpu.memref_slice %arg9[%run_scoped3A_30, %dma_start3A, %dma_start3A_56] : memref<2x128x64xf32, #tpu.memory_space<vmem>> -> memref<1x128x64xf32, #tpu.memory_space<vmem>>
      %dma_start3A_58 = tpu.memref_squeeze %dma_start3A_57 : memref<1x128x64xf32, #tpu.memory_space<vmem>> -> memref<128x64xf32, #tpu.memory_space<vmem>>
      %dma_start3A_59 = arith.constant 0 : i32
      %dma_start3A_60 = tpu.memref_slice %arg6[%arg0, %add3A_29, %dma_start3A_59] : memref<2x10112x64xf32, #tpu.memory_space<hbm>> -> memref<1x128x64xf32, #tpu.memory_space<hbm>>
      %dma_start3A_61 = tpu.memref_squeeze %dma_start3A_60 : memref<1x128x64xf32, #tpu.memory_space<hbm>> -> memref<128x64xf32, #tpu.memory_space<hbm>>
      %dma_start3A_62 = arith.constant 0 : i32
      %dma_start3A_63 = tpu.memref_slice %arg6[%arg0, %add3A_29, %dma_start3A_62] : memref<2x10112x64xf32, #tpu.memory_space<hbm>> -> memref<1x128x64xf32, #tpu.memory_space<hbm>>
      %dma_start3A_64 = tpu.memref_squeeze %dma_start3A_63 : memref<1x128x64xf32, #tpu.memory_space<hbm>> -> memref<128x64xf32, #tpu.memory_space<hbm>>
      %dma_start3A_65 = arith.constant 0 : i32
      %dma_start3A_66 = arith.constant 0 : i32
      %dma_start3A_67 = tpu.memref_slice %arg9[%run_scoped3A_30, %dma_start3A_65, %dma_start3A_66] : memref<2x128x64xf32, #tpu.memory_space<vmem>> -> memref<1x128x64xf32, #tpu.memory_space<vmem>>
      %dma_start3A_68 = tpu.memref_squeeze %dma_start3A_67 : memref<1x128x64xf32, #tpu.memory_space<vmem>> -> memref<128x64xf32, #tpu.memory_space<vmem>>
      tpu.enqueue_dma source(%dma_start3A_68 : memref<128x64xf32, #tpu.memory_space<vmem>>) target(%dma_start3A_64 : memref<128x64xf32, #tpu.memory_space<hbm>>) target_semaphore(%run_scoped3A_55 : memref<!tpu.dma_semaphore, #tpu.memory_space<semaphore_mem>>)
      %dma_wait3A = arith.constant 0 : i32
      %dma_wait3A_69 = arith.constant 0 : i32
      %dma_wait3A_70 = tpu.memref_slice %arg9[%run_scoped3A_30, %dma_wait3A, %dma_wait3A_69] : memref<2x128x64xf32, #tpu.memory_space<vmem>> -> memref<1x128x64xf32, #tpu.memory_space<vmem>>
      %dma_wait3A_71 = tpu.memref_squeeze %dma_wait3A_70 : memref<1x128x64xf32, #tpu.memory_space<vmem>> -> memref<128x64xf32, #tpu.memory_space<vmem>>
      %dma_wait3A_72 = arith.constant 0 : i32
      %dma_wait3A_73 = tpu.memref_slice %arg6[%arg0, %add3A_29, %dma_wait3A_72] : memref<2x10112x64xf32, #tpu.memory_space<hbm>> -> memref<1x128x64xf32, #tpu.memory_space<hbm>>
      %dma_wait3A_74 = tpu.memref_squeeze %dma_wait3A_73 : memref<1x128x64xf32, #tpu.memory_space<hbm>> -> memref<128x64xf32, #tpu.memory_space<hbm>>
      %dma_wait3A_75 = arith.constant 0 : i32
      %dma_wait3A_76 = tpu.memref_slice %arg6[%arg0, %add3A_29, %dma_wait3A_75] : memref<2x10112x64xf32, #tpu.memory_space<hbm>> -> memref<1x128x64xf32, #tpu.memory_space<hbm>>
      %dma_wait3A_77 = tpu.memref_squeeze %dma_wait3A_76 : memref<1x128x64xf32, #tpu.memory_space<hbm>> -> memref<128x64xf32, #tpu.memory_space<hbm>>
      %dma_wait3A_78 = arith.constant 0 : i32
      %dma_wait3A_79 = arith.constant 0 : i32
      %dma_wait3A_80 = tpu.memref_slice %arg9[%run_scoped3A_30, %dma_wait3A_78, %dma_wait3A_79] : memref<2x128x64xf32, #tpu.memory_space<vmem>> -> memref<1x128x64xf32, #tpu.memory_space<vmem>>
      %dma_wait3A_81 = tpu.memref_squeeze %dma_wait3A_80 : memref<1x128x64xf32, #tpu.memory_space<vmem>> -> memref<128x64xf32, #tpu.memory_space<vmem>>
      tpu.wait_dma2 semaphore(%run_scoped3A_55 : memref<!tpu.dma_semaphore, #tpu.memory_space<semaphore_mem>>) src(%dma_wait3A_81 : memref<128x64xf32, #tpu.memory_space<vmem>>) dst(%dma_wait3A_77 : memref<128x64xf32, #tpu.memory_space<hbm>>)
      tpu.yield
    }) : () -> ()
    %add3A_31 = arith.constant 128 : i32
    %add3A_32 = arith.addi %mul3A_6, %add3A_31 : i32
    %run_scoped3A_33 = arith.constant 0 : i32
    "tpu.region"() ({
      %run_scoped3A_55 = tpu.sem_alloc : memref<!tpu.dma_semaphore, #tpu.memory_space<semaphore_mem>>
      %dma_start3A = arith.constant 0 : i32
      %dma_start3A_56 = arith.constant 0 : i32
      %dma_start3A_57 = tpu.memref_slice %arg9[%run_scoped3A_33, %dma_start3A, %dma_start3A_56] : memref<2x128x64xf32, #tpu.memory_space<vmem>> -> memref<1x128x64xf32, #tpu.memory_space<vmem>>
      %dma_start3A_58 = tpu.memref_squeeze %dma_start3A_57 : memref<1x128x64xf32, #tpu.memory_space<vmem>> -> memref<128x64xf32, #tpu.memory_space<vmem>>
      %dma_start3A_59 = arith.constant 0 : i32
      %dma_start3A_60 = tpu.memref_slice %arg10[%add3A_32, %dma_start3A_59] : memref<10112x64xf32, #tpu.memory_space<vmem_shared>> -> memref<128x64xf32, #tpu.memory_space<vmem_shared>>
      %dma_start3A_61 = arith.constant 0 : i32
      %dma_start3A_62 = arith.constant 0 : i32
      %dma_start3A_63 = tpu.memref_slice %arg9[%run_scoped3A_33, %dma_start3A_61, %dma_start3A_62] : memref<2x128x64xf32, #tpu.memory_space<vmem>> -> memref<1x128x64xf32, #tpu.memory_space<vmem>>
      %dma_start3A_64 = tpu.memref_squeeze %dma_start3A_63 : memref<1x128x64xf32, #tpu.memory_space<vmem>> -> memref<128x64xf32, #tpu.memory_space<vmem>>
      %dma_start3A_65 = arith.constant 0 : i32
      %dma_start3A_66 = tpu.memref_slice %arg10[%add3A_32, %dma_start3A_65] : memref<10112x64xf32, #tpu.memory_space<vmem_shared>> -> memref<128x64xf32, #tpu.memory_space<vmem_shared>>
      tpu.enqueue_dma source(%dma_start3A_66 : memref<128x64xf32, #tpu.memory_space<vmem_shared>>) target(%dma_start3A_64 : memref<128x64xf32, #tpu.memory_space<vmem>>) target_semaphore(%run_scoped3A_55 : memref<!tpu.dma_semaphore, #tpu.memory_space<semaphore_mem>>)
      %dma_wait3A = arith.constant 0 : i32
      %dma_wait3A_67 = arith.constant 0 : i32
      %dma_wait3A_68 = tpu.memref_slice %arg9[%run_scoped3A_33, %dma_wait3A, %dma_wait3A_67] : memref<2x128x64xf32, #tpu.memory_space<vmem>> -> memref<1x128x64xf32, #tpu.memory_space<vmem>>
      %dma_wait3A_69 = tpu.memref_squeeze %dma_wait3A_68 : memref<1x128x64xf32, #tpu.memory_space<vmem>> -> memref<128x64xf32, #tpu.memory_space<vmem>>
      %dma_wait3A_70 = arith.constant 0 : i32
      %dma_wait3A_71 = tpu.memref_slice %arg10[%add3A_32, %dma_wait3A_70] : memref<10112x64xf32, #tpu.memory_space<vmem_shared>> -> memref<128x64xf32, #tpu.memory_space<vmem_shared>>
      %dma_wait3A_72 = arith.constant 0 : i32
      %dma_wait3A_73 = arith.constant 0 : i32
      %dma_wait3A_74 = tpu.memref_slice %arg9[%run_scoped3A_33, %dma_wait3A_72, %dma_wait3A_73] : memref<2x128x64xf32, #tpu.memory_space<vmem>> -> memref<1x128x64xf32, #tpu.memory_space<vmem>>
      %dma_wait3A_75 = tpu.memref_squeeze %dma_wait3A_74 : memref<1x128x64xf32, #tpu.memory_space<vmem>> -> memref<128x64xf32, #tpu.memory_space<vmem>>
      %dma_wait3A_76 = arith.constant 0 : i32
      %dma_wait3A_77 = tpu.memref_slice %arg10[%add3A_32, %dma_wait3A_76] : memref<10112x64xf32, #tpu.memory_space<vmem_shared>> -> memref<128x64xf32, #tpu.memory_space<vmem_shared>>
      tpu.wait_dma2 semaphore(%run_scoped3A_55 : memref<!tpu.dma_semaphore, #tpu.memory_space<semaphore_mem>>) src(%dma_wait3A_77 : memref<128x64xf32, #tpu.memory_space<vmem_shared>>) dst(%dma_wait3A_75 : memref<128x64xf32, #tpu.memory_space<vmem>>)
      tpu.yield
    }) : () -> ()
    %add3A_34 = arith.constant 128 : i32
    %add3A_35 = arith.addi %mul3A_6, %add3A_34 : i32
    %run_scoped3A_36 = arith.constant 0 : i32
    "tpu.region"() ({
      %run_scoped3A_55 = tpu.sem_alloc : memref<!tpu.dma_semaphore, #tpu.memory_space<semaphore_mem>>
      %dma_start3A = arith.constant 0 : i32
      %dma_start3A_56 = arith.constant 0 : i32
      %dma_start3A_57 = tpu.memref_slice %arg9[%run_scoped3A_36, %dma_start3A, %dma_start3A_56] : memref<2x128x64xf32, #tpu.memory_space<vmem>> -> memref<1x128x64xf32, #tpu.memory_space<vmem>>
      %dma_start3A_58 = tpu.memref_squeeze %dma_start3A_57 : memref<1x128x64xf32, #tpu.memory_space<vmem>> -> memref<128x64xf32, #tpu.memory_space<vmem>>
      %dma_start3A_59 = arith.constant 0 : i32
      %dma_start3A_60 = tpu.memref_slice %arg6[%arg0, %add3A_35, %dma_start3A_59] : memref<2x10112x64xf32, #tpu.memory_space<hbm>> -> memref<1x128x64xf32, #tpu.memory_space<hbm>>
      %dma_start3A_61 = tpu.memref_squeeze %dma_start3A_60 : memref<1x128x64xf32, #tpu.memory_space<hbm>> -> memref<128x64xf32, #tpu.memory_space<hbm>>
      %dma_start3A_62 = arith.constant 0 : i32
      %dma_start3A_63 = tpu.memref_slice %arg6[%arg0, %add3A_35, %dma_start3A_62] : memref<2x10112x64xf32, #tpu.memory_space<hbm>> -> memref<1x128x64xf32, #tpu.memory_space<hbm>>
      %dma_start3A_64 = tpu.memref_squeeze %dma_start3A_63 : memref<1x128x64xf32, #tpu.memory_space<hbm>> -> memref<128x64xf32, #tpu.memory_space<hbm>>
      %dma_start3A_65 = arith.constant 0 : i32
      %dma_start3A_66 = arith.constant 0 : i32
      %dma_start3A_67 = tpu.memref_slice %arg9[%run_scoped3A_36, %dma_start3A_65, %dma_start3A_66] : memref<2x128x64xf32, #tpu.memory_space<vmem>> -> memref<1x128x64xf32, #tpu.memory_space<vmem>>
      %dma_start3A_68 = tpu.memref_squeeze %dma_start3A_67 : memref<1x128x64xf32, #tpu.memory_space<vmem>> -> memref<128x64xf32, #tpu.memory_space<vmem>>
      tpu.enqueue_dma source(%dma_start3A_68 : memref<128x64xf32, #tpu.memory_space<vmem>>) target(%dma_start3A_64 : memref<128x64xf32, #tpu.memory_space<hbm>>) target_semaphore(%run_scoped3A_55 : memref<!tpu.dma_semaphore, #tpu.memory_space<semaphore_mem>>)
      %dma_wait3A = arith.constant 0 : i32
      %dma_wait3A_69 = arith.constant 0 : i32
      %dma_wait3A_70 = tpu.memref_slice %arg9[%run_scoped3A_36, %dma_wait3A, %dma_wait3A_69] : memref<2x128x64xf32, #tpu.memory_space<vmem>> -> memref<1x128x64xf32, #tpu.memory_space<vmem>>
      %dma_wait3A_71 = tpu.memref_squeeze %dma_wait3A_70 : memref<1x128x64xf32, #tpu.memory_space<vmem>> -> memref<128x64xf32, #tpu.memory_space<vmem>>
      %dma_wait3A_72 = arith.constant 0 : i32
      %dma_wait3A_73 = tpu.memref_slice %arg6[%arg0, %add3A_35, %dma_wait3A_72] : memref<2x10112x64xf32, #tpu.memory_space<hbm>> -> memref<1x128x64xf32, #tpu.memory_space<hbm>>
      %dma_wait3A_74 = tpu.memref_squeeze %dma_wait3A_73 : memref<1x128x64xf32, #tpu.memory_space<hbm>> -> memref<128x64xf32, #tpu.memory_space<hbm>>
      %dma_wait3A_75 = arith.constant 0 : i32
      %dma_wait3A_76 = tpu.memref_slice %arg6[%arg0, %add3A_35, %dma_wait3A_75] : memref<2x10112x64xf32, #tpu.memory_space<hbm>> -> memref<1x128x64xf32, #tpu.memory_space<hbm>>
      %dma_wait3A_77 = tpu.memref_squeeze %dma_wait3A_76 : memref<1x128x64xf32, #tpu.memory_space<hbm>> -> memref<128x64xf32, #tpu.memory_space<hbm>>
      %dma_wait3A_78 = arith.constant 0 : i32
      %dma_wait3A_79 = arith.constant 0 : i32
      %dma_wait3A_80 = tpu.memref_slice %arg9[%run_scoped3A_36, %dma_wait3A_78, %dma_wait3A_79] : memref<2x128x64xf32, #tpu.memory_space<vmem>> -> memref<1x128x64xf32, #tpu.memory_space<vmem>>
      %dma_wait3A_81 = tpu.memref_squeeze %dma_wait3A_80 : memref<1x128x64xf32, #tpu.memory_space<vmem>> -> memref<128x64xf32, #tpu.memory_space<vmem>>
      tpu.wait_dma2 semaphore(%run_scoped3A_55 : memref<!tpu.dma_semaphore, #tpu.memory_space<semaphore_mem>>) src(%dma_wait3A_81 : memref<128x64xf32, #tpu.memory_space<vmem>>) dst(%dma_wait3A_77 : memref<128x64xf32, #tpu.memory_space<hbm>>)
      tpu.yield
    }) : () -> ()
    %add3A_37 = arith.constant 256 : i32
    %add3A_38 = arith.addi %mul3A_6, %add3A_37 : i32
    %run_scoped3A_39 = arith.constant 0 : i32
    "tpu.region"() ({
      %run_scoped3A_55 = tpu.sem_alloc : memref<!tpu.dma_semaphore, #tpu.memory_space<semaphore_mem>>
      %dma_start3A = arith.constant 0 : i32
      %dma_start3A_56 = arith.constant 0 : i32
      %dma_start3A_57 = tpu.memref_slice %arg9[%run_scoped3A_39, %dma_start3A, %dma_start3A_56] : memref<2x128x64xf32, #tpu.memory_space<vmem>> -> memref<1x128x64xf32, #tpu.memory_space<vmem>>
      %dma_start3A_58 = tpu.memref_squeeze %dma_start3A_57 : memref<1x128x64xf32, #tpu.memory_space<vmem>> -> memref<128x64xf32, #tpu.memory_space<vmem>>
      %dma_start3A_59 = arith.constant 0 : i32
      %dma_start3A_60 = tpu.memref_slice %arg10[%add3A_38, %dma_start3A_59] : memref<10112x64xf32, #tpu.memory_space<vmem_shared>> -> memref<128x64xf32, #tpu.memory_space<vmem_shared>>
      %dma_start3A_61 = arith.constant 0 : i32
      %dma_start3A_62 = arith.constant 0 : i32
      %dma_start3A_63 = tpu.memref_slice %arg9[%run_scoped3A_39, %dma_start3A_61, %dma_start3A_62] : memref<2x128x64xf32, #tpu.memory_space<vmem>> -> memref<1x128x64xf32, #tpu.memory_space<vmem>>
      %dma_start3A_64 = tpu.memref_squeeze %dma_start3A_63 : memref<1x128x64xf32, #tpu.memory_space<vmem>> -> memref<128x64xf32, #tpu.memory_space<vmem>>
      %dma_start3A_65 = arith.constant 0 : i32
      %dma_start3A_66 = tpu.memref_slice %arg10[%add3A_38, %dma_start3A_65] : memref<10112x64xf32, #tpu.memory_space<vmem_shared>> -> memref<128x64xf32, #tpu.memory_space<vmem_shared>>
      tpu.enqueue_dma source(%dma_start3A_66 : memref<128x64xf32, #tpu.memory_space<vmem_shared>>) target(%dma_start3A_64 : memref<128x64xf32, #tpu.memory_space<vmem>>) target_semaphore(%run_scoped3A_55 : memref<!tpu.dma_semaphore, #tpu.memory_space<semaphore_mem>>)
      %dma_wait3A = arith.constant 0 : i32
      %dma_wait3A_67 = arith.constant 0 : i32
      %dma_wait3A_68 = tpu.memref_slice %arg9[%run_scoped3A_39, %dma_wait3A, %dma_wait3A_67] : memref<2x128x64xf32, #tpu.memory_space<vmem>> -> memref<1x128x64xf32, #tpu.memory_space<vmem>>
      %dma_wait3A_69 = tpu.memref_squeeze %dma_wait3A_68 : memref<1x128x64xf32, #tpu.memory_space<vmem>> -> memref<128x64xf32, #tpu.memory_space<vmem>>
      %dma_wait3A_70 = arith.constant 0 : i32
      %dma_wait3A_71 = tpu.memref_slice %arg10[%add3A_38, %dma_wait3A_70] : memref<10112x64xf32, #tpu.memory_space<vmem_shared>> -> memref<128x64xf32, #tpu.memory_space<vmem_shared>>
      %dma_wait3A_72 = arith.constant 0 : i32
      %dma_wait3A_73 = arith.constant 0 : i32
      %dma_wait3A_74 = tpu.memref_slice %arg9[%run_scoped3A_39, %dma_wait3A_72, %dma_wait3A_73] : memref<2x128x64xf32, #tpu.memory_space<vmem>> -> memref<1x128x64xf32, #tpu.memory_space<vmem>>
      %dma_wait3A_75 = tpu.memref_squeeze %dma_wait3A_74 : memref<1x128x64xf32, #tpu.memory_space<vmem>> -> memref<128x64xf32, #tpu.memory_space<vmem>>
      %dma_wait3A_76 = arith.constant 0 : i32
      %dma_wait3A_77 = tpu.memref_slice %arg10[%add3A_38, %dma_wait3A_76] : memref<10112x64xf32, #tpu.memory_space<vmem_shared>> -> memref<128x64xf32, #tpu.memory_space<vmem_shared>>
      tpu.wait_dma2 semaphore(%run_scoped3A_55 : memref<!tpu.dma_semaphore, #tpu.memory_space<semaphore_mem>>) src(%dma_wait3A_77 : memref<128x64xf32, #tpu.memory_space<vmem_shared>>) dst(%dma_wait3A_75 : memref<128x64xf32, #tpu.memory_space<vmem>>)
      tpu.yield
    }) : () -> ()
    %add3A_40 = arith.constant 256 : i32
    %add3A_41 = arith.addi %mul3A_6, %add3A_40 : i32
    %run_scoped3A_42 = arith.constant 0 : i32
    "tpu.region"() ({
      %run_scoped3A_55 = tpu.sem_alloc : memref<!tpu.dma_semaphore, #tpu.memory_space<semaphore_mem>>
      %dma_start3A = arith.constant 0 : i32
      %dma_start3A_56 = arith.constant 0 : i32
      %dma_start3A_57 = tpu.memref_slice %arg9[%run_scoped3A_42, %dma_start3A, %dma_start3A_56] : memref<2x128x64xf32, #tpu.memory_space<vmem>> -> memref<1x128x64xf32, #tpu.memory_space<vmem>>
      %dma_start3A_58 = tpu.memref_squeeze %dma_start3A_57 : memref<1x128x64xf32, #tpu.memory_space<vmem>> -> memref<128x64xf32, #tpu.memory_space<vmem>>
      %dma_start3A_59 = arith.constant 0 : i32
      %dma_start3A_60 = tpu.memref_slice %arg6[%arg0, %add3A_41, %dma_start3A_59] : memref<2x10112x64xf32, #tpu.memory_space<hbm>> -> memref<1x128x64xf32, #tpu.memory_space<hbm>>
      %dma_start3A_61 = tpu.memref_squeeze %dma_start3A_60 : memref<1x128x64xf32, #tpu.memory_space<hbm>> -> memref<128x64xf32, #tpu.memory_space<hbm>>
      %dma_start3A_62 = arith.constant 0 : i32
      %dma_start3A_63 = tpu.memref_slice %arg6[%arg0, %add3A_41, %dma_start3A_62] : memref<2x10112x64xf32, #tpu.memory_space<hbm>> -> memref<1x128x64xf32, #tpu.memory_space<hbm>>
      %dma_start3A_64 = tpu.memref_squeeze %dma_start3A_63 : memref<1x128x64xf32, #tpu.memory_space<hbm>> -> memref<128x64xf32, #tpu.memory_space<hbm>>
      %dma_start3A_65 = arith.constant 0 : i32
      %dma_start3A_66 = arith.constant 0 : i32
      %dma_start3A_67 = tpu.memref_slice %arg9[%run_scoped3A_42, %dma_start3A_65, %dma_start3A_66] : memref<2x128x64xf32, #tpu.memory_space<vmem>> -> memref<1x128x64xf32, #tpu.memory_space<vmem>>
      %dma_start3A_68 = tpu.memref_squeeze %dma_start3A_67 : memref<1x128x64xf32, #tpu.memory_space<vmem>> -> memref<128x64xf32, #tpu.memory_space<vmem>>
      tpu.enqueue_dma source(%dma_start3A_68 : memref<128x64xf32, #tpu.memory_space<vmem>>) target(%dma_start3A_64 : memref<128x64xf32, #tpu.memory_space<hbm>>) target_semaphore(%run_scoped3A_55 : memref<!tpu.dma_semaphore, #tpu.memory_space<semaphore_mem>>)
      %dma_wait3A = arith.constant 0 : i32
      %dma_wait3A_69 = arith.constant 0 : i32
      %dma_wait3A_70 = tpu.memref_slice %arg9[%run_scoped3A_42, %dma_wait3A, %dma_wait3A_69] : memref<2x128x64xf32, #tpu.memory_space<vmem>> -> memref<1x128x64xf32, #tpu.memory_space<vmem>>
      %dma_wait3A_71 = tpu.memref_squeeze %dma_wait3A_70 : memref<1x128x64xf32, #tpu.memory_space<vmem>> -> memref<128x64xf32, #tpu.memory_space<vmem>>
      %dma_wait3A_72 = arith.constant 0 : i32
      %dma_wait3A_73 = tpu.memref_slice %arg6[%arg0, %add3A_41, %dma_wait3A_72] : memref<2x10112x64xf32, #tpu.memory_space<hbm>> -> memref<1x128x64xf32, #tpu.memory_space<hbm>>
      %dma_wait3A_74 = tpu.memref_squeeze %dma_wait3A_73 : memref<1x128x64xf32, #tpu.memory_space<hbm>> -> memref<128x64xf32, #tpu.memory_space<hbm>>
      %dma_wait3A_75 = arith.constant 0 : i32
      %dma_wait3A_76 = tpu.memref_slice %arg6[%arg0, %add3A_41, %dma_wait3A_75] : memref<2x10112x64xf32, #tpu.memory_space<hbm>> -> memref<1x128x64xf32, #tpu.memory_space<hbm>>
      %dma_wait3A_77 = tpu.memref_squeeze %dma_wait3A_76 : memref<1x128x64xf32, #tpu.memory_space<hbm>> -> memref<128x64xf32, #tpu.memory_space<hbm>>
      %dma_wait3A_78 = arith.constant 0 : i32
      %dma_wait3A_79 = arith.constant 0 : i32
      %dma_wait3A_80 = tpu.memref_slice %arg9[%run_scoped3A_42, %dma_wait3A_78, %dma_wait3A_79] : memref<2x128x64xf32, #tpu.memory_space<vmem>> -> memref<1x128x64xf32, #tpu.memory_space<vmem>>
      %dma_wait3A_81 = tpu.memref_squeeze %dma_wait3A_80 : memref<1x128x64xf32, #tpu.memory_space<vmem>> -> memref<128x64xf32, #tpu.memory_space<vmem>>
      tpu.wait_dma2 semaphore(%run_scoped3A_55 : memref<!tpu.dma_semaphore, #tpu.memory_space<semaphore_mem>>) src(%dma_wait3A_81 : memref<128x64xf32, #tpu.memory_space<vmem>>) dst(%dma_wait3A_77 : memref<128x64xf32, #tpu.memory_space<hbm>>)
      tpu.yield
    }) : () -> ()
    %add3A_43 = arith.constant 384 : i32
    %add3A_44 = arith.addi %mul3A_6, %add3A_43 : i32
    %run_scoped3A_45 = arith.constant 0 : i32
    "tpu.region"() ({
      %run_scoped3A_55 = tpu.sem_alloc : memref<!tpu.dma_semaphore, #tpu.memory_space<semaphore_mem>>
      %dma_start3A = arith.constant 0 : i32
      %dma_start3A_56 = arith.constant 0 : i32
      %dma_start3A_57 = tpu.memref_slice %arg9[%run_scoped3A_45, %dma_start3A, %dma_start3A_56] : memref<2x128x64xf32, #tpu.memory_space<vmem>> -> memref<1x128x64xf32, #tpu.memory_space<vmem>>
      %dma_start3A_58 = tpu.memref_squeeze %dma_start3A_57 : memref<1x128x64xf32, #tpu.memory_space<vmem>> -> memref<128x64xf32, #tpu.memory_space<vmem>>
      %dma_start3A_59 = arith.constant 0 : i32
      %dma_start3A_60 = tpu.memref_slice %arg10[%add3A_44, %dma_start3A_59] : memref<10112x64xf32, #tpu.memory_space<vmem_shared>> -> memref<128x64xf32, #tpu.memory_space<vmem_shared>>
      %dma_start3A_61 = arith.constant 0 : i32
      %dma_start3A_62 = arith.constant 0 : i32
      %dma_start3A_63 = tpu.memref_slice %arg9[%run_scoped3A_45, %dma_start3A_61, %dma_start3A_62] : memref<2x128x64xf32, #tpu.memory_space<vmem>> -> memref<1x128x64xf32, #tpu.memory_space<vmem>>
      %dma_start3A_64 = tpu.memref_squeeze %dma_start3A_63 : memref<1x128x64xf32, #tpu.memory_space<vmem>> -> memref<128x64xf32, #tpu.memory_space<vmem>>
      %dma_start3A_65 = arith.constant 0 : i32
      %dma_start3A_66 = tpu.memref_slice %arg10[%add3A_44, %dma_start3A_65] : memref<10112x64xf32, #tpu.memory_space<vmem_shared>> -> memref<128x64xf32, #tpu.memory_space<vmem_shared>>
      tpu.enqueue_dma source(%dma_start3A_66 : memref<128x64xf32, #tpu.memory_space<vmem_shared>>) target(%dma_start3A_64 : memref<128x64xf32, #tpu.memory_space<vmem>>) target_semaphore(%run_scoped3A_55 : memref<!tpu.dma_semaphore, #tpu.memory_space<semaphore_mem>>)
      %dma_wait3A = arith.constant 0 : i32
      %dma_wait3A_67 = arith.constant 0 : i32
      %dma_wait3A_68 = tpu.memref_slice %arg9[%run_scoped3A_45, %dma_wait3A, %dma_wait3A_67] : memref<2x128x64xf32, #tpu.memory_space<vmem>> -> memref<1x128x64xf32, #tpu.memory_space<vmem>>
      %dma_wait3A_69 = tpu.memref_squeeze %dma_wait3A_68 : memref<1x128x64xf32, #tpu.memory_space<vmem>> -> memref<128x64xf32, #tpu.memory_space<vmem>>
      %dma_wait3A_70 = arith.constant 0 : i32
      %dma_wait3A_71 = tpu.memref_slice %arg10[%add3A_44, %dma_wait3A_70] : memref<10112x64xf32, #tpu.memory_space<vmem_shared>> -> memref<128x64xf32, #tpu.memory_space<vmem_shared>>
      %dma_wait3A_72 = arith.constant 0 : i32
      %dma_wait3A_73 = arith.constant 0 : i32
      %dma_wait3A_74 = tpu.memref_slice %arg9[%run_scoped3A_45, %dma_wait3A_72, %dma_wait3A_73] : memref<2x128x64xf32, #tpu.memory_space<vmem>> -> memref<1x128x64xf32, #tpu.memory_space<vmem>>
      %dma_wait3A_75 = tpu.memref_squeeze %dma_wait3A_74 : memref<1x128x64xf32, #tpu.memory_space<vmem>> -> memref<128x64xf32, #tpu.memory_space<vmem>>
      %dma_wait3A_76 = arith.constant 0 : i32
      %dma_wait3A_77 = tpu.memref_slice %arg10[%add3A_44, %dma_wait3A_76] : memref<10112x64xf32, #tpu.memory_space<vmem_shared>> -> memref<128x64xf32, #tpu.memory_space<vmem_shared>>
      tpu.wait_dma2 semaphore(%run_scoped3A_55 : memref<!tpu.dma_semaphore, #tpu.memory_space<semaphore_mem>>) src(%dma_wait3A_77 : memref<128x64xf32, #tpu.memory_space<vmem_shared>>) dst(%dma_wait3A_75 : memref<128x64xf32, #tpu.memory_space<vmem>>)
      tpu.yield
    }) : () -> ()
    %add3A_46 = arith.constant 384 : i32
    %add3A_47 = arith.addi %mul3A_6, %add3A_46 : i32
    %run_scoped3A_48 = arith.constant 0 : i32
    "tpu.region"() ({
      %run_scoped3A_55 = tpu.sem_alloc : memref<!tpu.dma_semaphore, #tpu.memory_space<semaphore_mem>>
      %dma_start3A = arith.constant 0 : i32
      %dma_start3A_56 = arith.constant 0 : i32
      %dma_start3A_57 = tpu.memref_slice %arg9[%run_scoped3A_48, %dma_start3A, %dma_start3A_56] : memref<2x128x64xf32, #tpu.memory_space<vmem>> -> memref<1x128x64xf32, #tpu.memory_space<vmem>>
      %dma_start3A_58 = tpu.memref_squeeze %dma_start3A_57 : memref<1x128x64xf32, #tpu.memory_space<vmem>> -> memref<128x64xf32, #tpu.memory_space<vmem>>
      %dma_start3A_59 = arith.constant 0 : i32
      %dma_start3A_60 = tpu.memref_slice %arg6[%arg0, %add3A_47, %dma_start3A_59] : memref<2x10112x64xf32, #tpu.memory_space<hbm>> -> memref<1x128x64xf32, #tpu.memory_space<hbm>>
      %dma_start3A_61 = tpu.memref_squeeze %dma_start3A_60 : memref<1x128x64xf32, #tpu.memory_space<hbm>> -> memref<128x64xf32, #tpu.memory_space<hbm>>
      %dma_start3A_62 = arith.constant 0 : i32
      %dma_start3A_63 = tpu.memref_slice %arg6[%arg0, %add3A_47, %dma_start3A_62] : memref<2x10112x64xf32, #tpu.memory_space<hbm>> -> memref<1x128x64xf32, #tpu.memory_space<hbm>>
      %dma_start3A_64 = tpu.memref_squeeze %dma_start3A_63 : memref<1x128x64xf32, #tpu.memory_space<hbm>> -> memref<128x64xf32, #tpu.memory_space<hbm>>
      %dma_start3A_65 = arith.constant 0 : i32
      %dma_start3A_66 = arith.constant 0 : i32
      %dma_start3A_67 = tpu.memref_slice %arg9[%run_scoped3A_48, %dma_start3A_65, %dma_start3A_66] : memref<2x128x64xf32, #tpu.memory_space<vmem>> -> memref<1x128x64xf32, #tpu.memory_space<vmem>>
      %dma_start3A_68 = tpu.memref_squeeze %dma_start3A_67 : memref<1x128x64xf32, #tpu.memory_space<vmem>> -> memref<128x64xf32, #tpu.memory_space<vmem>>
      tpu.enqueue_dma source(%dma_start3A_68 : memref<128x64xf32, #tpu.memory_space<vmem>>) target(%dma_start3A_64 : memref<128x64xf32, #tpu.memory_space<hbm>>) target_semaphore(%run_scoped3A_55 : memref<!tpu.dma_semaphore, #tpu.memory_space<semaphore_mem>>)
      %dma_wait3A = arith.constant 0 : i32
      %dma_wait3A_69 = arith.constant 0 : i32
      %dma_wait3A_70 = tpu.memref_slice %arg9[%run_scoped3A_48, %dma_wait3A, %dma_wait3A_69] : memref<2x128x64xf32, #tpu.memory_space<vmem>> -> memref<1x128x64xf32, #tpu.memory_space<vmem>>
      %dma_wait3A_71 = tpu.memref_squeeze %dma_wait3A_70 : memref<1x128x64xf32, #tpu.memory_space<vmem>> -> memref<128x64xf32, #tpu.memory_space<vmem>>
      %dma_wait3A_72 = arith.constant 0 : i32
      %dma_wait3A_73 = tpu.memref_slice %arg6[%arg0, %add3A_47, %dma_wait3A_72] : memref<2x10112x64xf32, #tpu.memory_space<hbm>> -> memref<1x128x64xf32, #tpu.memory_space<hbm>>
      %dma_wait3A_74 = tpu.memref_squeeze %dma_wait3A_73 : memref<1x128x64xf32, #tpu.memory_space<hbm>> -> memref<128x64xf32, #tpu.memory_space<hbm>>
      %dma_wait3A_75 = arith.constant 0 : i32
      %dma_wait3A_76 = tpu.memref_slice %arg6[%arg0, %add3A_47, %dma_wait3A_75] : memref<2x10112x64xf32, #tpu.memory_space<hbm>> -> memref<1x128x64xf32, #tpu.memory_space<hbm>>
      %dma_wait3A_77 = tpu.memref_squeeze %dma_wait3A_76 : memref<1x128x64xf32, #tpu.memory_space<hbm>> -> memref<128x64xf32, #tpu.memory_space<hbm>>
      %dma_wait3A_78 = arith.constant 0 : i32
      %dma_wait3A_79 = arith.constant 0 : i32
      %dma_wait3A_80 = tpu.memref_slice %arg9[%run_scoped3A_48, %dma_wait3A_78, %dma_wait3A_79] : memref<2x128x64xf32, #tpu.memory_space<vmem>> -> memref<1x128x64xf32, #tpu.memory_space<vmem>>
      %dma_wait3A_81 = tpu.memref_squeeze %dma_wait3A_80 : memref<1x128x64xf32, #tpu.memory_space<vmem>> -> memref<128x64xf32, #tpu.memory_space<vmem>>
      tpu.wait_dma2 semaphore(%run_scoped3A_55 : memref<!tpu.dma_semaphore, #tpu.memory_space<semaphore_mem>>) src(%dma_wait3A_81 : memref<128x64xf32, #tpu.memory_space<vmem>>) dst(%dma_wait3A_77 : memref<128x64xf32, #tpu.memory_space<hbm>>)
      tpu.yield
    }) : () -> ()
    %add3A_49 = arith.constant 512 : i32
    %add3A_50 = arith.addi %mul3A_6, %add3A_49 : i32
    %run_scoped3A_51 = arith.constant 0 : i32
    "tpu.region"() ({
      %run_scoped3A_55 = tpu.sem_alloc : memref<!tpu.dma_semaphore, #tpu.memory_space<semaphore_mem>>
      %dma_start3A = arith.constant 0 : i32
      %dma_start3A_56 = arith.constant 0 : i32
      %dma_start3A_57 = tpu.memref_slice %arg9[%run_scoped3A_51, %dma_start3A, %dma_start3A_56] : memref<2x128x64xf32, #tpu.memory_space<vmem>> -> memref<1x120x64xf32, #tpu.memory_space<vmem>>
      %dma_start3A_58 = tpu.memref_squeeze %dma_start3A_57 : memref<1x120x64xf32, #tpu.memory_space<vmem>> -> memref<120x64xf32, #tpu.memory_space<vmem>>
      %dma_start3A_59 = arith.constant 0 : i32
      %dma_start3A_60 = tpu.memref_slice %arg10[%add3A_50, %dma_start3A_59] : memref<10112x64xf32, #tpu.memory_space<vmem_shared>> -> memref<120x64xf32, #tpu.memory_space<vmem_shared>>
      %dma_start3A_61 = arith.constant 0 : i32
      %dma_start3A_62 = arith.constant 0 : i32
      %dma_start3A_63 = tpu.memref_slice %arg9[%run_scoped3A_51, %dma_start3A_61, %dma_start3A_62] : memref<2x128x64xf32, #tpu.memory_space<vmem>> -> memref<1x120x64xf32, #tpu.memory_space<vmem>>
      %dma_start3A_64 = tpu.memref_squeeze %dma_start3A_63 : memref<1x120x64xf32, #tpu.memory_space<vmem>> -> memref<120x64xf32, #tpu.memory_space<vmem>>
      %dma_start3A_65 = arith.constant 0 : i32
      %dma_start3A_66 = tpu.memref_slice %arg10[%add3A_50, %dma_start3A_65] : memref<10112x64xf32, #tpu.memory_space<vmem_shared>> -> memref<120x64xf32, #tpu.memory_space<vmem_shared>>
      tpu.enqueue_dma source(%dma_start3A_66 : memref<120x64xf32, #tpu.memory_space<vmem_shared>>) target(%dma_start3A_64 : memref<120x64xf32, #tpu.memory_space<vmem>>) target_semaphore(%run_scoped3A_55 : memref<!tpu.dma_semaphore, #tpu.memory_space<semaphore_mem>>)
      %dma_wait3A = arith.constant 0 : i32
      %dma_wait3A_67 = arith.constant 0 : i32
      %dma_wait3A_68 = tpu.memref_slice %arg9[%run_scoped3A_51, %dma_wait3A, %dma_wait3A_67] : memref<2x128x64xf32, #tpu.memory_space<vmem>> -> memref<1x120x64xf32, #tpu.memory_space<vmem>>
      %dma_wait3A_69 = tpu.memref_squeeze %dma_wait3A_68 : memref<1x120x64xf32, #tpu.memory_space<vmem>> -> memref<120x64xf32, #tpu.memory_space<vmem>>
      %dma_wait3A_70 = arith.constant 0 : i32
      %dma_wait3A_71 = tpu.memref_slice %arg10[%add3A_50, %dma_wait3A_70] : memref<10112x64xf32, #tpu.memory_space<vmem_shared>> -> memref<120x64xf32, #tpu.memory_space<vmem_shared>>
      %dma_wait3A_72 = arith.constant 0 : i32
      %dma_wait3A_73 = arith.constant 0 : i32
      %dma_wait3A_74 = tpu.memref_slice %arg9[%run_scoped3A_51, %dma_wait3A_72, %dma_wait3A_73] : memref<2x128x64xf32, #tpu.memory_space<vmem>> -> memref<1x120x64xf32, #tpu.memory_space<vmem>>
      %dma_wait3A_75 = tpu.memref_squeeze %dma_wait3A_74 : memref<1x120x64xf32, #tpu.memory_space<vmem>> -> memref<120x64xf32, #tpu.memory_space<vmem>>
      %dma_wait3A_76 = arith.constant 0 : i32
      %dma_wait3A_77 = tpu.memref_slice %arg10[%add3A_50, %dma_wait3A_76] : memref<10112x64xf32, #tpu.memory_space<vmem_shared>> -> memref<120x64xf32, #tpu.memory_space<vmem_shared>>
      tpu.wait_dma2 semaphore(%run_scoped3A_55 : memref<!tpu.dma_semaphore, #tpu.memory_space<semaphore_mem>>) src(%dma_wait3A_77 : memref<120x64xf32, #tpu.memory_space<vmem_shared>>) dst(%dma_wait3A_75 : memref<120x64xf32, #tpu.memory_space<vmem>>)
      tpu.yield
    }) : () -> ()
    %add3A_52 = arith.constant 512 : i32
    %add3A_53 = arith.addi %mul3A_6, %add3A_52 : i32
    %run_scoped3A_54 = arith.constant 0 : i32
    "tpu.region"() ({
      %run_scoped3A_55 = tpu.sem_alloc : memref<!tpu.dma_semaphore, #tpu.memory_space<semaphore_mem>>
      %dma_start3A = arith.constant 0 : i32
      %dma_start3A_56 = arith.constant 0 : i32
      %dma_start3A_57 = tpu.memref_slice %arg9[%run_scoped3A_54, %dma_start3A, %dma_start3A_56] : memref<2x128x64xf32, #tpu.memory_space<vmem>> -> memref<1x120x64xf32, #tpu.memory_space<vmem>>
      %dma_start3A_58 = tpu.memref_squeeze %dma_start3A_57 : memref<1x120x64xf32, #tpu.memory_space<vmem>> -> memref<120x64xf32, #tpu.memory_space<vmem>>
      %dma_start3A_59 = arith.constant 0 : i32
      %dma_start3A_60 = tpu.memref_slice %arg6[%arg0, %add3A_53, %dma_start3A_59] : memref<2x10112x64xf32, #tpu.memory_space<hbm>> -> memref<1x120x64xf32, #tpu.memory_space<hbm>>
      %dma_start3A_61 = tpu.memref_squeeze %dma_start3A_60 : memref<1x120x64xf32, #tpu.memory_space<hbm>> -> memref<120x64xf32, #tpu.memory_space<hbm>>
      %dma_start3A_62 = arith.constant 0 : i32
      %dma_start3A_63 = tpu.memref_slice %arg6[%arg0, %add3A_53, %dma_start3A_62] : memref<2x10112x64xf32, #tpu.memory_space<hbm>> -> memref<1x120x64xf32, #tpu.memory_space<hbm>>
      %dma_start3A_64 = tpu.memref_squeeze %dma_start3A_63 : memref<1x120x64xf32, #tpu.memory_space<hbm>> -> memref<120x64xf32, #tpu.memory_space<hbm>>
      %dma_start3A_65 = arith.constant 0 : i32
      %dma_start3A_66 = arith.constant 0 : i32
      %dma_start3A_67 = tpu.memref_slice %arg9[%run_scoped3A_54, %dma_start3A_65, %dma_start3A_66] : memref<2x128x64xf32, #tpu.memory_space<vmem>> -> memref<1x120x64xf32, #tpu.memory_space<vmem>>
      %dma_start3A_68 = tpu.memref_squeeze %dma_start3A_67 : memref<1x120x64xf32, #tpu.memory_space<vmem>> -> memref<120x64xf32, #tpu.memory_space<vmem>>
      tpu.enqueue_dma source(%dma_start3A_68 : memref<120x64xf32, #tpu.memory_space<vmem>>) target(%dma_start3A_64 : memref<120x64xf32, #tpu.memory_space<hbm>>) target_semaphore(%run_scoped3A_55 : memref<!tpu.dma_semaphore, #tpu.memory_space<semaphore_mem>>)
      %dma_wait3A = arith.constant 0 : i32
      %dma_wait3A_69 = arith.constant 0 : i32
      %dma_wait3A_70 = tpu.memref_slice %arg9[%run_scoped3A_54, %dma_wait3A, %dma_wait3A_69] : memref<2x128x64xf32, #tpu.memory_space<vmem>> -> memref<1x120x64xf32, #tpu.memory_space<vmem>>
      %dma_wait3A_71 = tpu.memref_squeeze %dma_wait3A_70 : memref<1x120x64xf32, #tpu.memory_space<vmem>> -> memref<120x64xf32, #tpu.memory_space<vmem>>
      %dma_wait3A_72 = arith.constant 0 : i32
      %dma_wait3A_73 = tpu.memref_slice %arg6[%arg0, %add3A_53, %dma_wait3A_72] : memref<2x10112x64xf32, #tpu.memory_space<hbm>> -> memref<1x120x64xf32, #tpu.memory_space<hbm>>
      %dma_wait3A_74 = tpu.memref_squeeze %dma_wait3A_73 : memref<1x120x64xf32, #tpu.memory_space<hbm>> -> memref<120x64xf32, #tpu.memory_space<hbm>>
      %dma_wait3A_75 = arith.constant 0 : i32
      %dma_wait3A_76 = tpu.memref_slice %arg6[%arg0, %add3A_53, %dma_wait3A_75] : memref<2x10112x64xf32, #tpu.memory_space<hbm>> -> memref<1x120x64xf32, #tpu.memory_space<hbm>>
      %dma_wait3A_77 = tpu.memref_squeeze %dma_wait3A_76 : memref<1x120x64xf32, #tpu.memory_space<hbm>> -> memref<120x64xf32, #tpu.memory_space<hbm>>
      %dma_wait3A_78 = arith.constant 0 : i32
      %dma_wait3A_79 = arith.constant 0 : i32
      %dma_wait3A_80 = tpu.memref_slice %arg9[%run_scoped3A_54, %dma_wait3A_78, %dma_wait3A_79] : memref<2x128x64xf32, #tpu.memory_space<vmem>> -> memref<1x120x64xf32, #tpu.memory_space<vmem>>
      %dma_wait3A_81 = tpu.memref_squeeze %dma_wait3A_80 : memref<1x120x64xf32, #tpu.memory_space<vmem>> -> memref<120x64xf32, #tpu.memory_space<vmem>>
      tpu.wait_dma2 semaphore(%run_scoped3A_55 : memref<!tpu.dma_semaphore, #tpu.memory_space<semaphore_mem>>) src(%dma_wait3A_81 : memref<120x64xf32, #tpu.memory_space<vmem>>) dst(%dma_wait3A_77 : memref<120x64xf32, #tpu.memory_space<hbm>>)
      tpu.yield
    }) : () -> ()
    return
  }
}

#map = affine_map<(d0, d1) -> (0, 0)>
#map1 = affine_map<(d0, d1) -> (0, 0, 0)>
module attributes {stable_mosaic.version = 14 : i64} {
  func.func @seg_kernel(%arg0: i32, %arg1: i32, %arg2: memref<10000x64xf32, #tpu.memory_space<hbm>>, %arg3: memref<2560x128xi32, #tpu.memory_space<hbm>>, %arg4: memref<2560x128xi32, #tpu.memory_space<hbm>>, %arg5: memref<128x64xf32, #tpu.memory_space<hbm>>, %arg6: memref<2x10112x64xf32, #tpu.memory_space<hbm>>, %arg7: memref<2x4x128xi32, #tpu.memory_space<vmem>>, %arg8: memref<2x4x128xi32, #tpu.memory_space<vmem>>, %arg9: memref<2x128x64xf32, #tpu.memory_space<vmem>>, %arg10: memref<10112x64xf32, #tpu.memory_space<vmem_shared>>, %arg11: memref<!tpu.dma_semaphore, #tpu.memory_space<semaphore_mem>>, %arg12: memref<!tpu.dma_semaphore, #tpu.memory_space<semaphore_mem>>, %arg13: memref<!tpu.dma_semaphore, #tpu.memory_space<semaphore_mem>>, %arg14: memref<!tpu.dma_semaphore, #tpu.memory_space<semaphore_mem>>) attributes {dimension_semantics = [#tpu.dimension_semantics<core_parallel>, #tpu.dimension_semantics<subcore_parallel>], iteration_bounds = array<i64: 2, 16>, scalar_prefetch = 0 : i64, scratch_operands = 8 : i64, tpu.core_type = #tpu.core_type<sc_vector_subcore>, window_params = [{transform_indices = #map}, {transform_indices = #map}, {transform_indices = #map}, {transform_indices = #map}, {transform_indices = #map1}]} {
    %mul3A = arith.constant 16 : i32
    %mul3A_0 = arith.muli %arg0, %mul3A : i32
    %add3A = arith.addi %mul3A_0, %arg1 : i32
    %mul3A_1 = arith.constant 80 : i32
    %mul3A_2 = arith.muli %add3A, %mul3A_1 : i32
    %sub3A = arith.constant 2500 : i32
    %sub3A_3 = arith.subi %sub3A, %mul3A_2 : i32
    %jit3A = arith.constant 0 : i32
    %jit3A_4 = arith.constant 80 : i32
    %max3A = arith.maxsi %jit3A, %sub3A_3 : i32
    %min3A = arith.minsi %jit3A_4, %max3A : i32
    %mul3A_5 = arith.constant 632 : i32
    %mul3A_6 = arith.muli %arg1, %mul3A_5 : i32
    %run_scoped3A = arith.constant 0 : i32
    "tpu.region"() ({
      %run_scoped3A_55 = tpu.sem_alloc : memref<!tpu.dma_semaphore, #tpu.memory_space<semaphore_mem>>
      %dma_start3A = arith.constant 0 : i32
      %dma_start3A_56 = arith.constant 0 : i32
      %dma_start3A_57 = tpu.memref_slice %arg9[%run_scoped3A, %dma_start3A, %dma_start3A_56] : memref<2x128x64xf32, #tpu.memory_space<vmem>> -> memref<1x128x64xf32, #tpu.memory_space<vmem>>
      %dma_start3A_58 = tpu.memref_squeeze %dma_start3A_57 : memref<1x128x64xf32, #tpu.memory_space<vmem>> -> memref<128x64xf32, #tpu.memory_space<vmem>>
      %dma_start3A_59 = arith.constant 0 : i32
      %dma_start3A_60 = arith.constant 0 : i32
      %dma_start3A_61 = tpu.memref_slice %arg9[%run_scoped3A, %dma_start3A_59, %dma_start3A_60] : memref<2x128x64xf32, #tpu.memory_space<vmem>> -> memref<1x128x64xf32, #tpu.memory_space<vmem>>
      %dma_start3A_62 = tpu.memref_squeeze %dma_start3A_61 : memref<1x128x64xf32, #tpu.memory_space<vmem>> -> memref<128x64xf32, #tpu.memory_space<vmem>>
      tpu.enqueue_dma source(%arg5 : memref<128x64xf32, #tpu.memory_space<hbm>>) target(%dma_start3A_62 : memref<128x64xf32, #tpu.memory_space<vmem>>) target_semaphore(%run_scoped3A_55 : memref<!tpu.dma_semaphore, #tpu.memory_space<semaphore_mem>>)
      %dma_wait3A = arith.constant 0 : i32
      %dma_wait3A_63 = arith.constant 0 : i32
      %dma_wait3A_64 = tpu.memref_slice %arg9[%run_scoped3A, %dma_wait3A, %dma_wait3A_63] : memref<2x128x64xf32, #tpu.memory_space<vmem>> -> memref<1x128x64xf32, #tpu.memory_space<vmem>>
      %dma_wait3A_65 = tpu.memref_squeeze %dma_wait3A_64 : memref<1x128x64xf32, #tpu.memory_space<vmem>> -> memref<128x64xf32, #tpu.memory_space<vmem>>
      %dma_wait3A_66 = arith.constant 0 : i32
      %dma_wait3A_67 = arith.constant 0 : i32
      %dma_wait3A_68 = tpu.memref_slice %arg9[%run_scoped3A, %dma_wait3A_66, %dma_wait3A_67] : memref<2x128x64xf32, #tpu.memory_space<vmem>> -> memref<1x128x64xf32, #tpu.memory_space<vmem>>
      %dma_wait3A_69 = tpu.memref_squeeze %dma_wait3A_68 : memref<1x128x64xf32, #tpu.memory_space<vmem>> -> memref<128x64xf32, #tpu.memory_space<vmem>>
      tpu.wait_dma2 semaphore(%run_scoped3A_55 : memref<!tpu.dma_semaphore, #tpu.memory_space<semaphore_mem>>) src(%arg5 : memref<128x64xf32, #tpu.memory_space<hbm>>) dst(%dma_wait3A_69 : memref<128x64xf32, #tpu.memory_space<vmem>>)
      tpu.yield
    }) : () -> ()
    %add3A_7 = arith.constant 0 : i32
    %add3A_8 = arith.addi %mul3A_6, %add3A_7 : i32
    %run_scoped3A_9 = arith.constant 0 : i32
    "tpu.region"() ({
      %run_scoped3A_55 = tpu.sem_alloc : memref<!tpu.dma_semaphore, #tpu.memory_space<semaphore_mem>>
      %dma_start3A = arith.constant 0 : i32
      %dma_start3A_56 = arith.constant 0 : i32
      %dma_start3A_57 = tpu.memref_slice %arg9[%run_scoped3A_9, %dma_start3A, %dma_start3A_56] : memref<2x128x64xf32, #tpu.memory_space<vmem>> -> memref<1x128x64xf32, #tpu.memory_space<vmem>>
      %dma_start3A_58 = tpu.memref_squeeze %dma_start3A_57 : memref<1x128x64xf32, #tpu.memory_space<vmem>> -> memref<128x64xf32, #tpu.memory_space<vmem>>
      %dma_start3A_59 = arith.constant 0 : i32
      %dma_start3A_60 = tpu.memref_slice %arg10[%add3A_8, %dma_start3A_59] : memref<10112x64xf32, #tpu.memory_space<vmem_shared>> -> memref<128x64xf32, #tpu.memory_space<vmem_shared>>
      %dma_start3A_61 = arith.constant 0 : i32
      %dma_start3A_62 = tpu.memref_slice %arg10[%add3A_8, %dma_start3A_61] : memref<10112x64xf32, #tpu.memory_space<vmem_shared>> -> memref<128x64xf32, #tpu.memory_space<vmem_shared>>
      %dma_start3A_63 = arith.constant 0 : i32
      %dma_start3A_64 = arith.constant 0 : i32
      %dma_start3A_65 = tpu.memref_slice %arg9[%run_scoped3A_9, %dma_start3A_63, %dma_start3A_64] : memref<2x128x64xf32, #tpu.memory_space<vmem>> -> memref<1x128x64xf32, #tpu.memory_space<vmem>>
      %dma_start3A_66 = tpu.memref_squeeze %dma_start3A_65 : memref<1x128x64xf32, #tpu.memory_space<vmem>> -> memref<128x64xf32, #tpu.memory_space<vmem>>
      tpu.enqueue_dma source(%dma_start3A_66 : memref<128x64xf32, #tpu.memory_space<vmem>>) target(%dma_start3A_62 : memref<128x64xf32, #tpu.memory_space<vmem_shared>>) target_semaphore(%run_scoped3A_55 : memref<!tpu.dma_semaphore, #tpu.memory_space<semaphore_mem>>)
      %dma_wait3A = arith.constant 0 : i32
      %dma_wait3A_67 = arith.constant 0 : i32
      %dma_wait3A_68 = tpu.memref_slice %arg9[%run_scoped3A_9, %dma_wait3A, %dma_wait3A_67] : memref<2x128x64xf32, #tpu.memory_space<vmem>> -> memref<1x128x64xf32, #tpu.memory_space<vmem>>
      %dma_wait3A_69 = tpu.memref_squeeze %dma_wait3A_68 : memref<1x128x64xf32, #tpu.memory_space<vmem>> -> memref<128x64xf32, #tpu.memory_space<vmem>>
      %dma_wait3A_70 = arith.constant 0 : i32
      %dma_wait3A_71 = tpu.memref_slice %arg10[%add3A_8, %dma_wait3A_70] : memref<10112x64xf32, #tpu.memory_space<vmem_shared>> -> memref<128x64xf32, #tpu.memory_space<vmem_shared>>
      %dma_wait3A_72 = arith.constant 0 : i32
      %dma_wait3A_73 = tpu.memref_slice %arg10[%add3A_8, %dma_wait3A_72] : memref<10112x64xf32, #tpu.memory_space<vmem_shared>> -> memref<128x64xf32, #tpu.memory_space<vmem_shared>>
      %dma_wait3A_74 = arith.constant 0 : i32
      %dma_wait3A_75 = arith.constant 0 : i32
      %dma_wait3A_76 = tpu.memref_slice %arg9[%run_scoped3A_9, %dma_wait3A_74, %dma_wait3A_75] : memref<2x128x64xf32, #tpu.memory_space<vmem>> -> memref<1x128x64xf32, #tpu.memory_space<vmem>>
      %dma_wait3A_77 = tpu.memref_squeeze %dma_wait3A_76 : memref<1x128x64xf32, #tpu.memory_space<vmem>> -> memref<128x64xf32, #tpu.memory_space<vmem>>
      tpu.wait_dma2 semaphore(%run_scoped3A_55 : memref<!tpu.dma_semaphore, #tpu.memory_space<semaphore_mem>>) src(%dma_wait3A_77 : memref<128x64xf32, #tpu.memory_space<vmem>>) dst(%dma_wait3A_73 : memref<128x64xf32, #tpu.memory_space<vmem_shared>>)
      tpu.yield
    }) : () -> ()
    %add3A_10 = arith.constant 128 : i32
    %add3A_11 = arith.addi %mul3A_6, %add3A_10 : i32
    %run_scoped3A_12 = arith.constant 0 : i32
    "tpu.region"() ({
      %run_scoped3A_55 = tpu.sem_alloc : memref<!tpu.dma_semaphore, #tpu.memory_space<semaphore_mem>>
      %dma_start3A = arith.constant 0 : i32
      %dma_start3A_56 = arith.constant 0 : i32
      %dma_start3A_57 = tpu.memref_slice %arg9[%run_scoped3A_12, %dma_start3A, %dma_start3A_56] : memref<2x128x64xf32, #tpu.memory_space<vmem>> -> memref<1x128x64xf32, #tpu.memory_space<vmem>>
      %dma_start3A_58 = tpu.memref_squeeze %dma_start3A_57 : memref<1x128x64xf32, #tpu.memory_space<vmem>> -> memref<128x64xf32, #tpu.memory_space<vmem>>
      %dma_start3A_59 = arith.constant 0 : i32
      %dma_start3A_60 = tpu.memref_slice %arg10[%add3A_11, %dma_start3A_59] : memref<10112x64xf32, #tpu.memory_space<vmem_shared>> -> memref<128x64xf32, #tpu.memory_space<vmem_shared>>
      %dma_start3A_61 = arith.constant 0 : i32
      %dma_start3A_62 = tpu.memref_slice %arg10[%add3A_11, %dma_start3A_61] : memref<10112x64xf32, #tpu.memory_space<vmem_shared>> -> memref<128x64xf32, #tpu.memory_space<vmem_shared>>
      %dma_start3A_63 = arith.constant 0 : i32
      %dma_start3A_64 = arith.constant 0 : i32
      %dma_start3A_65 = tpu.memref_slice %arg9[%run_scoped3A_12, %dma_start3A_63, %dma_start3A_64] : memref<2x128x64xf32, #tpu.memory_space<vmem>> -> memref<1x128x64xf32, #tpu.memory_space<vmem>>
      %dma_start3A_66 = tpu.memref_squeeze %dma_start3A_65 : memref<1x128x64xf32, #tpu.memory_space<vmem>> -> memref<128x64xf32, #tpu.memory_space<vmem>>
      tpu.enqueue_dma source(%dma_start3A_66 : memref<128x64xf32, #tpu.memory_space<vmem>>) target(%dma_start3A_62 : memref<128x64xf32, #tpu.memory_space<vmem_shared>>) target_semaphore(%run_scoped3A_55 : memref<!tpu.dma_semaphore, #tpu.memory_space<semaphore_mem>>)
      %dma_wait3A = arith.constant 0 : i32
      %dma_wait3A_67 = arith.constant 0 : i32
      %dma_wait3A_68 = tpu.memref_slice %arg9[%run_scoped3A_12, %dma_wait3A, %dma_wait3A_67] : memref<2x128x64xf32, #tpu.memory_space<vmem>> -> memref<1x128x64xf32, #tpu.memory_space<vmem>>
      %dma_wait3A_69 = tpu.memref_squeeze %dma_wait3A_68 : memref<1x128x64xf32, #tpu.memory_space<vmem>> -> memref<128x64xf32, #tpu.memory_space<vmem>>
      %dma_wait3A_70 = arith.constant 0 : i32
      %dma_wait3A_71 = tpu.memref_slice %arg10[%add3A_11, %dma_wait3A_70] : memref<10112x64xf32, #tpu.memory_space<vmem_shared>> -> memref<128x64xf32, #tpu.memory_space<vmem_shared>>
      %dma_wait3A_72 = arith.constant 0 : i32
      %dma_wait3A_73 = tpu.memref_slice %arg10[%add3A_11, %dma_wait3A_72] : memref<10112x64xf32, #tpu.memory_space<vmem_shared>> -> memref<128x64xf32, #tpu.memory_space<vmem_shared>>
      %dma_wait3A_74 = arith.constant 0 : i32
      %dma_wait3A_75 = arith.constant 0 : i32
      %dma_wait3A_76 = tpu.memref_slice %arg9[%run_scoped3A_12, %dma_wait3A_74, %dma_wait3A_75] : memref<2x128x64xf32, #tpu.memory_space<vmem>> -> memref<1x128x64xf32, #tpu.memory_space<vmem>>
      %dma_wait3A_77 = tpu.memref_squeeze %dma_wait3A_76 : memref<1x128x64xf32, #tpu.memory_space<vmem>> -> memref<128x64xf32, #tpu.memory_space<vmem>>
      tpu.wait_dma2 semaphore(%run_scoped3A_55 : memref<!tpu.dma_semaphore, #tpu.memory_space<semaphore_mem>>) src(%dma_wait3A_77 : memref<128x64xf32, #tpu.memory_space<vmem>>) dst(%dma_wait3A_73 : memref<128x64xf32, #tpu.memory_space<vmem_shared>>)
      tpu.yield
    }) : () -> ()
    %add3A_13 = arith.constant 256 : i32
    %add3A_14 = arith.addi %mul3A_6, %add3A_13 : i32
    %run_scoped3A_15 = arith.constant 0 : i32
    "tpu.region"() ({
      %run_scoped3A_55 = tpu.sem_alloc : memref<!tpu.dma_semaphore, #tpu.memory_space<semaphore_mem>>
      %dma_start3A = arith.constant 0 : i32
      %dma_start3A_56 = arith.constant 0 : i32
      %dma_start3A_57 = tpu.memref_slice %arg9[%run_scoped3A_15, %dma_start3A, %dma_start3A_56] : memref<2x128x64xf32, #tpu.memory_space<vmem>> -> memref<1x128x64xf32, #tpu.memory_space<vmem>>
      %dma_start3A_58 = tpu.memref_squeeze %dma_start3A_57 : memref<1x128x64xf32, #tpu.memory_space<vmem>> -> memref<128x64xf32, #tpu.memory_space<vmem>>
      %dma_start3A_59 = arith.constant 0 : i32
      %dma_start3A_60 = tpu.memref_slice %arg10[%add3A_14, %dma_start3A_59] : memref<10112x64xf32, #tpu.memory_space<vmem_shared>> -> memref<128x64xf32, #tpu.memory_space<vmem_shared>>
      %dma_start3A_61 = arith.constant 0 : i32
      %dma_start3A_62 = tpu.memref_slice %arg10[%add3A_14, %dma_start3A_61] : memref<10112x64xf32, #tpu.memory_space<vmem_shared>> -> memref<128x64xf32, #tpu.memory_space<vmem_shared>>
      %dma_start3A_63 = arith.constant 0 : i32
      %dma_start3A_64 = arith.constant 0 : i32
      %dma_start3A_65 = tpu.memref_slice %arg9[%run_scoped3A_15, %dma_start3A_63, %dma_start3A_64] : memref<2x128x64xf32, #tpu.memory_space<vmem>> -> memref<1x128x64xf32, #tpu.memory_space<vmem>>
      %dma_start3A_66 = tpu.memref_squeeze %dma_start3A_65 : memref<1x128x64xf32, #tpu.memory_space<vmem>> -> memref<128x64xf32, #tpu.memory_space<vmem>>
      tpu.enqueue_dma source(%dma_start3A_66 : memref<128x64xf32, #tpu.memory_space<vmem>>) target(%dma_start3A_62 : memref<128x64xf32, #tpu.memory_space<vmem_shared>>) target_semaphore(%run_scoped3A_55 : memref<!tpu.dma_semaphore, #tpu.memory_space<semaphore_mem>>)
      %dma_wait3A = arith.constant 0 : i32
      %dma_wait3A_67 = arith.constant 0 : i32
      %dma_wait3A_68 = tpu.memref_slice %arg9[%run_scoped3A_15, %dma_wait3A, %dma_wait3A_67] : memref<2x128x64xf32, #tpu.memory_space<vmem>> -> memref<1x128x64xf32, #tpu.memory_space<vmem>>
      %dma_wait3A_69 = tpu.memref_squeeze %dma_wait3A_68 : memref<1x128x64xf32, #tpu.memory_space<vmem>> -> memref<128x64xf32, #tpu.memory_space<vmem>>
      %dma_wait3A_70 = arith.constant 0 : i32
      %dma_wait3A_71 = tpu.memref_slice %arg10[%add3A_14, %dma_wait3A_70] : memref<10112x64xf32, #tpu.memory_space<vmem_shared>> -> memref<128x64xf32, #tpu.memory_space<vmem_shared>>
      %dma_wait3A_72 = arith.constant 0 : i32
      %dma_wait3A_73 = tpu.memref_slice %arg10[%add3A_14, %dma_wait3A_72] : memref<10112x64xf32, #tpu.memory_space<vmem_shared>> -> memref<128x64xf32, #tpu.memory_space<vmem_shared>>
      %dma_wait3A_74 = arith.constant 0 : i32
      %dma_wait3A_75 = arith.constant 0 : i32
      %dma_wait3A_76 = tpu.memref_slice %arg9[%run_scoped3A_15, %dma_wait3A_74, %dma_wait3A_75] : memref<2x128x64xf32, #tpu.memory_space<vmem>> -> memref<1x128x64xf32, #tpu.memory_space<vmem>>
      %dma_wait3A_77 = tpu.memref_squeeze %dma_wait3A_76 : memref<1x128x64xf32, #tpu.memory_space<vmem>> -> memref<128x64xf32, #tpu.memory_space<vmem>>
      tpu.wait_dma2 semaphore(%run_scoped3A_55 : memref<!tpu.dma_semaphore, #tpu.memory_space<semaphore_mem>>) src(%dma_wait3A_77 : memref<128x64xf32, #tpu.memory_space<vmem>>) dst(%dma_wait3A_73 : memref<128x64xf32, #tpu.memory_space<vmem_shared>>)
      tpu.yield
    }) : () -> ()
    %add3A_16 = arith.constant 384 : i32
    %add3A_17 = arith.addi %mul3A_6, %add3A_16 : i32
    %run_scoped3A_18 = arith.constant 0 : i32
    "tpu.region"() ({
      %run_scoped3A_55 = tpu.sem_alloc : memref<!tpu.dma_semaphore, #tpu.memory_space<semaphore_mem>>
      %dma_start3A = arith.constant 0 : i32
      %dma_start3A_56 = arith.constant 0 : i32
      %dma_start3A_57 = tpu.memref_slice %arg9[%run_scoped3A_18, %dma_start3A, %dma_start3A_56] : memref<2x128x64xf32, #tpu.memory_space<vmem>> -> memref<1x128x64xf32, #tpu.memory_space<vmem>>
      %dma_start3A_58 = tpu.memref_squeeze %dma_start3A_57 : memref<1x128x64xf32, #tpu.memory_space<vmem>> -> memref<128x64xf32, #tpu.memory_space<vmem>>
      %dma_start3A_59 = arith.constant 0 : i32
      %dma_start3A_60 = tpu.memref_slice %arg10[%add3A_17, %dma_start3A_59] : memref<10112x64xf32, #tpu.memory_space<vmem_shared>> -> memref<128x64xf32, #tpu.memory_space<vmem_shared>>
      %dma_start3A_61 = arith.constant 0 : i32
      %dma_start3A_62 = tpu.memref_slice %arg10[%add3A_17, %dma_start3A_61] : memref<10112x64xf32, #tpu.memory_space<vmem_shared>> -> memref<128x64xf32, #tpu.memory_space<vmem_shared>>
      %dma_start3A_63 = arith.constant 0 : i32
      %dma_start3A_64 = arith.constant 0 : i32
      %dma_start3A_65 = tpu.memref_slice %arg9[%run_scoped3A_18, %dma_start3A_63, %dma_start3A_64] : memref<2x128x64xf32, #tpu.memory_space<vmem>> -> memref<1x128x64xf32, #tpu.memory_space<vmem>>
      %dma_start3A_66 = tpu.memref_squeeze %dma_start3A_65 : memref<1x128x64xf32, #tpu.memory_space<vmem>> -> memref<128x64xf32, #tpu.memory_space<vmem>>
      tpu.enqueue_dma source(%dma_start3A_66 : memref<128x64xf32, #tpu.memory_space<vmem>>) target(%dma_start3A_62 : memref<128x64xf32, #tpu.memory_space<vmem_shared>>) target_semaphore(%run_scoped3A_55 : memref<!tpu.dma_semaphore, #tpu.memory_space<semaphore_mem>>)
      %dma_wait3A = arith.constant 0 : i32
      %dma_wait3A_67 = arith.constant 0 : i32
      %dma_wait3A_68 = tpu.memref_slice %arg9[%run_scoped3A_18, %dma_wait3A, %dma_wait3A_67] : memref<2x128x64xf32, #tpu.memory_space<vmem>> -> memref<1x128x64xf32, #tpu.memory_space<vmem>>
      %dma_wait3A_69 = tpu.memref_squeeze %dma_wait3A_68 : memref<1x128x64xf32, #tpu.memory_space<vmem>> -> memref<128x64xf32, #tpu.memory_space<vmem>>
      %dma_wait3A_70 = arith.constant 0 : i32
      %dma_wait3A_71 = tpu.memref_slice %arg10[%add3A_17, %dma_wait3A_70] : memref<10112x64xf32, #tpu.memory_space<vmem_shared>> -> memref<128x64xf32, #tpu.memory_space<vmem_shared>>
      %dma_wait3A_72 = arith.constant 0 : i32
      %dma_wait3A_73 = tpu.memref_slice %arg10[%add3A_17, %dma_wait3A_72] : memref<10112x64xf32, #tpu.memory_space<vmem_shared>> -> memref<128x64xf32, #tpu.memory_space<vmem_shared>>
      %dma_wait3A_74 = arith.constant 0 : i32
      %dma_wait3A_75 = arith.constant 0 : i32
      %dma_wait3A_76 = tpu.memref_slice %arg9[%run_scoped3A_18, %dma_wait3A_74, %dma_wait3A_75] : memref<2x128x64xf32, #tpu.memory_space<vmem>> -> memref<1x128x64xf32, #tpu.memory_space<vmem>>
      %dma_wait3A_77 = tpu.memref_squeeze %dma_wait3A_76 : memref<1x128x64xf32, #tpu.memory_space<vmem>> -> memref<128x64xf32, #tpu.memory_space<vmem>>
      tpu.wait_dma2 semaphore(%run_scoped3A_55 : memref<!tpu.dma_semaphore, #tpu.memory_space<semaphore_mem>>) src(%dma_wait3A_77 : memref<128x64xf32, #tpu.memory_space<vmem>>) dst(%dma_wait3A_73 : memref<128x64xf32, #tpu.memory_space<vmem_shared>>)
      tpu.yield
    }) : () -> ()
    %add3A_19 = arith.constant 512 : i32
    %add3A_20 = arith.addi %mul3A_6, %add3A_19 : i32
    %run_scoped3A_21 = arith.constant 0 : i32
    "tpu.region"() ({
      %run_scoped3A_55 = tpu.sem_alloc : memref<!tpu.dma_semaphore, #tpu.memory_space<semaphore_mem>>
      %dma_start3A = arith.constant 0 : i32
      %dma_start3A_56 = arith.constant 0 : i32
      %dma_start3A_57 = tpu.memref_slice %arg9[%run_scoped3A_21, %dma_start3A, %dma_start3A_56] : memref<2x128x64xf32, #tpu.memory_space<vmem>> -> memref<1x120x64xf32, #tpu.memory_space<vmem>>
      %dma_start3A_58 = tpu.memref_squeeze %dma_start3A_57 : memref<1x120x64xf32, #tpu.memory_space<vmem>> -> memref<120x64xf32, #tpu.memory_space<vmem>>
      %dma_start3A_59 = arith.constant 0 : i32
      %dma_start3A_60 = tpu.memref_slice %arg10[%add3A_20, %dma_start3A_59] : memref<10112x64xf32, #tpu.memory_space<vmem_shared>> -> memref<120x64xf32, #tpu.memory_space<vmem_shared>>
      %dma_start3A_61 = arith.constant 0 : i32
      %dma_start3A_62 = tpu.memref_slice %arg10[%add3A_20, %dma_start3A_61] : memref<10112x64xf32, #tpu.memory_space<vmem_shared>> -> memref<120x64xf32, #tpu.memory_space<vmem_shared>>
      %dma_start3A_63 = arith.constant 0 : i32
      %dma_start3A_64 = arith.constant 0 : i32
      %dma_start3A_65 = tpu.memref_slice %arg9[%run_scoped3A_21, %dma_start3A_63, %dma_start3A_64] : memref<2x128x64xf32, #tpu.memory_space<vmem>> -> memref<1x120x64xf32, #tpu.memory_space<vmem>>
      %dma_start3A_66 = tpu.memref_squeeze %dma_start3A_65 : memref<1x120x64xf32, #tpu.memory_space<vmem>> -> memref<120x64xf32, #tpu.memory_space<vmem>>
      tpu.enqueue_dma source(%dma_start3A_66 : memref<120x64xf32, #tpu.memory_space<vmem>>) target(%dma_start3A_62 : memref<120x64xf32, #tpu.memory_space<vmem_shared>>) target_semaphore(%run_scoped3A_55 : memref<!tpu.dma_semaphore, #tpu.memory_space<semaphore_mem>>)
      %dma_wait3A = arith.constant 0 : i32
      %dma_wait3A_67 = arith.constant 0 : i32
      %dma_wait3A_68 = tpu.memref_slice %arg9[%run_scoped3A_21, %dma_wait3A, %dma_wait3A_67] : memref<2x128x64xf32, #tpu.memory_space<vmem>> -> memref<1x120x64xf32, #tpu.memory_space<vmem>>
      %dma_wait3A_69 = tpu.memref_squeeze %dma_wait3A_68 : memref<1x120x64xf32, #tpu.memory_space<vmem>> -> memref<120x64xf32, #tpu.memory_space<vmem>>
      %dma_wait3A_70 = arith.constant 0 : i32
      %dma_wait3A_71 = tpu.memref_slice %arg10[%add3A_20, %dma_wait3A_70] : memref<10112x64xf32, #tpu.memory_space<vmem_shared>> -> memref<120x64xf32, #tpu.memory_space<vmem_shared>>
      %dma_wait3A_72 = arith.constant 0 : i32
      %dma_wait3A_73 = tpu.memref_slice %arg10[%add3A_20, %dma_wait3A_72] : memref<10112x64xf32, #tpu.memory_space<vmem_shared>> -> memref<120x64xf32, #tpu.memory_space<vmem_shared>>
      %dma_wait3A_74 = arith.constant 0 : i32
      %dma_wait3A_75 = arith.constant 0 : i32
      %dma_wait3A_76 = tpu.memref_slice %arg9[%run_scoped3A_21, %dma_wait3A_74, %dma_wait3A_75] : memref<2x128x64xf32, #tpu.memory_space<vmem>> -> memref<1x120x64xf32, #tpu.memory_space<vmem>>
      %dma_wait3A_77 = tpu.memref_squeeze %dma_wait3A_76 : memref<1x120x64xf32, #tpu.memory_space<vmem>> -> memref<120x64xf32, #tpu.memory_space<vmem>>
      tpu.wait_dma2 semaphore(%run_scoped3A_55 : memref<!tpu.dma_semaphore, #tpu.memory_space<semaphore_mem>>) src(%dma_wait3A_77 : memref<120x64xf32, #tpu.memory_space<vmem>>) dst(%dma_wait3A_73 : memref<120x64xf32, #tpu.memory_space<vmem_shared>>)
      tpu.yield
    }) : () -> ()
    %barrier3A = arith.constant 0 : index
    tpu.barrier barrier_id(%barrier3A)
    %gt3A = arith.constant 0 : i32
    %gt3A_22 = arith.cmpi sgt, %min3A, %gt3A : i32
    %convert_element_type3A = arith.extui %gt3A_22 : i1 to i32
    %cond3A = arith.constant 0 : i32
    %cond3A_23 = arith.cmpi ne, %convert_element_type3A, %cond3A : i32
    scf.if %cond3A_23 {
      %add3A_55 = arith.constant 0 : i32
      %add3A_56 = arith.addi %mul3A_2, %add3A_55 : i32
      %run_scoped3A_57 = arith.constant 0 : i32
      "tpu.region"() ({
        %run_scoped3A_96 = tpu.sem_alloc : memref<!tpu.dma_semaphore, #tpu.memory_space<semaphore_mem>>
        %dma_start3A_97 = arith.constant 0 : i32
        %dma_start3A_98 = arith.constant 0 : i32
        %dma_start3A_99 = tpu.memref_slice %arg7[%run_scoped3A_57, %dma_start3A_97, %dma_start3A_98] : memref<2x4x128xi32, #tpu.memory_space<vmem>> -> memref<1x4x128xi32, #tpu.memory_space<vmem>>
        %dma_start3A_100 = tpu.memref_squeeze %dma_start3A_99 : memref<1x4x128xi32, #tpu.memory_space<vmem>> -> memref<4x128xi32, #tpu.memory_space<vmem>>
        %dma_start3A_101 = arith.constant 0 : i32
        %dma_start3A_102 = tpu.memref_slice %arg3[%add3A_56, %dma_start3A_101] : memref<2560x128xi32, #tpu.memory_space<hbm>> -> memref<4x128xi32, #tpu.memory_space<hbm>>
        %dma_start3A_103 = arith.constant 0 : i32
        %dma_start3A_104 = arith.constant 0 : i32
        %dma_start3A_105 = tpu.memref_slice %arg7[%run_scoped3A_57, %dma_start3A_103, %dma_start3A_104] : memref<2x4x128xi32, #tpu.memory_space<vmem>> -> memref<1x4x128xi32, #tpu.memory_space<vmem>>
        %dma_start3A_106 = tpu.memref_squeeze %dma_start3A_105 : memref<1x4x128xi32, #tpu.memory_space<vmem>> -> memref<4x128xi32, #tpu.memory_space<vmem>>
        %dma_start3A_107 = arith.constant 0 : i32
        %dma_start3A_108 = tpu.memref_slice %arg3[%add3A_56, %dma_start3A_107] : memref<2560x128xi32, #tpu.memory_space<hbm>> -> memref<4x128xi32, #tpu.memory_space<hbm>>
        tpu.enqueue_dma source(%dma_start3A_108 : memref<4x128xi32, #tpu.memory_space<hbm>>) target(%dma_start3A_106 : memref<4x128xi32, #tpu.memory_space<vmem>>) target_semaphore(%run_scoped3A_96 : memref<!tpu.dma_semaphore, #tpu.memory_space<semaphore_mem>>)
        %dma_wait3A = arith.constant 0 : i32
        %dma_wait3A_109 = arith.constant 0 : i32
        %dma_wait3A_110 = tpu.memref_slice %arg7[%run_scoped3A_57, %dma_wait3A, %dma_wait3A_109] : memref<2x4x128xi32, #tpu.memory_space<vmem>> -> memref<1x4x128xi32, #tpu.memory_space<vmem>>
        %dma_wait3A_111 = tpu.memref_squeeze %dma_wait3A_110 : memref<1x4x128xi32, #tpu.memory_space<vmem>> -> memref<4x128xi32, #tpu.memory_space<vmem>>
        %dma_wait3A_112 = arith.constant 0 : i32
        %dma_wait3A_113 = tpu.memref_slice %arg3[%add3A_56, %dma_wait3A_112] : memref<2560x128xi32, #tpu.memory_space<hbm>> -> memref<4x128xi32, #tpu.memory_space<hbm>>
        %dma_wait3A_114 = arith.constant 0 : i32
        %dma_wait3A_115 = arith.constant 0 : i32
        %dma_wait3A_116 = tpu.memref_slice %arg7[%run_scoped3A_57, %dma_wait3A_114, %dma_wait3A_115] : memref<2x4x128xi32, #tpu.memory_space<vmem>> -> memref<1x4x128xi32, #tpu.memory_space<vmem>>
        %dma_wait3A_117 = tpu.memref_squeeze %dma_wait3A_116 : memref<1x4x128xi32, #tpu.memory_space<vmem>> -> memref<4x128xi32, #tpu.memory_space<vmem>>
        %dma_wait3A_118 = arith.constant 0 : i32
        %dma_wait3A_119 = tpu.memref_slice %arg3[%add3A_56, %dma_wait3A_118] : memref<2560x128xi32, #tpu.memory_space<hbm>> -> memref<4x128xi32, #tpu.memory_space<hbm>>
        tpu.wait_dma2 semaphore(%run_scoped3A_96 : memref<!tpu.dma_semaphore, #tpu.memory_space<semaphore_mem>>) src(%dma_wait3A_119 : memref<4x128xi32, #tpu.memory_space<hbm>>) dst(%dma_wait3A_117 : memref<4x128xi32, #tpu.memory_space<vmem>>)
        tpu.yield
      }) : () -> ()
      %add3A_58 = arith.constant 0 : i32
      %add3A_59 = arith.addi %mul3A_2, %add3A_58 : i32
      %run_scoped3A_60 = arith.constant 0 : i32
      "tpu.region"() ({
        %run_scoped3A_96 = tpu.sem_alloc : memref<!tpu.dma_semaphore, #tpu.memory_space<semaphore_mem>>
        %dma_start3A_97 = arith.constant 0 : i32
        %dma_start3A_98 = arith.constant 0 : i32
        %dma_start3A_99 = tpu.memref_slice %arg8[%run_scoped3A_60, %dma_start3A_97, %dma_start3A_98] : memref<2x4x128xi32, #tpu.memory_space<vmem>> -> memref<1x4x128xi32, #tpu.memory_space<vmem>>
        %dma_start3A_100 = tpu.memref_squeeze %dma_start3A_99 : memref<1x4x128xi32, #tpu.memory_space<vmem>> -> memref<4x128xi32, #tpu.memory_space<vmem>>
        %dma_start3A_101 = arith.constant 0 : i32
        %dma_start3A_102 = tpu.memref_slice %arg4[%add3A_59, %dma_start3A_101] : memref<2560x128xi32, #tpu.memory_space<hbm>> -> memref<4x128xi32, #tpu.memory_space<hbm>>
        %dma_start3A_103 = arith.constant 0 : i32
        %dma_start3A_104 = arith.constant 0 : i32
        %dma_start3A_105 = tpu.memref_slice %arg8[%run_scoped3A_60, %dma_start3A_103, %dma_start3A_104] : memref<2x4x128xi32, #tpu.memory_space<vmem>> -> memref<1x4x128xi32, #tpu.memory_space<vmem>>
        %dma_start3A_106 = tpu.memref_squeeze %dma_start3A_105 : memref<1x4x128xi32, #tpu.memory_space<vmem>> -> memref<4x128xi32, #tpu.memory_space<vmem>>
        %dma_start3A_107 = arith.constant 0 : i32
        %dma_start3A_108 = tpu.memref_slice %arg4[%add3A_59, %dma_start3A_107] : memref<2560x128xi32, #tpu.memory_space<hbm>> -> memref<4x128xi32, #tpu.memory_space<hbm>>
        tpu.enqueue_dma source(%dma_start3A_108 : memref<4x128xi32, #tpu.memory_space<hbm>>) target(%dma_start3A_106 : memref<4x128xi32, #tpu.memory_space<vmem>>) target_semaphore(%run_scoped3A_96 : memref<!tpu.dma_semaphore, #tpu.memory_space<semaphore_mem>>)
        %dma_wait3A = arith.constant 0 : i32
        %dma_wait3A_109 = arith.constant 0 : i32
        %dma_wait3A_110 = tpu.memref_slice %arg8[%run_scoped3A_60, %dma_wait3A, %dma_wait3A_109] : memref<2x4x128xi32, #tpu.memory_space<vmem>> -> memref<1x4x128xi32, #tpu.memory_space<vmem>>
        %dma_wait3A_111 = tpu.memref_squeeze %dma_wait3A_110 : memref<1x4x128xi32, #tpu.memory_space<vmem>> -> memref<4x128xi32, #tpu.memory_space<vmem>>
        %dma_wait3A_112 = arith.constant 0 : i32
        %dma_wait3A_113 = tpu.memref_slice %arg4[%add3A_59, %dma_wait3A_112] : memref<2560x128xi32, #tpu.memory_space<hbm>> -> memref<4x128xi32, #tpu.memory_space<hbm>>
        %dma_wait3A_114 = arith.constant 0 : i32
        %dma_wait3A_115 = arith.constant 0 : i32
        %dma_wait3A_116 = tpu.memref_slice %arg8[%run_scoped3A_60, %dma_wait3A_114, %dma_wait3A_115] : memref<2x4x128xi32, #tpu.memory_space<vmem>> -> memref<1x4x128xi32, #tpu.memory_space<vmem>>
        %dma_wait3A_117 = tpu.memref_squeeze %dma_wait3A_116 : memref<1x4x128xi32, #tpu.memory_space<vmem>> -> memref<4x128xi32, #tpu.memory_space<vmem>>
        %dma_wait3A_118 = arith.constant 0 : i32
        %dma_wait3A_119 = tpu.memref_slice %arg4[%add3A_59, %dma_wait3A_118] : memref<2560x128xi32, #tpu.memory_space<hbm>> -> memref<4x128xi32, #tpu.memory_space<hbm>>
        tpu.wait_dma2 semaphore(%run_scoped3A_96 : memref<!tpu.dma_semaphore, #tpu.memory_space<semaphore_mem>>) src(%dma_wait3A_119 : memref<4x128xi32, #tpu.memory_space<hbm>>) dst(%dma_wait3A_117 : memref<4x128xi32, #tpu.memory_space<vmem>>)
        tpu.yield
      }) : () -> ()
      %dma_start3A = arith.constant 0 : i32
      %dma_start3A_61 = arith.constant 0 : i32
      %dma_start3A_62 = arith.constant 0 : i32
      %dma_start3A_63 = arith.constant 0 : i32
      %dma_start3A_64 = arith.constant 0 : i32
      %dma_start3A_65 = tpu.memref_slice %arg9[%dma_start3A_62, %dma_start3A_63, %dma_start3A_64] : memref<2x128x64xf32, #tpu.memory_space<vmem>> -> memref<1x128x64xf32, #tpu.memory_space<vmem>>
      %dma_start3A_66 = tpu.memref_squeeze %dma_start3A_65 : memref<1x128x64xf32, #tpu.memory_space<vmem>> -> memref<128x64xf32, #tpu.memory_space<vmem>>
      %dma_start3A_67 = arith.constant 0 : i32
      %dma_start3A_68 = tpu.memref_slice %arg7[%dma_start3A, %dma_start3A_61, %dma_start3A_67] : memref<2x4x128xi32, #tpu.memory_space<vmem>> -> memref<1x1x128xi32, #tpu.memory_space<vmem>>
      %dma_start3A_69 = tpu.memref_squeeze %dma_start3A_68 : memref<1x1x128xi32, #tpu.memory_space<vmem>> -> memref<128xi32, #tpu.memory_space<vmem>>
      %dma_start3A_70 = arith.constant 0 : i32
      %dma_start3A_71 = arith.constant 0 : i32
      %dma_start3A_72 = tpu.memref_slice %arg2[%dma_start3A_70, %dma_start3A_71] : memref<10000x64xf32, #tpu.memory_space<hbm>> -> memref<10000x64xf32, #tpu.memory_space<hbm>>
      tpu.enqueue_indirect_dma source(%dma_start3A_72 : memref<10000x64xf32, #tpu.memory_space<hbm>>) target(%dma_start3A_66 : memref<128x64xf32, #tpu.memory_space<vmem>>) offsets(%dma_start3A_69 : memref<128xi32, #tpu.memory_space<vmem>>) semaphore(%arg11 : memref<!tpu.dma_semaphore, #tpu.memory_space<semaphore_mem>>)
      %while3A = arith.constant 0 : i32
      %while3A_73 = arith.constant 0 : i32
      %while3A_74 = arith.subi %min3A, %while3A_73 : i32
      %while3A_75 = arith.addi %while3A_73, %while3A_74 : i32
      %while3A_76 = arith.constant 1 : i32
      %while3A_77 = arith.divsi %while3A_74, %while3A_76 : i32
      %while3A_78 = arith.muli %while3A_77, %while3A_76 : i32
      %while3A_79 = arith.addi %while3A_73, %while3A_78 : i32
      %while3A_80 = arith.constant 1 : i32
      scf.for %while3A_96 = %while3A_73 to %while3A_79 step %while3A_80  : i32 {
        %add3A_97 = arith.constant 1 : i32
        %add3A_98 = arith.addi %while3A_96, %add3A_97 : i32
        %jit3A_99 = arith.constant 4 : i32
        %eq3A_100 = arith.constant 0 : i32
        %eq3A_101 = arith.cmpi eq, %jit3A_99, %eq3A_100 : i32
        %jit3A_102 = arith.constant 1 : i32
        %select_n3A = arith.select %eq3A_101, %jit3A_102, %jit3A_99 : i32
        %rem3A = arith.remsi %add3A_98, %select_n3A : i32
        %ne3A = arith.constant 0 : i32
        %ne3A_103 = arith.cmpi ne, %rem3A, %ne3A : i32
        %lt3A = arith.constant 0 : i32
        %lt3A_104 = arith.cmpi slt, %rem3A, %lt3A : i32
        %lt3A_105 = arith.constant 0 : i32
        %lt3A_106 = arith.cmpi slt, %select_n3A, %lt3A_105 : i32
        %ne3A_107 = arith.xori %lt3A_104, %lt3A_106 : i1
        %and3A_108 = arith.andi %ne3A_107, %ne3A_103 : i1
        %add3A_109 = arith.addi %rem3A, %select_n3A : i32
        %select_n3A_110 = arith.select %and3A_108, %add3A_109, %rem3A : i32
        %eq3A_111 = arith.constant 0 : i32
        %eq3A_112 = arith.cmpi eq, %select_n3A_110, %eq3A_111 : i32
        %add3A_113 = arith.constant 1 : i32
        %add3A_114 = arith.addi %while3A_96, %add3A_113 : i32
        %lt3A_115 = arith.cmpi slt, %add3A_114, %min3A : i32
        %and3A_116 = arith.andi %eq3A_112, %lt3A_115 : i1
        %convert_element_type3A_117 = arith.extui %and3A_116 : i1 to i32
        %cond3A_118 = arith.constant 0 : i32
        %cond3A_119 = arith.cmpi ne, %convert_element_type3A_117, %cond3A_118 : i32
        scf.if %cond3A_119 {
          %add3A_134 = arith.constant 1 : i32
          %add3A_135 = arith.addi %while3A_96, %add3A_134 : i32
          %jit3A_136 = arith.constant 4 : i32
          %div3A = arith.divsi %add3A_135, %jit3A_136 : i32
          %sign3A = arith.constant 0 : i32
          %sign3A_137 = arith.cmpi sgt, %add3A_135, %sign3A : i32
          %sign3A_138 = arith.extui %sign3A_137 : i1 to i32
          %sign3A_139 = arith.constant 0 : i32
          %sign3A_140 = arith.cmpi slt, %add3A_135, %sign3A_139 : i32
          %sign3A_141 = arith.extui %sign3A_140 : i1 to i32
          %sign3A_142 = arith.subi %sign3A_138, %sign3A_141 : i32
          %sign3A_143 = arith.constant 0 : i32
          %sign3A_144 = arith.cmpi sgt, %jit3A_136, %sign3A_143 : i32
          %sign3A_145 = arith.extui %sign3A_144 : i1 to i32
          %sign3A_146 = arith.constant 0 : i32
          %sign3A_147 = arith.cmpi slt, %jit3A_136, %sign3A_146 : i32
          %sign3A_148 = arith.extui %sign3A_147 : i1 to i32
          %sign3A_149 = arith.subi %sign3A_145, %sign3A_148 : i32
          %ne3A_150 = arith.cmpi ne, %sign3A_142, %sign3A_149 : i32
          %rem3A_151 = arith.remsi %add3A_135, %jit3A_136 : i32
          %ne3A_152 = arith.constant 0 : i32
          %ne3A_153 = arith.cmpi ne, %rem3A_151, %ne3A_152 : i32
          %and3A_154 = arith.andi %ne3A_150, %ne3A_153 : i1
          %sub3A_155 = arith.constant 1 : i32
          %sub3A_156 = arith.subi %div3A, %sub3A_155 : i32
          %select_n3A_157 = arith.select %and3A_154, %sub3A_156, %div3A : i32
          %and3A_158 = arith.constant 1 : i32
          %and3A_159 = arith.andi %select_n3A_157, %and3A_158 : i32
          %mul3A_160 = arith.constant 4 : i32
          %mul3A_161 = arith.muli %select_n3A_157, %mul3A_160 : i32
          %add3A_162 = arith.addi %mul3A_2, %mul3A_161 : i32
          "tpu.region"() ({
            %run_scoped3A_166 = tpu.sem_alloc : memref<!tpu.dma_semaphore, #tpu.memory_space<semaphore_mem>>
            %dma_start3A_167 = arith.constant 0 : i32
            %dma_start3A_168 = arith.constant 0 : i32
            %dma_start3A_169 = tpu.memref_slice %arg7[%and3A_159, %dma_start3A_167, %dma_start3A_168] : memref<2x4x128xi32, #tpu.memory_space<vmem>> -> memref<1x4x128xi32, #tpu.memory_space<vmem>>
            %dma_start3A_170 = tpu.memref_squeeze %dma_start3A_169 : memref<1x4x128xi32, #tpu.memory_space<vmem>> -> memref<4x128xi32, #tpu.memory_space<vmem>>
            %dma_start3A_171 = arith.constant 0 : i32
            %dma_start3A_172 = tpu.memref_slice %arg3[%add3A_162, %dma_start3A_171] : memref<2560x128xi32, #tpu.memory_space<hbm>> -> memref<4x128xi32, #tpu.memory_space<hbm>>
            %dma_start3A_173 = arith.constant 0 : i32
            %dma_start3A_174 = arith.constant 0 : i32
            %dma_start3A_175 = tpu.memref_slice %arg7[%and3A_159, %dma_start3A_173, %dma_start3A_174] : memref<2x4x128xi32, #tpu.memory_space<vmem>> -> memref<1x4x128xi32, #tpu.memory_space<vmem>>
            %dma_start3A_176 = tpu.memref_squeeze %dma_start3A_175 : memref<1x4x128xi32, #tpu.memory_space<vmem>> -> memref<4x128xi32, #tpu.memory_space<vmem>>
            %dma_start3A_177 = arith.constant 0 : i32
            %dma_start3A_178 = tpu.memref_slice %arg3[%add3A_162, %dma_start3A_177] : memref<2560x128xi32, #tpu.memory_space<hbm>> -> memref<4x128xi32, #tpu.memory_space<hbm>>
            tpu.enqueue_dma source(%dma_start3A_178 : memref<4x128xi32, #tpu.memory_space<hbm>>) target(%dma_start3A_176 : memref<4x128xi32, #tpu.memory_space<vmem>>) target_semaphore(%run_scoped3A_166 : memref<!tpu.dma_semaphore, #tpu.memory_space<semaphore_mem>>)
            %dma_wait3A = arith.constant 0 : i32
            %dma_wait3A_179 = arith.constant 0 : i32
            %dma_wait3A_180 = tpu.memref_slice %arg7[%and3A_159, %dma_wait3A, %dma_wait3A_179] : memref<2x4x128xi32, #tpu.memory_space<vmem>> -> memref<1x4x128xi32, #tpu.memory_space<vmem>>
            %dma_wait3A_181 = tpu.memref_squeeze %dma_wait3A_180 : memref<1x4x128xi32, #tpu.memory_space<vmem>> -> memref<4x128xi32, #tpu.memory_space<vmem>>
            %dma_wait3A_182 = arith.constant 0 : i32
            %dma_wait3A_183 = tpu.memref_slice %arg3[%add3A_162, %dma_wait3A_182] : memref<2560x128xi32, #tpu.memory_space<hbm>> -> memref<4x128xi32, #tpu.memory_space<hbm>>
            %dma_wait3A_184 = arith.constant 0 : i32
            %dma_wait3A_185 = arith.constant 0 : i32
            %dma_wait3A_186 = tpu.memref_slice %arg7[%and3A_159, %dma_wait3A_184, %dma_wait3A_185] : memref<2x4x128xi32, #tpu.memory_space<vmem>> -> memref<1x4x128xi32, #tpu.memory_space<vmem>>
            %dma_wait3A_187 = tpu.memref_squeeze %dma_wait3A_186 : memref<1x4x128xi32, #tpu.memory_space<vmem>> -> memref<4x128xi32, #tpu.memory_space<vmem>>
            %dma_wait3A_188 = arith.constant 0 : i32
            %dma_wait3A_189 = tpu.memref_slice %arg3[%add3A_162, %dma_wait3A_188] : memref<2560x128xi32, #tpu.memory_space<hbm>> -> memref<4x128xi32, #tpu.memory_space<hbm>>
            tpu.wait_dma2 semaphore(%run_scoped3A_166 : memref<!tpu.dma_semaphore, #tpu.memory_space<semaphore_mem>>) src(%dma_wait3A_189 : memref<4x128xi32, #tpu.memory_space<hbm>>) dst(%dma_wait3A_187 : memref<4x128xi32, #tpu.memory_space<vmem>>)
            tpu.yield
          }) : () -> ()
          %mul3A_163 = arith.constant 4 : i32
          %mul3A_164 = arith.muli %select_n3A_157, %mul3A_163 : i32
          %add3A_165 = arith.addi %mul3A_2, %mul3A_164 : i32
          "tpu.region"() ({
            %run_scoped3A_166 = tpu.sem_alloc : memref<!tpu.dma_semaphore, #tpu.memory_space<semaphore_mem>>
            %dma_start3A_167 = arith.constant 0 : i32
            %dma_start3A_168 = arith.constant 0 : i32
            %dma_start3A_169 = tpu.memref_slice %arg8[%and3A_159, %dma_start3A_167, %dma_start3A_168] : memref<2x4x128xi32, #tpu.memory_space<vmem>> -> memref<1x4x128xi32, #tpu.memory_space<vmem>>
            %dma_start3A_170 = tpu.memref_squeeze %dma_start3A_169 : memref<1x4x128xi32, #tpu.memory_space<vmem>> -> memref<4x128xi32, #tpu.memory_space<vmem>>
            %dma_start3A_171 = arith.constant 0 : i32
            %dma_start3A_172 = tpu.memref_slice %arg4[%add3A_165, %dma_start3A_171] : memref<2560x128xi32, #tpu.memory_space<hbm>> -> memref<4x128xi32, #tpu.memory_space<hbm>>
            %dma_start3A_173 = arith.constant 0 : i32
            %dma_start3A_174 = arith.constant 0 : i32
            %dma_start3A_175 = tpu.memref_slice %arg8[%and3A_159, %dma_start3A_173, %dma_start3A_174] : memref<2x4x128xi32, #tpu.memory_space<vmem>> -> memref<1x4x128xi32, #tpu.memory_space<vmem>>
            %dma_start3A_176 = tpu.memref_squeeze %dma_start3A_175 : memref<1x4x128xi32, #tpu.memory_space<vmem>> -> memref<4x128xi32, #tpu.memory_space<vmem>>
            %dma_start3A_177 = arith.constant 0 : i32
            %dma_start3A_178 = tpu.memref_slice %arg4[%add3A_165, %dma_start3A_177] : memref<2560x128xi32, #tpu.memory_space<hbm>> -> memref<4x128xi32, #tpu.memory_space<hbm>>
            tpu.enqueue_dma source(%dma_start3A_178 : memref<4x128xi32, #tpu.memory_space<hbm>>) target(%dma_start3A_176 : memref<4x128xi32, #tpu.memory_space<vmem>>) target_semaphore(%run_scoped3A_166 : memref<!tpu.dma_semaphore, #tpu.memory_space<semaphore_mem>>)
            %dma_wait3A = arith.constant 0 : i32
            %dma_wait3A_179 = arith.constant 0 : i32
            %dma_wait3A_180 = tpu.memref_slice %arg8[%and3A_159, %dma_wait3A, %dma_wait3A_179] : memref<2x4x128xi32, #tpu.memory_space<vmem>> -> memref<1x4x128xi32, #tpu.memory_space<vmem>>
            %dma_wait3A_181 = tpu.memref_squeeze %dma_wait3A_180 : memref<1x4x128xi32, #tpu.memory_space<vmem>> -> memref<4x128xi32, #tpu.memory_space<vmem>>
            %dma_wait3A_182 = arith.constant 0 : i32
            %dma_wait3A_183 = tpu.memref_slice %arg4[%add3A_165, %dma_wait3A_182] : memref<2560x128xi32, #tpu.memory_space<hbm>> -> memref<4x128xi32, #tpu.memory_space<hbm>>
            %dma_wait3A_184 = arith.constant 0 : i32
            %dma_wait3A_185 = arith.constant 0 : i32
            %dma_wait3A_186 = tpu.memref_slice %arg8[%and3A_159, %dma_wait3A_184, %dma_wait3A_185] : memref<2x4x128xi32, #tpu.memory_space<vmem>> -> memref<1x4x128xi32, #tpu.memory_space<vmem>>
            %dma_wait3A_187 = tpu.memref_squeeze %dma_wait3A_186 : memref<1x4x128xi32, #tpu.memory_space<vmem>> -> memref<4x128xi32, #tpu.memory_space<vmem>>
            %dma_wait3A_188 = arith.constant 0 : i32
            %dma_wait3A_189 = tpu.memref_slice %arg4[%add3A_165, %dma_wait3A_188] : memref<2560x128xi32, #tpu.memory_space<hbm>> -> memref<4x128xi32, #tpu.memory_space<hbm>>
            tpu.wait_dma2 semaphore(%run_scoped3A_166 : memref<!tpu.dma_semaphore, #tpu.memory_space<semaphore_mem>>) src(%dma_wait3A_189 : memref<4x128xi32, #tpu.memory_space<hbm>>) dst(%dma_wait3A_187 : memref<4x128xi32, #tpu.memory_space<vmem>>)
            tpu.yield
          }) : () -> ()
        } else {
        }
        %and3A_120 = arith.constant 1 : i32
        %and3A_121 = arith.andi %while3A_96, %and3A_120 : i32
        %eq3A_122 = arith.constant 0 : i32
        %eq3A_123 = arith.cmpi eq, %and3A_121, %eq3A_122 : i32
        %convert_element_type3A_124 = arith.extui %eq3A_123 : i1 to i32
        %cond3A_125 = arith.constant 0 : i32
        %cond3A_126 = arith.cmpi ne, %convert_element_type3A_124, %cond3A_125 : i32
        scf.if %cond3A_126 {
          %jit3A_134 = arith.constant 4 : i32
          %div3A = arith.divsi %while3A_96, %jit3A_134 : i32
          %sign3A = arith.constant 0 : i32
          %sign3A_135 = arith.cmpi sgt, %while3A_96, %sign3A : i32
          %sign3A_136 = arith.extui %sign3A_135 : i1 to i32
          %sign3A_137 = arith.constant 0 : i32
          %sign3A_138 = arith.cmpi slt, %while3A_96, %sign3A_137 : i32
          %sign3A_139 = arith.extui %sign3A_138 : i1 to i32
          %sign3A_140 = arith.subi %sign3A_136, %sign3A_139 : i32
          %sign3A_141 = arith.constant 0 : i32
          %sign3A_142 = arith.cmpi sgt, %jit3A_134, %sign3A_141 : i32
          %sign3A_143 = arith.extui %sign3A_142 : i1 to i32
          %sign3A_144 = arith.constant 0 : i32
          %sign3A_145 = arith.cmpi slt, %jit3A_134, %sign3A_144 : i32
          %sign3A_146 = arith.extui %sign3A_145 : i1 to i32
          %sign3A_147 = arith.subi %sign3A_143, %sign3A_146 : i32
          %ne3A_148 = arith.cmpi ne, %sign3A_140, %sign3A_147 : i32
          %rem3A_149 = arith.remsi %while3A_96, %jit3A_134 : i32
          %ne3A_150 = arith.constant 0 : i32
          %ne3A_151 = arith.cmpi ne, %rem3A_149, %ne3A_150 : i32
          %and3A_152 = arith.andi %ne3A_148, %ne3A_151 : i1
          %sub3A_153 = arith.constant 1 : i32
          %sub3A_154 = arith.subi %div3A, %sub3A_153 : i32
          %select_n3A_155 = arith.select %and3A_152, %sub3A_154, %div3A : i32
          %and3A_156 = arith.constant 1 : i32
          %and3A_157 = arith.andi %select_n3A_155, %and3A_156 : i32
          %jit3A_158 = arith.constant 4 : i32
          %eq3A_159 = arith.constant 0 : i32
          %eq3A_160 = arith.cmpi eq, %jit3A_158, %eq3A_159 : i32
          %jit3A_161 = arith.constant 1 : i32
          %select_n3A_162 = arith.select %eq3A_160, %jit3A_161, %jit3A_158 : i32
          %rem3A_163 = arith.remsi %while3A_96, %select_n3A_162 : i32
          %ne3A_164 = arith.constant 0 : i32
          %ne3A_165 = arith.cmpi ne, %rem3A_163, %ne3A_164 : i32
          %lt3A_166 = arith.constant 0 : i32
          %lt3A_167 = arith.cmpi slt, %rem3A_163, %lt3A_166 : i32
          %lt3A_168 = arith.constant 0 : i32
          %lt3A_169 = arith.cmpi slt, %select_n3A_162, %lt3A_168 : i32
          %ne3A_170 = arith.xori %lt3A_167, %lt3A_169 : i1
          %and3A_171 = arith.andi %ne3A_170, %ne3A_165 : i1
          %add3A_172 = arith.addi %rem3A_163, %select_n3A_162 : i32
          %select_n3A_173 = arith.select %and3A_171, %add3A_172, %rem3A_163 : i32
          %dma_wait3A = arith.constant 0 : i32
          %dma_wait3A_174 = arith.constant 0 : i32
          %dma_wait3A_175 = arith.constant 0 : i32
          %dma_wait3A_176 = tpu.memref_slice %arg9[%dma_wait3A, %dma_wait3A_174, %dma_wait3A_175] : memref<2x128x64xf32, #tpu.memory_space<vmem>> -> memref<1x128x64xf32, #tpu.memory_space<vmem>>
          %dma_wait3A_177 = tpu.memref_squeeze %dma_wait3A_176 : memref<1x128x64xf32, #tpu.memory_space<vmem>> -> memref<128x64xf32, #tpu.memory_space<vmem>>
          %dma_wait3A_178 = arith.constant 0 : i32
          %dma_wait3A_179 = tpu.memref_slice %arg7[%and3A_157, %select_n3A_173, %dma_wait3A_178] : memref<2x4x128xi32, #tpu.memory_space<vmem>> -> memref<1x1x128xi32, #tpu.memory_space<vmem>>
          %dma_wait3A_180 = tpu.memref_squeeze %dma_wait3A_179 : memref<1x1x128xi32, #tpu.memory_space<vmem>> -> memref<128xi32, #tpu.memory_space<vmem>>
          %dma_wait3A_181 = arith.constant 0 : i32
          %dma_wait3A_182 = arith.constant 0 : i32
          %dma_wait3A_183 = tpu.memref_slice %arg2[%dma_wait3A_181, %dma_wait3A_182] : memref<10000x64xf32, #tpu.memory_space<hbm>> -> memref<10000x64xf32, #tpu.memory_space<hbm>>
          tpu.wait_indirect_dma semaphore(%arg11 : memref<!tpu.dma_semaphore, #tpu.memory_space<semaphore_mem>>) src(%dma_wait3A_183 : memref<10000x64xf32, #tpu.memory_space<hbm>>) dst(%dma_wait3A_177 : memref<128x64xf32, #tpu.memory_space<vmem>>)
          %add3A_184 = arith.constant 1 : i32
          %add3A_185 = arith.addi %while3A_96, %add3A_184 : i32
          %lt3A_186 = arith.cmpi slt, %add3A_185, %min3A : i32
          %convert_element_type3A_187 = arith.extui %lt3A_186 : i1 to i32
          %cond3A_188 = arith.constant 0 : i32
          %cond3A_189 = arith.cmpi ne, %convert_element_type3A_187, %cond3A_188 : i32
          scf.if %cond3A_189 {
            %ge3A = arith.constant 1 : i32
            %ge3A_243 = arith.cmpi sge, %while3A_96, %ge3A : i32
            %convert_element_type3A_244 = arith.extui %ge3A_243 : i1 to i32
            %cond3A_245 = arith.constant 0 : i32
            %cond3A_246 = arith.cmpi ne, %convert_element_type3A_244, %cond3A_245 : i32
            scf.if %cond3A_246 {
              %sub3A_302 = arith.constant 1 : i32
              %sub3A_303 = arith.subi %while3A_96, %sub3A_302 : i32
              %jit3A_304 = arith.constant 4 : i32
              %div3A_305 = arith.divsi %sub3A_303, %jit3A_304 : i32
              %sign3A_306 = arith.constant 0 : i32
              %sign3A_307 = arith.cmpi sgt, %sub3A_303, %sign3A_306 : i32
              %sign3A_308 = arith.extui %sign3A_307 : i1 to i32
              %sign3A_309 = arith.constant 0 : i32
              %sign3A_310 = arith.cmpi slt, %sub3A_303, %sign3A_309 : i32
              %sign3A_311 = arith.extui %sign3A_310 : i1 to i32
              %sign3A_312 = arith.subi %sign3A_308, %sign3A_311 : i32
              %sign3A_313 = arith.constant 0 : i32
              %sign3A_314 = arith.cmpi sgt, %jit3A_304, %sign3A_313 : i32
              %sign3A_315 = arith.extui %sign3A_314 : i1 to i32
              %sign3A_316 = arith.constant 0 : i32
              %sign3A_317 = arith.cmpi slt, %jit3A_304, %sign3A_316 : i32
              %sign3A_318 = arith.extui %sign3A_317 : i1 to i32
              %sign3A_319 = arith.subi %sign3A_315, %sign3A_318 : i32
              %ne3A_320 = arith.cmpi ne, %sign3A_312, %sign3A_319 : i32
              %rem3A_321 = arith.remsi %sub3A_303, %jit3A_304 : i32
              %ne3A_322 = arith.constant 0 : i32
              %ne3A_323 = arith.cmpi ne, %rem3A_321, %ne3A_322 : i32
              %and3A_324 = arith.andi %ne3A_320, %ne3A_323 : i1
              %sub3A_325 = arith.constant 1 : i32
              %sub3A_326 = arith.subi %div3A_305, %sub3A_325 : i32
              %select_n3A_327 = arith.select %and3A_324, %sub3A_326, %div3A_305 : i32
              %and3A_328 = arith.constant 1 : i32
              %and3A_329 = arith.andi %select_n3A_327, %and3A_328 : i32
              %jit3A_330 = arith.constant 4 : i32
              %eq3A_331 = arith.constant 0 : i32
              %eq3A_332 = arith.cmpi eq, %jit3A_330, %eq3A_331 : i32
              %jit3A_333 = arith.constant 1 : i32
              %select_n3A_334 = arith.select %eq3A_332, %jit3A_333, %jit3A_330 : i32
              %rem3A_335 = arith.remsi %sub3A_303, %select_n3A_334 : i32
              %ne3A_336 = arith.constant 0 : i32
              %ne3A_337 = arith.cmpi ne, %rem3A_335, %ne3A_336 : i32
              %lt3A_338 = arith.constant 0 : i32
              %lt3A_339 = arith.cmpi slt, %rem3A_335, %lt3A_338 : i32
              %lt3A_340 = arith.constant 0 : i32
              %lt3A_341 = arith.cmpi slt, %select_n3A_334, %lt3A_340 : i32
              %ne3A_342 = arith.xori %lt3A_339, %lt3A_341 : i1
              %and3A_343 = arith.andi %ne3A_342, %ne3A_337 : i1
              %add3A_344 = arith.addi %rem3A_335, %select_n3A_334 : i32
              %select_n3A_345 = arith.select %and3A_343, %add3A_344, %rem3A_335 : i32
              %dma_wait3A_346 = arith.constant 1 : i32
              %dma_wait3A_347 = arith.constant 0 : i32
              %dma_wait3A_348 = arith.constant 0 : i32
              %dma_wait3A_349 = tpu.memref_slice %arg9[%dma_wait3A_346, %dma_wait3A_347, %dma_wait3A_348] : memref<2x128x64xf32, #tpu.memory_space<vmem>> -> memref<1x128x64xf32, #tpu.memory_space<vmem>>
              %dma_wait3A_350 = tpu.memref_squeeze %dma_wait3A_349 : memref<1x128x64xf32, #tpu.memory_space<vmem>> -> memref<128x64xf32, #tpu.memory_space<vmem>>
              %dma_wait3A_351 = arith.constant 0 : i32
              %dma_wait3A_352 = tpu.memref_slice %arg8[%and3A_329, %select_n3A_345, %dma_wait3A_351] : memref<2x4x128xi32, #tpu.memory_space<vmem>> -> memref<1x1x128xi32, #tpu.memory_space<vmem>>
              %dma_wait3A_353 = tpu.memref_squeeze %dma_wait3A_352 : memref<1x1x128xi32, #tpu.memory_space<vmem>> -> memref<128xi32, #tpu.memory_space<vmem>>
              %dma_wait3A_354 = arith.constant 0 : i32
              %dma_wait3A_355 = arith.constant 0 : i32
              %dma_wait3A_356 = tpu.memref_slice %arg10[%dma_wait3A_354, %dma_wait3A_355] : memref<10112x64xf32, #tpu.memory_space<vmem_shared>> -> memref<10112x64xf32, #tpu.memory_space<vmem_shared>>
              tpu.wait_indirect_dma semaphore(%arg14 : memref<!tpu.dma_semaphore, #tpu.memory_space<semaphore_mem>>) src(%dma_wait3A_350 : memref<128x64xf32, #tpu.memory_space<vmem>>) dst(%dma_wait3A_356 : memref<10112x64xf32, #tpu.memory_space<vmem_shared>>)
            } else {
            }
            %add3A_247 = arith.constant 1 : i32
            %add3A_248 = arith.addi %while3A_96, %add3A_247 : i32
            %jit3A_249 = arith.constant 4 : i32
            %div3A_250 = arith.divsi %add3A_248, %jit3A_249 : i32
            %sign3A_251 = arith.constant 0 : i32
            %sign3A_252 = arith.cmpi sgt, %add3A_248, %sign3A_251 : i32
            %sign3A_253 = arith.extui %sign3A_252 : i1 to i32
            %sign3A_254 = arith.constant 0 : i32
            %sign3A_255 = arith.cmpi slt, %add3A_248, %sign3A_254 : i32
            %sign3A_256 = arith.extui %sign3A_255 : i1 to i32
            %sign3A_257 = arith.subi %sign3A_253, %sign3A_256 : i32
            %sign3A_258 = arith.constant 0 : i32
            %sign3A_259 = arith.cmpi sgt, %jit3A_249, %sign3A_258 : i32
            %sign3A_260 = arith.extui %sign3A_259 : i1 to i32
            %sign3A_261 = arith.constant 0 : i32
            %sign3A_262 = arith.cmpi slt, %jit3A_249, %sign3A_261 : i32
            %sign3A_263 = arith.extui %sign3A_262 : i1 to i32
            %sign3A_264 = arith.subi %sign3A_260, %sign3A_263 : i32
            %ne3A_265 = arith.cmpi ne, %sign3A_257, %sign3A_264 : i32
            %rem3A_266 = arith.remsi %add3A_248, %jit3A_249 : i32
            %ne3A_267 = arith.constant 0 : i32
            %ne3A_268 = arith.cmpi ne, %rem3A_266, %ne3A_267 : i32
            %and3A_269 = arith.andi %ne3A_265, %ne3A_268 : i1
            %sub3A_270 = arith.constant 1 : i32
            %sub3A_271 = arith.subi %div3A_250, %sub3A_270 : i32
            %select_n3A_272 = arith.select %and3A_269, %sub3A_271, %div3A_250 : i32
            %and3A_273 = arith.constant 1 : i32
            %and3A_274 = arith.andi %select_n3A_272, %and3A_273 : i32
            %jit3A_275 = arith.constant 4 : i32
            %eq3A_276 = arith.constant 0 : i32
            %eq3A_277 = arith.cmpi eq, %jit3A_275, %eq3A_276 : i32
            %jit3A_278 = arith.constant 1 : i32
            %select_n3A_279 = arith.select %eq3A_277, %jit3A_278, %jit3A_275 : i32
            %rem3A_280 = arith.remsi %add3A_248, %select_n3A_279 : i32
            %ne3A_281 = arith.constant 0 : i32
            %ne3A_282 = arith.cmpi ne, %rem3A_280, %ne3A_281 : i32
            %lt3A_283 = arith.constant 0 : i32
            %lt3A_284 = arith.cmpi slt, %rem3A_280, %lt3A_283 : i32
            %lt3A_285 = arith.constant 0 : i32
            %lt3A_286 = arith.cmpi slt, %select_n3A_279, %lt3A_285 : i32
            %ne3A_287 = arith.xori %lt3A_284, %lt3A_286 : i1
            %and3A_288 = arith.andi %ne3A_287, %ne3A_282 : i1
            %add3A_289 = arith.addi %rem3A_280, %select_n3A_279 : i32
            %select_n3A_290 = arith.select %and3A_288, %add3A_289, %rem3A_280 : i32
            %dma_start3A_291 = arith.constant 1 : i32
            %dma_start3A_292 = arith.constant 0 : i32
            %dma_start3A_293 = arith.constant 0 : i32
            %dma_start3A_294 = tpu.memref_slice %arg9[%dma_start3A_291, %dma_start3A_292, %dma_start3A_293] : memref<2x128x64xf32, #tpu.memory_space<vmem>> -> memref<1x128x64xf32, #tpu.memory_space<vmem>>
            %dma_start3A_295 = tpu.memref_squeeze %dma_start3A_294 : memref<1x128x64xf32, #tpu.memory_space<vmem>> -> memref<128x64xf32, #tpu.memory_space<vmem>>
            %dma_start3A_296 = arith.constant 0 : i32
            %dma_start3A_297 = tpu.memref_slice %arg7[%and3A_274, %select_n3A_290, %dma_start3A_296] : memref<2x4x128xi32, #tpu.memory_space<vmem>> -> memref<1x1x128xi32, #tpu.memory_space<vmem>>
            %dma_start3A_298 = tpu.memref_squeeze %dma_start3A_297 : memref<1x1x128xi32, #tpu.memory_space<vmem>> -> memref<128xi32, #tpu.memory_space<vmem>>
            %dma_start3A_299 = arith.constant 0 : i32
            %dma_start3A_300 = arith.constant 0 : i32
            %dma_start3A_301 = tpu.memref_slice %arg2[%dma_start3A_299, %dma_start3A_300] : memref<10000x64xf32, #tpu.memory_space<hbm>> -> memref<10000x64xf32, #tpu.memory_space<hbm>>
            tpu.enqueue_indirect_dma source(%dma_start3A_301 : memref<10000x64xf32, #tpu.memory_space<hbm>>) target(%dma_start3A_295 : memref<128x64xf32, #tpu.memory_space<vmem>>) offsets(%dma_start3A_298 : memref<128xi32, #tpu.memory_space<vmem>>) semaphore(%arg12 : memref<!tpu.dma_semaphore, #tpu.memory_space<semaphore_mem>>)
          } else {
          }
          %jit3A_190 = arith.constant 4 : i32
          %div3A_191 = arith.divsi %while3A_96, %jit3A_190 : i32
          %sign3A_192 = arith.constant 0 : i32
          %sign3A_193 = arith.cmpi sgt, %while3A_96, %sign3A_192 : i32
          %sign3A_194 = arith.extui %sign3A_193 : i1 to i32
          %sign3A_195 = arith.constant 0 : i32
          %sign3A_196 = arith.cmpi slt, %while3A_96, %sign3A_195 : i32
          %sign3A_197 = arith.extui %sign3A_196 : i1 to i32
          %sign3A_198 = arith.subi %sign3A_194, %sign3A_197 : i32
          %sign3A_199 = arith.constant 0 : i32
          %sign3A_200 = arith.cmpi sgt, %jit3A_190, %sign3A_199 : i32
          %sign3A_201 = arith.extui %sign3A_200 : i1 to i32
          %sign3A_202 = arith.constant 0 : i32
          %sign3A_203 = arith.cmpi slt, %jit3A_190, %sign3A_202 : i32
          %sign3A_204 = arith.extui %sign3A_203 : i1 to i32
          %sign3A_205 = arith.subi %sign3A_201, %sign3A_204 : i32
          %ne3A_206 = arith.cmpi ne, %sign3A_198, %sign3A_205 : i32
          %rem3A_207 = arith.remsi %while3A_96, %jit3A_190 : i32
          %ne3A_208 = arith.constant 0 : i32
          %ne3A_209 = arith.cmpi ne, %rem3A_207, %ne3A_208 : i32
          %and3A_210 = arith.andi %ne3A_206, %ne3A_209 : i1
          %sub3A_211 = arith.constant 1 : i32
          %sub3A_212 = arith.subi %div3A_191, %sub3A_211 : i32
          %select_n3A_213 = arith.select %and3A_210, %sub3A_212, %div3A_191 : i32
          %and3A_214 = arith.constant 1 : i32
          %and3A_215 = arith.andi %select_n3A_213, %and3A_214 : i32
          %jit3A_216 = arith.constant 4 : i32
          %eq3A_217 = arith.constant 0 : i32
          %eq3A_218 = arith.cmpi eq, %jit3A_216, %eq3A_217 : i32
          %jit3A_219 = arith.constant 1 : i32
          %select_n3A_220 = arith.select %eq3A_218, %jit3A_219, %jit3A_216 : i32
          %rem3A_221 = arith.remsi %while3A_96, %select_n3A_220 : i32
          %ne3A_222 = arith.constant 0 : i32
          %ne3A_223 = arith.cmpi ne, %rem3A_221, %ne3A_222 : i32
          %lt3A_224 = arith.constant 0 : i32
          %lt3A_225 = arith.cmpi slt, %rem3A_221, %lt3A_224 : i32
          %lt3A_226 = arith.constant 0 : i32
          %lt3A_227 = arith.cmpi slt, %select_n3A_220, %lt3A_226 : i32
          %ne3A_228 = arith.xori %lt3A_225, %lt3A_227 : i1
          %and3A_229 = arith.andi %ne3A_228, %ne3A_223 : i1
          %add3A_230 = arith.addi %rem3A_221, %select_n3A_220 : i32
          %select_n3A_231 = arith.select %and3A_229, %add3A_230, %rem3A_221 : i32
          %dma_start3A_232 = arith.constant 0 : i32
          %dma_start3A_233 = arith.constant 0 : i32
          %dma_start3A_234 = arith.constant 0 : i32
          %dma_start3A_235 = tpu.memref_slice %arg9[%dma_start3A_232, %dma_start3A_233, %dma_start3A_234] : memref<2x128x64xf32, #tpu.memory_space<vmem>> -> memref<1x128x64xf32, #tpu.memory_space<vmem>>
          %dma_start3A_236 = tpu.memref_squeeze %dma_start3A_235 : memref<1x128x64xf32, #tpu.memory_space<vmem>> -> memref<128x64xf32, #tpu.memory_space<vmem>>
          %dma_start3A_237 = arith.constant 0 : i32
          %dma_start3A_238 = tpu.memref_slice %arg8[%and3A_215, %select_n3A_231, %dma_start3A_237] : memref<2x4x128xi32, #tpu.memory_space<vmem>> -> memref<1x1x128xi32, #tpu.memory_space<vmem>>
          %dma_start3A_239 = tpu.memref_squeeze %dma_start3A_238 : memref<1x1x128xi32, #tpu.memory_space<vmem>> -> memref<128xi32, #tpu.memory_space<vmem>>
          %dma_start3A_240 = arith.constant 0 : i32
          %dma_start3A_241 = arith.constant 0 : i32
          %dma_start3A_242 = tpu.memref_slice %arg10[%dma_start3A_240, %dma_start3A_241] : memref<10112x64xf32, #tpu.memory_space<vmem_shared>> -> memref<10112x64xf32, #tpu.memory_space<vmem_shared>>
          tpu.enqueue_indirect_dma source(%dma_start3A_236 : memref<128x64xf32, #tpu.memory_space<vmem>>) target(%dma_start3A_242 : memref<10112x64xf32, #tpu.memory_space<vmem_shared>>) offsets(%dma_start3A_239 : memref<128xi32, #tpu.memory_space<vmem>>) semaphore(%arg13 : memref<!tpu.dma_semaphore, #tpu.memory_space<semaphore_mem>>) {add = true}
        } else {
        }
        %and3A_127 = arith.constant 1 : i32
        %and3A_128 = arith.andi %while3A_96, %and3A_127 : i32
        %eq3A_129 = arith.constant 1 : i32
        %eq3A_130 = arith.cmpi eq, %and3A_128, %eq3A_129 : i32
        %convert_element_type3A_131 = arith.extui %eq3A_130 : i1 to i32
        %cond3A_132 = arith.constant 0 : i32
        %cond3A_133 = arith.cmpi ne, %convert_element_type3A_131, %cond3A_132 : i32
        scf.if %cond3A_133 {
          %jit3A_134 = arith.constant 4 : i32
          %div3A = arith.divsi %while3A_96, %jit3A_134 : i32
          %sign3A = arith.constant 0 : i32
          %sign3A_135 = arith.cmpi sgt, %while3A_96, %sign3A : i32
          %sign3A_136 = arith.extui %sign3A_135 : i1 to i32
          %sign3A_137 = arith.constant 0 : i32
          %sign3A_138 = arith.cmpi slt, %while3A_96, %sign3A_137 : i32
          %sign3A_139 = arith.extui %sign3A_138 : i1 to i32
          %sign3A_140 = arith.subi %sign3A_136, %sign3A_139 : i32
          %sign3A_141 = arith.constant 0 : i32
          %sign3A_142 = arith.cmpi sgt, %jit3A_134, %sign3A_141 : i32
          %sign3A_143 = arith.extui %sign3A_142 : i1 to i32
          %sign3A_144 = arith.constant 0 : i32
          %sign3A_145 = arith.cmpi slt, %jit3A_134, %sign3A_144 : i32
          %sign3A_146 = arith.extui %sign3A_145 : i1 to i32
          %sign3A_147 = arith.subi %sign3A_143, %sign3A_146 : i32
          %ne3A_148 = arith.cmpi ne, %sign3A_140, %sign3A_147 : i32
          %rem3A_149 = arith.remsi %while3A_96, %jit3A_134 : i32
          %ne3A_150 = arith.constant 0 : i32
          %ne3A_151 = arith.cmpi ne, %rem3A_149, %ne3A_150 : i32
          %and3A_152 = arith.andi %ne3A_148, %ne3A_151 : i1
          %sub3A_153 = arith.constant 1 : i32
          %sub3A_154 = arith.subi %div3A, %sub3A_153 : i32
          %select_n3A_155 = arith.select %and3A_152, %sub3A_154, %div3A : i32
          %and3A_156 = arith.constant 1 : i32
          %and3A_157 = arith.andi %select_n3A_155, %and3A_156 : i32
          %jit3A_158 = arith.constant 4 : i32
          %eq3A_159 = arith.constant 0 : i32
          %eq3A_160 = arith.cmpi eq, %jit3A_158, %eq3A_159 : i32
          %jit3A_161 = arith.constant 1 : i32
          %select_n3A_162 = arith.select %eq3A_160, %jit3A_161, %jit3A_158 : i32
          %rem3A_163 = arith.remsi %while3A_96, %select_n3A_162 : i32
          %ne3A_164 = arith.constant 0 : i32
          %ne3A_165 = arith.cmpi ne, %rem3A_163, %ne3A_164 : i32
          %lt3A_166 = arith.constant 0 : i32
          %lt3A_167 = arith.cmpi slt, %rem3A_163, %lt3A_166 : i32
          %lt3A_168 = arith.constant 0 : i32
          %lt3A_169 = arith.cmpi slt, %select_n3A_162, %lt3A_168 : i32
          %ne3A_170 = arith.xori %lt3A_167, %lt3A_169 : i1
          %and3A_171 = arith.andi %ne3A_170, %ne3A_165 : i1
          %add3A_172 = arith.addi %rem3A_163, %select_n3A_162 : i32
          %select_n3A_173 = arith.select %and3A_171, %add3A_172, %rem3A_163 : i32
          %dma_wait3A = arith.constant 1 : i32
          %dma_wait3A_174 = arith.constant 0 : i32
          %dma_wait3A_175 = arith.constant 0 : i32
          %dma_wait3A_176 = tpu.memref_slice %arg9[%dma_wait3A, %dma_wait3A_174, %dma_wait3A_175] : memref<2x128x64xf32, #tpu.memory_space<vmem>> -> memref<1x128x64xf32, #tpu.memory_space<vmem>>
          %dma_wait3A_177 = tpu.memref_squeeze %dma_wait3A_176 : memref<1x128x64xf32, #tpu.memory_space<vmem>> -> memref<128x64xf32, #tpu.memory_space<vmem>>
          %dma_wait3A_178 = arith.constant 0 : i32
          %dma_wait3A_179 = tpu.memref_slice %arg7[%and3A_157, %select_n3A_173, %dma_wait3A_178] : memref<2x4x128xi32, #tpu.memory_space<vmem>> -> memref<1x1x128xi32, #tpu.memory_space<vmem>>
          %dma_wait3A_180 = tpu.memref_squeeze %dma_wait3A_179 : memref<1x1x128xi32, #tpu.memory_space<vmem>> -> memref<128xi32, #tpu.memory_space<vmem>>
          %dma_wait3A_181 = arith.constant 0 : i32
          %dma_wait3A_182 = arith.constant 0 : i32
          %dma_wait3A_183 = tpu.memref_slice %arg2[%dma_wait3A_181, %dma_wait3A_182] : memref<10000x64xf32, #tpu.memory_space<hbm>> -> memref<10000x64xf32, #tpu.memory_space<hbm>>
          tpu.wait_indirect_dma semaphore(%arg12 : memref<!tpu.dma_semaphore, #tpu.memory_space<semaphore_mem>>) src(%dma_wait3A_183 : memref<10000x64xf32, #tpu.memory_space<hbm>>) dst(%dma_wait3A_177 : memref<128x64xf32, #tpu.memory_space<vmem>>)
          %add3A_184 = arith.constant 1 : i32
          %add3A_185 = arith.addi %while3A_96, %add3A_184 : i32
          %lt3A_186 = arith.cmpi slt, %add3A_185, %min3A : i32
          %convert_element_type3A_187 = arith.extui %lt3A_186 : i1 to i32
          %cond3A_188 = arith.constant 0 : i32
          %cond3A_189 = arith.cmpi ne, %convert_element_type3A_187, %cond3A_188 : i32
          scf.if %cond3A_189 {
            %ge3A = arith.constant 1 : i32
            %ge3A_243 = arith.cmpi sge, %while3A_96, %ge3A : i32
            %convert_element_type3A_244 = arith.extui %ge3A_243 : i1 to i32
            %cond3A_245 = arith.constant 0 : i32
            %cond3A_246 = arith.cmpi ne, %convert_element_type3A_244, %cond3A_245 : i32
            scf.if %cond3A_246 {
              %sub3A_302 = arith.constant 1 : i32
              %sub3A_303 = arith.subi %while3A_96, %sub3A_302 : i32
              %jit3A_304 = arith.constant 4 : i32
              %div3A_305 = arith.divsi %sub3A_303, %jit3A_304 : i32
              %sign3A_306 = arith.constant 0 : i32
              %sign3A_307 = arith.cmpi sgt, %sub3A_303, %sign3A_306 : i32
              %sign3A_308 = arith.extui %sign3A_307 : i1 to i32
              %sign3A_309 = arith.constant 0 : i32
              %sign3A_310 = arith.cmpi slt, %sub3A_303, %sign3A_309 : i32
              %sign3A_311 = arith.extui %sign3A_310 : i1 to i32
              %sign3A_312 = arith.subi %sign3A_308, %sign3A_311 : i32
              %sign3A_313 = arith.constant 0 : i32
              %sign3A_314 = arith.cmpi sgt, %jit3A_304, %sign3A_313 : i32
              %sign3A_315 = arith.extui %sign3A_314 : i1 to i32
              %sign3A_316 = arith.constant 0 : i32
              %sign3A_317 = arith.cmpi slt, %jit3A_304, %sign3A_316 : i32
              %sign3A_318 = arith.extui %sign3A_317 : i1 to i32
              %sign3A_319 = arith.subi %sign3A_315, %sign3A_318 : i32
              %ne3A_320 = arith.cmpi ne, %sign3A_312, %sign3A_319 : i32
              %rem3A_321 = arith.remsi %sub3A_303, %jit3A_304 : i32
              %ne3A_322 = arith.constant 0 : i32
              %ne3A_323 = arith.cmpi ne, %rem3A_321, %ne3A_322 : i32
              %and3A_324 = arith.andi %ne3A_320, %ne3A_323 : i1
              %sub3A_325 = arith.constant 1 : i32
              %sub3A_326 = arith.subi %div3A_305, %sub3A_325 : i32
              %select_n3A_327 = arith.select %and3A_324, %sub3A_326, %div3A_305 : i32
              %and3A_328 = arith.constant 1 : i32
              %and3A_329 = arith.andi %select_n3A_327, %and3A_328 : i32
              %jit3A_330 = arith.constant 4 : i32
              %eq3A_331 = arith.constant 0 : i32
              %eq3A_332 = arith.cmpi eq, %jit3A_330, %eq3A_331 : i32
              %jit3A_333 = arith.constant 1 : i32
              %select_n3A_334 = arith.select %eq3A_332, %jit3A_333, %jit3A_330 : i32
              %rem3A_335 = arith.remsi %sub3A_303, %select_n3A_334 : i32
              %ne3A_336 = arith.constant 0 : i32
              %ne3A_337 = arith.cmpi ne, %rem3A_335, %ne3A_336 : i32
              %lt3A_338 = arith.constant 0 : i32
              %lt3A_339 = arith.cmpi slt, %rem3A_335, %lt3A_338 : i32
              %lt3A_340 = arith.constant 0 : i32
              %lt3A_341 = arith.cmpi slt, %select_n3A_334, %lt3A_340 : i32
              %ne3A_342 = arith.xori %lt3A_339, %lt3A_341 : i1
              %and3A_343 = arith.andi %ne3A_342, %ne3A_337 : i1
              %add3A_344 = arith.addi %rem3A_335, %select_n3A_334 : i32
              %select_n3A_345 = arith.select %and3A_343, %add3A_344, %rem3A_335 : i32
              %dma_wait3A_346 = arith.constant 0 : i32
              %dma_wait3A_347 = arith.constant 0 : i32
              %dma_wait3A_348 = arith.constant 0 : i32
              %dma_wait3A_349 = tpu.memref_slice %arg9[%dma_wait3A_346, %dma_wait3A_347, %dma_wait3A_348] : memref<2x128x64xf32, #tpu.memory_space<vmem>> -> memref<1x128x64xf32, #tpu.memory_space<vmem>>
              %dma_wait3A_350 = tpu.memref_squeeze %dma_wait3A_349 : memref<1x128x64xf32, #tpu.memory_space<vmem>> -> memref<128x64xf32, #tpu.memory_space<vmem>>
              %dma_wait3A_351 = arith.constant 0 : i32
              %dma_wait3A_352 = tpu.memref_slice %arg8[%and3A_329, %select_n3A_345, %dma_wait3A_351] : memref<2x4x128xi32, #tpu.memory_space<vmem>> -> memref<1x1x128xi32, #tpu.memory_space<vmem>>
              %dma_wait3A_353 = tpu.memref_squeeze %dma_wait3A_352 : memref<1x1x128xi32, #tpu.memory_space<vmem>> -> memref<128xi32, #tpu.memory_space<vmem>>
              %dma_wait3A_354 = arith.constant 0 : i32
              %dma_wait3A_355 = arith.constant 0 : i32
              %dma_wait3A_356 = tpu.memref_slice %arg10[%dma_wait3A_354, %dma_wait3A_355] : memref<10112x64xf32, #tpu.memory_space<vmem_shared>> -> memref<10112x64xf32, #tpu.memory_space<vmem_shared>>
              tpu.wait_indirect_dma semaphore(%arg13 : memref<!tpu.dma_semaphore, #tpu.memory_space<semaphore_mem>>) src(%dma_wait3A_350 : memref<128x64xf32, #tpu.memory_space<vmem>>) dst(%dma_wait3A_356 : memref<10112x64xf32, #tpu.memory_space<vmem_shared>>)
            } else {
            }
            %add3A_247 = arith.constant 1 : i32
            %add3A_248 = arith.addi %while3A_96, %add3A_247 : i32
            %jit3A_249 = arith.constant 4 : i32
            %div3A_250 = arith.divsi %add3A_248, %jit3A_249 : i32
            %sign3A_251 = arith.constant 0 : i32
            %sign3A_252 = arith.cmpi sgt, %add3A_248, %sign3A_251 : i32
            %sign3A_253 = arith.extui %sign3A_252 : i1 to i32
            %sign3A_254 = arith.constant 0 : i32
            %sign3A_255 = arith.cmpi slt, %add3A_248, %sign3A_254 : i32
            %sign3A_256 = arith.extui %sign3A_255 : i1 to i32
            %sign3A_257 = arith.subi %sign3A_253, %sign3A_256 : i32
            %sign3A_258 = arith.constant 0 : i32
            %sign3A_259 = arith.cmpi sgt, %jit3A_249, %sign3A_258 : i32
            %sign3A_260 = arith.extui %sign3A_259 : i1 to i32
            %sign3A_261 = arith.constant 0 : i32
            %sign3A_262 = arith.cmpi slt, %jit3A_249, %sign3A_261 : i32
            %sign3A_263 = arith.extui %sign3A_262 : i1 to i32
            %sign3A_264 = arith.subi %sign3A_260, %sign3A_263 : i32
            %ne3A_265 = arith.cmpi ne, %sign3A_257, %sign3A_264 : i32
            %rem3A_266 = arith.remsi %add3A_248, %jit3A_249 : i32
            %ne3A_267 = arith.constant 0 : i32
            %ne3A_268 = arith.cmpi ne, %rem3A_266, %ne3A_267 : i32
            %and3A_269 = arith.andi %ne3A_265, %ne3A_268 : i1
            %sub3A_270 = arith.constant 1 : i32
            %sub3A_271 = arith.subi %div3A_250, %sub3A_270 : i32
            %select_n3A_272 = arith.select %and3A_269, %sub3A_271, %div3A_250 : i32
            %and3A_273 = arith.constant 1 : i32
            %and3A_274 = arith.andi %select_n3A_272, %and3A_273 : i32
            %jit3A_275 = arith.constant 4 : i32
            %eq3A_276 = arith.constant 0 : i32
            %eq3A_277 = arith.cmpi eq, %jit3A_275, %eq3A_276 : i32
            %jit3A_278 = arith.constant 1 : i32
            %select_n3A_279 = arith.select %eq3A_277, %jit3A_278, %jit3A_275 : i32
            %rem3A_280 = arith.remsi %add3A_248, %select_n3A_279 : i32
            %ne3A_281 = arith.constant 0 : i32
            %ne3A_282 = arith.cmpi ne, %rem3A_280, %ne3A_281 : i32
            %lt3A_283 = arith.constant 0 : i32
            %lt3A_284 = arith.cmpi slt, %rem3A_280, %lt3A_283 : i32
            %lt3A_285 = arith.constant 0 : i32
            %lt3A_286 = arith.cmpi slt, %select_n3A_279, %lt3A_285 : i32
            %ne3A_287 = arith.xori %lt3A_284, %lt3A_286 : i1
            %and3A_288 = arith.andi %ne3A_287, %ne3A_282 : i1
            %add3A_289 = arith.addi %rem3A_280, %select_n3A_279 : i32
            %select_n3A_290 = arith.select %and3A_288, %add3A_289, %rem3A_280 : i32
            %dma_start3A_291 = arith.constant 0 : i32
            %dma_start3A_292 = arith.constant 0 : i32
            %dma_start3A_293 = arith.constant 0 : i32
            %dma_start3A_294 = tpu.memref_slice %arg9[%dma_start3A_291, %dma_start3A_292, %dma_start3A_293] : memref<2x128x64xf32, #tpu.memory_space<vmem>> -> memref<1x128x64xf32, #tpu.memory_space<vmem>>
            %dma_start3A_295 = tpu.memref_squeeze %dma_start3A_294 : memref<1x128x64xf32, #tpu.memory_space<vmem>> -> memref<128x64xf32, #tpu.memory_space<vmem>>
            %dma_start3A_296 = arith.constant 0 : i32
            %dma_start3A_297 = tpu.memref_slice %arg7[%and3A_274, %select_n3A_290, %dma_start3A_296] : memref<2x4x128xi32, #tpu.memory_space<vmem>> -> memref<1x1x128xi32, #tpu.memory_space<vmem>>
            %dma_start3A_298 = tpu.memref_squeeze %dma_start3A_297 : memref<1x1x128xi32, #tpu.memory_space<vmem>> -> memref<128xi32, #tpu.memory_space<vmem>>
            %dma_start3A_299 = arith.constant 0 : i32
            %dma_start3A_300 = arith.constant 0 : i32
            %dma_start3A_301 = tpu.memref_slice %arg2[%dma_start3A_299, %dma_start3A_300] : memref<10000x64xf32, #tpu.memory_space<hbm>> -> memref<10000x64xf32, #tpu.memory_space<hbm>>
            tpu.enqueue_indirect_dma source(%dma_start3A_301 : memref<10000x64xf32, #tpu.memory_space<hbm>>) target(%dma_start3A_295 : memref<128x64xf32, #tpu.memory_space<vmem>>) offsets(%dma_start3A_298 : memref<128xi32, #tpu.memory_space<vmem>>) semaphore(%arg11 : memref<!tpu.dma_semaphore, #tpu.memory_space<semaphore_mem>>)
          } else {
          }
          %jit3A_190 = arith.constant 4 : i32
          %div3A_191 = arith.divsi %while3A_96, %jit3A_190 : i32
          %sign3A_192 = arith.constant 0 : i32
          %sign3A_193 = arith.cmpi sgt, %while3A_96, %sign3A_192 : i32
          %sign3A_194 = arith.extui %sign3A_193 : i1 to i32
          %sign3A_195 = arith.constant 0 : i32
          %sign3A_196 = arith.cmpi slt, %while3A_96, %sign3A_195 : i32
          %sign3A_197 = arith.extui %sign3A_196 : i1 to i32
          %sign3A_198 = arith.subi %sign3A_194, %sign3A_197 : i32
          %sign3A_199 = arith.constant 0 : i32
          %sign3A_200 = arith.cmpi sgt, %jit3A_190, %sign3A_199 : i32
          %sign3A_201 = arith.extui %sign3A_200 : i1 to i32
          %sign3A_202 = arith.constant 0 : i32
          %sign3A_203 = arith.cmpi slt, %jit3A_190, %sign3A_202 : i32
          %sign3A_204 = arith.extui %sign3A_203 : i1 to i32
          %sign3A_205 = arith.subi %sign3A_201, %sign3A_204 : i32
          %ne3A_206 = arith.cmpi ne, %sign3A_198, %sign3A_205 : i32
          %rem3A_207 = arith.remsi %while3A_96, %jit3A_190 : i32
          %ne3A_208 = arith.constant 0 : i32
          %ne3A_209 = arith.cmpi ne, %rem3A_207, %ne3A_208 : i32
          %and3A_210 = arith.andi %ne3A_206, %ne3A_209 : i1
          %sub3A_211 = arith.constant 1 : i32
          %sub3A_212 = arith.subi %div3A_191, %sub3A_211 : i32
          %select_n3A_213 = arith.select %and3A_210, %sub3A_212, %div3A_191 : i32
          %and3A_214 = arith.constant 1 : i32
          %and3A_215 = arith.andi %select_n3A_213, %and3A_214 : i32
          %jit3A_216 = arith.constant 4 : i32
          %eq3A_217 = arith.constant 0 : i32
          %eq3A_218 = arith.cmpi eq, %jit3A_216, %eq3A_217 : i32
          %jit3A_219 = arith.constant 1 : i32
          %select_n3A_220 = arith.select %eq3A_218, %jit3A_219, %jit3A_216 : i32
          %rem3A_221 = arith.remsi %while3A_96, %select_n3A_220 : i32
          %ne3A_222 = arith.constant 0 : i32
          %ne3A_223 = arith.cmpi ne, %rem3A_221, %ne3A_222 : i32
          %lt3A_224 = arith.constant 0 : i32
          %lt3A_225 = arith.cmpi slt, %rem3A_221, %lt3A_224 : i32
          %lt3A_226 = arith.constant 0 : i32
          %lt3A_227 = arith.cmpi slt, %select_n3A_220, %lt3A_226 : i32
          %ne3A_228 = arith.xori %lt3A_225, %lt3A_227 : i1
          %and3A_229 = arith.andi %ne3A_228, %ne3A_223 : i1
          %add3A_230 = arith.addi %rem3A_221, %select_n3A_220 : i32
          %select_n3A_231 = arith.select %and3A_229, %add3A_230, %rem3A_221 : i32
          %dma_start3A_232 = arith.constant 1 : i32
          %dma_start3A_233 = arith.constant 0 : i32
          %dma_start3A_234 = arith.constant 0 : i32
          %dma_start3A_235 = tpu.memref_slice %arg9[%dma_start3A_232, %dma_start3A_233, %dma_start3A_234] : memref<2x128x64xf32, #tpu.memory_space<vmem>> -> memref<1x128x64xf32, #tpu.memory_space<vmem>>
          %dma_start3A_236 = tpu.memref_squeeze %dma_start3A_235 : memref<1x128x64xf32, #tpu.memory_space<vmem>> -> memref<128x64xf32, #tpu.memory_space<vmem>>
          %dma_start3A_237 = arith.constant 0 : i32
          %dma_start3A_238 = tpu.memref_slice %arg8[%and3A_215, %select_n3A_231, %dma_start3A_237] : memref<2x4x128xi32, #tpu.memory_space<vmem>> -> memref<1x1x128xi32, #tpu.memory_space<vmem>>
          %dma_start3A_239 = tpu.memref_squeeze %dma_start3A_238 : memref<1x1x128xi32, #tpu.memory_space<vmem>> -> memref<128xi32, #tpu.memory_space<vmem>>
          %dma_start3A_240 = arith.constant 0 : i32
          %dma_start3A_241 = arith.constant 0 : i32
          %dma_start3A_242 = tpu.memref_slice %arg10[%dma_start3A_240, %dma_start3A_241] : memref<10112x64xf32, #tpu.memory_space<vmem_shared>> -> memref<10112x64xf32, #tpu.memory_space<vmem_shared>>
          tpu.enqueue_indirect_dma source(%dma_start3A_236 : memref<128x64xf32, #tpu.memory_space<vmem>>) target(%dma_start3A_242 : memref<10112x64xf32, #tpu.memory_space<vmem_shared>>) offsets(%dma_start3A_239 : memref<128xi32, #tpu.memory_space<vmem>>) semaphore(%arg14 : memref<!tpu.dma_semaphore, #tpu.memory_space<semaphore_mem>>) {add = true}
        } else {
        }
      }
      %while3A_81 = arith.constant 1 : i32
      scf.for %while3A_96 = %while3A_79 to %while3A_75 step %while3A_81  : i32 {
        %add3A_97 = arith.constant 1 : i32
        %add3A_98 = arith.addi %while3A_96, %add3A_97 : i32
        %jit3A_99 = arith.constant 4 : i32
        %eq3A_100 = arith.constant 0 : i32
        %eq3A_101 = arith.cmpi eq, %jit3A_99, %eq3A_100 : i32
        %jit3A_102 = arith.constant 1 : i32
        %select_n3A = arith.select %eq3A_101, %jit3A_102, %jit3A_99 : i32
        %rem3A = arith.remsi %add3A_98, %select_n3A : i32
        %ne3A = arith.constant 0 : i32
        %ne3A_103 = arith.cmpi ne, %rem3A, %ne3A : i32
        %lt3A = arith.constant 0 : i32
        %lt3A_104 = arith.cmpi slt, %rem3A, %lt3A : i32
        %lt3A_105 = arith.constant 0 : i32
        %lt3A_106 = arith.cmpi slt, %select_n3A, %lt3A_105 : i32
        %ne3A_107 = arith.xori %lt3A_104, %lt3A_106 : i1
        %and3A_108 = arith.andi %ne3A_107, %ne3A_103 : i1
        %add3A_109 = arith.addi %rem3A, %select_n3A : i32
        %select_n3A_110 = arith.select %and3A_108, %add3A_109, %rem3A : i32
        %eq3A_111 = arith.constant 0 : i32
        %eq3A_112 = arith.cmpi eq, %select_n3A_110, %eq3A_111 : i32
        %add3A_113 = arith.constant 1 : i32
        %add3A_114 = arith.addi %while3A_96, %add3A_113 : i32
        %lt3A_115 = arith.cmpi slt, %add3A_114, %min3A : i32
        %and3A_116 = arith.andi %eq3A_112, %lt3A_115 : i1
        %convert_element_type3A_117 = arith.extui %and3A_116 : i1 to i32
        %cond3A_118 = arith.constant 0 : i32
        %cond3A_119 = arith.cmpi ne, %convert_element_type3A_117, %cond3A_118 : i32
        scf.if %cond3A_119 {
          %add3A_134 = arith.constant 1 : i32
          %add3A_135 = arith.addi %while3A_96, %add3A_134 : i32
          %jit3A_136 = arith.constant 4 : i32
          %div3A = arith.divsi %add3A_135, %jit3A_136 : i32
          %sign3A = arith.constant 0 : i32
          %sign3A_137 = arith.cmpi sgt, %add3A_135, %sign3A : i32
          %sign3A_138 = arith.extui %sign3A_137 : i1 to i32
          %sign3A_139 = arith.constant 0 : i32
          %sign3A_140 = arith.cmpi slt, %add3A_135, %sign3A_139 : i32
          %sign3A_141 = arith.extui %sign3A_140 : i1 to i32
          %sign3A_142 = arith.subi %sign3A_138, %sign3A_141 : i32
          %sign3A_143 = arith.constant 0 : i32
          %sign3A_144 = arith.cmpi sgt, %jit3A_136, %sign3A_143 : i32
          %sign3A_145 = arith.extui %sign3A_144 : i1 to i32
          %sign3A_146 = arith.constant 0 : i32
          %sign3A_147 = arith.cmpi slt, %jit3A_136, %sign3A_146 : i32
          %sign3A_148 = arith.extui %sign3A_147 : i1 to i32
          %sign3A_149 = arith.subi %sign3A_145, %sign3A_148 : i32
          %ne3A_150 = arith.cmpi ne, %sign3A_142, %sign3A_149 : i32
          %rem3A_151 = arith.remsi %add3A_135, %jit3A_136 : i32
          %ne3A_152 = arith.constant 0 : i32
          %ne3A_153 = arith.cmpi ne, %rem3A_151, %ne3A_152 : i32
          %and3A_154 = arith.andi %ne3A_150, %ne3A_153 : i1
          %sub3A_155 = arith.constant 1 : i32
          %sub3A_156 = arith.subi %div3A, %sub3A_155 : i32
          %select_n3A_157 = arith.select %and3A_154, %sub3A_156, %div3A : i32
          %and3A_158 = arith.constant 1 : i32
          %and3A_159 = arith.andi %select_n3A_157, %and3A_158 : i32
          %mul3A_160 = arith.constant 4 : i32
          %mul3A_161 = arith.muli %select_n3A_157, %mul3A_160 : i32
          %add3A_162 = arith.addi %mul3A_2, %mul3A_161 : i32
          "tpu.region"() ({
            %run_scoped3A_166 = tpu.sem_alloc : memref<!tpu.dma_semaphore, #tpu.memory_space<semaphore_mem>>
            %dma_start3A_167 = arith.constant 0 : i32
            %dma_start3A_168 = arith.constant 0 : i32
            %dma_start3A_169 = tpu.memref_slice %arg7[%and3A_159, %dma_start3A_167, %dma_start3A_168] : memref<2x4x128xi32, #tpu.memory_space<vmem>> -> memref<1x4x128xi32, #tpu.memory_space<vmem>>
            %dma_start3A_170 = tpu.memref_squeeze %dma_start3A_169 : memref<1x4x128xi32, #tpu.memory_space<vmem>> -> memref<4x128xi32, #tpu.memory_space<vmem>>
            %dma_start3A_171 = arith.constant 0 : i32
            %dma_start3A_172 = tpu.memref_slice %arg3[%add3A_162, %dma_start3A_171] : memref<2560x128xi32, #tpu.memory_space<hbm>> -> memref<4x128xi32, #tpu.memory_space<hbm>>
            %dma_start3A_173 = arith.constant 0 : i32
            %dma_start3A_174 = arith.constant 0 : i32
            %dma_start3A_175 = tpu.memref_slice %arg7[%and3A_159, %dma_start3A_173, %dma_start3A_174] : memref<2x4x128xi32, #tpu.memory_space<vmem>> -> memref<1x4x128xi32, #tpu.memory_space<vmem>>
            %dma_start3A_176 = tpu.memref_squeeze %dma_start3A_175 : memref<1x4x128xi32, #tpu.memory_space<vmem>> -> memref<4x128xi32, #tpu.memory_space<vmem>>
            %dma_start3A_177 = arith.constant 0 : i32
            %dma_start3A_178 = tpu.memref_slice %arg3[%add3A_162, %dma_start3A_177] : memref<2560x128xi32, #tpu.memory_space<hbm>> -> memref<4x128xi32, #tpu.memory_space<hbm>>
            tpu.enqueue_dma source(%dma_start3A_178 : memref<4x128xi32, #tpu.memory_space<hbm>>) target(%dma_start3A_176 : memref<4x128xi32, #tpu.memory_space<vmem>>) target_semaphore(%run_scoped3A_166 : memref<!tpu.dma_semaphore, #tpu.memory_space<semaphore_mem>>)
            %dma_wait3A = arith.constant 0 : i32
            %dma_wait3A_179 = arith.constant 0 : i32
            %dma_wait3A_180 = tpu.memref_slice %arg7[%and3A_159, %dma_wait3A, %dma_wait3A_179] : memref<2x4x128xi32, #tpu.memory_space<vmem>> -> memref<1x4x128xi32, #tpu.memory_space<vmem>>
            %dma_wait3A_181 = tpu.memref_squeeze %dma_wait3A_180 : memref<1x4x128xi32, #tpu.memory_space<vmem>> -> memref<4x128xi32, #tpu.memory_space<vmem>>
            %dma_wait3A_182 = arith.constant 0 : i32
            %dma_wait3A_183 = tpu.memref_slice %arg3[%add3A_162, %dma_wait3A_182] : memref<2560x128xi32, #tpu.memory_space<hbm>> -> memref<4x128xi32, #tpu.memory_space<hbm>>
            %dma_wait3A_184 = arith.constant 0 : i32
            %dma_wait3A_185 = arith.constant 0 : i32
            %dma_wait3A_186 = tpu.memref_slice %arg7[%and3A_159, %dma_wait3A_184, %dma_wait3A_185] : memref<2x4x128xi32, #tpu.memory_space<vmem>> -> memref<1x4x128xi32, #tpu.memory_space<vmem>>
            %dma_wait3A_187 = tpu.memref_squeeze %dma_wait3A_186 : memref<1x4x128xi32, #tpu.memory_space<vmem>> -> memref<4x128xi32, #tpu.memory_space<vmem>>
            %dma_wait3A_188 = arith.constant 0 : i32
            %dma_wait3A_189 = tpu.memref_slice %arg3[%add3A_162, %dma_wait3A_188] : memref<2560x128xi32, #tpu.memory_space<hbm>> -> memref<4x128xi32, #tpu.memory_space<hbm>>
            tpu.wait_dma2 semaphore(%run_scoped3A_166 : memref<!tpu.dma_semaphore, #tpu.memory_space<semaphore_mem>>) src(%dma_wait3A_189 : memref<4x128xi32, #tpu.memory_space<hbm>>) dst(%dma_wait3A_187 : memref<4x128xi32, #tpu.memory_space<vmem>>)
            tpu.yield
          }) : () -> ()
          %mul3A_163 = arith.constant 4 : i32
          %mul3A_164 = arith.muli %select_n3A_157, %mul3A_163 : i32
          %add3A_165 = arith.addi %mul3A_2, %mul3A_164 : i32
          "tpu.region"() ({
            %run_scoped3A_166 = tpu.sem_alloc : memref<!tpu.dma_semaphore, #tpu.memory_space<semaphore_mem>>
            %dma_start3A_167 = arith.constant 0 : i32
            %dma_start3A_168 = arith.constant 0 : i32
            %dma_start3A_169 = tpu.memref_slice %arg8[%and3A_159, %dma_start3A_167, %dma_start3A_168] : memref<2x4x128xi32, #tpu.memory_space<vmem>> -> memref<1x4x128xi32, #tpu.memory_space<vmem>>
            %dma_start3A_170 = tpu.memref_squeeze %dma_start3A_169 : memref<1x4x128xi32, #tpu.memory_space<vmem>> -> memref<4x128xi32, #tpu.memory_space<vmem>>
            %dma_start3A_171 = arith.constant 0 : i32
            %dma_start3A_172 = tpu.memref_slice %arg4[%add3A_165, %dma_start3A_171] : memref<2560x128xi32, #tpu.memory_space<hbm>> -> memref<4x128xi32, #tpu.memory_space<hbm>>
            %dma_start3A_173 = arith.constant 0 : i32
            %dma_start3A_174 = arith.constant 0 : i32
            %dma_start3A_175 = tpu.memref_slice %arg8[%and3A_159, %dma_start3A_173, %dma_start3A_174] : memref<2x4x128xi32, #tpu.memory_space<vmem>> -> memref<1x4x128xi32, #tpu.memory_space<vmem>>
            %dma_start3A_176 = tpu.memref_squeeze %dma_start3A_175 : memref<1x4x128xi32, #tpu.memory_space<vmem>> -> memref<4x128xi32, #tpu.memory_space<vmem>>
            %dma_start3A_177 = arith.constant 0 : i32
            %dma_start3A_178 = tpu.memref_slice %arg4[%add3A_165, %dma_start3A_177] : memref<2560x128xi32, #tpu.memory_space<hbm>> -> memref<4x128xi32, #tpu.memory_space<hbm>>
            tpu.enqueue_dma source(%dma_start3A_178 : memref<4x128xi32, #tpu.memory_space<hbm>>) target(%dma_start3A_176 : memref<4x128xi32, #tpu.memory_space<vmem>>) target_semaphore(%run_scoped3A_166 : memref<!tpu.dma_semaphore, #tpu.memory_space<semaphore_mem>>)
            %dma_wait3A = arith.constant 0 : i32
            %dma_wait3A_179 = arith.constant 0 : i32
            %dma_wait3A_180 = tpu.memref_slice %arg8[%and3A_159, %dma_wait3A, %dma_wait3A_179] : memref<2x4x128xi32, #tpu.memory_space<vmem>> -> memref<1x4x128xi32, #tpu.memory_space<vmem>>
            %dma_wait3A_181 = tpu.memref_squeeze %dma_wait3A_180 : memref<1x4x128xi32, #tpu.memory_space<vmem>> -> memref<4x128xi32, #tpu.memory_space<vmem>>
            %dma_wait3A_182 = arith.constant 0 : i32
            %dma_wait3A_183 = tpu.memref_slice %arg4[%add3A_165, %dma_wait3A_182] : memref<2560x128xi32, #tpu.memory_space<hbm>> -> memref<4x128xi32, #tpu.memory_space<hbm>>
            %dma_wait3A_184 = arith.constant 0 : i32
            %dma_wait3A_185 = arith.constant 0 : i32
            %dma_wait3A_186 = tpu.memref_slice %arg8[%and3A_159, %dma_wait3A_184, %dma_wait3A_185] : memref<2x4x128xi32, #tpu.memory_space<vmem>> -> memref<1x4x128xi32, #tpu.memory_space<vmem>>
            %dma_wait3A_187 = tpu.memref_squeeze %dma_wait3A_186 : memref<1x4x128xi32, #tpu.memory_space<vmem>> -> memref<4x128xi32, #tpu.memory_space<vmem>>
            %dma_wait3A_188 = arith.constant 0 : i32
            %dma_wait3A_189 = tpu.memref_slice %arg4[%add3A_165, %dma_wait3A_188] : memref<2560x128xi32, #tpu.memory_space<hbm>> -> memref<4x128xi32, #tpu.memory_space<hbm>>
            tpu.wait_dma2 semaphore(%run_scoped3A_166 : memref<!tpu.dma_semaphore, #tpu.memory_space<semaphore_mem>>) src(%dma_wait3A_189 : memref<4x128xi32, #tpu.memory_space<hbm>>) dst(%dma_wait3A_187 : memref<4x128xi32, #tpu.memory_space<vmem>>)
            tpu.yield
          }) : () -> ()
        } else {
        }
        %and3A_120 = arith.constant 1 : i32
        %and3A_121 = arith.andi %while3A_96, %and3A_120 : i32
        %eq3A_122 = arith.constant 0 : i32
        %eq3A_123 = arith.cmpi eq, %and3A_121, %eq3A_122 : i32
        %convert_element_type3A_124 = arith.extui %eq3A_123 : i1 to i32
        %cond3A_125 = arith.constant 0 : i32
        %cond3A_126 = arith.cmpi ne, %convert_element_type3A_124, %cond3A_125 : i32
        scf.if %cond3A_126 {
          %jit3A_134 = arith.constant 4 : i32
          %div3A = arith.divsi %while3A_96, %jit3A_134 : i32
          %sign3A = arith.constant 0 : i32
          %sign3A_135 = arith.cmpi sgt, %while3A_96, %sign3A : i32
          %sign3A_136 = arith.extui %sign3A_135 : i1 to i32
          %sign3A_137 = arith.constant 0 : i32
          %sign3A_138 = arith.cmpi slt, %while3A_96, %sign3A_137 : i32
          %sign3A_139 = arith.extui %sign3A_138 : i1 to i32
          %sign3A_140 = arith.subi %sign3A_136, %sign3A_139 : i32
          %sign3A_141 = arith.constant 0 : i32
          %sign3A_142 = arith.cmpi sgt, %jit3A_134, %sign3A_141 : i32
          %sign3A_143 = arith.extui %sign3A_142 : i1 to i32
          %sign3A_144 = arith.constant 0 : i32
          %sign3A_145 = arith.cmpi slt, %jit3A_134, %sign3A_144 : i32
          %sign3A_146 = arith.extui %sign3A_145 : i1 to i32
          %sign3A_147 = arith.subi %sign3A_143, %sign3A_146 : i32
          %ne3A_148 = arith.cmpi ne, %sign3A_140, %sign3A_147 : i32
          %rem3A_149 = arith.remsi %while3A_96, %jit3A_134 : i32
          %ne3A_150 = arith.constant 0 : i32
          %ne3A_151 = arith.cmpi ne, %rem3A_149, %ne3A_150 : i32
          %and3A_152 = arith.andi %ne3A_148, %ne3A_151 : i1
          %sub3A_153 = arith.constant 1 : i32
          %sub3A_154 = arith.subi %div3A, %sub3A_153 : i32
          %select_n3A_155 = arith.select %and3A_152, %sub3A_154, %div3A : i32
          %and3A_156 = arith.constant 1 : i32
          %and3A_157 = arith.andi %select_n3A_155, %and3A_156 : i32
          %jit3A_158 = arith.constant 4 : i32
          %eq3A_159 = arith.constant 0 : i32
          %eq3A_160 = arith.cmpi eq, %jit3A_158, %eq3A_159 : i32
          %jit3A_161 = arith.constant 1 : i32
          %select_n3A_162 = arith.select %eq3A_160, %jit3A_161, %jit3A_158 : i32
          %rem3A_163 = arith.remsi %while3A_96, %select_n3A_162 : i32
          %ne3A_164 = arith.constant 0 : i32
          %ne3A_165 = arith.cmpi ne, %rem3A_163, %ne3A_164 : i32
          %lt3A_166 = arith.constant 0 : i32
          %lt3A_167 = arith.cmpi slt, %rem3A_163, %lt3A_166 : i32
          %lt3A_168 = arith.constant 0 : i32
          %lt3A_169 = arith.cmpi slt, %select_n3A_162, %lt3A_168 : i32
          %ne3A_170 = arith.xori %lt3A_167, %lt3A_169 : i1
          %and3A_171 = arith.andi %ne3A_170, %ne3A_165 : i1
          %add3A_172 = arith.addi %rem3A_163, %select_n3A_162 : i32
          %select_n3A_173 = arith.select %and3A_171, %add3A_172, %rem3A_163 : i32
          %dma_wait3A = arith.constant 0 : i32
          %dma_wait3A_174 = arith.constant 0 : i32
          %dma_wait3A_175 = arith.constant 0 : i32
          %dma_wait3A_176 = tpu.memref_slice %arg9[%dma_wait3A, %dma_wait3A_174, %dma_wait3A_175] : memref<2x128x64xf32, #tpu.memory_space<vmem>> -> memref<1x128x64xf32, #tpu.memory_space<vmem>>
          %dma_wait3A_177 = tpu.memref_squeeze %dma_wait3A_176 : memref<1x128x64xf32, #tpu.memory_space<vmem>> -> memref<128x64xf32, #tpu.memory_space<vmem>>
          %dma_wait3A_178 = arith.constant 0 : i32
          %dma_wait3A_179 = tpu.memref_slice %arg7[%and3A_157, %select_n3A_173, %dma_wait3A_178] : memref<2x4x128xi32, #tpu.memory_space<vmem>> -> memref<1x1x128xi32, #tpu.memory_space<vmem>>
          %dma_wait3A_180 = tpu.memref_squeeze %dma_wait3A_179 : memref<1x1x128xi32, #tpu.memory_space<vmem>> -> memref<128xi32, #tpu.memory_space<vmem>>
          %dma_wait3A_181 = arith.constant 0 : i32
          %dma_wait3A_182 = arith.constant 0 : i32
          %dma_wait3A_183 = tpu.memref_slice %arg2[%dma_wait3A_181, %dma_wait3A_182] : memref<10000x64xf32, #tpu.memory_space<hbm>> -> memref<10000x64xf32, #tpu.memory_space<hbm>>
          tpu.wait_indirect_dma semaphore(%arg11 : memref<!tpu.dma_semaphore, #tpu.memory_space<semaphore_mem>>) src(%dma_wait3A_183 : memref<10000x64xf32, #tpu.memory_space<hbm>>) dst(%dma_wait3A_177 : memref<128x64xf32, #tpu.memory_space<vmem>>)
          %add3A_184 = arith.constant 1 : i32
          %add3A_185 = arith.addi %while3A_96, %add3A_184 : i32
          %lt3A_186 = arith.cmpi slt, %add3A_185, %min3A : i32
          %convert_element_type3A_187 = arith.extui %lt3A_186 : i1 to i32
          %cond3A_188 = arith.constant 0 : i32
          %cond3A_189 = arith.cmpi ne, %convert_element_type3A_187, %cond3A_188 : i32
          scf.if %cond3A_189 {
            %ge3A = arith.constant 1 : i32
            %ge3A_243 = arith.cmpi sge, %while3A_96, %ge3A : i32
            %convert_element_type3A_244 = arith.extui %ge3A_243 : i1 to i32
            %cond3A_245 = arith.constant 0 : i32
            %cond3A_246 = arith.cmpi ne, %convert_element_type3A_244, %cond3A_245 : i32
            scf.if %cond3A_246 {
              %sub3A_302 = arith.constant 1 : i32
              %sub3A_303 = arith.subi %while3A_96, %sub3A_302 : i32
              %jit3A_304 = arith.constant 4 : i32
              %div3A_305 = arith.divsi %sub3A_303, %jit3A_304 : i32
              %sign3A_306 = arith.constant 0 : i32
              %sign3A_307 = arith.cmpi sgt, %sub3A_303, %sign3A_306 : i32
              %sign3A_308 = arith.extui %sign3A_307 : i1 to i32
              %sign3A_309 = arith.constant 0 : i32
              %sign3A_310 = arith.cmpi slt, %sub3A_303, %sign3A_309 : i32
              %sign3A_311 = arith.extui %sign3A_310 : i1 to i32
              %sign3A_312 = arith.subi %sign3A_308, %sign3A_311 : i32
              %sign3A_313 = arith.constant 0 : i32
              %sign3A_314 = arith.cmpi sgt, %jit3A_304, %sign3A_313 : i32
              %sign3A_315 = arith.extui %sign3A_314 : i1 to i32
              %sign3A_316 = arith.constant 0 : i32
              %sign3A_317 = arith.cmpi slt, %jit3A_304, %sign3A_316 : i32
              %sign3A_318 = arith.extui %sign3A_317 : i1 to i32
              %sign3A_319 = arith.subi %sign3A_315, %sign3A_318 : i32
              %ne3A_320 = arith.cmpi ne, %sign3A_312, %sign3A_319 : i32
              %rem3A_321 = arith.remsi %sub3A_303, %jit3A_304 : i32
              %ne3A_322 = arith.constant 0 : i32
              %ne3A_323 = arith.cmpi ne, %rem3A_321, %ne3A_322 : i32
              %and3A_324 = arith.andi %ne3A_320, %ne3A_323 : i1
              %sub3A_325 = arith.constant 1 : i32
              %sub3A_326 = arith.subi %div3A_305, %sub3A_325 : i32
              %select_n3A_327 = arith.select %and3A_324, %sub3A_326, %div3A_305 : i32
              %and3A_328 = arith.constant 1 : i32
              %and3A_329 = arith.andi %select_n3A_327, %and3A_328 : i32
              %jit3A_330 = arith.constant 4 : i32
              %eq3A_331 = arith.constant 0 : i32
              %eq3A_332 = arith.cmpi eq, %jit3A_330, %eq3A_331 : i32
              %jit3A_333 = arith.constant 1 : i32
              %select_n3A_334 = arith.select %eq3A_332, %jit3A_333, %jit3A_330 : i32
              %rem3A_335 = arith.remsi %sub3A_303, %select_n3A_334 : i32
              %ne3A_336 = arith.constant 0 : i32
              %ne3A_337 = arith.cmpi ne, %rem3A_335, %ne3A_336 : i32
              %lt3A_338 = arith.constant 0 : i32
              %lt3A_339 = arith.cmpi slt, %rem3A_335, %lt3A_338 : i32
              %lt3A_340 = arith.constant 0 : i32
              %lt3A_341 = arith.cmpi slt, %select_n3A_334, %lt3A_340 : i32
              %ne3A_342 = arith.xori %lt3A_339, %lt3A_341 : i1
              %and3A_343 = arith.andi %ne3A_342, %ne3A_337 : i1
              %add3A_344 = arith.addi %rem3A_335, %select_n3A_334 : i32
              %select_n3A_345 = arith.select %and3A_343, %add3A_344, %rem3A_335 : i32
              %dma_wait3A_346 = arith.constant 1 : i32
              %dma_wait3A_347 = arith.constant 0 : i32
              %dma_wait3A_348 = arith.constant 0 : i32
              %dma_wait3A_349 = tpu.memref_slice %arg9[%dma_wait3A_346, %dma_wait3A_347, %dma_wait3A_348] : memref<2x128x64xf32, #tpu.memory_space<vmem>> -> memref<1x128x64xf32, #tpu.memory_space<vmem>>
              %dma_wait3A_350 = tpu.memref_squeeze %dma_wait3A_349 : memref<1x128x64xf32, #tpu.memory_space<vmem>> -> memref<128x64xf32, #tpu.memory_space<vmem>>
              %dma_wait3A_351 = arith.constant 0 : i32
              %dma_wait3A_352 = tpu.memref_slice %arg8[%and3A_329, %select_n3A_345, %dma_wait3A_351] : memref<2x4x128xi32, #tpu.memory_space<vmem>> -> memref<1x1x128xi32, #tpu.memory_space<vmem>>
              %dma_wait3A_353 = tpu.memref_squeeze %dma_wait3A_352 : memref<1x1x128xi32, #tpu.memory_space<vmem>> -> memref<128xi32, #tpu.memory_space<vmem>>
              %dma_wait3A_354 = arith.constant 0 : i32
              %dma_wait3A_355 = arith.constant 0 : i32
              %dma_wait3A_356 = tpu.memref_slice %arg10[%dma_wait3A_354, %dma_wait3A_355] : memref<10112x64xf32, #tpu.memory_space<vmem_shared>> -> memref<10112x64xf32, #tpu.memory_space<vmem_shared>>
              tpu.wait_indirect_dma semaphore(%arg14 : memref<!tpu.dma_semaphore, #tpu.memory_space<semaphore_mem>>) src(%dma_wait3A_350 : memref<128x64xf32, #tpu.memory_space<vmem>>) dst(%dma_wait3A_356 : memref<10112x64xf32, #tpu.memory_space<vmem_shared>>)
            } else {
            }
            %add3A_247 = arith.constant 1 : i32
            %add3A_248 = arith.addi %while3A_96, %add3A_247 : i32
            %jit3A_249 = arith.constant 4 : i32
            %div3A_250 = arith.divsi %add3A_248, %jit3A_249 : i32
            %sign3A_251 = arith.constant 0 : i32
            %sign3A_252 = arith.cmpi sgt, %add3A_248, %sign3A_251 : i32
            %sign3A_253 = arith.extui %sign3A_252 : i1 to i32
            %sign3A_254 = arith.constant 0 : i32
            %sign3A_255 = arith.cmpi slt, %add3A_248, %sign3A_254 : i32
            %sign3A_256 = arith.extui %sign3A_255 : i1 to i32
            %sign3A_257 = arith.subi %sign3A_253, %sign3A_256 : i32
            %sign3A_258 = arith.constant 0 : i32
            %sign3A_259 = arith.cmpi sgt, %jit3A_249, %sign3A_258 : i32
            %sign3A_260 = arith.extui %sign3A_259 : i1 to i32
            %sign3A_261 = arith.constant 0 : i32
            %sign3A_262 = arith.cmpi slt, %jit3A_249, %sign3A_261 : i32
            %sign3A_263 = arith.extui %sign3A_262 : i1 to i32
            %sign3A_264 = arith.subi %sign3A_260, %sign3A_263 : i32
            %ne3A_265 = arith.cmpi ne, %sign3A_257, %sign3A_264 : i32
            %rem3A_266 = arith.remsi %add3A_248, %jit3A_249 : i32
            %ne3A_267 = arith.constant 0 : i32
            %ne3A_268 = arith.cmpi ne, %rem3A_266, %ne3A_267 : i32
            %and3A_269 = arith.andi %ne3A_265, %ne3A_268 : i1
            %sub3A_270 = arith.constant 1 : i32
            %sub3A_271 = arith.subi %div3A_250, %sub3A_270 : i32
            %select_n3A_272 = arith.select %and3A_269, %sub3A_271, %div3A_250 : i32
            %and3A_273 = arith.constant 1 : i32
            %and3A_274 = arith.andi %select_n3A_272, %and3A_273 : i32
            %jit3A_275 = arith.constant 4 : i32
            %eq3A_276 = arith.constant 0 : i32
            %eq3A_277 = arith.cmpi eq, %jit3A_275, %eq3A_276 : i32
            %jit3A_278 = arith.constant 1 : i32
            %select_n3A_279 = arith.select %eq3A_277, %jit3A_278, %jit3A_275 : i32
            %rem3A_280 = arith.remsi %add3A_248, %select_n3A_279 : i32
            %ne3A_281 = arith.constant 0 : i32
            %ne3A_282 = arith.cmpi ne, %rem3A_280, %ne3A_281 : i32
            %lt3A_283 = arith.constant 0 : i32
            %lt3A_284 = arith.cmpi slt, %rem3A_280, %lt3A_283 : i32
            %lt3A_285 = arith.constant 0 : i32
            %lt3A_286 = arith.cmpi slt, %select_n3A_279, %lt3A_285 : i32
            %ne3A_287 = arith.xori %lt3A_284, %lt3A_286 : i1
            %and3A_288 = arith.andi %ne3A_287, %ne3A_282 : i1
            %add3A_289 = arith.addi %rem3A_280, %select_n3A_279 : i32
            %select_n3A_290 = arith.select %and3A_288, %add3A_289, %rem3A_280 : i32
            %dma_start3A_291 = arith.constant 1 : i32
            %dma_start3A_292 = arith.constant 0 : i32
            %dma_start3A_293 = arith.constant 0 : i32
            %dma_start3A_294 = tpu.memref_slice %arg9[%dma_start3A_291, %dma_start3A_292, %dma_start3A_293] : memref<2x128x64xf32, #tpu.memory_space<vmem>> -> memref<1x128x64xf32, #tpu.memory_space<vmem>>
            %dma_start3A_295 = tpu.memref_squeeze %dma_start3A_294 : memref<1x128x64xf32, #tpu.memory_space<vmem>> -> memref<128x64xf32, #tpu.memory_space<vmem>>
            %dma_start3A_296 = arith.constant 0 : i32
            %dma_start3A_297 = tpu.memref_slice %arg7[%and3A_274, %select_n3A_290, %dma_start3A_296] : memref<2x4x128xi32, #tpu.memory_space<vmem>> -> memref<1x1x128xi32, #tpu.memory_space<vmem>>
            %dma_start3A_298 = tpu.memref_squeeze %dma_start3A_297 : memref<1x1x128xi32, #tpu.memory_space<vmem>> -> memref<128xi32, #tpu.memory_space<vmem>>
            %dma_start3A_299 = arith.constant 0 : i32
            %dma_start3A_300 = arith.constant 0 : i32
            %dma_start3A_301 = tpu.memref_slice %arg2[%dma_start3A_299, %dma_start3A_300] : memref<10000x64xf32, #tpu.memory_space<hbm>> -> memref<10000x64xf32, #tpu.memory_space<hbm>>
            tpu.enqueue_indirect_dma source(%dma_start3A_301 : memref<10000x64xf32, #tpu.memory_space<hbm>>) target(%dma_start3A_295 : memref<128x64xf32, #tpu.memory_space<vmem>>) offsets(%dma_start3A_298 : memref<128xi32, #tpu.memory_space<vmem>>) semaphore(%arg12 : memref<!tpu.dma_semaphore, #tpu.memory_space<semaphore_mem>>)
          } else {
          }
          %jit3A_190 = arith.constant 4 : i32
          %div3A_191 = arith.divsi %while3A_96, %jit3A_190 : i32
          %sign3A_192 = arith.constant 0 : i32
          %sign3A_193 = arith.cmpi sgt, %while3A_96, %sign3A_192 : i32
          %sign3A_194 = arith.extui %sign3A_193 : i1 to i32
          %sign3A_195 = arith.constant 0 : i32
          %sign3A_196 = arith.cmpi slt, %while3A_96, %sign3A_195 : i32
          %sign3A_197 = arith.extui %sign3A_196 : i1 to i32
          %sign3A_198 = arith.subi %sign3A_194, %sign3A_197 : i32
          %sign3A_199 = arith.constant 0 : i32
          %sign3A_200 = arith.cmpi sgt, %jit3A_190, %sign3A_199 : i32
          %sign3A_201 = arith.extui %sign3A_200 : i1 to i32
          %sign3A_202 = arith.constant 0 : i32
          %sign3A_203 = arith.cmpi slt, %jit3A_190, %sign3A_202 : i32
          %sign3A_204 = arith.extui %sign3A_203 : i1 to i32
          %sign3A_205 = arith.subi %sign3A_201, %sign3A_204 : i32
          %ne3A_206 = arith.cmpi ne, %sign3A_198, %sign3A_205 : i32
          %rem3A_207 = arith.remsi %while3A_96, %jit3A_190 : i32
          %ne3A_208 = arith.constant 0 : i32
          %ne3A_209 = arith.cmpi ne, %rem3A_207, %ne3A_208 : i32
          %and3A_210 = arith.andi %ne3A_206, %ne3A_209 : i1
          %sub3A_211 = arith.constant 1 : i32
          %sub3A_212 = arith.subi %div3A_191, %sub3A_211 : i32
          %select_n3A_213 = arith.select %and3A_210, %sub3A_212, %div3A_191 : i32
          %and3A_214 = arith.constant 1 : i32
          %and3A_215 = arith.andi %select_n3A_213, %and3A_214 : i32
          %jit3A_216 = arith.constant 4 : i32
          %eq3A_217 = arith.constant 0 : i32
          %eq3A_218 = arith.cmpi eq, %jit3A_216, %eq3A_217 : i32
          %jit3A_219 = arith.constant 1 : i32
          %select_n3A_220 = arith.select %eq3A_218, %jit3A_219, %jit3A_216 : i32
          %rem3A_221 = arith.remsi %while3A_96, %select_n3A_220 : i32
          %ne3A_222 = arith.constant 0 : i32
          %ne3A_223 = arith.cmpi ne, %rem3A_221, %ne3A_222 : i32
          %lt3A_224 = arith.constant 0 : i32
          %lt3A_225 = arith.cmpi slt, %rem3A_221, %lt3A_224 : i32
          %lt3A_226 = arith.constant 0 : i32
          %lt3A_227 = arith.cmpi slt, %select_n3A_220, %lt3A_226 : i32
          %ne3A_228 = arith.xori %lt3A_225, %lt3A_227 : i1
          %and3A_229 = arith.andi %ne3A_228, %ne3A_223 : i1
          %add3A_230 = arith.addi %rem3A_221, %select_n3A_220 : i32
          %select_n3A_231 = arith.select %and3A_229, %add3A_230, %rem3A_221 : i32
          %dma_start3A_232 = arith.constant 0 : i32
          %dma_start3A_233 = arith.constant 0 : i32
          %dma_start3A_234 = arith.constant 0 : i32
          %dma_start3A_235 = tpu.memref_slice %arg9[%dma_start3A_232, %dma_start3A_233, %dma_start3A_234] : memref<2x128x64xf32, #tpu.memory_space<vmem>> -> memref<1x128x64xf32, #tpu.memory_space<vmem>>
          %dma_start3A_236 = tpu.memref_squeeze %dma_start3A_235 : memref<1x128x64xf32, #tpu.memory_space<vmem>> -> memref<128x64xf32, #tpu.memory_space<vmem>>
          %dma_start3A_237 = arith.constant 0 : i32
          %dma_start3A_238 = tpu.memref_slice %arg8[%and3A_215, %select_n3A_231, %dma_start3A_237] : memref<2x4x128xi32, #tpu.memory_space<vmem>> -> memref<1x1x128xi32, #tpu.memory_space<vmem>>
          %dma_start3A_239 = tpu.memref_squeeze %dma_start3A_238 : memref<1x1x128xi32, #tpu.memory_space<vmem>> -> memref<128xi32, #tpu.memory_space<vmem>>
          %dma_start3A_240 = arith.constant 0 : i32
          %dma_start3A_241 = arith.constant 0 : i32
          %dma_start3A_242 = tpu.memref_slice %arg10[%dma_start3A_240, %dma_start3A_241] : memref<10112x64xf32, #tpu.memory_space<vmem_shared>> -> memref<10112x64xf32, #tpu.memory_space<vmem_shared>>
          tpu.enqueue_indirect_dma source(%dma_start3A_236 : memref<128x64xf32, #tpu.memory_space<vmem>>) target(%dma_start3A_242 : memref<10112x64xf32, #tpu.memory_space<vmem_shared>>) offsets(%dma_start3A_239 : memref<128xi32, #tpu.memory_space<vmem>>) semaphore(%arg13 : memref<!tpu.dma_semaphore, #tpu.memory_space<semaphore_mem>>) {add = true}
        } else {
        }
        %and3A_127 = arith.constant 1 : i32
        %and3A_128 = arith.andi %while3A_96, %and3A_127 : i32
        %eq3A_129 = arith.constant 1 : i32
        %eq3A_130 = arith.cmpi eq, %and3A_128, %eq3A_129 : i32
        %convert_element_type3A_131 = arith.extui %eq3A_130 : i1 to i32
        %cond3A_132 = arith.constant 0 : i32
        %cond3A_133 = arith.cmpi ne, %convert_element_type3A_131, %cond3A_132 : i32
        scf.if %cond3A_133 {
          %jit3A_134 = arith.constant 4 : i32
          %div3A = arith.divsi %while3A_96, %jit3A_134 : i32
          %sign3A = arith.constant 0 : i32
          %sign3A_135 = arith.cmpi sgt, %while3A_96, %sign3A : i32
          %sign3A_136 = arith.extui %sign3A_135 : i1 to i32
          %sign3A_137 = arith.constant 0 : i32
          %sign3A_138 = arith.cmpi slt, %while3A_96, %sign3A_137 : i32
          %sign3A_139 = arith.extui %sign3A_138 : i1 to i32
          %sign3A_140 = arith.subi %sign3A_136, %sign3A_139 : i32
          %sign3A_141 = arith.constant 0 : i32
          %sign3A_142 = arith.cmpi sgt, %jit3A_134, %sign3A_141 : i32
          %sign3A_143 = arith.extui %sign3A_142 : i1 to i32
          %sign3A_144 = arith.constant 0 : i32
          %sign3A_145 = arith.cmpi slt, %jit3A_134, %sign3A_144 : i32
          %sign3A_146 = arith.extui %sign3A_145 : i1 to i32
          %sign3A_147 = arith.subi %sign3A_143, %sign3A_146 : i32
          %ne3A_148 = arith.cmpi ne, %sign3A_140, %sign3A_147 : i32
          %rem3A_149 = arith.remsi %while3A_96, %jit3A_134 : i32
          %ne3A_150 = arith.constant 0 : i32
          %ne3A_151 = arith.cmpi ne, %rem3A_149, %ne3A_150 : i32
          %and3A_152 = arith.andi %ne3A_148, %ne3A_151 : i1
          %sub3A_153 = arith.constant 1 : i32
          %sub3A_154 = arith.subi %div3A, %sub3A_153 : i32
          %select_n3A_155 = arith.select %and3A_152, %sub3A_154, %div3A : i32
          %and3A_156 = arith.constant 1 : i32
          %and3A_157 = arith.andi %select_n3A_155, %and3A_156 : i32
          %jit3A_158 = arith.constant 4 : i32
          %eq3A_159 = arith.constant 0 : i32
          %eq3A_160 = arith.cmpi eq, %jit3A_158, %eq3A_159 : i32
          %jit3A_161 = arith.constant 1 : i32
          %select_n3A_162 = arith.select %eq3A_160, %jit3A_161, %jit3A_158 : i32
          %rem3A_163 = arith.remsi %while3A_96, %select_n3A_162 : i32
          %ne3A_164 = arith.constant 0 : i32
          %ne3A_165 = arith.cmpi ne, %rem3A_163, %ne3A_164 : i32
          %lt3A_166 = arith.constant 0 : i32
          %lt3A_167 = arith.cmpi slt, %rem3A_163, %lt3A_166 : i32
          %lt3A_168 = arith.constant 0 : i32
          %lt3A_169 = arith.cmpi slt, %select_n3A_162, %lt3A_168 : i32
          %ne3A_170 = arith.xori %lt3A_167, %lt3A_169 : i1
          %and3A_171 = arith.andi %ne3A_170, %ne3A_165 : i1
          %add3A_172 = arith.addi %rem3A_163, %select_n3A_162 : i32
          %select_n3A_173 = arith.select %and3A_171, %add3A_172, %rem3A_163 : i32
          %dma_wait3A = arith.constant 1 : i32
          %dma_wait3A_174 = arith.constant 0 : i32
          %dma_wait3A_175 = arith.constant 0 : i32
          %dma_wait3A_176 = tpu.memref_slice %arg9[%dma_wait3A, %dma_wait3A_174, %dma_wait3A_175] : memref<2x128x64xf32, #tpu.memory_space<vmem>> -> memref<1x128x64xf32, #tpu.memory_space<vmem>>
          %dma_wait3A_177 = tpu.memref_squeeze %dma_wait3A_176 : memref<1x128x64xf32, #tpu.memory_space<vmem>> -> memref<128x64xf32, #tpu.memory_space<vmem>>
          %dma_wait3A_178 = arith.constant 0 : i32
          %dma_wait3A_179 = tpu.memref_slice %arg7[%and3A_157, %select_n3A_173, %dma_wait3A_178] : memref<2x4x128xi32, #tpu.memory_space<vmem>> -> memref<1x1x128xi32, #tpu.memory_space<vmem>>
          %dma_wait3A_180 = tpu.memref_squeeze %dma_wait3A_179 : memref<1x1x128xi32, #tpu.memory_space<vmem>> -> memref<128xi32, #tpu.memory_space<vmem>>
          %dma_wait3A_181 = arith.constant 0 : i32
          %dma_wait3A_182 = arith.constant 0 : i32
          %dma_wait3A_183 = tpu.memref_slice %arg2[%dma_wait3A_181, %dma_wait3A_182] : memref<10000x64xf32, #tpu.memory_space<hbm>> -> memref<10000x64xf32, #tpu.memory_space<hbm>>
          tpu.wait_indirect_dma semaphore(%arg12 : memref<!tpu.dma_semaphore, #tpu.memory_space<semaphore_mem>>) src(%dma_wait3A_183 : memref<10000x64xf32, #tpu.memory_space<hbm>>) dst(%dma_wait3A_177 : memref<128x64xf32, #tpu.memory_space<vmem>>)
          %add3A_184 = arith.constant 1 : i32
          %add3A_185 = arith.addi %while3A_96, %add3A_184 : i32
          %lt3A_186 = arith.cmpi slt, %add3A_185, %min3A : i32
          %convert_element_type3A_187 = arith.extui %lt3A_186 : i1 to i32
          %cond3A_188 = arith.constant 0 : i32
          %cond3A_189 = arith.cmpi ne, %convert_element_type3A_187, %cond3A_188 : i32
          scf.if %cond3A_189 {
            %ge3A = arith.constant 1 : i32
            %ge3A_243 = arith.cmpi sge, %while3A_96, %ge3A : i32
            %convert_element_type3A_244 = arith.extui %ge3A_243 : i1 to i32
            %cond3A_245 = arith.constant 0 : i32
            %cond3A_246 = arith.cmpi ne, %convert_element_type3A_244, %cond3A_245 : i32
            scf.if %cond3A_246 {
              %sub3A_302 = arith.constant 1 : i32
              %sub3A_303 = arith.subi %while3A_96, %sub3A_302 : i32
              %jit3A_304 = arith.constant 4 : i32
              %div3A_305 = arith.divsi %sub3A_303, %jit3A_304 : i32
              %sign3A_306 = arith.constant 0 : i32
              %sign3A_307 = arith.cmpi sgt, %sub3A_303, %sign3A_306 : i32
              %sign3A_308 = arith.extui %sign3A_307 : i1 to i32
              %sign3A_309 = arith.constant 0 : i32
              %sign3A_310 = arith.cmpi slt, %sub3A_303, %sign3A_309 : i32
              %sign3A_311 = arith.extui %sign3A_310 : i1 to i32
              %sign3A_312 = arith.subi %sign3A_308, %sign3A_311 : i32
              %sign3A_313 = arith.constant 0 : i32
              %sign3A_314 = arith.cmpi sgt, %jit3A_304, %sign3A_313 : i32
              %sign3A_315 = arith.extui %sign3A_314 : i1 to i32
              %sign3A_316 = arith.constant 0 : i32
              %sign3A_317 = arith.cmpi slt, %jit3A_304, %sign3A_316 : i32
              %sign3A_318 = arith.extui %sign3A_317 : i1 to i32
              %sign3A_319 = arith.subi %sign3A_315, %sign3A_318 : i32
              %ne3A_320 = arith.cmpi ne, %sign3A_312, %sign3A_319 : i32
              %rem3A_321 = arith.remsi %sub3A_303, %jit3A_304 : i32
              %ne3A_322 = arith.constant 0 : i32
              %ne3A_323 = arith.cmpi ne, %rem3A_321, %ne3A_322 : i32
              %and3A_324 = arith.andi %ne3A_320, %ne3A_323 : i1
              %sub3A_325 = arith.constant 1 : i32
              %sub3A_326 = arith.subi %div3A_305, %sub3A_325 : i32
              %select_n3A_327 = arith.select %and3A_324, %sub3A_326, %div3A_305 : i32
              %and3A_328 = arith.constant 1 : i32
              %and3A_329 = arith.andi %select_n3A_327, %and3A_328 : i32
              %jit3A_330 = arith.constant 4 : i32
              %eq3A_331 = arith.constant 0 : i32
              %eq3A_332 = arith.cmpi eq, %jit3A_330, %eq3A_331 : i32
              %jit3A_333 = arith.constant 1 : i32
              %select_n3A_334 = arith.select %eq3A_332, %jit3A_333, %jit3A_330 : i32
              %rem3A_335 = arith.remsi %sub3A_303, %select_n3A_334 : i32
              %ne3A_336 = arith.constant 0 : i32
              %ne3A_337 = arith.cmpi ne, %rem3A_335, %ne3A_336 : i32
              %lt3A_338 = arith.constant 0 : i32
              %lt3A_339 = arith.cmpi slt, %rem3A_335, %lt3A_338 : i32
              %lt3A_340 = arith.constant 0 : i32
              %lt3A_341 = arith.cmpi slt, %select_n3A_334, %lt3A_340 : i32
              %ne3A_342 = arith.xori %lt3A_339, %lt3A_341 : i1
              %and3A_343 = arith.andi %ne3A_342, %ne3A_337 : i1
              %add3A_344 = arith.addi %rem3A_335, %select_n3A_334 : i32
              %select_n3A_345 = arith.select %and3A_343, %add3A_344, %rem3A_335 : i32
              %dma_wait3A_346 = arith.constant 0 : i32
              %dma_wait3A_347 = arith.constant 0 : i32
              %dma_wait3A_348 = arith.constant 0 : i32
              %dma_wait3A_349 = tpu.memref_slice %arg9[%dma_wait3A_346, %dma_wait3A_347, %dma_wait3A_348] : memref<2x128x64xf32, #tpu.memory_space<vmem>> -> memref<1x128x64xf32, #tpu.memory_space<vmem>>
              %dma_wait3A_350 = tpu.memref_squeeze %dma_wait3A_349 : memref<1x128x64xf32, #tpu.memory_space<vmem>> -> memref<128x64xf32, #tpu.memory_space<vmem>>
              %dma_wait3A_351 = arith.constant 0 : i32
              %dma_wait3A_352 = tpu.memref_slice %arg8[%and3A_329, %select_n3A_345, %dma_wait3A_351] : memref<2x4x128xi32, #tpu.memory_space<vmem>> -> memref<1x1x128xi32, #tpu.memory_space<vmem>>
              %dma_wait3A_353 = tpu.memref_squeeze %dma_wait3A_352 : memref<1x1x128xi32, #tpu.memory_space<vmem>> -> memref<128xi32, #tpu.memory_space<vmem>>
              %dma_wait3A_354 = arith.constant 0 : i32
              %dma_wait3A_355 = arith.constant 0 : i32
              %dma_wait3A_356 = tpu.memref_slice %arg10[%dma_wait3A_354, %dma_wait3A_355] : memref<10112x64xf32, #tpu.memory_space<vmem_shared>> -> memref<10112x64xf32, #tpu.memory_space<vmem_shared>>
              tpu.wait_indirect_dma semaphore(%arg13 : memref<!tpu.dma_semaphore, #tpu.memory_space<semaphore_mem>>) src(%dma_wait3A_350 : memref<128x64xf32, #tpu.memory_space<vmem>>) dst(%dma_wait3A_356 : memref<10112x64xf32, #tpu.memory_space<vmem_shared>>)
            } else {
            }
            %add3A_247 = arith.constant 1 : i32
            %add3A_248 = arith.addi %while3A_96, %add3A_247 : i32
            %jit3A_249 = arith.constant 4 : i32
            %div3A_250 = arith.divsi %add3A_248, %jit3A_249 : i32
            %sign3A_251 = arith.constant 0 : i32
            %sign3A_252 = arith.cmpi sgt, %add3A_248, %sign3A_251 : i32
            %sign3A_253 = arith.extui %sign3A_252 : i1 to i32
            %sign3A_254 = arith.constant 0 : i32
            %sign3A_255 = arith.cmpi slt, %add3A_248, %sign3A_254 : i32
            %sign3A_256 = arith.extui %sign3A_255 : i1 to i32
            %sign3A_257 = arith.subi %sign3A_253, %sign3A_256 : i32
            %sign3A_258 = arith.constant 0 : i32
            %sign3A_259 = arith.cmpi sgt, %jit3A_249, %sign3A_258 : i32
            %sign3A_260 = arith.extui %sign3A_259 : i1 to i32
            %sign3A_261 = arith.constant 0 : i32
            %sign3A_262 = arith.cmpi slt, %jit3A_249, %sign3A_261 : i32
            %sign3A_263 = arith.extui %sign3A_262 : i1 to i32
            %sign3A_264 = arith.subi %sign3A_260, %sign3A_263 : i32
            %ne3A_265 = arith.cmpi ne, %sign3A_257, %sign3A_264 : i32
            %rem3A_266 = arith.remsi %add3A_248, %jit3A_249 : i32
            %ne3A_267 = arith.constant 0 : i32
            %ne3A_268 = arith.cmpi ne, %rem3A_266, %ne3A_267 : i32
            %and3A_269 = arith.andi %ne3A_265, %ne3A_268 : i1
            %sub3A_270 = arith.constant 1 : i32
            %sub3A_271 = arith.subi %div3A_250, %sub3A_270 : i32
            %select_n3A_272 = arith.select %and3A_269, %sub3A_271, %div3A_250 : i32
            %and3A_273 = arith.constant 1 : i32
            %and3A_274 = arith.andi %select_n3A_272, %and3A_273 : i32
            %jit3A_275 = arith.constant 4 : i32
            %eq3A_276 = arith.constant 0 : i32
            %eq3A_277 = arith.cmpi eq, %jit3A_275, %eq3A_276 : i32
            %jit3A_278 = arith.constant 1 : i32
            %select_n3A_279 = arith.select %eq3A_277, %jit3A_278, %jit3A_275 : i32
            %rem3A_280 = arith.remsi %add3A_248, %select_n3A_279 : i32
            %ne3A_281 = arith.constant 0 : i32
            %ne3A_282 = arith.cmpi ne, %rem3A_280, %ne3A_281 : i32
            %lt3A_283 = arith.constant 0 : i32
            %lt3A_284 = arith.cmpi slt, %rem3A_280, %lt3A_283 : i32
            %lt3A_285 = arith.constant 0 : i32
            %lt3A_286 = arith.cmpi slt, %select_n3A_279, %lt3A_285 : i32
            %ne3A_287 = arith.xori %lt3A_284, %lt3A_286 : i1
            %and3A_288 = arith.andi %ne3A_287, %ne3A_282 : i1
            %add3A_289 = arith.addi %rem3A_280, %select_n3A_279 : i32
            %select_n3A_290 = arith.select %and3A_288, %add3A_289, %rem3A_280 : i32
            %dma_start3A_291 = arith.constant 0 : i32
            %dma_start3A_292 = arith.constant 0 : i32
            %dma_start3A_293 = arith.constant 0 : i32
            %dma_start3A_294 = tpu.memref_slice %arg9[%dma_start3A_291, %dma_start3A_292, %dma_start3A_293] : memref<2x128x64xf32, #tpu.memory_space<vmem>> -> memref<1x128x64xf32, #tpu.memory_space<vmem>>
            %dma_start3A_295 = tpu.memref_squeeze %dma_start3A_294 : memref<1x128x64xf32, #tpu.memory_space<vmem>> -> memref<128x64xf32, #tpu.memory_space<vmem>>
            %dma_start3A_296 = arith.constant 0 : i32
            %dma_start3A_297 = tpu.memref_slice %arg7[%and3A_274, %select_n3A_290, %dma_start3A_296] : memref<2x4x128xi32, #tpu.memory_space<vmem>> -> memref<1x1x128xi32, #tpu.memory_space<vmem>>
            %dma_start3A_298 = tpu.memref_squeeze %dma_start3A_297 : memref<1x1x128xi32, #tpu.memory_space<vmem>> -> memref<128xi32, #tpu.memory_space<vmem>>
            %dma_start3A_299 = arith.constant 0 : i32
            %dma_start3A_300 = arith.constant 0 : i32
            %dma_start3A_301 = tpu.memref_slice %arg2[%dma_start3A_299, %dma_start3A_300] : memref<10000x64xf32, #tpu.memory_space<hbm>> -> memref<10000x64xf32, #tpu.memory_space<hbm>>
            tpu.enqueue_indirect_dma source(%dma_start3A_301 : memref<10000x64xf32, #tpu.memory_space<hbm>>) target(%dma_start3A_295 : memref<128x64xf32, #tpu.memory_space<vmem>>) offsets(%dma_start3A_298 : memref<128xi32, #tpu.memory_space<vmem>>) semaphore(%arg11 : memref<!tpu.dma_semaphore, #tpu.memory_space<semaphore_mem>>)
          } else {
          }
          %jit3A_190 = arith.constant 4 : i32
          %div3A_191 = arith.divsi %while3A_96, %jit3A_190 : i32
          %sign3A_192 = arith.constant 0 : i32
          %sign3A_193 = arith.cmpi sgt, %while3A_96, %sign3A_192 : i32
          %sign3A_194 = arith.extui %sign3A_193 : i1 to i32
          %sign3A_195 = arith.constant 0 : i32
          %sign3A_196 = arith.cmpi slt, %while3A_96, %sign3A_195 : i32
          %sign3A_197 = arith.extui %sign3A_196 : i1 to i32
          %sign3A_198 = arith.subi %sign3A_194, %sign3A_197 : i32
          %sign3A_199 = arith.constant 0 : i32
          %sign3A_200 = arith.cmpi sgt, %jit3A_190, %sign3A_199 : i32
          %sign3A_201 = arith.extui %sign3A_200 : i1 to i32
          %sign3A_202 = arith.constant 0 : i32
          %sign3A_203 = arith.cmpi slt, %jit3A_190, %sign3A_202 : i32
          %sign3A_204 = arith.extui %sign3A_203 : i1 to i32
          %sign3A_205 = arith.subi %sign3A_201, %sign3A_204 : i32
          %ne3A_206 = arith.cmpi ne, %sign3A_198, %sign3A_205 : i32
          %rem3A_207 = arith.remsi %while3A_96, %jit3A_190 : i32
          %ne3A_208 = arith.constant 0 : i32
          %ne3A_209 = arith.cmpi ne, %rem3A_207, %ne3A_208 : i32
          %and3A_210 = arith.andi %ne3A_206, %ne3A_209 : i1
          %sub3A_211 = arith.constant 1 : i32
          %sub3A_212 = arith.subi %div3A_191, %sub3A_211 : i32
          %select_n3A_213 = arith.select %and3A_210, %sub3A_212, %div3A_191 : i32
          %and3A_214 = arith.constant 1 : i32
          %and3A_215 = arith.andi %select_n3A_213, %and3A_214 : i32
          %jit3A_216 = arith.constant 4 : i32
          %eq3A_217 = arith.constant 0 : i32
          %eq3A_218 = arith.cmpi eq, %jit3A_216, %eq3A_217 : i32
          %jit3A_219 = arith.constant 1 : i32
          %select_n3A_220 = arith.select %eq3A_218, %jit3A_219, %jit3A_216 : i32
          %rem3A_221 = arith.remsi %while3A_96, %select_n3A_220 : i32
          %ne3A_222 = arith.constant 0 : i32
          %ne3A_223 = arith.cmpi ne, %rem3A_221, %ne3A_222 : i32
          %lt3A_224 = arith.constant 0 : i32
          %lt3A_225 = arith.cmpi slt, %rem3A_221, %lt3A_224 : i32
          %lt3A_226 = arith.constant 0 : i32
          %lt3A_227 = arith.cmpi slt, %select_n3A_220, %lt3A_226 : i32
          %ne3A_228 = arith.xori %lt3A_225, %lt3A_227 : i1
          %and3A_229 = arith.andi %ne3A_228, %ne3A_223 : i1
          %add3A_230 = arith.addi %rem3A_221, %select_n3A_220 : i32
          %select_n3A_231 = arith.select %and3A_229, %add3A_230, %rem3A_221 : i32
          %dma_start3A_232 = arith.constant 1 : i32
          %dma_start3A_233 = arith.constant 0 : i32
          %dma_start3A_234 = arith.constant 0 : i32
          %dma_start3A_235 = tpu.memref_slice %arg9[%dma_start3A_232, %dma_start3A_233, %dma_start3A_234] : memref<2x128x64xf32, #tpu.memory_space<vmem>> -> memref<1x128x64xf32, #tpu.memory_space<vmem>>
          %dma_start3A_236 = tpu.memref_squeeze %dma_start3A_235 : memref<1x128x64xf32, #tpu.memory_space<vmem>> -> memref<128x64xf32, #tpu.memory_space<vmem>>
          %dma_start3A_237 = arith.constant 0 : i32
          %dma_start3A_238 = tpu.memref_slice %arg8[%and3A_215, %select_n3A_231, %dma_start3A_237] : memref<2x4x128xi32, #tpu.memory_space<vmem>> -> memref<1x1x128xi32, #tpu.memory_space<vmem>>
          %dma_start3A_239 = tpu.memref_squeeze %dma_start3A_238 : memref<1x1x128xi32, #tpu.memory_space<vmem>> -> memref<128xi32, #tpu.memory_space<vmem>>
          %dma_start3A_240 = arith.constant 0 : i32
          %dma_start3A_241 = arith.constant 0 : i32
          %dma_start3A_242 = tpu.memref_slice %arg10[%dma_start3A_240, %dma_start3A_241] : memref<10112x64xf32, #tpu.memory_space<vmem_shared>> -> memref<10112x64xf32, #tpu.memory_space<vmem_shared>>
          tpu.enqueue_indirect_dma source(%dma_start3A_236 : memref<128x64xf32, #tpu.memory_space<vmem>>) target(%dma_start3A_242 : memref<10112x64xf32, #tpu.memory_space<vmem_shared>>) offsets(%dma_start3A_239 : memref<128xi32, #tpu.memory_space<vmem>>) semaphore(%arg14 : memref<!tpu.dma_semaphore, #tpu.memory_space<semaphore_mem>>) {add = true}
        } else {
        }
      }
      %sub3A_82 = arith.constant 1 : i32
      %sub3A_83 = arith.subi %min3A, %sub3A_82 : i32
      %and3A = arith.constant 1 : i32
      %and3A_84 = arith.andi %sub3A_83, %and3A : i32
      %eq3A = arith.constant 0 : i32
      %eq3A_85 = arith.cmpi eq, %and3A_84, %eq3A : i32
      %convert_element_type3A_86 = arith.extui %eq3A_85 : i1 to i32
      %cond3A_87 = arith.constant 0 : i32
      %cond3A_88 = arith.cmpi ne, %convert_element_type3A_86, %cond3A_87 : i32
      scf.if %cond3A_88 {
        %jit3A_96 = arith.constant 4 : i32
        %div3A = arith.divsi %sub3A_83, %jit3A_96 : i32
        %sign3A = arith.constant 0 : i32
        %sign3A_97 = arith.cmpi sgt, %sub3A_83, %sign3A : i32
        %sign3A_98 = arith.extui %sign3A_97 : i1 to i32
        %sign3A_99 = arith.constant 0 : i32
        %sign3A_100 = arith.cmpi slt, %sub3A_83, %sign3A_99 : i32
        %sign3A_101 = arith.extui %sign3A_100 : i1 to i32
        %sign3A_102 = arith.subi %sign3A_98, %sign3A_101 : i32
        %sign3A_103 = arith.constant 0 : i32
        %sign3A_104 = arith.cmpi sgt, %jit3A_96, %sign3A_103 : i32
        %sign3A_105 = arith.extui %sign3A_104 : i1 to i32
        %sign3A_106 = arith.constant 0 : i32
        %sign3A_107 = arith.cmpi slt, %jit3A_96, %sign3A_106 : i32
        %sign3A_108 = arith.extui %sign3A_107 : i1 to i32
        %sign3A_109 = arith.subi %sign3A_105, %sign3A_108 : i32
        %ne3A = arith.cmpi ne, %sign3A_102, %sign3A_109 : i32
        %rem3A = arith.remsi %sub3A_83, %jit3A_96 : i32
        %ne3A_110 = arith.constant 0 : i32
        %ne3A_111 = arith.cmpi ne, %rem3A, %ne3A_110 : i32
        %and3A_112 = arith.andi %ne3A, %ne3A_111 : i1
        %sub3A_113 = arith.constant 1 : i32
        %sub3A_114 = arith.subi %div3A, %sub3A_113 : i32
        %select_n3A = arith.select %and3A_112, %sub3A_114, %div3A : i32
        %and3A_115 = arith.constant 1 : i32
        %and3A_116 = arith.andi %select_n3A, %and3A_115 : i32
        %jit3A_117 = arith.constant 4 : i32
        %eq3A_118 = arith.constant 0 : i32
        %eq3A_119 = arith.cmpi eq, %jit3A_117, %eq3A_118 : i32
        %jit3A_120 = arith.constant 1 : i32
        %select_n3A_121 = arith.select %eq3A_119, %jit3A_120, %jit3A_117 : i32
        %rem3A_122 = arith.remsi %sub3A_83, %select_n3A_121 : i32
        %ne3A_123 = arith.constant 0 : i32
        %ne3A_124 = arith.cmpi ne, %rem3A_122, %ne3A_123 : i32
        %lt3A = arith.constant 0 : i32
        %lt3A_125 = arith.cmpi slt, %rem3A_122, %lt3A : i32
        %lt3A_126 = arith.constant 0 : i32
        %lt3A_127 = arith.cmpi slt, %select_n3A_121, %lt3A_126 : i32
        %ne3A_128 = arith.xori %lt3A_125, %lt3A_127 : i1
        %and3A_129 = arith.andi %ne3A_128, %ne3A_124 : i1
        %add3A_130 = arith.addi %rem3A_122, %select_n3A_121 : i32
        %select_n3A_131 = arith.select %and3A_129, %add3A_130, %rem3A_122 : i32
        %dma_wait3A = arith.constant 0 : i32
        %dma_wait3A_132 = arith.constant 0 : i32
        %dma_wait3A_133 = arith.constant 0 : i32
        %dma_wait3A_134 = tpu.memref_slice %arg9[%dma_wait3A, %dma_wait3A_132, %dma_wait3A_133] : memref<2x128x64xf32, #tpu.memory_space<vmem>> -> memref<1x128x64xf32, #tpu.memory_space<vmem>>
        %dma_wait3A_135 = tpu.memref_squeeze %dma_wait3A_134 : memref<1x128x64xf32, #tpu.memory_space<vmem>> -> memref<128x64xf32, #tpu.memory_space<vmem>>
        %dma_wait3A_136 = arith.constant 0 : i32
        %dma_wait3A_137 = tpu.memref_slice %arg8[%and3A_116, %select_n3A_131, %dma_wait3A_136] : memref<2x4x128xi32, #tpu.memory_space<vmem>> -> memref<1x1x128xi32, #tpu.memory_space<vmem>>
        %dma_wait3A_138 = tpu.memref_squeeze %dma_wait3A_137 : memref<1x1x128xi32, #tpu.memory_space<vmem>> -> memref<128xi32, #tpu.memory_space<vmem>>
        %dma_wait3A_139 = arith.constant 0 : i32
        %dma_wait3A_140 = arith.constant 0 : i32
        %dma_wait3A_141 = tpu.memref_slice %arg10[%dma_wait3A_139, %dma_wait3A_140] : memref<10112x64xf32, #tpu.memory_space<vmem_shared>> -> memref<10112x64xf32, #tpu.memory_space<vmem_shared>>
        tpu.wait_indirect_dma semaphore(%arg13 : memref<!tpu.dma_semaphore, #tpu.memory_space<semaphore_mem>>) src(%dma_wait3A_135 : memref<128x64xf32, #tpu.memory_space<vmem>>) dst(%dma_wait3A_141 : memref<10112x64xf32, #tpu.memory_space<vmem_shared>>)
        %ge3A = arith.constant 2 : i32
        %ge3A_142 = arith.cmpi sge, %min3A, %ge3A : i32
        %convert_element_type3A_143 = arith.extui %ge3A_142 : i1 to i32
        %cond3A_144 = arith.constant 0 : i32
        %cond3A_145 = arith.cmpi ne, %convert_element_type3A_143, %cond3A_144 : i32
        scf.if %cond3A_145 {
          %sub3A_146 = arith.constant 1 : i32
          %sub3A_147 = arith.subi %sub3A_83, %sub3A_146 : i32
          %jit3A_148 = arith.constant 4 : i32
          %div3A_149 = arith.divsi %sub3A_147, %jit3A_148 : i32
          %sign3A_150 = arith.constant 0 : i32
          %sign3A_151 = arith.cmpi sgt, %sub3A_147, %sign3A_150 : i32
          %sign3A_152 = arith.extui %sign3A_151 : i1 to i32
          %sign3A_153 = arith.constant 0 : i32
          %sign3A_154 = arith.cmpi slt, %sub3A_147, %sign3A_153 : i32
          %sign3A_155 = arith.extui %sign3A_154 : i1 to i32
          %sign3A_156 = arith.subi %sign3A_152, %sign3A_155 : i32
          %sign3A_157 = arith.constant 0 : i32
          %sign3A_158 = arith.cmpi sgt, %jit3A_148, %sign3A_157 : i32
          %sign3A_159 = arith.extui %sign3A_158 : i1 to i32
          %sign3A_160 = arith.constant 0 : i32
          %sign3A_161 = arith.cmpi slt, %jit3A_148, %sign3A_160 : i32
          %sign3A_162 = arith.extui %sign3A_161 : i1 to i32
          %sign3A_163 = arith.subi %sign3A_159, %sign3A_162 : i32
          %ne3A_164 = arith.cmpi ne, %sign3A_156, %sign3A_163 : i32
          %rem3A_165 = arith.remsi %sub3A_147, %jit3A_148 : i32
          %ne3A_166 = arith.constant 0 : i32
          %ne3A_167 = arith.cmpi ne, %rem3A_165, %ne3A_166 : i32
          %and3A_168 = arith.andi %ne3A_164, %ne3A_167 : i1
          %sub3A_169 = arith.constant 1 : i32
          %sub3A_170 = arith.subi %div3A_149, %sub3A_169 : i32
          %select_n3A_171 = arith.select %and3A_168, %sub3A_170, %div3A_149 : i32
          %and3A_172 = arith.constant 1 : i32
          %and3A_173 = arith.andi %select_n3A_171, %and3A_172 : i32
          %jit3A_174 = arith.constant 4 : i32
          %eq3A_175 = arith.constant 0 : i32
          %eq3A_176 = arith.cmpi eq, %jit3A_174, %eq3A_175 : i32
          %jit3A_177 = arith.constant 1 : i32
          %select_n3A_178 = arith.select %eq3A_176, %jit3A_177, %jit3A_174 : i32
          %rem3A_179 = arith.remsi %sub3A_147, %select_n3A_178 : i32
          %ne3A_180 = arith.constant 0 : i32
          %ne3A_181 = arith.cmpi ne, %rem3A_179, %ne3A_180 : i32
          %lt3A_182 = arith.constant 0 : i32
          %lt3A_183 = arith.cmpi slt, %rem3A_179, %lt3A_182 : i32
          %lt3A_184 = arith.constant 0 : i32
          %lt3A_185 = arith.cmpi slt, %select_n3A_178, %lt3A_184 : i32
          %ne3A_186 = arith.xori %lt3A_183, %lt3A_185 : i1
          %and3A_187 = arith.andi %ne3A_186, %ne3A_181 : i1
          %add3A_188 = arith.addi %rem3A_179, %select_n3A_178 : i32
          %select_n3A_189 = arith.select %and3A_187, %add3A_188, %rem3A_179 : i32
          %dma_wait3A_190 = arith.constant 1 : i32
          %dma_wait3A_191 = arith.constant 0 : i32
          %dma_wait3A_192 = arith.constant 0 : i32
          %dma_wait3A_193 = tpu.memref_slice %arg9[%dma_wait3A_190, %dma_wait3A_191, %dma_wait3A_192] : memref<2x128x64xf32, #tpu.memory_space<vmem>> -> memref<1x128x64xf32, #tpu.memory_space<vmem>>
          %dma_wait3A_194 = tpu.memref_squeeze %dma_wait3A_193 : memref<1x128x64xf32, #tpu.memory_space<vmem>> -> memref<128x64xf32, #tpu.memory_space<vmem>>
          %dma_wait3A_195 = arith.constant 0 : i32
          %dma_wait3A_196 = tpu.memref_slice %arg8[%and3A_173, %select_n3A_189, %dma_wait3A_195] : memref<2x4x128xi32, #tpu.memory_space<vmem>> -> memref<1x1x128xi32, #tpu.memory_space<vmem>>
          %dma_wait3A_197 = tpu.memref_squeeze %dma_wait3A_196 : memref<1x1x128xi32, #tpu.memory_space<vmem>> -> memref<128xi32, #tpu.memory_space<vmem>>
          %dma_wait3A_198 = arith.constant 0 : i32
          %dma_wait3A_199 = arith.constant 0 : i32
          %dma_wait3A_200 = tpu.memref_slice %arg10[%dma_wait3A_198, %dma_wait3A_199] : memref<10112x64xf32, #tpu.memory_space<vmem_shared>> -> memref<10112x64xf32, #tpu.memory_space<vmem_shared>>
          tpu.wait_indirect_dma semaphore(%arg14 : memref<!tpu.dma_semaphore, #tpu.memory_space<semaphore_mem>>) src(%dma_wait3A_194 : memref<128x64xf32, #tpu.memory_space<vmem>>) dst(%dma_wait3A_200 : memref<10112x64xf32, #tpu.memory_space<vmem_shared>>)
        } else {
        }
      } else {
      }
      %and3A_89 = arith.constant 1 : i32
      %and3A_90 = arith.andi %sub3A_83, %and3A_89 : i32
      %eq3A_91 = arith.constant 1 : i32
      %eq3A_92 = arith.cmpi eq, %and3A_90, %eq3A_91 : i32
      %convert_element_type3A_93 = arith.extui %eq3A_92 : i1 to i32
      %cond3A_94 = arith.constant 0 : i32
      %cond3A_95 = arith.cmpi ne, %convert_element_type3A_93, %cond3A_94 : i32
      scf.if %cond3A_95 {
        %jit3A_96 = arith.constant 4 : i32
        %div3A = arith.divsi %sub3A_83, %jit3A_96 : i32
        %sign3A = arith.constant 0 : i32
        %sign3A_97 = arith.cmpi sgt, %sub3A_83, %sign3A : i32
        %sign3A_98 = arith.extui %sign3A_97 : i1 to i32
        %sign3A_99 = arith.constant 0 : i32
        %sign3A_100 = arith.cmpi slt, %sub3A_83, %sign3A_99 : i32
        %sign3A_101 = arith.extui %sign3A_100 : i1 to i32
        %sign3A_102 = arith.subi %sign3A_98, %sign3A_101 : i32
        %sign3A_103 = arith.constant 0 : i32
        %sign3A_104 = arith.cmpi sgt, %jit3A_96, %sign3A_103 : i32
        %sign3A_105 = arith.extui %sign3A_104 : i1 to i32
        %sign3A_106 = arith.constant 0 : i32
        %sign3A_107 = arith.cmpi slt, %jit3A_96, %sign3A_106 : i32
        %sign3A_108 = arith.extui %sign3A_107 : i1 to i32
        %sign3A_109 = arith.subi %sign3A_105, %sign3A_108 : i32
        %ne3A = arith.cmpi ne, %sign3A_102, %sign3A_109 : i32
        %rem3A = arith.remsi %sub3A_83, %jit3A_96 : i32
        %ne3A_110 = arith.constant 0 : i32
        %ne3A_111 = arith.cmpi ne, %rem3A, %ne3A_110 : i32
        %and3A_112 = arith.andi %ne3A, %ne3A_111 : i1
        %sub3A_113 = arith.constant 1 : i32
        %sub3A_114 = arith.subi %div3A, %sub3A_113 : i32
        %select_n3A = arith.select %and3A_112, %sub3A_114, %div3A : i32
        %and3A_115 = arith.constant 1 : i32
        %and3A_116 = arith.andi %select_n3A, %and3A_115 : i32
        %jit3A_117 = arith.constant 4 : i32
        %eq3A_118 = arith.constant 0 : i32
        %eq3A_119 = arith.cmpi eq, %jit3A_117, %eq3A_118 : i32
        %jit3A_120 = arith.constant 1 : i32
        %select_n3A_121 = arith.select %eq3A_119, %jit3A_120, %jit3A_117 : i32
        %rem3A_122 = arith.remsi %sub3A_83, %select_n3A_121 : i32
        %ne3A_123 = arith.constant 0 : i32
        %ne3A_124 = arith.cmpi ne, %rem3A_122, %ne3A_123 : i32
        %lt3A = arith.constant 0 : i32
        %lt3A_125 = arith.cmpi slt, %rem3A_122, %lt3A : i32
        %lt3A_126 = arith.constant 0 : i32
        %lt3A_127 = arith.cmpi slt, %select_n3A_121, %lt3A_126 : i32
        %ne3A_128 = arith.xori %lt3A_125, %lt3A_127 : i1
        %and3A_129 = arith.andi %ne3A_128, %ne3A_124 : i1
        %add3A_130 = arith.addi %rem3A_122, %select_n3A_121 : i32
        %select_n3A_131 = arith.select %and3A_129, %add3A_130, %rem3A_122 : i32
        %dma_wait3A = arith.constant 1 : i32
        %dma_wait3A_132 = arith.constant 0 : i32
        %dma_wait3A_133 = arith.constant 0 : i32
        %dma_wait3A_134 = tpu.memref_slice %arg9[%dma_wait3A, %dma_wait3A_132, %dma_wait3A_133] : memref<2x128x64xf32, #tpu.memory_space<vmem>> -> memref<1x128x64xf32, #tpu.memory_space<vmem>>
        %dma_wait3A_135 = tpu.memref_squeeze %dma_wait3A_134 : memref<1x128x64xf32, #tpu.memory_space<vmem>> -> memref<128x64xf32, #tpu.memory_space<vmem>>
        %dma_wait3A_136 = arith.constant 0 : i32
        %dma_wait3A_137 = tpu.memref_slice %arg8[%and3A_116, %select_n3A_131, %dma_wait3A_136] : memref<2x4x128xi32, #tpu.memory_space<vmem>> -> memref<1x1x128xi32, #tpu.memory_space<vmem>>
        %dma_wait3A_138 = tpu.memref_squeeze %dma_wait3A_137 : memref<1x1x128xi32, #tpu.memory_space<vmem>> -> memref<128xi32, #tpu.memory_space<vmem>>
        %dma_wait3A_139 = arith.constant 0 : i32
        %dma_wait3A_140 = arith.constant 0 : i32
        %dma_wait3A_141 = tpu.memref_slice %arg10[%dma_wait3A_139, %dma_wait3A_140] : memref<10112x64xf32, #tpu.memory_space<vmem_shared>> -> memref<10112x64xf32, #tpu.memory_space<vmem_shared>>
        tpu.wait_indirect_dma semaphore(%arg14 : memref<!tpu.dma_semaphore, #tpu.memory_space<semaphore_mem>>) src(%dma_wait3A_135 : memref<128x64xf32, #tpu.memory_space<vmem>>) dst(%dma_wait3A_141 : memref<10112x64xf32, #tpu.memory_space<vmem_shared>>)
        %ge3A = arith.constant 2 : i32
        %ge3A_142 = arith.cmpi sge, %min3A, %ge3A : i32
        %convert_element_type3A_143 = arith.extui %ge3A_142 : i1 to i32
        %cond3A_144 = arith.constant 0 : i32
        %cond3A_145 = arith.cmpi ne, %convert_element_type3A_143, %cond3A_144 : i32
        scf.if %cond3A_145 {
          %sub3A_146 = arith.constant 1 : i32
          %sub3A_147 = arith.subi %sub3A_83, %sub3A_146 : i32
          %jit3A_148 = arith.constant 4 : i32
          %div3A_149 = arith.divsi %sub3A_147, %jit3A_148 : i32
          %sign3A_150 = arith.constant 0 : i32
          %sign3A_151 = arith.cmpi sgt, %sub3A_147, %sign3A_150 : i32
          %sign3A_152 = arith.extui %sign3A_151 : i1 to i32
          %sign3A_153 = arith.constant 0 : i32
          %sign3A_154 = arith.cmpi slt, %sub3A_147, %sign3A_153 : i32
          %sign3A_155 = arith.extui %sign3A_154 : i1 to i32
          %sign3A_156 = arith.subi %sign3A_152, %sign3A_155 : i32
          %sign3A_157 = arith.constant 0 : i32
          %sign3A_158 = arith.cmpi sgt, %jit3A_148, %sign3A_157 : i32
          %sign3A_159 = arith.extui %sign3A_158 : i1 to i32
          %sign3A_160 = arith.constant 0 : i32
          %sign3A_161 = arith.cmpi slt, %jit3A_148, %sign3A_160 : i32
          %sign3A_162 = arith.extui %sign3A_161 : i1 to i32
          %sign3A_163 = arith.subi %sign3A_159, %sign3A_162 : i32
          %ne3A_164 = arith.cmpi ne, %sign3A_156, %sign3A_163 : i32
          %rem3A_165 = arith.remsi %sub3A_147, %jit3A_148 : i32
          %ne3A_166 = arith.constant 0 : i32
          %ne3A_167 = arith.cmpi ne, %rem3A_165, %ne3A_166 : i32
          %and3A_168 = arith.andi %ne3A_164, %ne3A_167 : i1
          %sub3A_169 = arith.constant 1 : i32
          %sub3A_170 = arith.subi %div3A_149, %sub3A_169 : i32
          %select_n3A_171 = arith.select %and3A_168, %sub3A_170, %div3A_149 : i32
          %and3A_172 = arith.constant 1 : i32
          %and3A_173 = arith.andi %select_n3A_171, %and3A_172 : i32
          %jit3A_174 = arith.constant 4 : i32
          %eq3A_175 = arith.constant 0 : i32
          %eq3A_176 = arith.cmpi eq, %jit3A_174, %eq3A_175 : i32
          %jit3A_177 = arith.constant 1 : i32
          %select_n3A_178 = arith.select %eq3A_176, %jit3A_177, %jit3A_174 : i32
          %rem3A_179 = arith.remsi %sub3A_147, %select_n3A_178 : i32
          %ne3A_180 = arith.constant 0 : i32
          %ne3A_181 = arith.cmpi ne, %rem3A_179, %ne3A_180 : i32
          %lt3A_182 = arith.constant 0 : i32
          %lt3A_183 = arith.cmpi slt, %rem3A_179, %lt3A_182 : i32
          %lt3A_184 = arith.constant 0 : i32
          %lt3A_185 = arith.cmpi slt, %select_n3A_178, %lt3A_184 : i32
          %ne3A_186 = arith.xori %lt3A_183, %lt3A_185 : i1
          %and3A_187 = arith.andi %ne3A_186, %ne3A_181 : i1
          %add3A_188 = arith.addi %rem3A_179, %select_n3A_178 : i32
          %select_n3A_189 = arith.select %and3A_187, %add3A_188, %rem3A_179 : i32
          %dma_wait3A_190 = arith.constant 0 : i32
          %dma_wait3A_191 = arith.constant 0 : i32
          %dma_wait3A_192 = arith.constant 0 : i32
          %dma_wait3A_193 = tpu.memref_slice %arg9[%dma_wait3A_190, %dma_wait3A_191, %dma_wait3A_192] : memref<2x128x64xf32, #tpu.memory_space<vmem>> -> memref<1x128x64xf32, #tpu.memory_space<vmem>>
          %dma_wait3A_194 = tpu.memref_squeeze %dma_wait3A_193 : memref<1x128x64xf32, #tpu.memory_space<vmem>> -> memref<128x64xf32, #tpu.memory_space<vmem>>
          %dma_wait3A_195 = arith.constant 0 : i32
          %dma_wait3A_196 = tpu.memref_slice %arg8[%and3A_173, %select_n3A_189, %dma_wait3A_195] : memref<2x4x128xi32, #tpu.memory_space<vmem>> -> memref<1x1x128xi32, #tpu.memory_space<vmem>>
          %dma_wait3A_197 = tpu.memref_squeeze %dma_wait3A_196 : memref<1x1x128xi32, #tpu.memory_space<vmem>> -> memref<128xi32, #tpu.memory_space<vmem>>
          %dma_wait3A_198 = arith.constant 0 : i32
          %dma_wait3A_199 = arith.constant 0 : i32
          %dma_wait3A_200 = tpu.memref_slice %arg10[%dma_wait3A_198, %dma_wait3A_199] : memref<10112x64xf32, #tpu.memory_space<vmem_shared>> -> memref<10112x64xf32, #tpu.memory_space<vmem_shared>>
          tpu.wait_indirect_dma semaphore(%arg13 : memref<!tpu.dma_semaphore, #tpu.memory_space<semaphore_mem>>) src(%dma_wait3A_194 : memref<128x64xf32, #tpu.memory_space<vmem>>) dst(%dma_wait3A_200 : memref<10112x64xf32, #tpu.memory_space<vmem_shared>>)
        } else {
        }
      } else {
      }
    } else {
    }
    %barrier3A_24 = arith.constant 0 : index
    tpu.barrier barrier_id(%barrier3A_24)
    %add3A_25 = arith.constant 0 : i32
    %add3A_26 = arith.addi %mul3A_6, %add3A_25 : i32
    %run_scoped3A_27 = arith.constant 0 : i32
    "tpu.region"() ({
      %run_scoped3A_55 = tpu.sem_alloc : memref<!tpu.dma_semaphore, #tpu.memory_space<semaphore_mem>>
      %dma_start3A = arith.constant 0 : i32
      %dma_start3A_56 = arith.constant 0 : i32
      %dma_start3A_57 = tpu.memref_slice %arg9[%run_scoped3A_27, %dma_start3A, %dma_start3A_56] : memref<2x128x64xf32, #tpu.memory_space<vmem>> -> memref<1x128x64xf32, #tpu.memory_space<vmem>>
      %dma_start3A_58 = tpu.memref_squeeze %dma_start3A_57 : memref<1x128x64xf32, #tpu.memory_space<vmem>> -> memref<128x64xf32, #tpu.memory_space<vmem>>
      %dma_start3A_59 = arith.constant 0 : i32
      %dma_start3A_60 = tpu.memref_slice %arg10[%add3A_26, %dma_start3A_59] : memref<10112x64xf32, #tpu.memory_space<vmem_shared>> -> memref<128x64xf32, #tpu.memory_space<vmem_shared>>
      %dma_start3A_61 = arith.constant 0 : i32
      %dma_start3A_62 = arith.constant 0 : i32
      %dma_start3A_63 = tpu.memref_slice %arg9[%run_scoped3A_27, %dma_start3A_61, %dma_start3A_62] : memref<2x128x64xf32, #tpu.memory_space<vmem>> -> memref<1x128x64xf32, #tpu.memory_space<vmem>>
      %dma_start3A_64 = tpu.memref_squeeze %dma_start3A_63 : memref<1x128x64xf32, #tpu.memory_space<vmem>> -> memref<128x64xf32, #tpu.memory_space<vmem>>
      %dma_start3A_65 = arith.constant 0 : i32
      %dma_start3A_66 = tpu.memref_slice %arg10[%add3A_26, %dma_start3A_65] : memref<10112x64xf32, #tpu.memory_space<vmem_shared>> -> memref<128x64xf32, #tpu.memory_space<vmem_shared>>
      tpu.enqueue_dma source(%dma_start3A_66 : memref<128x64xf32, #tpu.memory_space<vmem_shared>>) target(%dma_start3A_64 : memref<128x64xf32, #tpu.memory_space<vmem>>) target_semaphore(%run_scoped3A_55 : memref<!tpu.dma_semaphore, #tpu.memory_space<semaphore_mem>>)
      %dma_wait3A = arith.constant 0 : i32
      %dma_wait3A_67 = arith.constant 0 : i32
      %dma_wait3A_68 = tpu.memref_slice %arg9[%run_scoped3A_27, %dma_wait3A, %dma_wait3A_67] : memref<2x128x64xf32, #tpu.memory_space<vmem>> -> memref<1x128x64xf32, #tpu.memory_space<vmem>>
      %dma_wait3A_69 = tpu.memref_squeeze %dma_wait3A_68 : memref<1x128x64xf32, #tpu.memory_space<vmem>> -> memref<128x64xf32, #tpu.memory_space<vmem>>
      %dma_wait3A_70 = arith.constant 0 : i32
      %dma_wait3A_71 = tpu.memref_slice %arg10[%add3A_26, %dma_wait3A_70] : memref<10112x64xf32, #tpu.memory_space<vmem_shared>> -> memref<128x64xf32, #tpu.memory_space<vmem_shared>>
      %dma_wait3A_72 = arith.constant 0 : i32
      %dma_wait3A_73 = arith.constant 0 : i32
      %dma_wait3A_74 = tpu.memref_slice %arg9[%run_scoped3A_27, %dma_wait3A_72, %dma_wait3A_73] : memref<2x128x64xf32, #tpu.memory_space<vmem>> -> memref<1x128x64xf32, #tpu.memory_space<vmem>>
      %dma_wait3A_75 = tpu.memref_squeeze %dma_wait3A_74 : memref<1x128x64xf32, #tpu.memory_space<vmem>> -> memref<128x64xf32, #tpu.memory_space<vmem>>
      %dma_wait3A_76 = arith.constant 0 : i32
      %dma_wait3A_77 = tpu.memref_slice %arg10[%add3A_26, %dma_wait3A_76] : memref<10112x64xf32, #tpu.memory_space<vmem_shared>> -> memref<128x64xf32, #tpu.memory_space<vmem_shared>>
      tpu.wait_dma2 semaphore(%run_scoped3A_55 : memref<!tpu.dma_semaphore, #tpu.memory_space<semaphore_mem>>) src(%dma_wait3A_77 : memref<128x64xf32, #tpu.memory_space<vmem_shared>>) dst(%dma_wait3A_75 : memref<128x64xf32, #tpu.memory_space<vmem>>)
      tpu.yield
    }) : () -> ()
    %add3A_28 = arith.constant 0 : i32
    %add3A_29 = arith.addi %mul3A_6, %add3A_28 : i32
    %run_scoped3A_30 = arith.constant 0 : i32
    "tpu.region"() ({
      %run_scoped3A_55 = tpu.sem_alloc : memref<!tpu.dma_semaphore, #tpu.memory_space<semaphore_mem>>
      %dma_start3A = arith.constant 0 : i32
      %dma_start3A_56 = arith.constant 0 : i32
      %dma_start3A_57 = tpu.memref_slice %arg9[%run_scoped3A_30, %dma_start3A, %dma_start3A_56] : memref<2x128x64xf32, #tpu.memory_space<vmem>> -> memref<1x128x64xf32, #tpu.memory_space<vmem>>
      %dma_start3A_58 = tpu.memref_squeeze %dma_start3A_57 : memref<1x128x64xf32, #tpu.memory_space<vmem>> -> memref<128x64xf32, #tpu.memory_space<vmem>>
      %dma_start3A_59 = arith.constant 0 : i32
      %dma_start3A_60 = tpu.memref_slice %arg6[%arg0, %add3A_29, %dma_start3A_59] : memref<2x10112x64xf32, #tpu.memory_space<hbm>> -> memref<1x128x64xf32, #tpu.memory_space<hbm>>
      %dma_start3A_61 = tpu.memref_squeeze %dma_start3A_60 : memref<1x128x64xf32, #tpu.memory_space<hbm>> -> memref<128x64xf32, #tpu.memory_space<hbm>>
      %dma_start3A_62 = arith.constant 0 : i32
      %dma_start3A_63 = tpu.memref_slice %arg6[%arg0, %add3A_29, %dma_start3A_62] : memref<2x10112x64xf32, #tpu.memory_space<hbm>> -> memref<1x128x64xf32, #tpu.memory_space<hbm>>
      %dma_start3A_64 = tpu.memref_squeeze %dma_start3A_63 : memref<1x128x64xf32, #tpu.memory_space<hbm>> -> memref<128x64xf32, #tpu.memory_space<hbm>>
      %dma_start3A_65 = arith.constant 0 : i32
      %dma_start3A_66 = arith.constant 0 : i32
      %dma_start3A_67 = tpu.memref_slice %arg9[%run_scoped3A_30, %dma_start3A_65, %dma_start3A_66] : memref<2x128x64xf32, #tpu.memory_space<vmem>> -> memref<1x128x64xf32, #tpu.memory_space<vmem>>
      %dma_start3A_68 = tpu.memref_squeeze %dma_start3A_67 : memref<1x128x64xf32, #tpu.memory_space<vmem>> -> memref<128x64xf32, #tpu.memory_space<vmem>>
      tpu.enqueue_dma source(%dma_start3A_68 : memref<128x64xf32, #tpu.memory_space<vmem>>) target(%dma_start3A_64 : memref<128x64xf32, #tpu.memory_space<hbm>>) target_semaphore(%run_scoped3A_55 : memref<!tpu.dma_semaphore, #tpu.memory_space<semaphore_mem>>)
      %dma_wait3A = arith.constant 0 : i32
      %dma_wait3A_69 = arith.constant 0 : i32
      %dma_wait3A_70 = tpu.memref_slice %arg9[%run_scoped3A_30, %dma_wait3A, %dma_wait3A_69] : memref<2x128x64xf32, #tpu.memory_space<vmem>> -> memref<1x128x64xf32, #tpu.memory_space<vmem>>
      %dma_wait3A_71 = tpu.memref_squeeze %dma_wait3A_70 : memref<1x128x64xf32, #tpu.memory_space<vmem>> -> memref<128x64xf32, #tpu.memory_space<vmem>>
      %dma_wait3A_72 = arith.constant 0 : i32
      %dma_wait3A_73 = tpu.memref_slice %arg6[%arg0, %add3A_29, %dma_wait3A_72] : memref<2x10112x64xf32, #tpu.memory_space<hbm>> -> memref<1x128x64xf32, #tpu.memory_space<hbm>>
      %dma_wait3A_74 = tpu.memref_squeeze %dma_wait3A_73 : memref<1x128x64xf32, #tpu.memory_space<hbm>> -> memref<128x64xf32, #tpu.memory_space<hbm>>
      %dma_wait3A_75 = arith.constant 0 : i32
      %dma_wait3A_76 = tpu.memref_slice %arg6[%arg0, %add3A_29, %dma_wait3A_75] : memref<2x10112x64xf32, #tpu.memory_space<hbm>> -> memref<1x128x64xf32, #tpu.memory_space<hbm>>
      %dma_wait3A_77 = tpu.memref_squeeze %dma_wait3A_76 : memref<1x128x64xf32, #tpu.memory_space<hbm>> -> memref<128x64xf32, #tpu.memory_space<hbm>>
      %dma_wait3A_78 = arith.constant 0 : i32
      %dma_wait3A_79 = arith.constant 0 : i32
      %dma_wait3A_80 = tpu.memref_slice %arg9[%run_scoped3A_30, %dma_wait3A_78, %dma_wait3A_79] : memref<2x128x64xf32, #tpu.memory_space<vmem>> -> memref<1x128x64xf32, #tpu.memory_space<vmem>>
      %dma_wait3A_81 = tpu.memref_squeeze %dma_wait3A_80 : memref<1x128x64xf32, #tpu.memory_space<vmem>> -> memref<128x64xf32, #tpu.memory_space<vmem>>
      tpu.wait_dma2 semaphore(%run_scoped3A_55 : memref<!tpu.dma_semaphore, #tpu.memory_space<semaphore_mem>>) src(%dma_wait3A_81 : memref<128x64xf32, #tpu.memory_space<vmem>>) dst(%dma_wait3A_77 : memref<128x64xf32, #tpu.memory_space<hbm>>)
      tpu.yield
    }) : () -> ()
    %add3A_31 = arith.constant 128 : i32
    %add3A_32 = arith.addi %mul3A_6, %add3A_31 : i32
    %run_scoped3A_33 = arith.constant 0 : i32
    "tpu.region"() ({
      %run_scoped3A_55 = tpu.sem_alloc : memref<!tpu.dma_semaphore, #tpu.memory_space<semaphore_mem>>
      %dma_start3A = arith.constant 0 : i32
      %dma_start3A_56 = arith.constant 0 : i32
      %dma_start3A_57 = tpu.memref_slice %arg9[%run_scoped3A_33, %dma_start3A, %dma_start3A_56] : memref<2x128x64xf32, #tpu.memory_space<vmem>> -> memref<1x128x64xf32, #tpu.memory_space<vmem>>
      %dma_start3A_58 = tpu.memref_squeeze %dma_start3A_57 : memref<1x128x64xf32, #tpu.memory_space<vmem>> -> memref<128x64xf32, #tpu.memory_space<vmem>>
      %dma_start3A_59 = arith.constant 0 : i32
      %dma_start3A_60 = tpu.memref_slice %arg10[%add3A_32, %dma_start3A_59] : memref<10112x64xf32, #tpu.memory_space<vmem_shared>> -> memref<128x64xf32, #tpu.memory_space<vmem_shared>>
      %dma_start3A_61 = arith.constant 0 : i32
      %dma_start3A_62 = arith.constant 0 : i32
      %dma_start3A_63 = tpu.memref_slice %arg9[%run_scoped3A_33, %dma_start3A_61, %dma_start3A_62] : memref<2x128x64xf32, #tpu.memory_space<vmem>> -> memref<1x128x64xf32, #tpu.memory_space<vmem>>
      %dma_start3A_64 = tpu.memref_squeeze %dma_start3A_63 : memref<1x128x64xf32, #tpu.memory_space<vmem>> -> memref<128x64xf32, #tpu.memory_space<vmem>>
      %dma_start3A_65 = arith.constant 0 : i32
      %dma_start3A_66 = tpu.memref_slice %arg10[%add3A_32, %dma_start3A_65] : memref<10112x64xf32, #tpu.memory_space<vmem_shared>> -> memref<128x64xf32, #tpu.memory_space<vmem_shared>>
      tpu.enqueue_dma source(%dma_start3A_66 : memref<128x64xf32, #tpu.memory_space<vmem_shared>>) target(%dma_start3A_64 : memref<128x64xf32, #tpu.memory_space<vmem>>) target_semaphore(%run_scoped3A_55 : memref<!tpu.dma_semaphore, #tpu.memory_space<semaphore_mem>>)
      %dma_wait3A = arith.constant 0 : i32
      %dma_wait3A_67 = arith.constant 0 : i32
      %dma_wait3A_68 = tpu.memref_slice %arg9[%run_scoped3A_33, %dma_wait3A, %dma_wait3A_67] : memref<2x128x64xf32, #tpu.memory_space<vmem>> -> memref<1x128x64xf32, #tpu.memory_space<vmem>>
      %dma_wait3A_69 = tpu.memref_squeeze %dma_wait3A_68 : memref<1x128x64xf32, #tpu.memory_space<vmem>> -> memref<128x64xf32, #tpu.memory_space<vmem>>
      %dma_wait3A_70 = arith.constant 0 : i32
      %dma_wait3A_71 = tpu.memref_slice %arg10[%add3A_32, %dma_wait3A_70] : memref<10112x64xf32, #tpu.memory_space<vmem_shared>> -> memref<128x64xf32, #tpu.memory_space<vmem_shared>>
      %dma_wait3A_72 = arith.constant 0 : i32
      %dma_wait3A_73 = arith.constant 0 : i32
      %dma_wait3A_74 = tpu.memref_slice %arg9[%run_scoped3A_33, %dma_wait3A_72, %dma_wait3A_73] : memref<2x128x64xf32, #tpu.memory_space<vmem>> -> memref<1x128x64xf32, #tpu.memory_space<vmem>>
      %dma_wait3A_75 = tpu.memref_squeeze %dma_wait3A_74 : memref<1x128x64xf32, #tpu.memory_space<vmem>> -> memref<128x64xf32, #tpu.memory_space<vmem>>
      %dma_wait3A_76 = arith.constant 0 : i32
      %dma_wait3A_77 = tpu.memref_slice %arg10[%add3A_32, %dma_wait3A_76] : memref<10112x64xf32, #tpu.memory_space<vmem_shared>> -> memref<128x64xf32, #tpu.memory_space<vmem_shared>>
      tpu.wait_dma2 semaphore(%run_scoped3A_55 : memref<!tpu.dma_semaphore, #tpu.memory_space<semaphore_mem>>) src(%dma_wait3A_77 : memref<128x64xf32, #tpu.memory_space<vmem_shared>>) dst(%dma_wait3A_75 : memref<128x64xf32, #tpu.memory_space<vmem>>)
      tpu.yield
    }) : () -> ()
    %add3A_34 = arith.constant 128 : i32
    %add3A_35 = arith.addi %mul3A_6, %add3A_34 : i32
    %run_scoped3A_36 = arith.constant 0 : i32
    "tpu.region"() ({
      %run_scoped3A_55 = tpu.sem_alloc : memref<!tpu.dma_semaphore, #tpu.memory_space<semaphore_mem>>
      %dma_start3A = arith.constant 0 : i32
      %dma_start3A_56 = arith.constant 0 : i32
      %dma_start3A_57 = tpu.memref_slice %arg9[%run_scoped3A_36, %dma_start3A, %dma_start3A_56] : memref<2x128x64xf32, #tpu.memory_space<vmem>> -> memref<1x128x64xf32, #tpu.memory_space<vmem>>
      %dma_start3A_58 = tpu.memref_squeeze %dma_start3A_57 : memref<1x128x64xf32, #tpu.memory_space<vmem>> -> memref<128x64xf32, #tpu.memory_space<vmem>>
      %dma_start3A_59 = arith.constant 0 : i32
      %dma_start3A_60 = tpu.memref_slice %arg6[%arg0, %add3A_35, %dma_start3A_59] : memref<2x10112x64xf32, #tpu.memory_space<hbm>> -> memref<1x128x64xf32, #tpu.memory_space<hbm>>
      %dma_start3A_61 = tpu.memref_squeeze %dma_start3A_60 : memref<1x128x64xf32, #tpu.memory_space<hbm>> -> memref<128x64xf32, #tpu.memory_space<hbm>>
      %dma_start3A_62 = arith.constant 0 : i32
      %dma_start3A_63 = tpu.memref_slice %arg6[%arg0, %add3A_35, %dma_start3A_62] : memref<2x10112x64xf32, #tpu.memory_space<hbm>> -> memref<1x128x64xf32, #tpu.memory_space<hbm>>
      %dma_start3A_64 = tpu.memref_squeeze %dma_start3A_63 : memref<1x128x64xf32, #tpu.memory_space<hbm>> -> memref<128x64xf32, #tpu.memory_space<hbm>>
      %dma_start3A_65 = arith.constant 0 : i32
      %dma_start3A_66 = arith.constant 0 : i32
      %dma_start3A_67 = tpu.memref_slice %arg9[%run_scoped3A_36, %dma_start3A_65, %dma_start3A_66] : memref<2x128x64xf32, #tpu.memory_space<vmem>> -> memref<1x128x64xf32, #tpu.memory_space<vmem>>
      %dma_start3A_68 = tpu.memref_squeeze %dma_start3A_67 : memref<1x128x64xf32, #tpu.memory_space<vmem>> -> memref<128x64xf32, #tpu.memory_space<vmem>>
      tpu.enqueue_dma source(%dma_start3A_68 : memref<128x64xf32, #tpu.memory_space<vmem>>) target(%dma_start3A_64 : memref<128x64xf32, #tpu.memory_space<hbm>>) target_semaphore(%run_scoped3A_55 : memref<!tpu.dma_semaphore, #tpu.memory_space<semaphore_mem>>)
      %dma_wait3A = arith.constant 0 : i32
      %dma_wait3A_69 = arith.constant 0 : i32
      %dma_wait3A_70 = tpu.memref_slice %arg9[%run_scoped3A_36, %dma_wait3A, %dma_wait3A_69] : memref<2x128x64xf32, #tpu.memory_space<vmem>> -> memref<1x128x64xf32, #tpu.memory_space<vmem>>
      %dma_wait3A_71 = tpu.memref_squeeze %dma_wait3A_70 : memref<1x128x64xf32, #tpu.memory_space<vmem>> -> memref<128x64xf32, #tpu.memory_space<vmem>>
      %dma_wait3A_72 = arith.constant 0 : i32
      %dma_wait3A_73 = tpu.memref_slice %arg6[%arg0, %add3A_35, %dma_wait3A_72] : memref<2x10112x64xf32, #tpu.memory_space<hbm>> -> memref<1x128x64xf32, #tpu.memory_space<hbm>>
      %dma_wait3A_74 = tpu.memref_squeeze %dma_wait3A_73 : memref<1x128x64xf32, #tpu.memory_space<hbm>> -> memref<128x64xf32, #tpu.memory_space<hbm>>
      %dma_wait3A_75 = arith.constant 0 : i32
      %dma_wait3A_76 = tpu.memref_slice %arg6[%arg0, %add3A_35, %dma_wait3A_75] : memref<2x10112x64xf32, #tpu.memory_space<hbm>> -> memref<1x128x64xf32, #tpu.memory_space<hbm>>
      %dma_wait3A_77 = tpu.memref_squeeze %dma_wait3A_76 : memref<1x128x64xf32, #tpu.memory_space<hbm>> -> memref<128x64xf32, #tpu.memory_space<hbm>>
      %dma_wait3A_78 = arith.constant 0 : i32
      %dma_wait3A_79 = arith.constant 0 : i32
      %dma_wait3A_80 = tpu.memref_slice %arg9[%run_scoped3A_36, %dma_wait3A_78, %dma_wait3A_79] : memref<2x128x64xf32, #tpu.memory_space<vmem>> -> memref<1x128x64xf32, #tpu.memory_space<vmem>>
      %dma_wait3A_81 = tpu.memref_squeeze %dma_wait3A_80 : memref<1x128x64xf32, #tpu.memory_space<vmem>> -> memref<128x64xf32, #tpu.memory_space<vmem>>
      tpu.wait_dma2 semaphore(%run_scoped3A_55 : memref<!tpu.dma_semaphore, #tpu.memory_space<semaphore_mem>>) src(%dma_wait3A_81 : memref<128x64xf32, #tpu.memory_space<vmem>>) dst(%dma_wait3A_77 : memref<128x64xf32, #tpu.memory_space<hbm>>)
      tpu.yield
    }) : () -> ()
    %add3A_37 = arith.constant 256 : i32
    %add3A_38 = arith.addi %mul3A_6, %add3A_37 : i32
    %run_scoped3A_39 = arith.constant 0 : i32
    "tpu.region"() ({
      %run_scoped3A_55 = tpu.sem_alloc : memref<!tpu.dma_semaphore, #tpu.memory_space<semaphore_mem>>
      %dma_start3A = arith.constant 0 : i32
      %dma_start3A_56 = arith.constant 0 : i32
      %dma_start3A_57 = tpu.memref_slice %arg9[%run_scoped3A_39, %dma_start3A, %dma_start3A_56] : memref<2x128x64xf32, #tpu.memory_space<vmem>> -> memref<1x128x64xf32, #tpu.memory_space<vmem>>
      %dma_start3A_58 = tpu.memref_squeeze %dma_start3A_57 : memref<1x128x64xf32, #tpu.memory_space<vmem>> -> memref<128x64xf32, #tpu.memory_space<vmem>>
      %dma_start3A_59 = arith.constant 0 : i32
      %dma_start3A_60 = tpu.memref_slice %arg10[%add3A_38, %dma_start3A_59] : memref<10112x64xf32, #tpu.memory_space<vmem_shared>> -> memref<128x64xf32, #tpu.memory_space<vmem_shared>>
      %dma_start3A_61 = arith.constant 0 : i32
      %dma_start3A_62 = arith.constant 0 : i32
      %dma_start3A_63 = tpu.memref_slice %arg9[%run_scoped3A_39, %dma_start3A_61, %dma_start3A_62] : memref<2x128x64xf32, #tpu.memory_space<vmem>> -> memref<1x128x64xf32, #tpu.memory_space<vmem>>
      %dma_start3A_64 = tpu.memref_squeeze %dma_start3A_63 : memref<1x128x64xf32, #tpu.memory_space<vmem>> -> memref<128x64xf32, #tpu.memory_space<vmem>>
      %dma_start3A_65 = arith.constant 0 : i32
      %dma_start3A_66 = tpu.memref_slice %arg10[%add3A_38, %dma_start3A_65] : memref<10112x64xf32, #tpu.memory_space<vmem_shared>> -> memref<128x64xf32, #tpu.memory_space<vmem_shared>>
      tpu.enqueue_dma source(%dma_start3A_66 : memref<128x64xf32, #tpu.memory_space<vmem_shared>>) target(%dma_start3A_64 : memref<128x64xf32, #tpu.memory_space<vmem>>) target_semaphore(%run_scoped3A_55 : memref<!tpu.dma_semaphore, #tpu.memory_space<semaphore_mem>>)
      %dma_wait3A = arith.constant 0 : i32
      %dma_wait3A_67 = arith.constant 0 : i32
      %dma_wait3A_68 = tpu.memref_slice %arg9[%run_scoped3A_39, %dma_wait3A, %dma_wait3A_67] : memref<2x128x64xf32, #tpu.memory_space<vmem>> -> memref<1x128x64xf32, #tpu.memory_space<vmem>>
      %dma_wait3A_69 = tpu.memref_squeeze %dma_wait3A_68 : memref<1x128x64xf32, #tpu.memory_space<vmem>> -> memref<128x64xf32, #tpu.memory_space<vmem>>
      %dma_wait3A_70 = arith.constant 0 : i32
      %dma_wait3A_71 = tpu.memref_slice %arg10[%add3A_38, %dma_wait3A_70] : memref<10112x64xf32, #tpu.memory_space<vmem_shared>> -> memref<128x64xf32, #tpu.memory_space<vmem_shared>>
      %dma_wait3A_72 = arith.constant 0 : i32
      %dma_wait3A_73 = arith.constant 0 : i32
      %dma_wait3A_74 = tpu.memref_slice %arg9[%run_scoped3A_39, %dma_wait3A_72, %dma_wait3A_73] : memref<2x128x64xf32, #tpu.memory_space<vmem>> -> memref<1x128x64xf32, #tpu.memory_space<vmem>>
      %dma_wait3A_75 = tpu.memref_squeeze %dma_wait3A_74 : memref<1x128x64xf32, #tpu.memory_space<vmem>> -> memref<128x64xf32, #tpu.memory_space<vmem>>
      %dma_wait3A_76 = arith.constant 0 : i32
      %dma_wait3A_77 = tpu.memref_slice %arg10[%add3A_38, %dma_wait3A_76] : memref<10112x64xf32, #tpu.memory_space<vmem_shared>> -> memref<128x64xf32, #tpu.memory_space<vmem_shared>>
      tpu.wait_dma2 semaphore(%run_scoped3A_55 : memref<!tpu.dma_semaphore, #tpu.memory_space<semaphore_mem>>) src(%dma_wait3A_77 : memref<128x64xf32, #tpu.memory_space<vmem_shared>>) dst(%dma_wait3A_75 : memref<128x64xf32, #tpu.memory_space<vmem>>)
      tpu.yield
    }) : () -> ()
    %add3A_40 = arith.constant 256 : i32
    %add3A_41 = arith.addi %mul3A_6, %add3A_40 : i32
    %run_scoped3A_42 = arith.constant 0 : i32
    "tpu.region"() ({
      %run_scoped3A_55 = tpu.sem_alloc : memref<!tpu.dma_semaphore, #tpu.memory_space<semaphore_mem>>
      %dma_start3A = arith.constant 0 : i32
      %dma_start3A_56 = arith.constant 0 : i32
      %dma_start3A_57 = tpu.memref_slice %arg9[%run_scoped3A_42, %dma_start3A, %dma_start3A_56] : memref<2x128x64xf32, #tpu.memory_space<vmem>> -> memref<1x128x64xf32, #tpu.memory_space<vmem>>
      %dma_start3A_58 = tpu.memref_squeeze %dma_start3A_57 : memref<1x128x64xf32, #tpu.memory_space<vmem>> -> memref<128x64xf32, #tpu.memory_space<vmem>>
      %dma_start3A_59 = arith.constant 0 : i32
      %dma_start3A_60 = tpu.memref_slice %arg6[%arg0, %add3A_41, %dma_start3A_59] : memref<2x10112x64xf32, #tpu.memory_space<hbm>> -> memref<1x128x64xf32, #tpu.memory_space<hbm>>
      %dma_start3A_61 = tpu.memref_squeeze %dma_start3A_60 : memref<1x128x64xf32, #tpu.memory_space<hbm>> -> memref<128x64xf32, #tpu.memory_space<hbm>>
      %dma_start3A_62 = arith.constant 0 : i32
      %dma_start3A_63 = tpu.memref_slice %arg6[%arg0, %add3A_41, %dma_start3A_62] : memref<2x10112x64xf32, #tpu.memory_space<hbm>> -> memref<1x128x64xf32, #tpu.memory_space<hbm>>
      %dma_start3A_64 = tpu.memref_squeeze %dma_start3A_63 : memref<1x128x64xf32, #tpu.memory_space<hbm>> -> memref<128x64xf32, #tpu.memory_space<hbm>>
      %dma_start3A_65 = arith.constant 0 : i32
      %dma_start3A_66 = arith.constant 0 : i32
      %dma_start3A_67 = tpu.memref_slice %arg9[%run_scoped3A_42, %dma_start3A_65, %dma_start3A_66] : memref<2x128x64xf32, #tpu.memory_space<vmem>> -> memref<1x128x64xf32, #tpu.memory_space<vmem>>
      %dma_start3A_68 = tpu.memref_squeeze %dma_start3A_67 : memref<1x128x64xf32, #tpu.memory_space<vmem>> -> memref<128x64xf32, #tpu.memory_space<vmem>>
      tpu.enqueue_dma source(%dma_start3A_68 : memref<128x64xf32, #tpu.memory_space<vmem>>) target(%dma_start3A_64 : memref<128x64xf32, #tpu.memory_space<hbm>>) target_semaphore(%run_scoped3A_55 : memref<!tpu.dma_semaphore, #tpu.memory_space<semaphore_mem>>)
      %dma_wait3A = arith.constant 0 : i32
      %dma_wait3A_69 = arith.constant 0 : i32
      %dma_wait3A_70 = tpu.memref_slice %arg9[%run_scoped3A_42, %dma_wait3A, %dma_wait3A_69] : memref<2x128x64xf32, #tpu.memory_space<vmem>> -> memref<1x128x64xf32, #tpu.memory_space<vmem>>
      %dma_wait3A_71 = tpu.memref_squeeze %dma_wait3A_70 : memref<1x128x64xf32, #tpu.memory_space<vmem>> -> memref<128x64xf32, #tpu.memory_space<vmem>>
      %dma_wait3A_72 = arith.constant 0 : i32
      %dma_wait3A_73 = tpu.memref_slice %arg6[%arg0, %add3A_41, %dma_wait3A_72] : memref<2x10112x64xf32, #tpu.memory_space<hbm>> -> memref<1x128x64xf32, #tpu.memory_space<hbm>>
      %dma_wait3A_74 = tpu.memref_squeeze %dma_wait3A_73 : memref<1x128x64xf32, #tpu.memory_space<hbm>> -> memref<128x64xf32, #tpu.memory_space<hbm>>
      %dma_wait3A_75 = arith.constant 0 : i32
      %dma_wait3A_76 = tpu.memref_slice %arg6[%arg0, %add3A_41, %dma_wait3A_75] : memref<2x10112x64xf32, #tpu.memory_space<hbm>> -> memref<1x128x64xf32, #tpu.memory_space<hbm>>
      %dma_wait3A_77 = tpu.memref_squeeze %dma_wait3A_76 : memref<1x128x64xf32, #tpu.memory_space<hbm>> -> memref<128x64xf32, #tpu.memory_space<hbm>>
      %dma_wait3A_78 = arith.constant 0 : i32
      %dma_wait3A_79 = arith.constant 0 : i32
      %dma_wait3A_80 = tpu.memref_slice %arg9[%run_scoped3A_42, %dma_wait3A_78, %dma_wait3A_79] : memref<2x128x64xf32, #tpu.memory_space<vmem>> -> memref<1x128x64xf32, #tpu.memory_space<vmem>>
      %dma_wait3A_81 = tpu.memref_squeeze %dma_wait3A_80 : memref<1x128x64xf32, #tpu.memory_space<vmem>> -> memref<128x64xf32, #tpu.memory_space<vmem>>
      tpu.wait_dma2 semaphore(%run_scoped3A_55 : memref<!tpu.dma_semaphore, #tpu.memory_space<semaphore_mem>>) src(%dma_wait3A_81 : memref<128x64xf32, #tpu.memory_space<vmem>>) dst(%dma_wait3A_77 : memref<128x64xf32, #tpu.memory_space<hbm>>)
      tpu.yield
    }) : () -> ()
    %add3A_43 = arith.constant 384 : i32
    %add3A_44 = arith.addi %mul3A_6, %add3A_43 : i32
    %run_scoped3A_45 = arith.constant 0 : i32
    "tpu.region"() ({
      %run_scoped3A_55 = tpu.sem_alloc : memref<!tpu.dma_semaphore, #tpu.memory_space<semaphore_mem>>
      %dma_start3A = arith.constant 0 : i32
      %dma_start3A_56 = arith.constant 0 : i32
      %dma_start3A_57 = tpu.memref_slice %arg9[%run_scoped3A_45, %dma_start3A, %dma_start3A_56] : memref<2x128x64xf32, #tpu.memory_space<vmem>> -> memref<1x128x64xf32, #tpu.memory_space<vmem>>
      %dma_start3A_58 = tpu.memref_squeeze %dma_start3A_57 : memref<1x128x64xf32, #tpu.memory_space<vmem>> -> memref<128x64xf32, #tpu.memory_space<vmem>>
      %dma_start3A_59 = arith.constant 0 : i32
      %dma_start3A_60 = tpu.memref_slice %arg10[%add3A_44, %dma_start3A_59] : memref<10112x64xf32, #tpu.memory_space<vmem_shared>> -> memref<128x64xf32, #tpu.memory_space<vmem_shared>>
      %dma_start3A_61 = arith.constant 0 : i32
      %dma_start3A_62 = arith.constant 0 : i32
      %dma_start3A_63 = tpu.memref_slice %arg9[%run_scoped3A_45, %dma_start3A_61, %dma_start3A_62] : memref<2x128x64xf32, #tpu.memory_space<vmem>> -> memref<1x128x64xf32, #tpu.memory_space<vmem>>
      %dma_start3A_64 = tpu.memref_squeeze %dma_start3A_63 : memref<1x128x64xf32, #tpu.memory_space<vmem>> -> memref<128x64xf32, #tpu.memory_space<vmem>>
      %dma_start3A_65 = arith.constant 0 : i32
      %dma_start3A_66 = tpu.memref_slice %arg10[%add3A_44, %dma_start3A_65] : memref<10112x64xf32, #tpu.memory_space<vmem_shared>> -> memref<128x64xf32, #tpu.memory_space<vmem_shared>>
      tpu.enqueue_dma source(%dma_start3A_66 : memref<128x64xf32, #tpu.memory_space<vmem_shared>>) target(%dma_start3A_64 : memref<128x64xf32, #tpu.memory_space<vmem>>) target_semaphore(%run_scoped3A_55 : memref<!tpu.dma_semaphore, #tpu.memory_space<semaphore_mem>>)
      %dma_wait3A = arith.constant 0 : i32
      %dma_wait3A_67 = arith.constant 0 : i32
      %dma_wait3A_68 = tpu.memref_slice %arg9[%run_scoped3A_45, %dma_wait3A, %dma_wait3A_67] : memref<2x128x64xf32, #tpu.memory_space<vmem>> -> memref<1x128x64xf32, #tpu.memory_space<vmem>>
      %dma_wait3A_69 = tpu.memref_squeeze %dma_wait3A_68 : memref<1x128x64xf32, #tpu.memory_space<vmem>> -> memref<128x64xf32, #tpu.memory_space<vmem>>
      %dma_wait3A_70 = arith.constant 0 : i32
      %dma_wait3A_71 = tpu.memref_slice %arg10[%add3A_44, %dma_wait3A_70] : memref<10112x64xf32, #tpu.memory_space<vmem_shared>> -> memref<128x64xf32, #tpu.memory_space<vmem_shared>>
      %dma_wait3A_72 = arith.constant 0 : i32
      %dma_wait3A_73 = arith.constant 0 : i32
      %dma_wait3A_74 = tpu.memref_slice %arg9[%run_scoped3A_45, %dma_wait3A_72, %dma_wait3A_73] : memref<2x128x64xf32, #tpu.memory_space<vmem>> -> memref<1x128x64xf32, #tpu.memory_space<vmem>>
      %dma_wait3A_75 = tpu.memref_squeeze %dma_wait3A_74 : memref<1x128x64xf32, #tpu.memory_space<vmem>> -> memref<128x64xf32, #tpu.memory_space<vmem>>
      %dma_wait3A_76 = arith.constant 0 : i32
      %dma_wait3A_77 = tpu.memref_slice %arg10[%add3A_44, %dma_wait3A_76] : memref<10112x64xf32, #tpu.memory_space<vmem_shared>> -> memref<128x64xf32, #tpu.memory_space<vmem_shared>>
      tpu.wait_dma2 semaphore(%run_scoped3A_55 : memref<!tpu.dma_semaphore, #tpu.memory_space<semaphore_mem>>) src(%dma_wait3A_77 : memref<128x64xf32, #tpu.memory_space<vmem_shared>>) dst(%dma_wait3A_75 : memref<128x64xf32, #tpu.memory_space<vmem>>)
      tpu.yield
    }) : () -> ()
    %add3A_46 = arith.constant 384 : i32
    %add3A_47 = arith.addi %mul3A_6, %add3A_46 : i32
    %run_scoped3A_48 = arith.constant 0 : i32
    "tpu.region"() ({
      %run_scoped3A_55 = tpu.sem_alloc : memref<!tpu.dma_semaphore, #tpu.memory_space<semaphore_mem>>
      %dma_start3A = arith.constant 0 : i32
      %dma_start3A_56 = arith.constant 0 : i32
      %dma_start3A_57 = tpu.memref_slice %arg9[%run_scoped3A_48, %dma_start3A, %dma_start3A_56] : memref<2x128x64xf32, #tpu.memory_space<vmem>> -> memref<1x128x64xf32, #tpu.memory_space<vmem>>
      %dma_start3A_58 = tpu.memref_squeeze %dma_start3A_57 : memref<1x128x64xf32, #tpu.memory_space<vmem>> -> memref<128x64xf32, #tpu.memory_space<vmem>>
      %dma_start3A_59 = arith.constant 0 : i32
      %dma_start3A_60 = tpu.memref_slice %arg6[%arg0, %add3A_47, %dma_start3A_59] : memref<2x10112x64xf32, #tpu.memory_space<hbm>> -> memref<1x128x64xf32, #tpu.memory_space<hbm>>
      %dma_start3A_61 = tpu.memref_squeeze %dma_start3A_60 : memref<1x128x64xf32, #tpu.memory_space<hbm>> -> memref<128x64xf32, #tpu.memory_space<hbm>>
      %dma_start3A_62 = arith.constant 0 : i32
      %dma_start3A_63 = tpu.memref_slice %arg6[%arg0, %add3A_47, %dma_start3A_62] : memref<2x10112x64xf32, #tpu.memory_space<hbm>> -> memref<1x128x64xf32, #tpu.memory_space<hbm>>
      %dma_start3A_64 = tpu.memref_squeeze %dma_start3A_63 : memref<1x128x64xf32, #tpu.memory_space<hbm>> -> memref<128x64xf32, #tpu.memory_space<hbm>>
      %dma_start3A_65 = arith.constant 0 : i32
      %dma_start3A_66 = arith.constant 0 : i32
      %dma_start3A_67 = tpu.memref_slice %arg9[%run_scoped3A_48, %dma_start3A_65, %dma_start3A_66] : memref<2x128x64xf32, #tpu.memory_space<vmem>> -> memref<1x128x64xf32, #tpu.memory_space<vmem>>
      %dma_start3A_68 = tpu.memref_squeeze %dma_start3A_67 : memref<1x128x64xf32, #tpu.memory_space<vmem>> -> memref<128x64xf32, #tpu.memory_space<vmem>>
      tpu.enqueue_dma source(%dma_start3A_68 : memref<128x64xf32, #tpu.memory_space<vmem>>) target(%dma_start3A_64 : memref<128x64xf32, #tpu.memory_space<hbm>>) target_semaphore(%run_scoped3A_55 : memref<!tpu.dma_semaphore, #tpu.memory_space<semaphore_mem>>)
      %dma_wait3A = arith.constant 0 : i32
      %dma_wait3A_69 = arith.constant 0 : i32
      %dma_wait3A_70 = tpu.memref_slice %arg9[%run_scoped3A_48, %dma_wait3A, %dma_wait3A_69] : memref<2x128x64xf32, #tpu.memory_space<vmem>> -> memref<1x128x64xf32, #tpu.memory_space<vmem>>
      %dma_wait3A_71 = tpu.memref_squeeze %dma_wait3A_70 : memref<1x128x64xf32, #tpu.memory_space<vmem>> -> memref<128x64xf32, #tpu.memory_space<vmem>>
      %dma_wait3A_72 = arith.constant 0 : i32
      %dma_wait3A_73 = tpu.memref_slice %arg6[%arg0, %add3A_47, %dma_wait3A_72] : memref<2x10112x64xf32, #tpu.memory_space<hbm>> -> memref<1x128x64xf32, #tpu.memory_space<hbm>>
      %dma_wait3A_74 = tpu.memref_squeeze %dma_wait3A_73 : memref<1x128x64xf32, #tpu.memory_space<hbm>> -> memref<128x64xf32, #tpu.memory_space<hbm>>
      %dma_wait3A_75 = arith.constant 0 : i32
      %dma_wait3A_76 = tpu.memref_slice %arg6[%arg0, %add3A_47, %dma_wait3A_75] : memref<2x10112x64xf32, #tpu.memory_space<hbm>> -> memref<1x128x64xf32, #tpu.memory_space<hbm>>
      %dma_wait3A_77 = tpu.memref_squeeze %dma_wait3A_76 : memref<1x128x64xf32, #tpu.memory_space<hbm>> -> memref<128x64xf32, #tpu.memory_space<hbm>>
      %dma_wait3A_78 = arith.constant 0 : i32
      %dma_wait3A_79 = arith.constant 0 : i32
      %dma_wait3A_80 = tpu.memref_slice %arg9[%run_scoped3A_48, %dma_wait3A_78, %dma_wait3A_79] : memref<2x128x64xf32, #tpu.memory_space<vmem>> -> memref<1x128x64xf32, #tpu.memory_space<vmem>>
      %dma_wait3A_81 = tpu.memref_squeeze %dma_wait3A_80 : memref<1x128x64xf32, #tpu.memory_space<vmem>> -> memref<128x64xf32, #tpu.memory_space<vmem>>
      tpu.wait_dma2 semaphore(%run_scoped3A_55 : memref<!tpu.dma_semaphore, #tpu.memory_space<semaphore_mem>>) src(%dma_wait3A_81 : memref<128x64xf32, #tpu.memory_space<vmem>>) dst(%dma_wait3A_77 : memref<128x64xf32, #tpu.memory_space<hbm>>)
      tpu.yield
    }) : () -> ()
    %add3A_49 = arith.constant 512 : i32
    %add3A_50 = arith.addi %mul3A_6, %add3A_49 : i32
    %run_scoped3A_51 = arith.constant 0 : i32
    "tpu.region"() ({
      %run_scoped3A_55 = tpu.sem_alloc : memref<!tpu.dma_semaphore, #tpu.memory_space<semaphore_mem>>
      %dma_start3A = arith.constant 0 : i32
      %dma_start3A_56 = arith.constant 0 : i32
      %dma_start3A_57 = tpu.memref_slice %arg9[%run_scoped3A_51, %dma_start3A, %dma_start3A_56] : memref<2x128x64xf32, #tpu.memory_space<vmem>> -> memref<1x120x64xf32, #tpu.memory_space<vmem>>
      %dma_start3A_58 = tpu.memref_squeeze %dma_start3A_57 : memref<1x120x64xf32, #tpu.memory_space<vmem>> -> memref<120x64xf32, #tpu.memory_space<vmem>>
      %dma_start3A_59 = arith.constant 0 : i32
      %dma_start3A_60 = tpu.memref_slice %arg10[%add3A_50, %dma_start3A_59] : memref<10112x64xf32, #tpu.memory_space<vmem_shared>> -> memref<120x64xf32, #tpu.memory_space<vmem_shared>>
      %dma_start3A_61 = arith.constant 0 : i32
      %dma_start3A_62 = arith.constant 0 : i32
      %dma_start3A_63 = tpu.memref_slice %arg9[%run_scoped3A_51, %dma_start3A_61, %dma_start3A_62] : memref<2x128x64xf32, #tpu.memory_space<vmem>> -> memref<1x120x64xf32, #tpu.memory_space<vmem>>
      %dma_start3A_64 = tpu.memref_squeeze %dma_start3A_63 : memref<1x120x64xf32, #tpu.memory_space<vmem>> -> memref<120x64xf32, #tpu.memory_space<vmem>>
      %dma_start3A_65 = arith.constant 0 : i32
      %dma_start3A_66 = tpu.memref_slice %arg10[%add3A_50, %dma_start3A_65] : memref<10112x64xf32, #tpu.memory_space<vmem_shared>> -> memref<120x64xf32, #tpu.memory_space<vmem_shared>>
      tpu.enqueue_dma source(%dma_start3A_66 : memref<120x64xf32, #tpu.memory_space<vmem_shared>>) target(%dma_start3A_64 : memref<120x64xf32, #tpu.memory_space<vmem>>) target_semaphore(%run_scoped3A_55 : memref<!tpu.dma_semaphore, #tpu.memory_space<semaphore_mem>>)
      %dma_wait3A = arith.constant 0 : i32
      %dma_wait3A_67 = arith.constant 0 : i32
      %dma_wait3A_68 = tpu.memref_slice %arg9[%run_scoped3A_51, %dma_wait3A, %dma_wait3A_67] : memref<2x128x64xf32, #tpu.memory_space<vmem>> -> memref<1x120x64xf32, #tpu.memory_space<vmem>>
      %dma_wait3A_69 = tpu.memref_squeeze %dma_wait3A_68 : memref<1x120x64xf32, #tpu.memory_space<vmem>> -> memref<120x64xf32, #tpu.memory_space<vmem>>
      %dma_wait3A_70 = arith.constant 0 : i32
      %dma_wait3A_71 = tpu.memref_slice %arg10[%add3A_50, %dma_wait3A_70] : memref<10112x64xf32, #tpu.memory_space<vmem_shared>> -> memref<120x64xf32, #tpu.memory_space<vmem_shared>>
      %dma_wait3A_72 = arith.constant 0 : i32
      %dma_wait3A_73 = arith.constant 0 : i32
      %dma_wait3A_74 = tpu.memref_slice %arg9[%run_scoped3A_51, %dma_wait3A_72, %dma_wait3A_73] : memref<2x128x64xf32, #tpu.memory_space<vmem>> -> memref<1x120x64xf32, #tpu.memory_space<vmem>>
      %dma_wait3A_75 = tpu.memref_squeeze %dma_wait3A_74 : memref<1x120x64xf32, #tpu.memory_space<vmem>> -> memref<120x64xf32, #tpu.memory_space<vmem>>
      %dma_wait3A_76 = arith.constant 0 : i32
      %dma_wait3A_77 = tpu.memref_slice %arg10[%add3A_50, %dma_wait3A_76] : memref<10112x64xf32, #tpu.memory_space<vmem_shared>> -> memref<120x64xf32, #tpu.memory_space<vmem_shared>>
      tpu.wait_dma2 semaphore(%run_scoped3A_55 : memref<!tpu.dma_semaphore, #tpu.memory_space<semaphore_mem>>) src(%dma_wait3A_77 : memref<120x64xf32, #tpu.memory_space<vmem_shared>>) dst(%dma_wait3A_75 : memref<120x64xf32, #tpu.memory_space<vmem>>)
      tpu.yield
    }) : () -> ()
    %add3A_52 = arith.constant 512 : i32
    %add3A_53 = arith.addi %mul3A_6, %add3A_52 : i32
    %run_scoped3A_54 = arith.constant 0 : i32
    "tpu.region"() ({
      %run_scoped3A_55 = tpu.sem_alloc : memref<!tpu.dma_semaphore, #tpu.memory_space<semaphore_mem>>
      %dma_start3A = arith.constant 0 : i32
      %dma_start3A_56 = arith.constant 0 : i32
      %dma_start3A_57 = tpu.memref_slice %arg9[%run_scoped3A_54, %dma_start3A, %dma_start3A_56] : memref<2x128x64xf32, #tpu.memory_space<vmem>> -> memref<1x120x64xf32, #tpu.memory_space<vmem>>
      %dma_start3A_58 = tpu.memref_squeeze %dma_start3A_57 : memref<1x120x64xf32, #tpu.memory_space<vmem>> -> memref<120x64xf32, #tpu.memory_space<vmem>>
      %dma_start3A_59 = arith.constant 0 : i32
      %dma_start3A_60 = tpu.memref_slice %arg6[%arg0, %add3A_53, %dma_start3A_59] : memref<2x10112x64xf32, #tpu.memory_space<hbm>> -> memref<1x120x64xf32, #tpu.memory_space<hbm>>
      %dma_start3A_61 = tpu.memref_squeeze %dma_start3A_60 : memref<1x120x64xf32, #tpu.memory_space<hbm>> -> memref<120x64xf32, #tpu.memory_space<hbm>>
      %dma_start3A_62 = arith.constant 0 : i32
      %dma_start3A_63 = tpu.memref_slice %arg6[%arg0, %add3A_53, %dma_start3A_62] : memref<2x10112x64xf32, #tpu.memory_space<hbm>> -> memref<1x120x64xf32, #tpu.memory_space<hbm>>
      %dma_start3A_64 = tpu.memref_squeeze %dma_start3A_63 : memref<1x120x64xf32, #tpu.memory_space<hbm>> -> memref<120x64xf32, #tpu.memory_space<hbm>>
      %dma_start3A_65 = arith.constant 0 : i32
      %dma_start3A_66 = arith.constant 0 : i32
      %dma_start3A_67 = tpu.memref_slice %arg9[%run_scoped3A_54, %dma_start3A_65, %dma_start3A_66] : memref<2x128x64xf32, #tpu.memory_space<vmem>> -> memref<1x120x64xf32, #tpu.memory_space<vmem>>
      %dma_start3A_68 = tpu.memref_squeeze %dma_start3A_67 : memref<1x120x64xf32, #tpu.memory_space<vmem>> -> memref<120x64xf32, #tpu.memory_space<vmem>>
      tpu.enqueue_dma source(%dma_start3A_68 : memref<120x64xf32, #tpu.memory_space<vmem>>) target(%dma_start3A_64 : memref<120x64xf32, #tpu.memory_space<hbm>>) target_semaphore(%run_scoped3A_55 : memref<!tpu.dma_semaphore, #tpu.memory_space<semaphore_mem>>)
      %dma_wait3A = arith.constant 0 : i32
      %dma_wait3A_69 = arith.constant 0 : i32
      %dma_wait3A_70 = tpu.memref_slice %arg9[%run_scoped3A_54, %dma_wait3A, %dma_wait3A_69] : memref<2x128x64xf32, #tpu.memory_space<vmem>> -> memref<1x120x64xf32, #tpu.memory_space<vmem>>
      %dma_wait3A_71 = tpu.memref_squeeze %dma_wait3A_70 : memref<1x120x64xf32, #tpu.memory_space<vmem>> -> memref<120x64xf32, #tpu.memory_space<vmem>>
      %dma_wait3A_72 = arith.constant 0 : i32
      %dma_wait3A_73 = tpu.memref_slice %arg6[%arg0, %add3A_53, %dma_wait3A_72] : memref<2x10112x64xf32, #tpu.memory_space<hbm>> -> memref<1x120x64xf32, #tpu.memory_space<hbm>>
      %dma_wait3A_74 = tpu.memref_squeeze %dma_wait3A_73 : memref<1x120x64xf32, #tpu.memory_space<hbm>> -> memref<120x64xf32, #tpu.memory_space<hbm>>
      %dma_wait3A_75 = arith.constant 0 : i32
      %dma_wait3A_76 = tpu.memref_slice %arg6[%arg0, %add3A_53, %dma_wait3A_75] : memref<2x10112x64xf32, #tpu.memory_space<hbm>> -> memref<1x120x64xf32, #tpu.memory_space<hbm>>
      %dma_wait3A_77 = tpu.memref_squeeze %dma_wait3A_76 : memref<1x120x64xf32, #tpu.memory_space<hbm>> -> memref<120x64xf32, #tpu.memory_space<hbm>>
      %dma_wait3A_78 = arith.constant 0 : i32
      %dma_wait3A_79 = arith.constant 0 : i32
      %dma_wait3A_80 = tpu.memref_slice %arg9[%run_scoped3A_54, %dma_wait3A_78, %dma_wait3A_79] : memref<2x128x64xf32, #tpu.memory_space<vmem>> -> memref<1x120x64xf32, #tpu.memory_space<vmem>>
      %dma_wait3A_81 = tpu.memref_squeeze %dma_wait3A_80 : memref<1x120x64xf32, #tpu.memory_space<vmem>> -> memref<120x64xf32, #tpu.memory_space<vmem>>
      tpu.wait_dma2 semaphore(%run_scoped3A_55 : memref<!tpu.dma_semaphore, #tpu.memory_space<semaphore_mem>>) src(%dma_wait3A_81 : memref<120x64xf32, #tpu.memory_space<vmem>>) dst(%dma_wait3A_77 : memref<120x64xf32, #tpu.memory_space<hbm>>)
      tpu.yield
    }) : () -> ()
    return
  }
}

module attributes {stable_mosaic.version = 14 : i64} {
  func.func @_enc_body(%arg0: i32, %arg1: memref<2000x128xf32, #tpu.memory_space<vmem>>, %arg2: memref<128x256xf32, #tpu.memory_space<vmem>>, %arg3: memref<1x256xf32, #tpu.memory_space<vmem>>, %arg4: memref<256x128xf32, #tpu.memory_space<vmem>>, %arg5: memref<1x128xf32, #tpu.memory_space<vmem>>, %arg6: memref<2000x64xf32, #tpu.memory_space<vmem>>, %arg7: memref<2000x64xf32, #tpu.memory_space<vmem>>) attributes {dimension_semantics = [#tpu.dimension_semantics<arbitrary>], iteration_bounds = array<i64: 5>, scalar_prefetch = 0 : i64, scratch_operands = 0 : i64, tpu.core_type = #tpu.core_type<tc>, window_params = [{transform_indices = @transform_0, window_bounds = array<i64: 2000, 128>}, {pipeline_mode = #tpu.pipeline_mode<synchronous>, transform_indices = @transform_1, window_bounds = array<i64: 128, 256>}, {pipeline_mode = #tpu.pipeline_mode<synchronous>, transform_indices = @transform_2, window_bounds = array<i64: 1, 256>}, {pipeline_mode = #tpu.pipeline_mode<synchronous>, transform_indices = @transform_3, window_bounds = array<i64: 256, 128>}, {pipeline_mode = #tpu.pipeline_mode<synchronous>, transform_indices = @transform_4, window_bounds = array<i64: 1, 128>}, {transform_indices = @transform_5, window_bounds = array<i64: 2000, 64>}, {transform_indices = @transform_6, window_bounds = array<i64: 2000, 64>}]} {
    %get3A = arith.constant 0 : index
    %get3A_0 = arith.constant 0 : index
    %get3A_1 = vector.load %arg1[%get3A, %get3A_0] : memref<2000x128xf32, #tpu.memory_space<vmem>>, vector<2000x128xf32>
    %get3A_2 = arith.constant 0 : index
    %get3A_3 = arith.constant 0 : index
    %get3A_4 = vector.load %arg2[%get3A_2, %get3A_3] : memref<128x256xf32, #tpu.memory_space<vmem>>, vector<128x256xf32>
    %dot_general3A = arith.constant dense<0.000000e+00> : vector<2000x256xf32>
    %dot_general3A_5 = tpu.matmul %get3A_1, %get3A_4, %dot_general3A {dimension_numbers = #tpu.dot_dimension_numbers<[1], [0], [0], [1], [0, 0, 1, 1], [], []>, transpose_lhs_hint = false} : vector<2000x128xf32>, vector<128x256xf32>, vector<2000x256xf32> -> vector<2000x256xf32>
    %get3A_6 = arith.constant 0 : index
    %get3A_7 = arith.constant 0 : index
    %get3A_8 = vector.load %arg3[%get3A_6, %get3A_7] : memref<1x256xf32, #tpu.memory_space<vmem>>, vector<1x256xf32>
    %add3A = vector.broadcast %get3A_8 : vector<1x256xf32> to vector<2000x256xf32>
    %add3A_9 = arith.addf %dot_general3A_5, %add3A : vector<2000x256xf32>
    %max3A = arith.constant 0.000000e+00 : f32
    %max3A_10 = vector.broadcast %max3A : f32 to vector<2000x256xf32>
    %max3A_11 = arith.maximumf %add3A_9, %max3A_10 : vector<2000x256xf32>
    %get3A_12 = arith.constant 0 : index
    %get3A_13 = arith.constant 0 : index
    %get3A_14 = vector.load %arg4[%get3A_12, %get3A_13] : memref<256x128xf32, #tpu.memory_space<vmem>>, vector<256x128xf32>
    %dot_general3A_15 = arith.constant dense<0.000000e+00> : vector<2000x128xf32>
    %dot_general3A_16 = tpu.matmul %max3A_11, %get3A_14, %dot_general3A_15 {dimension_numbers = #tpu.dot_dimension_numbers<[1], [0], [0], [1], [0, 0, 1, 1], [], []>, transpose_lhs_hint = false} : vector<2000x256xf32>, vector<256x128xf32>, vector<2000x128xf32> -> vector<2000x128xf32>
    %get3A_17 = arith.constant 0 : index
    %get3A_18 = arith.constant 0 : index
    %get3A_19 = vector.load %arg5[%get3A_17, %get3A_18] : memref<1x128xf32, #tpu.memory_space<vmem>>, vector<1x128xf32>
    %add3A_20 = vector.broadcast %get3A_19 : vector<1x128xf32> to vector<2000x128xf32>
    %add3A_21 = arith.addf %dot_general3A_16, %add3A_20 : vector<2000x128xf32>
    %max3A_22 = arith.constant 0.000000e+00 : f32
    %max3A_23 = vector.broadcast %max3A_22 : f32 to vector<2000x128xf32>
    %max3A_24 = arith.maximumf %add3A_21, %max3A_23 : vector<2000x128xf32>
    %slice3A = vector.extract_strided_slice %max3A_24 {offsets = [0, 0], sizes = [2000, 64], strides = [1, 1]} : vector<2000x128xf32> to vector<2000x64xf32>
    %swap3A = arith.constant 0 : index
    %swap3A_25 = arith.constant 0 : index
    %swap3A_26 = vector.load %arg6[%swap3A, %swap3A_25] : memref<2000x64xf32, #tpu.memory_space<vmem>>, vector<2000x64xf32>
    tpu.vector_store %arg6[%swap3A, %swap3A_25], %slice3A {strides = array<i32>} : memref<2000x64xf32, #tpu.memory_space<vmem>>, vector<2000x64xf32>,
    %slice3A_27 = vector.extract_strided_slice %max3A_24 {offsets = [0, 64], sizes = [2000, 64], strides = [1, 1]} : vector<2000x128xf32> to vector<2000x64xf32>
    %swap3A_28 = arith.constant 0 : index
    %swap3A_29 = arith.constant 0 : index
    %swap3A_30 = vector.load %arg7[%swap3A_28, %swap3A_29] : memref<2000x64xf32, #tpu.memory_space<vmem>>, vector<2000x64xf32>
    tpu.vector_store %arg7[%swap3A_28, %swap3A_29], %slice3A_27 {strides = array<i32>} : memref<2000x64xf32, #tpu.memory_space<vmem>>, vector<2000x64xf32>,
    return
  }
  func.func @transform_0(%arg0: i32) -> (i32, i32) {
    %c0_i32 = arith.constant 0 : i32
    %c0_i32_0 = arith.constant 0 : i32
    return %arg0, %c0_i32 : i32, i32
  }
  func.func @transform_1(%arg0: i32) -> (i32, i32) {
    %c0_i32 = arith.constant 0 : i32
    %c0_i32_0 = arith.constant 0 : i32
    %c0_i32_1 = arith.constant 0 : i32
    return %c0_i32, %c0_i32_0 : i32, i32
  }
  func.func @transform_2(%arg0: i32) -> (i32, i32) {
    %c0_i32 = arith.constant 0 : i32
    %c0_i32_0 = arith.constant 0 : i32
    %c0_i32_1 = arith.constant 0 : i32
    return %c0_i32, %c0_i32_0 : i32, i32
  }
  func.func @transform_3(%arg0: i32) -> (i32, i32) {
    %c0_i32 = arith.constant 0 : i32
    %c0_i32_0 = arith.constant 0 : i32
    %c0_i32_1 = arith.constant 0 : i32
    return %c0_i32, %c0_i32_0 : i32, i32
  }
  func.func @transform_4(%arg0: i32) -> (i32, i32) {
    %c0_i32 = arith.constant 0 : i32
    %c0_i32_0 = arith.constant 0 : i32
    %c0_i32_1 = arith.constant 0 : i32
    return %c0_i32, %c0_i32_0 : i32, i32
  }
  func.func @transform_5(%arg0: i32) -> (i32, i32) {
    %c0_i32 = arith.constant 0 : i32
    %c0_i32_0 = arith.constant 0 : i32
    return %arg0, %c0_i32 : i32, i32
  }
  func.func @transform_6(%arg0: i32) -> (i32, i32) {
    %c0_i32 = arith.constant 0 : i32
    %c0_i32_0 = arith.constant 0 : i32
    return %arg0, %c0_i32 : i32, i32
  }
}

module attributes {stable_mosaic.version = 14 : i64} {
  func.func @_dec_body(%arg0: i32, %arg1: memref<2x2000x64xf32, #tpu.memory_space<vmem>>, %arg2: memref<2x2000x64xf32, #tpu.memory_space<vmem>>, %arg3: memref<2x2000x16xf32, #tpu.memory_space<vmem>>, %arg4: memref<2000x64xf32, #tpu.memory_space<vmem>>, %arg5: memref<2000x64xf32, #tpu.memory_space<vmem>>, %arg6: memref<64x128xf32, #tpu.memory_space<vmem>>, %arg7: memref<64x128xf32, #tpu.memory_space<vmem>>, %arg8: memref<1x128xf32, #tpu.memory_space<vmem>>, %arg9: memref<128x256xf32, #tpu.memory_space<vmem>>, %arg10: memref<64x256xf32, #tpu.memory_space<vmem>>, %arg11: memref<64x256xf32, #tpu.memory_space<vmem>>, %arg12: memref<1x256xf32, #tpu.memory_space<vmem>>, %arg13: memref<256x128xf32, #tpu.memory_space<vmem>>, %arg14: memref<1x128xf32, #tpu.memory_space<vmem>>, %arg15: memref<2000x128xf32, #tpu.memory_space<vmem>>) attributes {dimension_semantics = [#tpu.dimension_semantics<arbitrary>], iteration_bounds = array<i64: 5>, scalar_prefetch = 0 : i64, scratch_operands = 0 : i64, tpu.core_type = #tpu.core_type<tc>, window_params = [{transform_indices = @transform_0, window_bounds = array<i64: 2, 2000, 64>}, {transform_indices = @transform_1, window_bounds = array<i64: 2, 2000, 64>}, {transform_indices = @transform_2, window_bounds = array<i64: 2, 2000, 16>}, {transform_indices = @transform_3, window_bounds = array<i64: 2000, 64>}, {transform_indices = @transform_4, window_bounds = array<i64: 2000, 64>}, {pipeline_mode = #tpu.pipeline_mode<synchronous>, transform_indices = @transform_5, window_bounds = array<i64: 64, 128>}, {pipeline_mode = #tpu.pipeline_mode<synchronous>, transform_indices = @transform_6, window_bounds = array<i64: 64, 128>}, {pipeline_mode = #tpu.pipeline_mode<synchronous>, transform_indices = @transform_7, window_bounds = array<i64: 1, 128>}, {pipeline_mode = #tpu.pipeline_mode<synchronous>, transform_indices = @transform_8, window_bounds = array<i64: 128, 256>}, {pipeline_mode = #tpu.pipeline_mode<synchronous>, transform_indices = @transform_9, window_bounds = array<i64: 64, 256>}, {pipeline_mode = #tpu.pipeline_mode<synchronous>, transform_indices = @transform_10, window_bounds = array<i64: 64, 256>}, {pipeline_mode = #tpu.pipeline_mode<synchronous>, transform_indices = @transform_11, window_bounds = array<i64: 1, 256>}, {pipeline_mode = #tpu.pipeline_mode<synchronous>, transform_indices = @transform_12, window_bounds = array<i64: 256, 128>}, {pipeline_mode = #tpu.pipeline_mode<synchronous>, transform_indices = @transform_13, window_bounds = array<i64: 1, 128>}, {transform_indices = @transform_14, window_bounds = array<i64: 2000, 128>}]} {
    %get3A = arith.constant 0 : index
    %get3A_0 = arith.constant 0 : index
    %get3A_1 = arith.constant 0 : index
    %get3A_2 = vector.load %arg1[%get3A, %get3A_0, %get3A_1] : memref<2x2000x64xf32, #tpu.memory_space<vmem>>, vector<1x2000x64xf32>
    %get3A_3 = vector.shape_cast %get3A_2 : vector<1x2000x64xf32> to vector<2000x64xf32>
    %get3A_4 = arith.constant 1 : index
    %get3A_5 = arith.constant 0 : index
    %get3A_6 = arith.constant 0 : index
    %get3A_7 = vector.load %arg1[%get3A_4, %get3A_5, %get3A_6] : memref<2x2000x64xf32, #tpu.memory_space<vmem>>, vector<1x2000x64xf32>
    %get3A_8 = vector.shape_cast %get3A_7 : vector<1x2000x64xf32> to vector<2000x64xf32>
    %add3A = arith.addf %get3A_3, %get3A_8 : vector<2000x64xf32>
    %get3A_9 = arith.constant 0 : index
    %get3A_10 = arith.constant 0 : index
    %get3A_11 = arith.constant 0 : index
    %get3A_12 = vector.load %arg2[%get3A_9, %get3A_10, %get3A_11] : memref<2x2000x64xf32, #tpu.memory_space<vmem>>, vector<1x2000x64xf32>
    %get3A_13 = vector.shape_cast %get3A_12 : vector<1x2000x64xf32> to vector<2000x64xf32>
    %get3A_14 = arith.constant 1 : index
    %get3A_15 = arith.constant 0 : index
    %get3A_16 = arith.constant 0 : index
    %get3A_17 = vector.load %arg2[%get3A_14, %get3A_15, %get3A_16] : memref<2x2000x64xf32, #tpu.memory_space<vmem>>, vector<1x2000x64xf32>
    %get3A_18 = vector.shape_cast %get3A_17 : vector<1x2000x64xf32> to vector<2000x64xf32>
    %add3A_19 = arith.addf %get3A_13, %get3A_18 : vector<2000x64xf32>
    %get3A_20 = arith.constant 0 : index
    %get3A_21 = arith.constant 0 : index
    %get3A_22 = arith.constant 0 : index
    %get3A_23 = vector.load %arg3[%get3A_20, %get3A_21, %get3A_22] : memref<2x2000x16xf32, #tpu.memory_space<vmem>>, vector<1x2000x1xf32>
    %get3A_24 = vector.shape_cast %get3A_23 : vector<1x2000x1xf32> to vector<2000x1xf32>
    %get3A_25 = arith.constant 1 : index
    %get3A_26 = arith.constant 0 : index
    %get3A_27 = arith.constant 0 : index
    %get3A_28 = vector.load %arg3[%get3A_25, %get3A_26, %get3A_27] : memref<2x2000x16xf32, #tpu.memory_space<vmem>>, vector<1x2000x1xf32>
    %get3A_29 = vector.shape_cast %get3A_28 : vector<1x2000x1xf32> to vector<2000x1xf32>
    %add3A_30 = arith.addf %get3A_24, %get3A_29 : vector<2000x1xf32>
    %get3A_31 = arith.constant 0 : index
    %get3A_32 = arith.constant 0 : index
    %get3A_33 = vector.load %arg6[%get3A_31, %get3A_32] : memref<64x128xf32, #tpu.memory_space<vmem>>, vector<64x128xf32>
    %dot_general3A = arith.constant dense<0.000000e+00> : vector<2000x128xf32>
    %dot_general3A_34 = tpu.matmul %add3A, %get3A_33, %dot_general3A {dimension_numbers = #tpu.dot_dimension_numbers<[1], [0], [0], [1], [0, 0, 1, 1], [], []>, transpose_lhs_hint = false} : vector<2000x64xf32>, vector<64x128xf32>, vector<2000x128xf32> -> vector<2000x128xf32>
    %get3A_35 = arith.constant 0 : index
    %get3A_36 = arith.constant 0 : index
    %get3A_37 = vector.load %arg7[%get3A_35, %get3A_36] : memref<64x128xf32, #tpu.memory_space<vmem>>, vector<64x128xf32>
    %dot_general3A_38 = arith.constant dense<0.000000e+00> : vector<2000x128xf32>
    %dot_general3A_39 = tpu.matmul %add3A_19, %get3A_37, %dot_general3A_38 {dimension_numbers = #tpu.dot_dimension_numbers<[1], [0], [0], [1], [0, 0, 1, 1], [], []>, transpose_lhs_hint = false} : vector<2000x64xf32>, vector<64x128xf32>, vector<2000x128xf32> -> vector<2000x128xf32>
    %add3A_40 = arith.addf %dot_general3A_34, %dot_general3A_39 : vector<2000x128xf32>
    %get3A_41 = arith.constant 0 : index
    %get3A_42 = arith.constant 0 : index
    %get3A_43 = vector.load %arg8[%get3A_41, %get3A_42] : memref<1x128xf32, #tpu.memory_space<vmem>>, vector<1x128xf32>
    %mul3A = vector.broadcast %add3A_30 : vector<2000x1xf32> to vector<2000x128xf32>
    %mul3A_44 = vector.broadcast %get3A_43 : vector<1x128xf32> to vector<2000x128xf32>
    %mul3A_45 = arith.mulf %mul3A, %mul3A_44 : vector<2000x128xf32>
    %add3A_46 = arith.addf %add3A_40, %mul3A_45 : vector<2000x128xf32>
    %get3A_47 = arith.constant 0 : index
    %get3A_48 = arith.constant 0 : index
    %get3A_49 = vector.load %arg9[%get3A_47, %get3A_48] : memref<128x256xf32, #tpu.memory_space<vmem>>, vector<128x256xf32>
    %dot_general3A_50 = arith.constant dense<0.000000e+00> : vector<2000x256xf32>
    %dot_general3A_51 = tpu.matmul %add3A_46, %get3A_49, %dot_general3A_50 {dimension_numbers = #tpu.dot_dimension_numbers<[1], [0], [0], [1], [0, 0, 1, 1], [], []>, transpose_lhs_hint = false} : vector<2000x128xf32>, vector<128x256xf32>, vector<2000x256xf32> -> vector<2000x256xf32>
    %get3A_52 = arith.constant 0 : index
    %get3A_53 = arith.constant 0 : index
    %get3A_54 = vector.load %arg4[%get3A_52, %get3A_53] : memref<2000x64xf32, #tpu.memory_space<vmem>>, vector<2000x64xf32>
    %get3A_55 = arith.constant 0 : index
    %get3A_56 = arith.constant 0 : index
    %get3A_57 = vector.load %arg10[%get3A_55, %get3A_56] : memref<64x256xf32, #tpu.memory_space<vmem>>, vector<64x256xf32>
    %dot_general3A_58 = arith.constant dense<0.000000e+00> : vector<2000x256xf32>
    %dot_general3A_59 = tpu.matmul %get3A_54, %get3A_57, %dot_general3A_58 {dimension_numbers = #tpu.dot_dimension_numbers<[1], [0], [0], [1], [0, 0, 1, 1], [], []>, transpose_lhs_hint = false} : vector<2000x64xf32>, vector<64x256xf32>, vector<2000x256xf32> -> vector<2000x256xf32>
    %add3A_60 = arith.addf %dot_general3A_51, %dot_general3A_59 : vector<2000x256xf32>
    %get3A_61 = arith.constant 0 : index
    %get3A_62 = arith.constant 0 : index
    %get3A_63 = vector.load %arg5[%get3A_61, %get3A_62] : memref<2000x64xf32, #tpu.memory_space<vmem>>, vector<2000x64xf32>
    %get3A_64 = arith.constant 0 : index
    %get3A_65 = arith.constant 0 : index
    %get3A_66 = vector.load %arg11[%get3A_64, %get3A_65] : memref<64x256xf32, #tpu.memory_space<vmem>>, vector<64x256xf32>
    %dot_general3A_67 = arith.constant dense<0.000000e+00> : vector<2000x256xf32>
    %dot_general3A_68 = tpu.matmul %get3A_63, %get3A_66, %dot_general3A_67 {dimension_numbers = #tpu.dot_dimension_numbers<[1], [0], [0], [1], [0, 0, 1, 1], [], []>, transpose_lhs_hint = false} : vector<2000x64xf32>, vector<64x256xf32>, vector<2000x256xf32> -> vector<2000x256xf32>
    %add3A_69 = arith.addf %add3A_60, %dot_general3A_68 : vector<2000x256xf32>
    %get3A_70 = arith.constant 0 : index
    %get3A_71 = arith.constant 0 : index
    %get3A_72 = vector.load %arg12[%get3A_70, %get3A_71] : memref<1x256xf32, #tpu.memory_space<vmem>>, vector<1x256xf32>
    %add3A_73 = vector.broadcast %get3A_72 : vector<1x256xf32> to vector<2000x256xf32>
    %add3A_74 = arith.addf %add3A_69, %add3A_73 : vector<2000x256xf32>
    %max3A = arith.constant 0.000000e+00 : f32
    %max3A_75 = vector.broadcast %max3A : f32 to vector<2000x256xf32>
    %max3A_76 = arith.maximumf %add3A_74, %max3A_75 : vector<2000x256xf32>
    %get3A_77 = arith.constant 0 : index
    %get3A_78 = arith.constant 0 : index
    %get3A_79 = vector.load %arg13[%get3A_77, %get3A_78] : memref<256x128xf32, #tpu.memory_space<vmem>>, vector<256x128xf32>
    %dot_general3A_80 = arith.constant dense<0.000000e+00> : vector<2000x128xf32>
    %dot_general3A_81 = tpu.matmul %max3A_76, %get3A_79, %dot_general3A_80 {dimension_numbers = #tpu.dot_dimension_numbers<[1], [0], [0], [1], [0, 0, 1, 1], [], []>, transpose_lhs_hint = false} : vector<2000x256xf32>, vector<256x128xf32>, vector<2000x128xf32> -> vector<2000x128xf32>
    %get3A_82 = arith.constant 0 : index
    %get3A_83 = arith.constant 0 : index
    %get3A_84 = vector.load %arg14[%get3A_82, %get3A_83] : memref<1x128xf32, #tpu.memory_space<vmem>>, vector<1x128xf32>
    %add3A_85 = vector.broadcast %get3A_84 : vector<1x128xf32> to vector<2000x128xf32>
    %add3A_86 = arith.addf %dot_general3A_81, %add3A_85 : vector<2000x128xf32>
    %tanh3A = math.tanh %add3A_86 : vector<2000x128xf32>
    %swap3A = arith.constant 0 : index
    %swap3A_87 = arith.constant 0 : index
    %swap3A_88 = vector.load %arg15[%swap3A, %swap3A_87] : memref<2000x128xf32, #tpu.memory_space<vmem>>, vector<2000x128xf32>
    tpu.vector_store %arg15[%swap3A, %swap3A_87], %tanh3A {strides = array<i32>} : memref<2000x128xf32, #tpu.memory_space<vmem>>, vector<2000x128xf32>,
    return
  }
  func.func @transform_0(%arg0: i32) -> (i32, i32, i32) {
    %c0_i32 = arith.constant 0 : i32
    %c0_i32_0 = arith.constant 0 : i32
    %c0_i32_1 = arith.constant 0 : i32
    return %c0_i32, %arg0, %c0_i32_0 : i32, i32, i32
  }
  func.func @transform_1(%arg0: i32) -> (i32, i32, i32) {
    %c0_i32 = arith.constant 0 : i32
    %c0_i32_0 = arith.constant 0 : i32
    %c0_i32_1 = arith.constant 0 : i32
    return %c0_i32, %arg0, %c0_i32_0 : i32, i32, i32
  }
  func.func @transform_2(%arg0: i32) -> (i32, i32, i32) {
    %c0_i32 = arith.constant 0 : i32
    %c0_i32_0 = arith.constant 0 : i32
    %c0_i32_1 = arith.constant 0 : i32
    return %c0_i32, %arg0, %c0_i32_0 : i32, i32, i32
  }
  func.func @transform_3(%arg0: i32) -> (i32, i32) {
    %c0_i32 = arith.constant 0 : i32
    %c0_i32_0 = arith.constant 0 : i32
    return %arg0, %c0_i32 : i32, i32
  }
  func.func @transform_4(%arg0: i32) -> (i32, i32) {
    %c0_i32 = arith.constant 0 : i32
    %c0_i32_0 = arith.constant 0 : i32
    return %arg0, %c0_i32 : i32, i32
  }
  func.func @transform_5(%arg0: i32) -> (i32, i32) {
    %c0_i32 = arith.constant 0 : i32
    %c0_i32_0 = arith.constant 0 : i32
    %c0_i32_1 = arith.constant 0 : i32
    return %c0_i32, %c0_i32_0 : i32, i32
  }
  func.func @transform_6(%arg0: i32) -> (i32, i32) {
    %c0_i32 = arith.constant 0 : i32
    %c0_i32_0 = arith.constant 0 : i32
    %c0_i32_1 = arith.constant 0 : i32
    return %c0_i32, %c0_i32_0 : i32, i32
  }
  func.func @transform_7(%arg0: i32) -> (i32, i32) {
    %c0_i32 = arith.constant 0 : i32
    %c0_i32_0 = arith.constant 0 : i32
    %c0_i32_1 = arith.constant 0 : i32
    return %c0_i32, %c0_i32_0 : i32, i32
  }
  func.func @transform_8(%arg0: i32) -> (i32, i32) {
    %c0_i32 = arith.constant 0 : i32
    %c0_i32_0 = arith.constant 0 : i32
    %c0_i32_1 = arith.constant 0 : i32
    return %c0_i32, %c0_i32_0 : i32, i32
  }
  func.func @transform_9(%arg0: i32) -> (i32, i32) {
    %c0_i32 = arith.constant 0 : i32
    %c0_i32_0 = arith.constant 0 : i32
    %c0_i32_1 = arith.constant 0 : i32
    return %c0_i32, %c0_i32_0 : i32, i32
  }
  func.func @transform_10(%arg0: i32) -> (i32, i32) {
    %c0_i32 = arith.constant 0 : i32
    %c0_i32_0 = arith.constant 0 : i32
    %c0_i32_1 = arith.constant 0 : i32
    return %c0_i32, %c0_i32_0 : i32, i32
  }
  func.func @transform_11(%arg0: i32) -> (i32, i32) {
    %c0_i32 = arith.constant 0 : i32
    %c0_i32_0 = arith.constant 0 : i32
    %c0_i32_1 = arith.constant 0 : i32
    return %c0_i32, %c0_i32_0 : i32, i32
  }
  func.func @transform_12(%arg0: i32) -> (i32, i32) {
    %c0_i32 = arith.constant 0 : i32
    %c0_i32_0 = arith.constant 0 : i32
    %c0_i32_1 = arith.constant 0 : i32
    return %c0_i32, %c0_i32_0 : i32, i32
  }
  func.func @transform_13(%arg0: i32) -> (i32, i32) {
    %c0_i32 = arith.constant 0 : i32
    %c0_i32_0 = arith.constant 0 : i32
    %c0_i32_1 = arith.constant 0 : i32
    return %c0_i32, %c0_i32_0 : i32, i32
  }
  func.func @transform_14(%arg0: i32) -> (i32, i32) {
    %c0_i32 = arith.constant 0 : i32
    %c0_i32_0 = arith.constant 0 : i32
    return %arg0, %c0_i32 : i32, i32
  }
}

</mosaic_0001>

<sc_bundles>
// kernel: body.14.cloned.1.call-start
scs
__scs_entry_jumppad:
0x0: {  	(pc) =	sbr.rel $0x88, $3  }
0x1: {  	(tag) =	ssettag $0x0;
	lr =	simm.s32 $0x1  }
0x2: {  	[smem:$0x3F94] =	sst lr;
	_ =	strace $0xD0000000  }
0x3: {  	_ = 	snop  }
0x4: {  	_ = 	snop  }
0x5: {  	_ = 	snop  }
0x6: {  	_ = 	snop  }
0x7: {  	_ = 	snop  }
__scs_overlays_trampoline_lowered:
0x8: {  	[smem:$0x3FA3] =	sst s0  }
0x9: {  	[smem:$0x3FA4] =	sst s1  }
0xa: {  	[smem:$0x3FA5] =	sst s2  }
0xb: {  	[smem:$0x3FA6] =	sst s3  }
0xc: {  	[smem:$0x3FA7] =	sst s4  }
0xd: {  	[smem:$0x3FA8] =	sst s5  }
0xe: {  	[smem:$0x3FA9] =	sst s6  }
0xf: {  	[smem:$0x3FAA] =	sst s7  }
0x10: {  	[smem:$0x3FAB] =	sst s8  }
0x11: {  	[smem:$0x3FAC] =	sst s9;
	s0 =	simm.s32 @!p0 $0x0  }
0x12: {  	s1 =	sld [smem:$0x3F92];
	s0 =	simm.s32 @p0 $0x1  }
0x13: {  	[smem:$0x3FAD] =	sst s0;
	s0 =	simm.s32 @!p1 $0x0  }
0x14: {  	s2 =	sld [smem:$0x3F91];
	s0 =	simm.s32 @p1 $0x1  }
0x15: {  	[smem:$0x3FAE] =	sst s0;
	s0 =	simm.s32 @!p2 $0x0  }
0x16: {  	s3 =	sld [smem:$0x3FDB];
	s0 =	simm.s32 @p2 $0x1  }
0x17: {  	s4 =	simm.s32 $0x1BF5;
	[smem:$0x3FB0] =	sst s0  }
0x18: {  	s0 =	sld [smem:$0x3F93];
	_ =	swait.ge [sflag:s4], $0x0  }
0x19: {  	s7 =	sld [smem:$0x3F94]  }
0x1a: {  	s8 =	sadd.s32 $0xFFFFE003, lr  }
0x1b: {  	s9 =	sadd.s32 $0xFFFFFEF7, lr;
	s5 =	simm.s32 $0xFFFFFFFF;
	p2 =	slt.u32 s8, $0xFFFFF086  }
0x1c: {  	p1 =	slt.u32 s9, $0xF7A;
	s5 =	simm.s32 @!p2 $0x0  }
0x1d: {  	s5 =	simm.s32 @p1 $0x1;
	p0 =	seq.s32 s7, s2  }
0x1e: {  	s7 =	smul.u32 @!p0 $0xF7A, s2;
	p2 =	seq.s32 @!p0 s5, $0x0  }
0x1f: {  	s9 =	smul.u32 $0xF7A, s1;
	s8 =	simm.s32 @!p0 $0x1BF5;
	p2 =	por !p2, p0  }
0x20: {  	[sflag:s8] =	ssyncset.s32 @!p0 $0xFFFFF086;
	s6 =	sadd.s32 @!p0 s3, s7;
	s7 =	simm.s32 @!p0 $0x108  }
0x21: {  	s3 =	sadd.s32 s3, s9;
	s6 =	sadd.s32 @!p0 $0x88, s6;
	s7 =	simm.s32 @p2 $0x1082  }
0x22: {  	[simem:s7], [sflag:s8] =	dma.local @!p0 [hbm:s6], $0xF7A  }
0x23: {  	s9 =	sor.u32 $0xD0000000, s2;
	s6 =	simm.s32 $0x108;
	_ =	swait.ge @!p0 [sflag:s8], $0x0  }
0x24: {  	s3 =	sadd.s32 $0x88, s3;
	s6 =	simm.s32 @!p1 $0x1082;
	[sflag:s4] =	ssyncset.s32 $0xFFFFF086  }
0x25: {  	[simem:s6], [sflag:s4] =	dma.local [hbm:s3], $0xF7A  }
0x26: {  	[smem:$0x3F94] =	sst s1;
	(tag) =	ssettag s2;
	_ =	strace s9  }
0x27: {  	s1 =	sld [smem:$0x3FA4]  }
0x28: {  	s2 =	sld [smem:$0x3FA5]  }
0x29: {  	s4 =	sld [smem:$0x3FA7]  }
0x2a: {  	p0 =	seq.s32 s5, $0x0;
	s5 =	sld [smem:$0x3FA8]  }
0x2b: {  	s6 =	sld [smem:$0x3FA9]  }
0x2c: {  	s7 =	sld [smem:$0x3FAA]  }
0x2d: {  	s3 =	simm.s32 $0x108;
	s8 =	sld [smem:$0x3FAB]  }
0x2e: {  	s3 =	simm.s32 @!p0 $0x1082;
	s9 =	sld [smem:$0x3FAC]  }
0x2f: {  	lr =	sadd.s32 s0, s3;
	s0 =	sld [smem:$0x3FA3]  }
0x30: {  	s3 =	sld [smem:$0x3FA6]  }
0x31: {  	[smem:$0x3FAF] =	sst s10  }
0x32: {  	s10 =	sld [smem:$0x3FAD];
	_ =	sdelay $0x3  }
0x33: {  	p0 =	seq.s32 s10, $0x1;
	s10 =	sld [smem:$0x3FAF];
	_ =	sdelay $0x3  }
0x34: {  	[smem:$0x3FAF] =	sst s10  }
0x35: {  	s10 =	sld [smem:$0x3FAE];
	_ =	sdelay $0x3  }
0x36: {  	p1 =	seq.s32 s10, $0x1;
	s10 =	sld [smem:$0x3FAF];
	_ =	sdelay $0x3  }
0x37: {  	[smem:$0x3FAF] =	sst s10  }
0x38: {  	s10 =	sld [smem:$0x3FB0]  }
0x39: {  	_ = 	snop;
	(pc) =	sbr.ind lr, $3  }
0x3a: {  	_ = 	snop  }
0x3b: {  	_ = 	snop  }
0x3c: {  	p2 =	seq.s32 s10, $0x1;
	s10 =	sld [smem:$0x3FAF]  }
0x3d: {  	_ =	shalt  }
0x3e: {  	_ =	shalt  }
0x3f: {  	_ =	shalt  }
0x40: {  	_ =	shalt  }
0x41: {  	_ =	shalt  }
0x42: {  	_ =	shalt  }
0x43: {  	_ =	shalt  }
0x44: {  	_ =	shalt  }
0x45: {  	_ =	shalt  }
0x46: {  	_ =	shalt  }
0x47: {  	_ =	shalt  }
0x48: {  	_ =	shalt  }
0x49: {  	_ =	shalt  }
0x4a: {  	_ =	shalt  }
0x4b: {  	_ =	shalt  }
0x4c: {  	_ =	shalt  }
0x4d: {  	_ =	shalt  }
0x4e: {  	_ =	shalt  }
0x4f: {  	_ =	shalt  }
0x50: {  	_ =	shalt  }
0x51: {  	_ =	shalt  }
0x52: {  	_ =	shalt  }
0x53: {  	_ =	shalt  }
0x54: {  	_ =	shalt  }
0x55: {  	_ =	shalt  }
0x56: {  	_ =	shalt  }
0x57: {  	_ =	shalt  }
0x58: {  	_ =	shalt  }
0x59: {  	_ =	shalt  }
0x5a: {  	_ =	shalt  }
0x5b: {  	_ =	shalt  }
0x5c: {  	_ =	shalt  }
0x5d: {  	_ =	shalt  }
0x5e: {  	_ =	shalt  }
0x5f: {  	_ =	shalt  }
0x60: {  	_ =	shalt  }
0x61: {  	_ =	shalt  }
0x62: {  	_ =	shalt  }
0x63: {  	_ =	shalt  }
0x64: {  	_ =	shalt  }
0x65: {  	_ =	shalt  }
0x66: {  	_ =	shalt  }
0x67: {  	_ =	shalt  }
0x68: {  	_ =	shalt  }
0x69: {  	_ =	shalt  }
0x6a: {  	_ =	shalt  }
0x6b: {  	_ =	shalt  }
0x6c: {  	_ =	shalt  }
0x6d: {  	_ =	shalt  }
0x6e: {  	_ =	shalt  }
0x6f: {  	_ =	shalt  }
0x70: {  	_ =	shalt  }
0x71: {  	_ =	shalt  }
0x72: {  	_ =	shalt  }
0x73: {  	_ =	shalt  }
0x74: {  	_ =	shalt  }
0x75: {  	_ =	shalt  }
0x76: {  	_ =	shalt  }
0x77: {  	_ =	shalt  }
0x78: {  	_ =	shalt  }
0x79: {  	_ =	shalt  }
0x7a: {  	_ =	shalt  }
0x7b: {  	_ =	shalt  }
0x7c: {  	_ =	shalt  }
0x7d: {  	_ =	shalt  }
0x7e: {  	_ =	shalt  }
0x7f: {  	_ =	shalt  }
0x80: {  	_ =	shalt  }
0x81: {  	_ =	shalt  }
0x82: {  	_ =	shalt  }
0x83: {  	_ =	shalt  }
0x84: {  	_ =	shalt  }
0x85: {  	_ =	shalt  }
0x86: {  	_ =	shalt  }
0x87: {  	_ =	shalt  }
.Lfunc_end0:
.L_simem_size_0:
called_computation_lowered:
.L_overlay_start_0:
0x88: {  	s2 =	sld [smem:$0x3FD9]  }
0x89: {  	s3 =	sld [smem:$0x3FFE];
	_ =	sdelay $0x1  }
0x8a: {  	s1 =	srdreg.scid  }
0x8b: {  	s0 =	sand.u32 $0x1, s1  }
0x8c: {  	s17 =	sshll.u32 s0, $0xA;
	s2 =	sadd.s32 s3, s2  }
0x8d: {  	s2 =	sadd.s32 s2, s17  }
0x8e: {  	[smem:$0x3FBB] =	sst s2  }
0x8f: {  	_ = 	snop  }
0x90: {  	s18 =	sld [smem:$0x3FD0];
	(tm) =	ssettm $0x1  }
0x91: {  	s19 =	sld [smem:$0x3FFB];
	_ =	sdelay $0x3  }
0x92: {  	_ =	strace s19  }
0x93: {  	s2 =	sld [smem:$0x3FFC];
	_ =	sdelay $0x3  }
0x94: {  	_ =	strace s2  }
0x95: {  	s2 =	sld [smem:$0x3FFD];
	_ =	sdelay $0x3  }
0x96: {  	_ =	strace s2  }
0x97: {  	_ =	strace $0x8FFFFFFF  }
0x98: {  	s20 =	sld [smem:$0x3FDB];
	_ =	sdelay $0x1  }
0x99: {  	s4 =	simm.s32 $_scs_section_size  }
0x9a: {  	s5 =	simm.s32 $_size__tile_overlayer_lowered;
	s6 =	simm.s32 $_tile_overlayer_lowered  }
0x9b: {  	s7 =	simm.s32 $0x1BFF;
	s21 =	sshll.u32 s6, $0x1;
	s4 =	sadd.s32 s4, s20  }
0x9c: {  	s22 =	simm.s32 $0x0;
	s5 =	sshll.u32 s5, $0x1;
	s6 =	sadd.s32 s21, s4  }
0x9d: {  	[timem:s22], [sflag:s7] =	dma.local [hbm:s6], s5  }
0x9e: {  	_ =	swait.ge [sflag:s7], s5  }
0x9f: {  	s5 =	ssub.s32 $0x0, s5;
	[sflag:s7] =	ssyncset.done $0x0  }
0xa0: {  	[sflag:s7] =	ssyncadd.s32 s5;
	_ =	sdelay $0x1  }
0xa1: {  	s23 =	simm.s32 $0x1B8B  }
0xa2: {  	_ =	swait.ge [sflag:s23], $0x1  }
0xa3: {  	[sflag:s23] =	ssyncset.done $0x0  }
0xa4: {  	[sflag:s23] =	ssyncadd.s32 $0xFFFFFFFF  }
0xa5: {  	s5 =	sld [smem:$0x0]  }
0xa6: {  	s6 =	sand.u32 $0xFFFFFFFE, s1  }
0xa7: {  	p0 =	sne.s32 s1, s6  }
0xa8: {  	s6 =	sshll.u32 @p0 s6, $0xE  }
0xa9: {  	s6 =	sadd.s32 @p0 $0x11B8D, s6;
	s7 =	sshll.u32 @p0 s5, $0x11  }
0xaa: {  	s6 =	sor.u32 @p0 s7, s6  }
0xab: {  	[sflag:s6] =	ssyncadd.remote.s32 @p0 $0x1;
	_ =	sdelay $0x1  }
0xac: {  	s6 =	simm.s32 @p0 $0x1B8D  }
0xad: {  	_ =	swait.eq @p0 [sflag:s6], $0x1  }
0xae: {  	[sflag:s6] =	ssyncadd.s32 @p0 $0xFFFFFFFF  }
0xaf: {  	s7 =	sshll.u32 @!p0 s1, $0xE  }
0xb0: {  	s7 =	sor.u32 @!p0 $0x4000, s7;
	s6 =	simm.s32 @!p0 $0x1B8D  }
0xb1: {  	s5 =	sshll.u32 @!p0 s5, $0x11;
	s7 =	sadd.s32 @!p0 $0x11B8D, s7;
	_ =	swait.eq @!p0 [sflag:s6], $0x1  }
0xb2: {  	s5 =	sor.u32 @!p0 s5, s7;
	[sflag:s6] =	ssyncadd.s32 @!p0 $0xFFFFFFFF  }
0xb3: {  	s25 =	simm.s32 $0x1B8E;
	s24 =	sld [smem:$0x3FFE];
	[sflag:s5] =	ssyncadd.remote.s32 @!p0 $0x1  }
0xb4: {  	s26 =	simm.s32 $execute0_lowered;
	[smem:$0x3FD2] =	sst s25  }
0xb5: {  	s6 =	sshll.u32 s26, $0x1;
	_ =	strace $0x8000004C;
	[dreg:$0x1] =	wrdreg $0xFFFFFFFF  }
0xb6: {  	s28 =	simm.s32 $_size_execute0_lowered;
	s4 =	sadd.s32 s4, s6;
	[dreg:$0x0] =	wrdreg $0x0  }
0xb7: {  	s6 =	sshll.u32 s28, $0x1;
	[dreg:$0x2] =	wrdreg s4  }
0xb8: {  	[dreg:$0x3] =	wrdreg s6  }
0xb9: {  	[dreg:$0x4] =	wrdreg $0xC0  }
0xba: {  	_ =	task [dreg:s22], $0x5FFFF  }
0xbb: {  	[dreg:$0x1] =	wrdreg $0xFFFFFFFF  }
0xbc: {  	[dreg:$0x0] =	wrdreg $0x60  }
0xbd: {  	[dreg:$0x2] =	wrdreg s18  }
0xbe: {  	[dreg:$0x3] =	wrdreg s24  }
0xbf: {  	[dreg:$0x4] =	wrdreg $0x48000  }
0xc0: {  	[dreg:$0x5] =	wrdreg $0x9  }
0xc1: {  	_ =	task.clear_ibuf [dreg:s22], $0x6FFFF;
	_ =	strace $0x9000004C  }
0xc2: {  	s29 =	simm.s32 $0x9;
	_ =	strace $0x8000004E  }
0xc3: {  	_ =	swait.ge [sflag:s29], $0x1  }
0xc4: {  	[sflag:s29] =	ssyncadd.s32 $0xFFFFFFFF  }
0xc5: {  	_ =	strace $0x9000004E  }
0xc6: {  	_ =	sfence  }
0xc7: {  	s30 =	sld [smem:$0x0];
	_ =	sdelay $0x2  }
0xc8: {  	s31 =	sshll.u32 s1, $0xD;
	s1 =	sshrl.u32 s1, $0x2  }
0xc9: {  	s4 =	sand.u32 $0x4000, s31;
	s1 =	sadd.s32 s1, s30  }
0xca: {  	s0 =	sor.u32 s4, s0;
	s1 =	sshll.u32 s1, $0x11  }
0xcb: {  	s0 =	sor.u32 s1, s0  }
0xcc: {  	s0 =	sadd.s32 $0x8F2B, s0  }
0xcd: {  	[sflag:s0] =	ssyncadd.remote.s32 $0x1  }
0xce: {  	_ =	sfence.sel $0xFFFF  }
0xcf: {  	[dreg:$0x0] =	wrdreg $0xFFFFFFFF;
	(pc) =	sbr.abs _section_cstart, $3  }
0xd0: {  	[dreg:$0x1] =	wrdreg $0xFFFFFFFF  }
0xd1: {  	_ =	task.clear_ibuf [dreg:s22], $0x2FFFF;
	_ =	strace $0x9FFFFFFF  }
0xd2: {  	(tm) =	ssettm $0x7FFFFFFF  }
0xd3: {  	_ =	shalt  }
tec
execute0_lowered:
.L_overlay_start_1:
0x0: {  	(tag) =	ssettag $0x1  }
0x1: {  	s1 =	rddreg [dreg:$0x0]  }
0x2: {  	s0 =	rddreg [dreg:$0x1]  }
0x3: {  	s2 =	rddreg [dreg:$0x2];
	s3 =	srdreg.scid  }
0x4: {  	s4 =	simm.s32 $0x0;
	s14 =	stileid.u32;
	s28 =	simm.s32 $0x3  }
0x5: {  	s29 =	simm.s32 $0x2;
	s30 =	simm.s32 $0x80;
	s31 =	simm.s32 $0x2800  }
0x6: {  	s3 =	sand.u32 $0x1, s3;
	[smem:$0x7FF] =	sst s4;
	s6 =	sadd.s32 $0x1C00, s0  }
0x7: {  	s9 =	sadd.s32 $0x7A000, s0;
	s15 =	smul.u32 $0x9E00, s14;
	s5 =	sshll.u32 s3, $0x4  }
0x8: {  	_ =	strace $0x8000004D;
	[dreg:$0x4] =	wrdreg s9;
	s22 =	smul.u32 $0x9E000, s3  }
0x9: {  	s25 =	ssub.s32 $0x2, s3;
	s3 =	smul.u32 $0x28000, s3;
	s7 =	sor.u32 s14, s5  }
0xa: {  	s5 =	sadd.s32 $0xBC00, s0;
	s10 =	sshrl.u32 s25, $0x1;
	s0 =	sadd.s32 $0xA1C00, s0  }
0xb: {  	s9 =	sadd.s32 s15, s2;
	s16 =	sadd.s32 $0x2000, s15;
	s18 =	sadd.s32 $0x4000, s15  }
0xc: {  	s19 =	sadd.s32 $0x6000, s15;
	s20 =	sadd.s32 $0x8000, s15;
	s8 =	smul.u32 $0xFFFFFFB0, s7  }
0xd: {  	s21 =	ssub.s32 s25, s10;
	s10 =	sadd.s32 s16, s2;
	s7 =	smul.u32 $0x500, s7  }
0xe: {  	s11 =	sadd.s32 s18, s2;
	s12 =	sadd.s32 s19, s2;
	s13 =	sadd.s32 s20, s2  }
0xf: {  	s26 =	sadd.s32 s15, s22;
	s16 =	sadd.s32 s22, s16;
	s23 =	sadd.s32 s22, s18  }
0x10: {  	s24 =	sadd.s32 s22, s19;
	s20 =	sadd.s32 s22, s20;
	s25 =	smul.u32 $0x2800, s14  }
0x11: {  	s15 =	sshrl.u32 s26, $0x3;
	s16 =	sshrl.u32 s16, $0x3;
	s19 =	sshrl.u32 s24, $0x3  }
0x12: {  	s26 =	sshrl.u32 s20, $0x3;
	s21 =	smax.u32 s21, $0x1;
	s24 =	simm.s32 $0x5  }
0x13: {  	p0 =	slt.s32 s8, $0xFFFFF68C;
	s17 =	sadd.s32 s5, s7;
	s7 =	sadd.s32 s6, s7  }
0x14: {  	s19 =	sadd.s32 s0, s19;
	s20 =	sadd.s32 s0, s26;
	s22 =	sadd.s32 s25, s3  }
.Ltmp0:
0x15: {  	s26 =	simm.s32 $0x4;
	[dreg:$0x5] =	wrdreg s17;
	(pc) =	sbr.rel .LBB2_1-.Ltmp0, $4  }
0x16: {  	s8 =	simm.s32 @!p0 $0xFFFFF68C;
	[dreg:$0x6] =	wrdreg s7;
	s7 =	sadd.s32 s0, s15  }
0x17: {  	s17 =	sadd.s32 s0, s16;
	[dreg:$0x7] =	wrdreg s7;
	s7 =	sshrl.u32 s23, $0x3  }
0x18: {  	s8 =	sadd.s32 $0x9C4, s8;
	[dreg:$0x8] =	wrdreg s17;
	s7 =	sadd.s32 s0, s7  }
0x19: {  	s23 =	simm.s32 $0x800;
	s0 =	simm.s32 $0x0;
	[dreg:$0x9] =	wrdreg s7  }
.LBB2_5:
0x1a: {  	_ =	swait.ge [sflag:s26], $0x2000  }
0x1b: {  	[sflag:s26] =	ssyncset.done $0x0  }
0x1c: {  	[sflag:s26] =	ssyncadd.s32 $0xFFFFE000  }
0x1d: {  	_ =	swait.ge [sflag:s28], $0x2000  }
0x1e: {  	[sflag:s28] =	ssyncset.done $0x0  }
0x1f: {  	[sflag:s28] =	ssyncadd.s32 $0xFFFFE000  }
0x20: {  	[bflag:$0x0] =	sbarrier.arrive $0xFFFF  }
0x21: {  	[tilespmem:s23], [sflag:$0x5] =	stream.linear.gather [spmem:s9], $0x2000, $0x38;
	[tilespmem:$0xE600] =	vst v63  }
0x22: {  	_ =	swait.ge [sflag:s24], $0x2000  }
0x23: {  	[sflag:s24] =	ssyncset.done $0x0  }
0x24: {  	s3 =	rddreg [dreg:$0x7];
	[sflag:s24] =	ssyncadd.s32 $0xFFFFE000  }
0x25: {  	[hbm4b:s3+s4] =	stream.linear.scatter [tilespmem:s23], [sflag:$0x5], $0x2000, $0x38;
	[tilespmem:$0xE600] =	vst v63  }
0x26: {  	_ =	swait.ge [sflag:s24], $0x2000  }
0x27: {  	[sflag:s24] =	ssyncset.done $0x0  }
0x28: {  	[sflag:s24] =	ssyncadd.s32 $0xFFFFE000  }
0x29: {  	[tilespmem:s23], [sflag:$0x5] =	stream.linear.gather [spmem:s10], $0x2000, $0x38;
	[tilespmem:$0xE600] =	vst v63  }
0x2a: {  	_ =	swait.ge [sflag:s24], $0x2000  }
0x2b: {  	[sflag:s24] =	ssyncset.done $0x0  }
0x2c: {  	s18 =	rddreg [dreg:$0x8];
	[sflag:s24] =	ssyncadd.s32 $0xFFFFE000  }
0x2d: {  	[hbm4b:s18+s4] =	stream.linear.scatter [tilespmem:s23], [sflag:$0x5], $0x2000, $0x38;
	[tilespmem:$0xE600] =	vst v63  }
0x2e: {  	_ =	swait.ge [sflag:s24], $0x2000  }
0x2f: {  	[sflag:s24] =	ssyncset.done $0x0  }
0x30: {  	[sflag:s24] =	ssyncadd.s32 $0xFFFFE000  }
0x31: {  	[tilespmem:s23], [sflag:$0x5] =	stream.linear.gather [spmem:s11], $0x2000, $0x38;
	[tilespmem:$0xE600] =	vst v63  }
0x32: {  	_ =	swait.ge [sflag:s24], $0x2000  }
0x33: {  	[sflag:s24] =	ssyncset.done $0x0  }
0x34: {  	s25 =	rddreg [dreg:$0x9];
	[sflag:s24] =	ssyncadd.s32 $0xFFFFE000  }
0x35: {  	[hbm4b:s25+s4] =	stream.linear.scatter [tilespmem:s23], [sflag:$0x5], $0x2000, $0x38;
	[tilespmem:$0xE600] =	vst v63  }
0x36: {  	_ =	swait.ge [sflag:s24], $0x2000  }
0x37: {  	[sflag:s24] =	ssyncset.done $0x0  }
0x38: {  	[sflag:s24] =	ssyncadd.s32 $0xFFFFE000  }
0x39: {  	[tilespmem:s23], [sflag:$0x5] =	stream.linear.gather [spmem:s12], $0x2000, $0x38;
	[tilespmem:$0xE600] =	vst v63  }
0x3a: {  	_ =	swait.ge [sflag:s24], $0x2000  }
0x3b: {  	[sflag:s24] =	ssyncset.done $0x0  }
0x3c: {  	[sflag:s24] =	ssyncadd.s32 $0xFFFFE000  }
0x3d: {  	[hbm4b:s19+s4] =	stream.linear.scatter [tilespmem:s23], [sflag:$0x5], $0x2000, $0x38;
	[tilespmem:$0xE600] =	vst v63  }
0x3e: {  	_ =	swait.ge [sflag:s24], $0x2000  }
0x3f: {  	[sflag:s24] =	ssyncset.done $0x0  }
0x40: {  	[sflag:s24] =	ssyncadd.s32 $0xFFFFE000  }
0x41: {  	[tilespmem:s23], [sflag:$0x5] =	stream.linear.gather [spmem:s13], $0x1E00, $0x38;
	[tilespmem:$0xE600] =	vst v63  }
0x42: {  	s0 =	sadd.s32 $0x1, s0;
	_ =	swait.ge [sflag:s24], $0x1E00  }
0x43: {  	p0 =	sne.s32 s0, s21;
	[sflag:s24] =	ssyncset.done $0x0  }
.Ltmp1:
0x44: {  	[sflag:s24] =	ssyncadd.s32 $0xFFFFE200;
	(pc) =	sbr.rel @!p0 .LBB2_6-.Ltmp1, $4  }
0x45: {  	[hbm4b:s20+s4] =	stream.linear.scatter [tilespmem:s23], [sflag:$0x5], $0x1E00, $0x38;
	[tilespmem:$0xE600] =	vst v63  }
0x46: {  	_ =	swait.ge [sflag:s24], $0x1E00  }
0x47: {  	[sflag:s24] =	ssyncset.done $0x0  }
0x48: {  	[sflag:s24] =	ssyncadd.s32 $0xFFFFE200  }
.LBB2_1:
0x49: {  	s3 =	rddreg [dreg:$0x4]  }
0x4a: {  	[tilespmem:s23], [sflag:$0x5] =	stream.linear.gather [hbm4b:s3+s4], $0x2000, $0x38;
	[tilespmem:$0xE600] =	vst v63  }
0x4b: {  	_ =	swait.ge [sflag:s24], $0x2000  }
0x4c: {  	[sflag:s24] =	ssyncset.done $0x0  }
0x4d: {  	[sflag:s24] =	ssyncadd.s32 $0xFFFFE000  }
0x4e: {  	[spmem:s9] =	stream.linear.scatter [tilespmem:s23], [sflag:$0x5], $0x2000, $0x38;
	[tilespmem:$0xE600] =	vst v63  }
0x4f: {  	_ =	swait.ge [sflag:s24], $0x2000  }
0x50: {  	[sflag:s24] =	ssyncset.done $0x0  }
0x51: {  	[sflag:s24] =	ssyncadd.s32 $0xFFFFE000  }
0x52: {  	[spmem:s10] =	stream.linear.scatter [tilespmem:s23], [sflag:$0x5], $0x2000, $0x38;
	[tilespmem:$0xE600] =	vst v63  }
0x53: {  	_ =	swait.ge [sflag:s24], $0x2000  }
0x54: {  	[sflag:s24] =	ssyncset.done $0x0  }
0x55: {  	[sflag:s24] =	ssyncadd.s32 $0xFFFFE000  }
0x56: {  	[spmem:s11] =	stream.linear.scatter [tilespmem:s23], [sflag:$0x5], $0x2000, $0x38;
	[tilespmem:$0xE600] =	vst v63  }
0x57: {  	_ =	swait.ge [sflag:s24], $0x2000  }
0x58: {  	[sflag:s24] =	ssyncset.done $0x0  }
0x59: {  	[sflag:s24] =	ssyncadd.s32 $0xFFFFE000  }
0x5a: {  	[spmem:s12] =	stream.linear.scatter [tilespmem:s23], [sflag:$0x5], $0x2000, $0x38;
	[tilespmem:$0xE600] =	vst v63  }
0x5b: {  	_ =	swait.ge [sflag:s24], $0x2000  }
0x5c: {  	[sflag:s24] =	ssyncset.done $0x0  }
0x5d: {  	[sflag:s24] =	ssyncadd.s32 $0xFFFFE000  }
0x5e: {  	[spmem:s13] =	stream.linear.scatter [tilespmem:s23], [sflag:$0x5], $0x1E00, $0x38;
	[tilespmem:$0xE600] =	vst v63  }
0x5f: {  	_ =	swait.ge [sflag:s24], $0x1E00  }
0x60: {  	[sflag:s24] =	ssyncset.done $0x0  }
0x61: {  	[sflag:s24] =	ssyncadd.s32 $0xFFFFE200  }
0x62: {  	[bflag:$0x0] =	sbarrier.arrive $0xFFFF  }
0x63: {  	s18 =	rddreg [dreg:$0x5]  }
0x64: {  	[tilespmem:s4], [sflag:$0x5] =	stream.linear.gather [hbm4b:s18+s4], $0x200, $0x38;
	[tilespmem:$0xE600] =	vst v63  }
0x65: {  	_ =	swait.ge [sflag:s24], $0x200  }
0x66: {  	[sflag:s24] =	ssyncset.done $0x0  }
0x67: {  	s7 =	simm.s32 $0x400;
	s25 =	rddreg [dreg:$0x6];
	[sflag:s24] =	ssyncadd.s32 $0xFFFFFE00  }
0x68: {  	[tilespmem:s7], [sflag:$0x5] =	stream.linear.gather [hbm4b:s25+s4], $0x200, $0x38;
	[tilespmem:$0xE600] =	vst v63  }
.Ltmp2:
0x69: {  	_ = 	snop;
	(pc) =	sbr.rel .LBB2_2-.Ltmp2, $4  }
0x6a: {  	_ =	swait.ge [sflag:s24], $0x200  }
0x6b: {  	[sflag:s24] =	ssyncset.done $0x0  }
0x6c: {  	s14 =	simm.s32 $0x0;
	s3 =	simm.s32 $0x80;
	[sflag:s24] =	ssyncadd.s32 $0xFFFFFE00  }
0x6d: {  	[tilespmem:s23], [sflag:$0x1] =	stream.indirect.gather [hbm4b:s1+s30], $0x40, s4, s30, $0xb8;
	[tilespmem:$0xE600] =	vst v63  }
.LBB2_4:
0x6e: {  	p0 =	slt.u32 s14, s8  }
.Ltmp3:
0x6f: {  	_ = 	snop;
	(pc) =	sbr.rel @!p0 .LBB2_5-.Ltmp3, $2  }
0x70: {  	_ =	sdelay $0x2  }
0x71: {  	s3 =	sadd.s32 $0x80, s3  }
.LBB2_2:
0x72: {  	s25 =	smov.u32 s14;
	s14 =	sadd.s32 $0x1, s14  }
0x73: {  	s7 =	sand.u32 $0x3, s14;
	p0 =	sge.u32 s14, s8  }
0x74: {  	p1 =	sne.s32 @!p0 s7, $0x0  }
0x75: {  	p2 =	por p1, p0  }
0x76: {  	s15 =	sadd.s32 @!p2 s3, s22  }
0x77: {  	s15 =	sshrl.u32 @!p2 s15, $0x3  }
0x78: {  	s16 =	sand.u32 @!p2 $0x200, s3;
	s18 =	simm.s32 @!p2 $0x0;
	s17 =	sadd.s32 @!p2 s5, s15  }
0x79: {  	[tilespmem:s16], [sflag:$0x5] =	stream.linear.gather @!p2 [hbm4b:s17+s18], $0x200, $0x38;
	[tilespmem:$0xE600] =	vst v63  }
0x7a: {  	s17 =	simm.s32 @!p2 $0x5  }
0x7b: {  	_ =	swait.ge @!p2 [sflag:s17], $0x200  }
0x7c: {  	[sflag:s17] =	ssyncset.done @!p2 $0x0  }
0x7d: {  	s15 =	sadd.s32 @!p2 s6, s15;
	s16 =	sor.u32 @!p2 $0x400, s16;
	[sflag:s17] =	ssyncadd.s32 @!p2 $0xFFFFFE00  }
0x7e: {  	[tilespmem:s16], [sflag:$0x5] =	stream.linear.gather @!p2 [hbm4b:s15+s18], $0x200, $0x38;
	[tilespmem:$0xE600] =	vst v63  }
0x7f: {  	s15 =	sand.u32 $0x1, s25  }
0x80: {  	p1 =	seq.s32 s15, $0x1  }
0x81: {  	_ =	swait.ge @!p2 [sflag:s17], $0x200;
	p4 =	sge.u32 @!p1 s14, s8  }
0x82: {  	[sflag:s17] =	ssyncset.done @!p2 $0x0;
	p3 =	por p4, p1  }
0x83: {  	s16 =	simm.s32 @!p1 $0x1;
	[sflag:s17] =	ssyncadd.s32 @!p2 $0xFFFFFE00;
	p2 =	seq.s32 @!p3 s25, $0x0  }
0x84: {  	_ =	swait.ge @!p1 [sflag:s16], $0x2000;
	p2 =	por @!p1 p2, p4  }
0x85: {  	[sflag:s16] =	ssyncset.done @!p1 $0x0;
	p2 =	por p2, p1  }
0x86: {  	[sflag:s16] =	ssyncadd.s32 @!p1 $0xFFFFE000;
	s16 =	simm.s32 @!p2 $0x4  }
0x87: {  	_ =	swait.ge @!p2 [sflag:s16], $0x2000  }
0x88: {  	[sflag:s16] =	ssyncset.done @!p2 $0x0  }
0x89: {  	s17 =	sshll.u32 @!p3 s7, $0x7;
	[sflag:s16] =	ssyncadd.s32 @!p2 $0xFFFFE000;
	s16 =	sand.u32 @!p3 $0x200, s3  }
0x8a: {  	s18 =	simm.s32 @!p3 $0x2800;
	s16 =	sor.u32 @!p3 s17, s16;
	s17 =	simm.s32 @!p3 $0x80  }
0x8b: {  	[tilespmem:s18], [sflag:$0x2] =	stream.indirect.gather @!p3 [hbm4b:s1+s17], $0x40, s16, s17, $0xb8;
	[tilespmem:$0xE600] =	vst v63  }
0x8c: {  	s16 =	sadd.s32 @!p1 $0xFFFFFF80, s3  }
0x8d: {  	p2 =	seq.s32 @!p1 s15, $0x0;
	s16 =	sand.u32 @!p1 $0x300, s16  }
0x8e: {  	s17 =	simm.s32 @!p1 $0x80;
	s18 =	simm.s32 @!p1 $0x800;
	s16 =	sor.u32 @!p1 $0x400, s16  }
0x8f: {  	[spmem:s2] =	stream.indirect.scatter.add.f32 @!p1 [tilespmem:s18], [sflag:$0x3], $0x40, s16, s17, $0xb8;
	[tilespmem:$0xE600] =	vst v63  }
0x90: {  	p1 =	por p1, !p2  }
.Ltmp4:
0x91: {  	_ = 	snop;
	(pc) =	sbr.rel @!p1 .LBB2_4-.Ltmp4, $1  }
0x92: {  	_ =	sdelay $0x3  }
0x93: {  	_ =	swait.ge [sflag:s29], $0x2000  }
0x94: {  	[sflag:s29] =	ssyncset.done $0x0  }
0x95: {  	s15 =	simm.s32 @!p0 $0x3;
	[sflag:s29] =	ssyncadd.s32 $0xFFFFE000  }
0x96: {  	_ =	swait.ge @!p0 [sflag:s15], $0x2000  }
0x97: {  	s7 =	sshll.u32 @!p0 s7, $0x7;
	s16 =	simm.s32 @!p0 $0x800;
	[sflag:s15] =	ssyncset.done @!p0 $0x0  }
0x98: {  	s25 =	sadd.s32 $0xFFFFFF80, s3;
	[sflag:s15] =	ssyncadd.s32 @!p0 $0xFFFFE000;
	s15 =	sand.u32 @!p0 $0x200, s3  }
.Ltmp5:
0x99: {  	s7 =	sor.u32 @!p0 s7, s15;
	s15 =	simm.s32 @!p0 $0x80;
	(pc) =	sbr.rel .LBB2_4-.Ltmp5, $4  }
0x9a: {  	[tilespmem:s16], [sflag:$0x1] =	stream.indirect.gather @!p0 [hbm4b:s1+s15], $0x40, s7, s15, $0xb8;
	[tilespmem:$0xE600] =	vst v63  }
0x9b: {  	s7 =	sand.u32 $0x380, s25  }
0x9c: {  	s7 =	sor.u32 $0x400, s7  }
0x9d: {  	[spmem:s2] =	stream.indirect.scatter.add.f32 [tilespmem:s31], [sflag:$0x4], $0x40, s7, s30, $0xb8;
	[tilespmem:$0xE600] =	vst v63  }
.LBB2_6:
0x9e: {  	_ =	sfence.sel $0x180000  }
0x9f: {  	[bflag:$0x0] =	sbarrier.arrive $0xFFFF  }
0xa0: {  	_ =	strace $0x9000004D  }
0xa1: {  	s0 =	stileid.u32;
	[bflag:$0x2] =	sbarrier.arrive $0xFFFF  }
0xa2: {  	p0 =	sne.s32 s0, $0x0;
	s0 =	rddreg [dreg:$0x3]  }
0xa3: {  	s0 =	sadd.s32 @!p0 $0x100000, s0  }
0xa4: {  	[sflag:s0] =	ssyncadd.tile.s32 @!p0 $0x1;
	_ =	shalt  }
.Lfunc_end2:
_tile_overlayer_lowered:
.L_overlay_start_2:
0xa5: {  	(tag) =	ssettag $0x2  }
0xa6: {  	s0 =	rddreg [dreg:$0x0];
	s2 =	stileid.u32  }
0xa7: {  	s1 =	rddreg [dreg:$0x1];
	p0 =	sne.s32 s2, $0x0  }
0xa8: {  	s3 =	rddreg [dreg:$0x2];
	[bflag:$0x3] =	sbarrier.arrive $0xFFFF;
	s2 =	simm.s32 @!p0 $0x1C05  }
0xa9: {  	[timem:s3], [sflag:s2] =	dma.local @!p0 [hbm:s0], s1  }
0xaa: {  	s0 =	simm.s32 @!p0 $0x5  }
0xab: {  	_ =	swait.ge @!p0 [sflag:s0], s1  }
0xac: {  	s1 =	ssub.s32 @!p0 $0x0, s1;
	[sflag:s0] =	ssyncset.done @!p0 $0x0  }
0xad: {  	[sflag:s0] =	ssyncadd.s32 @!p0 s1  }
0xae: {  	[bflag:$0x3] =	sbarrier.arrive $0xFFFF  }
0xaf: {  	_ =	shalt  }

// kernel: body.17.cloned.1.call-start
scs
__scs_entry_jumppad:
0x0: {  	(pc) =	sbr.rel $0x88, $3  }
0x1: {  	(tag) =	ssettag $0x0;
	lr =	simm.s32 $0x1  }
0x2: {  	[smem:$0x3F94] =	sst lr;
	_ =	strace $0xD0000000  }
0x3: {  	_ = 	snop  }
0x4: {  	_ = 	snop  }
0x5: {  	_ = 	snop  }
0x6: {  	_ = 	snop  }
0x7: {  	_ = 	snop  }
__scs_overlays_trampoline_lowered:
0x8: {  	[smem:$0x3FA3] =	sst s0  }
0x9: {  	[smem:$0x3FA4] =	sst s1  }
0xa: {  	[smem:$0x3FA5] =	sst s2  }
0xb: {  	[smem:$0x3FA6] =	sst s3  }
0xc: {  	[smem:$0x3FA7] =	sst s4  }
0xd: {  	[smem:$0x3FA8] =	sst s5  }
0xe: {  	[smem:$0x3FA9] =	sst s6  }
0xf: {  	[smem:$0x3FAA] =	sst s7  }
0x10: {  	[smem:$0x3FAB] =	sst s8  }
0x11: {  	[smem:$0x3FAC] =	sst s9;
	s0 =	simm.s32 @!p0 $0x0  }
0x12: {  	s1 =	sld [smem:$0x3F92];
	s0 =	simm.s32 @p0 $0x1  }
0x13: {  	[smem:$0x3FAD] =	sst s0;
	s0 =	simm.s32 @!p1 $0x0  }
0x14: {  	s2 =	sld [smem:$0x3F91];
	s0 =	simm.s32 @p1 $0x1  }
0x15: {  	[smem:$0x3FAE] =	sst s0;
	s0 =	simm.s32 @!p2 $0x0  }
0x16: {  	s3 =	sld [smem:$0x3FDB];
	s0 =	simm.s32 @p2 $0x1  }
0x17: {  	s4 =	simm.s32 $0x1BF5;
	[smem:$0x3FB0] =	sst s0  }
0x18: {  	s0 =	sld [smem:$0x3F93];
	_ =	swait.ge [sflag:s4], $0x0  }
0x19: {  	s7 =	sld [smem:$0x3F94]  }
0x1a: {  	s8 =	sadd.s32 $0xFFFFE003, lr  }
0x1b: {  	s9 =	sadd.s32 $0xFFFFFEF7, lr;
	s5 =	simm.s32 $0xFFFFFFFF;
	p2 =	slt.u32 s8, $0xFFFFF086  }
0x1c: {  	p1 =	slt.u32 s9, $0xF7A;
	s5 =	simm.s32 @!p2 $0x0  }
0x1d: {  	s5 =	simm.s32 @p1 $0x1;
	p0 =	seq.s32 s7, s2  }
0x1e: {  	s7 =	smul.u32 @!p0 $0xF7A, s2;
	p2 =	seq.s32 @!p0 s5, $0x0  }
0x1f: {  	s9 =	smul.u32 $0xF7A, s1;
	s8 =	simm.s32 @!p0 $0x1BF5;
	p2 =	por !p2, p0  }
0x20: {  	[sflag:s8] =	ssyncset.s32 @!p0 $0xFFFFF086;
	s6 =	sadd.s32 @!p0 s3, s7;
	s7 =	simm.s32 @!p0 $0x108  }
0x21: {  	s3 =	sadd.s32 s3, s9;
	s6 =	sadd.s32 @!p0 $0x88, s6;
	s7 =	simm.s32 @p2 $0x1082  }
0x22: {  	[simem:s7], [sflag:s8] =	dma.local @!p0 [hbm:s6], $0xF7A  }
0x23: {  	s9 =	sor.u32 $0xD0000000, s2;
	s6 =	simm.s32 $0x108;
	_ =	swait.ge @!p0 [sflag:s8], $0x0  }
0x24: {  	s3 =	sadd.s32 $0x88, s3;
	s6 =	simm.s32 @!p1 $0x1082;
	[sflag:s4] =	ssyncset.s32 $0xFFFFF086  }
0x25: {  	[simem:s6], [sflag:s4] =	dma.local [hbm:s3], $0xF7A  }
0x26: {  	[smem:$0x3F94] =	sst s1;
	(tag) =	ssettag s2;
	_ =	strace s9  }
0x27: {  	s1 =	sld [smem:$0x3FA4]  }
0x28: {  	s2 =	sld [smem:$0x3FA5]  }
0x29: {  	s4 =	sld [smem:$0x3FA7]  }
0x2a: {  	p0 =	seq.s32 s5, $0x0;
	s5 =	sld [smem:$0x3FA8]  }
0x2b: {  	s6 =	sld [smem:$0x3FA9]  }
0x2c: {  	s7 =	sld [smem:$0x3FAA]  }
0x2d: {  	s3 =	simm.s32 $0x108;
	s8 =	sld [smem:$0x3FAB]  }
0x2e: {  	s3 =	simm.s32 @!p0 $0x1082;
	s9 =	sld [smem:$0x3FAC]  }
0x2f: {  	lr =	sadd.s32 s0, s3;
	s0 =	sld [smem:$0x3FA3]  }
0x30: {  	s3 =	sld [smem:$0x3FA6]  }
0x31: {  	[smem:$0x3FAF] =	sst s10  }
0x32: {  	s10 =	sld [smem:$0x3FAD];
	_ =	sdelay $0x3  }
0x33: {  	p0 =	seq.s32 s10, $0x1;
	s10 =	sld [smem:$0x3FAF];
	_ =	sdelay $0x3  }
0x34: {  	[smem:$0x3FAF] =	sst s10  }
0x35: {  	s10 =	sld [smem:$0x3FAE];
	_ =	sdelay $0x3  }
0x36: {  	p1 =	seq.s32 s10, $0x1;
	s10 =	sld [smem:$0x3FAF];
	_ =	sdelay $0x3  }
0x37: {  	[smem:$0x3FAF] =	sst s10  }
0x38: {  	s10 =	sld [smem:$0x3FB0]  }
0x39: {  	_ = 	snop;
	(pc) =	sbr.ind lr, $3  }
0x3a: {  	_ = 	snop  }
0x3b: {  	_ = 	snop  }
0x3c: {  	p2 =	seq.s32 s10, $0x1;
	s10 =	sld [smem:$0x3FAF]  }
0x3d: {  	_ =	shalt  }
0x3e: {  	_ =	shalt  }
0x3f: {  	_ =	shalt  }
0x40: {  	_ =	shalt  }
0x41: {  	_ =	shalt  }
0x42: {  	_ =	shalt  }
0x43: {  	_ =	shalt  }
0x44: {  	_ =	shalt  }
0x45: {  	_ =	shalt  }
0x46: {  	_ =	shalt  }
0x47: {  	_ =	shalt  }
0x48: {  	_ =	shalt  }
0x49: {  	_ =	shalt  }
0x4a: {  	_ =	shalt  }
0x4b: {  	_ =	shalt  }
0x4c: {  	_ =	shalt  }
0x4d: {  	_ =	shalt  }
0x4e: {  	_ =	shalt  }
0x4f: {  	_ =	shalt  }
0x50: {  	_ =	shalt  }
0x51: {  	_ =	shalt  }
0x52: {  	_ =	shalt  }
0x53: {  	_ =	shalt  }
0x54: {  	_ =	shalt  }
0x55: {  	_ =	shalt  }
0x56: {  	_ =	shalt  }
0x57: {  	_ =	shalt  }
0x58: {  	_ =	shalt  }
0x59: {  	_ =	shalt  }
0x5a: {  	_ =	shalt  }
0x5b: {  	_ =	shalt  }
0x5c: {  	_ =	shalt  }
0x5d: {  	_ =	shalt  }
0x5e: {  	_ =	shalt  }
0x5f: {  	_ =	shalt  }
0x60: {  	_ =	shalt  }
0x61: {  	_ =	shalt  }
0x62: {  	_ =	shalt  }
0x63: {  	_ =	shalt  }
0x64: {  	_ =	shalt  }
0x65: {  	_ =	shalt  }
0x66: {  	_ =	shalt  }
0x67: {  	_ =	shalt  }
0x68: {  	_ =	shalt  }
0x69: {  	_ =	shalt  }
0x6a: {  	_ =	shalt  }
0x6b: {  	_ =	shalt  }
0x6c: {  	_ =	shalt  }
0x6d: {  	_ =	shalt  }
0x6e: {  	_ =	shalt  }
0x6f: {  	_ =	shalt  }
0x70: {  	_ =	shalt  }
0x71: {  	_ =	shalt  }
0x72: {  	_ =	shalt  }
0x73: {  	_ =	shalt  }
0x74: {  	_ =	shalt  }
0x75: {  	_ =	shalt  }
0x76: {  	_ =	shalt  }
0x77: {  	_ =	shalt  }
0x78: {  	_ =	shalt  }
0x79: {  	_ =	shalt  }
0x7a: {  	_ =	shalt  }
0x7b: {  	_ =	shalt  }
0x7c: {  	_ =	shalt  }
0x7d: {  	_ =	shalt  }
0x7e: {  	_ =	shalt  }
0x7f: {  	_ =	shalt  }
0x80: {  	_ =	shalt  }
0x81: {  	_ =	shalt  }
0x82: {  	_ =	shalt  }
0x83: {  	_ =	shalt  }
0x84: {  	_ =	shalt  }
0x85: {  	_ =	shalt  }
0x86: {  	_ =	shalt  }
0x87: {  	_ =	shalt  }
.Lfunc_end0:
.L_simem_size_0:
called_computation.1_lowered:
.L_overlay_start_0:
0x88: {  	s2 =	sld [smem:$0x3FD9]  }
0x89: {  	s3 =	sld [smem:$0x3FFE];
	_ =	sdelay $0x1  }
0x8a: {  	s1 =	srdreg.scid  }
0x8b: {  	s0 =	sand.u32 $0x1, s1  }
0x8c: {  	s16 =	sshll.u32 s0, $0xA;
	s2 =	sadd.s32 s3, s2  }
0x8d: {  	s2 =	sadd.s32 s2, s16  }
0x8e: {  	[smem:$0x3FBB] =	sst s2  }
0x8f: {  	_ = 	snop  }
0x90: {  	(tm) =	ssettm $0x1  }
0x91: {  	s17 =	sld [smem:$0x3FFB];
	_ =	sdelay $0x3  }
0x92: {  	_ =	strace s17  }
0x93: {  	s2 =	sld [smem:$0x3FFC];
	_ =	sdelay $0x3  }
0x94: {  	_ =	strace s2  }
0x95: {  	s2 =	sld [smem:$0x3FFD];
	_ =	sdelay $0x3  }
0x96: {  	_ =	strace s2  }
0x97: {  	_ =	strace $0x8FFFFFFF  }
0x98: {  	s18 =	sld [smem:$0x3FDB];
	_ =	sdelay $0x1  }
0x99: {  	s19 =	simm.s32 $_scs_section_size  }
0x9a: {  	s4 =	simm.s32 $_size__tile_overlayer_lowered;
	s5 =	simm.s32 $_tile_overlayer_lowered  }
0x9b: {  	s22 =	simm.s32 $0x1BFF;
	s21 =	sshll.u32 s5, $0x1;
	s2 =	sadd.s32 s19, s18  }
0x9c: {  	s6 =	simm.s32 $0x0;
	s20 =	sshll.u32 s4, $0x1;
	s4 =	sadd.s32 s21, s2  }
0x9d: {  	[timem:s6], [sflag:s22] =	dma.local [hbm:s4], s20  }
0x9e: {  	_ =	swait.ge [sflag:s22], s20  }
0x9f: {  	s3 =	ssub.s32 $0x0, s20;
	[sflag:s22] =	ssyncset.done $0x0  }
0xa0: {  	[sflag:s22] =	ssyncadd.s32 s3;
	_ =	sdelay $0x1  }
0xa1: {  	s23 =	simm.s32 $0x1B8B  }
0xa2: {  	_ =	swait.ge [sflag:s23], $0x1  }
0xa3: {  	[sflag:s23] =	ssyncset.done $0x0  }
0xa4: {  	s25 =	simm.s32 $0x1B8E;
	s24 =	sld [smem:$0x3FFE];
	[sflag:s23] =	ssyncadd.s32 $0xFFFFFFFF  }
0xa5: {  	s26 =	simm.s32 $execute0_lowered;
	[smem:$0x3FD2] =	sst s25  }
0xa6: {  	s4 =	sshll.u32 s26, $0x1;
	_ =	strace $0x80000049;
	[dreg:$0x1] =	wrdreg $0xFFFFFFFF  }
0xa7: {  	s28 =	simm.s32 $_size_execute0_lowered;
	s2 =	sadd.s32 s2, s4;
	[dreg:$0x0] =	wrdreg $0x0  }
0xa8: {  	s4 =	sshll.u32 s28, $0x1;
	[dreg:$0x2] =	wrdreg s2  }
0xa9: {  	[dreg:$0x3] =	wrdreg s4  }
0xaa: {  	[dreg:$0x4] =	wrdreg $0xC0  }
0xab: {  	_ =	task [dreg:s6], $0x5FFFF  }
0xac: {  	[dreg:$0x1] =	wrdreg $0xFFFFFFFF  }
0xad: {  	[dreg:$0x0] =	wrdreg $0x60  }
0xae: {  	[dreg:$0x2] =	wrdreg s24  }
0xaf: {  	[dreg:$0x3] =	wrdreg $0x48000  }
0xb0: {  	[dreg:$0x4] =	wrdreg $0xA  }
0xb1: {  	_ =	task.clear_ibuf [dreg:s6], $0x5FFFF;
	_ =	strace $0x90000049  }
0xb2: {  	s29 =	simm.s32 $0xA;
	_ =	strace $0x8000004B  }
0xb3: {  	_ =	swait.ge [sflag:s29], $0x1  }
0xb4: {  	[sflag:s29] =	ssyncadd.s32 $0xFFFFFFFF  }
0xb5: {  	_ =	strace $0x9000004B  }
0xb6: {  	_ =	sfence  }
0xb7: {  	s30 =	sld [smem:$0x0];
	_ =	sdelay $0x2  }
0xb8: {  	s31 =	sshll.u32 s1, $0xD;
	s1 =	sshrl.u32 s1, $0x2  }
0xb9: {  	s3 =	sand.u32 $0x4000, s31;
	s1 =	sadd.s32 s1, s30  }
0xba: {  	s0 =	sor.u32 s3, s0;
	s1 =	sshll.u32 s1, $0x11  }
0xbb: {  	s0 =	sor.u32 s1, s0  }
0xbc: {  	s0 =	sadd.s32 $0x8F2B, s0  }
0xbd: {  	[sflag:s0] =	ssyncadd.remote.s32 $0x1  }
0xbe: {  	_ =	sfence.sel $0xFFFF  }
0xbf: {  	[dreg:$0x0] =	wrdreg $0xFFFFFFFF;
	(pc) =	sbr.abs _section_cstart, $3  }
0xc0: {  	[dreg:$0x1] =	wrdreg $0xFFFFFFFF  }
0xc1: {  	_ =	task.clear_ibuf [dreg:s6], $0x2FFFF;
	_ =	strace $0x9FFFFFFF  }
0xc2: {  	(tm) =	ssettm $0x7FFFFFFF  }
0xc3: {  	_ =	shalt  }
tec
execute0_lowered:
.L_overlay_start_1:
0x0: {  	(tag) =	ssettag $0x1  }
0x1: {  	s0 =	rddreg [dreg:$0x0]  }
0x2: {  	s1 =	rddreg [dreg:$0x1];
	s2 =	srdreg.scid;
	s3 =	simm.s32 $0x0  }
0x3: {  	s14 =	stileid.u32;
	s28 =	simm.s32 $0x3;
	s29 =	simm.s32 $0x2  }
0x4: {  	s30 =	simm.s32 $0x80;
	s31 =	simm.s32 $0x2800;
	s2 =	sand.u32 $0x1, s2  }
0x5: {  	[smem:$0x7FF] =	sst s3;
	s5 =	sadd.s32 $0xBC00, s0;
	s6 =	sadd.s32 $0x1C00, s0  }
0x6: {  	s9 =	sadd.s32 $0x7A000, s0;
	s15 =	smul.u32 $0x9E00, s14;
	s4 =	sshll.u32 s2, $0x4  }
0x7: {  	_ =	strace $0x8000004A;
	[dreg:$0x3] =	wrdreg s9;
	s22 =	smul.u32 $0x9E000, s2  }
0x8: {  	s25 =	ssub.s32 $0x2, s2;
	s2 =	smul.u32 $0x28000, s2;
	s7 =	sor.u32 s14, s4  }
0x9: {  	s4 =	sadd.s32 $0x66600, s0;
	s10 =	sshrl.u32 s25, $0x1;
	s0 =	sadd.s32 $0x7A400, s0  }
0xa: {  	s9 =	sadd.s32 s15, s1;
	s16 =	sadd.s32 $0x2000, s15;
	s18 =	sadd.s32 $0x4000, s15  }
0xb: {  	s19 =	sadd.s32 $0x6000, s15;
	s20 =	sadd.s32 $0x8000, s15;
	s8 =	smul.u32 $0xFFFFFFB0, s7  }
0xc: {  	s21 =	ssub.s32 s25, s10;
	s10 =	sadd.s32 s16, s1;
	s7 =	smul.u32 $0x500, s7  }
0xd: {  	s11 =	sadd.s32 s18, s1;
	s12 =	sadd.s32 s19, s1;
	s13 =	sadd.s32 s20, s1  }
0xe: {  	s26 =	sadd.s32 s15, s22;
	s16 =	sadd.s32 s22, s16;
	s23 =	sadd.s32 s22, s18  }
0xf: {  	s24 =	sadd.s32 s22, s19;
	s20 =	sadd.s32 s22, s20;
	s25 =	smul.u32 $0x2800, s14  }
0x10: {  	s15 =	sshrl.u32 s26, $0x3;
	s16 =	sshrl.u32 s16, $0x3;
	s19 =	sshrl.u32 s24, $0x3  }
0x11: {  	s26 =	sshrl.u32 s20, $0x3;
	s21 =	smax.u32 s21, $0x1;
	s24 =	simm.s32 $0x5  }
0x12: {  	p0 =	slt.s32 s8, $0xFFFFF68C;
	s17 =	sadd.s32 s5, s7;
	s7 =	sadd.s32 s6, s7  }
0x13: {  	s19 =	sadd.s32 s0, s19;
	s20 =	sadd.s32 s0, s26;
	s22 =	sadd.s32 s25, s2  }
.Ltmp0:
0x14: {  	s26 =	simm.s32 $0x4;
	[dreg:$0x4] =	wrdreg s17;
	(pc) =	sbr.rel .LBB2_1-.Ltmp0, $4  }
0x15: {  	s8 =	simm.s32 @!p0 $0xFFFFF68C;
	[dreg:$0x5] =	wrdreg s7;
	s7 =	sadd.s32 s0, s15  }
0x16: {  	s17 =	sadd.s32 s0, s16;
	[dreg:$0x6] =	wrdreg s7;
	s7 =	sshrl.u32 s23, $0x3  }
0x17: {  	s8 =	sadd.s32 $0x9C4, s8;
	[dreg:$0x7] =	wrdreg s17;
	s7 =	sadd.s32 s0, s7  }
0x18: {  	s23 =	simm.s32 $0x800;
	s0 =	simm.s32 $0x0;
	[dreg:$0x8] =	wrdreg s7  }
.LBB2_5:
0x19: {  	_ =	swait.ge [sflag:s26], $0x2000  }
0x1a: {  	[sflag:s26] =	ssyncset.done $0x0  }
0x1b: {  	[sflag:s26] =	ssyncadd.s32 $0xFFFFE000  }
0x1c: {  	_ =	swait.ge [sflag:s28], $0x2000  }
0x1d: {  	[sflag:s28] =	ssyncset.done $0x0  }
0x1e: {  	[sflag:s28] =	ssyncadd.s32 $0xFFFFE000  }
0x1f: {  	[bflag:$0x0] =	sbarrier.arrive $0xFFFF  }
0x20: {  	[tilespmem:s23], [sflag:$0x5] =	stream.linear.gather [spmem:s9], $0x2000, $0x38;
	[tilespmem:$0xE600] =	vst v63  }
0x21: {  	_ =	swait.ge [sflag:s24], $0x2000  }
0x22: {  	[sflag:s24] =	ssyncset.done $0x0  }
0x23: {  	s2 =	rddreg [dreg:$0x6];
	[sflag:s24] =	ssyncadd.s32 $0xFFFFE000  }
0x24: {  	[hbm4b:s2+s3] =	stream.linear.scatter [tilespmem:s23], [sflag:$0x5], $0x2000, $0x38;
	[tilespmem:$0xE600] =	vst v63  }
0x25: {  	_ =	swait.ge [sflag:s24], $0x2000  }
0x26: {  	[sflag:s24] =	ssyncset.done $0x0  }
0x27: {  	[sflag:s24] =	ssyncadd.s32 $0xFFFFE000  }
0x28: {  	[tilespmem:s23], [sflag:$0x5] =	stream.linear.gather [spmem:s10], $0x2000, $0x38;
	[tilespmem:$0xE600] =	vst v63  }
0x29: {  	_ =	swait.ge [sflag:s24], $0x2000  }
0x2a: {  	[sflag:s24] =	ssyncset.done $0x0  }
0x2b: {  	s18 =	rddreg [dreg:$0x7];
	[sflag:s24] =	ssyncadd.s32 $0xFFFFE000  }
0x2c: {  	[hbm4b:s18+s3] =	stream.linear.scatter [tilespmem:s23], [sflag:$0x5], $0x2000, $0x38;
	[tilespmem:$0xE600] =	vst v63  }
0x2d: {  	_ =	swait.ge [sflag:s24], $0x2000  }
0x2e: {  	[sflag:s24] =	ssyncset.done $0x0  }
0x2f: {  	[sflag:s24] =	ssyncadd.s32 $0xFFFFE000  }
0x30: {  	[tilespmem:s23], [sflag:$0x5] =	stream.linear.gather [spmem:s11], $0x2000, $0x38;
	[tilespmem:$0xE600] =	vst v63  }
0x31: {  	_ =	swait.ge [sflag:s24], $0x2000  }
0x32: {  	[sflag:s24] =	ssyncset.done $0x0  }
0x33: {  	s25 =	rddreg [dreg:$0x8];
	[sflag:s24] =	ssyncadd.s32 $0xFFFFE000  }
0x34: {  	[hbm4b:s25+s3] =	stream.linear.scatter [tilespmem:s23], [sflag:$0x5], $0x2000, $0x38;
	[tilespmem:$0xE600] =	vst v63  }
0x35: {  	_ =	swait.ge [sflag:s24], $0x2000  }
0x36: {  	[sflag:s24] =	ssyncset.done $0x0  }
0x37: {  	[sflag:s24] =	ssyncadd.s32 $0xFFFFE000  }
0x38: {  	[tilespmem:s23], [sflag:$0x5] =	stream.linear.gather [spmem:s12], $0x2000, $0x38;
	[tilespmem:$0xE600] =	vst v63  }
0x39: {  	_ =	swait.ge [sflag:s24], $0x2000  }
0x3a: {  	[sflag:s24] =	ssyncset.done $0x0  }
0x3b: {  	[sflag:s24] =	ssyncadd.s32 $0xFFFFE000  }
0x3c: {  	[hbm4b:s19+s3] =	stream.linear.scatter [tilespmem:s23], [sflag:$0x5], $0x2000, $0x38;
	[tilespmem:$0xE600] =	vst v63  }
0x3d: {  	_ =	swait.ge [sflag:s24], $0x2000  }
0x3e: {  	[sflag:s24] =	ssyncset.done $0x0  }
0x3f: {  	[sflag:s24] =	ssyncadd.s32 $0xFFFFE000  }
0x40: {  	[tilespmem:s23], [sflag:$0x5] =	stream.linear.gather [spmem:s13], $0x1E00, $0x38;
	[tilespmem:$0xE600] =	vst v63  }
0x41: {  	s0 =	sadd.s32 $0x1, s0;
	_ =	swait.ge [sflag:s24], $0x1E00  }
0x42: {  	p0 =	sne.s32 s0, s21;
	[sflag:s24] =	ssyncset.done $0x0  }
.Ltmp1:
0x43: {  	[sflag:s24] =	ssyncadd.s32 $0xFFFFE200;
	(pc) =	sbr.rel @!p0 .LBB2_6-.Ltmp1, $4  }
0x44: {  	[hbm4b:s20+s3] =	stream.linear.scatter [tilespmem:s23], [sflag:$0x5], $0x1E00, $0x38;
	[tilespmem:$0xE600] =	vst v63  }
0x45: {  	_ =	swait.ge [sflag:s24], $0x1E00  }
0x46: {  	[sflag:s24] =	ssyncset.done $0x0  }
0x47: {  	[sflag:s24] =	ssyncadd.s32 $0xFFFFE200  }
.LBB2_1:
0x48: {  	s2 =	rddreg [dreg:$0x3]  }
0x49: {  	[tilespmem:s23], [sflag:$0x5] =	stream.linear.gather [hbm4b:s2+s3], $0x2000, $0x38;
	[tilespmem:$0xE600] =	vst v63  }
0x4a: {  	_ =	swait.ge [sflag:s24], $0x2000  }
0x4b: {  	[sflag:s24] =	ssyncset.done $0x0  }
0x4c: {  	[sflag:s24] =	ssyncadd.s32 $0xFFFFE000  }
0x4d: {  	[spmem:s9] =	stream.linear.scatter [tilespmem:s23], [sflag:$0x5], $0x2000, $0x38;
	[tilespmem:$0xE600] =	vst v63  }
0x4e: {  	_ =	swait.ge [sflag:s24], $0x2000  }
0x4f: {  	[sflag:s24] =	ssyncset.done $0x0  }
0x50: {  	[sflag:s24] =	ssyncadd.s32 $0xFFFFE000  }
0x51: {  	[spmem:s10] =	stream.linear.scatter [tilespmem:s23], [sflag:$0x5], $0x2000, $0x38;
	[tilespmem:$0xE600] =	vst v63  }
0x52: {  	_ =	swait.ge [sflag:s24], $0x2000  }
0x53: {  	[sflag:s24] =	ssyncset.done $0x0  }
0x54: {  	[sflag:s24] =	ssyncadd.s32 $0xFFFFE000  }
0x55: {  	[spmem:s11] =	stream.linear.scatter [tilespmem:s23], [sflag:$0x5], $0x2000, $0x38;
	[tilespmem:$0xE600] =	vst v63  }
0x56: {  	_ =	swait.ge [sflag:s24], $0x2000  }
0x57: {  	[sflag:s24] =	ssyncset.done $0x0  }
0x58: {  	[sflag:s24] =	ssyncadd.s32 $0xFFFFE000  }
0x59: {  	[spmem:s12] =	stream.linear.scatter [tilespmem:s23], [sflag:$0x5], $0x2000, $0x38;
	[tilespmem:$0xE600] =	vst v63  }
0x5a: {  	_ =	swait.ge [sflag:s24], $0x2000  }
0x5b: {  	[sflag:s24] =	ssyncset.done $0x0  }
0x5c: {  	[sflag:s24] =	ssyncadd.s32 $0xFFFFE000  }
0x5d: {  	[spmem:s13] =	stream.linear.scatter [tilespmem:s23], [sflag:$0x5], $0x1E00, $0x38;
	[tilespmem:$0xE600] =	vst v63  }
0x5e: {  	_ =	swait.ge [sflag:s24], $0x1E00  }
0x5f: {  	[sflag:s24] =	ssyncset.done $0x0  }
0x60: {  	[sflag:s24] =	ssyncadd.s32 $0xFFFFE200  }
0x61: {  	[bflag:$0x0] =	sbarrier.arrive $0xFFFF  }
0x62: {  	s18 =	rddreg [dreg:$0x4]  }
0x63: {  	[tilespmem:s3], [sflag:$0x5] =	stream.linear.gather [hbm4b:s18+s3], $0x200, $0x38;
	[tilespmem:$0xE600] =	vst v63  }
0x64: {  	_ =	swait.ge [sflag:s24], $0x200  }
0x65: {  	[sflag:s24] =	ssyncset.done $0x0  }
0x66: {  	s7 =	simm.s32 $0x400;
	s25 =	rddreg [dreg:$0x5];
	[sflag:s24] =	ssyncadd.s32 $0xFFFFFE00  }
0x67: {  	[tilespmem:s7], [sflag:$0x5] =	stream.linear.gather [hbm4b:s25+s3], $0x200, $0x38;
	[tilespmem:$0xE600] =	vst v63  }
.Ltmp2:
0x68: {  	_ = 	snop;
	(pc) =	sbr.rel .LBB2_2-.Ltmp2, $4  }
0x69: {  	_ =	swait.ge [sflag:s24], $0x200  }
0x6a: {  	[sflag:s24] =	ssyncset.done $0x0  }
0x6b: {  	s14 =	simm.s32 $0x0;
	s2 =	simm.s32 $0x80;
	[sflag:s24] =	ssyncadd.s32 $0xFFFFFE00  }
0x6c: {  	[tilespmem:s23], [sflag:$0x1] =	stream.indirect.gather [hbm4b:s4+s30], $0x40, s3, s30, $0xb8;
	[tilespmem:$0xE600] =	vst v63  }
.LBB2_4:
0x6d: {  	p0 =	slt.u32 s14, s8  }
.Ltmp3:
0x6e: {  	_ = 	snop;
	(pc) =	sbr.rel @!p0 .LBB2_5-.Ltmp3, $2  }
0x6f: {  	_ =	sdelay $0x2  }
0x70: {  	s2 =	sadd.s32 $0x80, s2  }
.LBB2_2:
0x71: {  	s25 =	smov.u32 s14;
	s14 =	sadd.s32 $0x1, s14  }
0x72: {  	s7 =	sand.u32 $0x3, s14;
	p0 =	sge.u32 s14, s8  }
0x73: {  	p1 =	sne.s32 @!p0 s7, $0x0  }
0x74: {  	p2 =	por p1, p0  }
0x75: {  	s15 =	sadd.s32 @!p2 s2, s22  }
0x76: {  	s15 =	sshrl.u32 @!p2 s15, $0x3  }
0x77: {  	s16 =	sand.u32 @!p2 $0x200, s2;
	s18 =	simm.s32 @!p2 $0x0;
	s17 =	sadd.s32 @!p2 s5, s15  }
0x78: {  	[tilespmem:s16], [sflag:$0x5] =	stream.linear.gather @!p2 [hbm4b:s17+s18], $0x200, $0x38;
	[tilespmem:$0xE600] =	vst v63  }
0x79: {  	s17 =	simm.s32 @!p2 $0x5  }
0x7a: {  	_ =	swait.ge @!p2 [sflag:s17], $0x200  }
0x7b: {  	[sflag:s17] =	ssyncset.done @!p2 $0x0  }
0x7c: {  	s15 =	sadd.s32 @!p2 s6, s15;
	s16 =	sor.u32 @!p2 $0x400, s16;
	[sflag:s17] =	ssyncadd.s32 @!p2 $0xFFFFFE00  }
0x7d: {  	[tilespmem:s16], [sflag:$0x5] =	stream.linear.gather @!p2 [hbm4b:s15+s18], $0x200, $0x38;
	[tilespmem:$0xE600] =	vst v63  }
0x7e: {  	s15 =	sand.u32 $0x1, s25  }
0x7f: {  	p1 =	seq.s32 s15, $0x1  }
0x80: {  	_ =	swait.ge @!p2 [sflag:s17], $0x200;
	p4 =	sge.u32 @!p1 s14, s8  }
0x81: {  	[sflag:s17] =	ssyncset.done @!p2 $0x0;
	p3 =	por p4, p1  }
0x82: {  	s16 =	simm.s32 @!p1 $0x1;
	[sflag:s17] =	ssyncadd.s32 @!p2 $0xFFFFFE00;
	p2 =	seq.s32 @!p3 s25, $0x0  }
0x83: {  	_ =	swait.ge @!p1 [sflag:s16], $0x2000;
	p2 =	por @!p1 p2, p4  }
0x84: {  	[sflag:s16] =	ssyncset.done @!p1 $0x0;
	p2 =	por p2, p1  }
0x85: {  	[sflag:s16] =	ssyncadd.s32 @!p1 $0xFFFFE000;
	s16 =	simm.s32 @!p2 $0x4  }
0x86: {  	_ =	swait.ge @!p2 [sflag:s16], $0x2000  }
0x87: {  	[sflag:s16] =	ssyncset.done @!p2 $0x0  }
0x88: {  	s17 =	sshll.u32 @!p3 s7, $0x7;
	[sflag:s16] =	ssyncadd.s32 @!p2 $0xFFFFE000;
	s16 =	sand.u32 @!p3 $0x200, s2  }
0x89: {  	s18 =	simm.s32 @!p3 $0x2800;
	s16 =	sor.u32 @!p3 s17, s16;
	s17 =	simm.s32 @!p3 $0x80  }
0x8a: {  	[tilespmem:s18], [sflag:$0x2] =	stream.indirect.gather @!p3 [hbm4b:s4+s17], $0x40, s16, s17, $0xb8;
	[tilespmem:$0xE600] =	vst v63  }
0x8b: {  	s16 =	sadd.s32 @!p1 $0xFFFFFF80, s2  }
0x8c: {  	p2 =	seq.s32 @!p1 s15, $0x0;
	s16 =	sand.u32 @!p1 $0x300, s16  }
0x8d: {  	s17 =	simm.s32 @!p1 $0x80;
	s18 =	simm.s32 @!p1 $0x800;
	s16 =	sor.u32 @!p1 $0x400, s16  }
0x8e: {  	[spmem:s1] =	stream.indirect.scatter.add.f32 @!p1 [tilespmem:s18], [sflag:$0x3], $0x40, s16, s17, $0xb8;
	[tilespmem:$0xE600] =	vst v63  }
0x8f: {  	p1 =	por p1, !p2  }
.Ltmp4:
0x90: {  	_ = 	snop;
	(pc) =	sbr.rel @!p1 .LBB2_4-.Ltmp4, $1  }
0x91: {  	_ =	sdelay $0x3  }
0x92: {  	_ =	swait.ge [sflag:s29], $0x2000  }
0x93: {  	[sflag:s29] =	ssyncset.done $0x0  }
0x94: {  	s15 =	simm.s32 @!p0 $0x3;
	[sflag:s29] =	ssyncadd.s32 $0xFFFFE000  }
0x95: {  	_ =	swait.ge @!p0 [sflag:s15], $0x2000  }
0x96: {  	s7 =	sshll.u32 @!p0 s7, $0x7;
	s16 =	simm.s32 @!p0 $0x800;
	[sflag:s15] =	ssyncset.done @!p0 $0x0  }
0x97: {  	s25 =	sadd.s32 $0xFFFFFF80, s2;
	[sflag:s15] =	ssyncadd.s32 @!p0 $0xFFFFE000;
	s15 =	sand.u32 @!p0 $0x200, s2  }
.Ltmp5:
0x98: {  	s7 =	sor.u32 @!p0 s7, s15;
	s15 =	simm.s32 @!p0 $0x80;
	(pc) =	sbr.rel .LBB2_4-.Ltmp5, $4  }
0x99: {  	[tilespmem:s16], [sflag:$0x1] =	stream.indirect.gather @!p0 [hbm4b:s4+s15], $0x40, s7, s15, $0xb8;
	[tilespmem:$0xE600] =	vst v63  }
0x9a: {  	s7 =	sand.u32 $0x380, s25  }
0x9b: {  	s7 =	sor.u32 $0x400, s7  }
0x9c: {  	[spmem:s1] =	stream.indirect.scatter.add.f32 [tilespmem:s31], [sflag:$0x4], $0x40, s7, s30, $0xb8;
	[tilespmem:$0xE600] =	vst v63  }
.LBB2_6:
0x9d: {  	_ =	sfence.sel $0x180000  }
0x9e: {  	[bflag:$0x0] =	sbarrier.arrive $0xFFFF  }
0x9f: {  	_ =	strace $0x9000004A  }
0xa0: {  	s0 =	stileid.u32;
	[bflag:$0x2] =	sbarrier.arrive $0xFFFF  }
0xa1: {  	p0 =	sne.s32 s0, $0x0;
	s0 =	rddreg [dreg:$0x2]  }
0xa2: {  	s0 =	sadd.s32 @!p0 $0x100000, s0  }
0xa3: {  	[sflag:s0] =	ssyncadd.tile.s32 @!p0 $0x1;
	_ =	shalt  }
.Lfunc_end2:
_tile_overlayer_lowered:
.L_overlay_start_2:
0xa4: {  	(tag) =	ssettag $0x2  }
0xa5: {  	s0 =	rddreg [dreg:$0x0];
	s2 =	stileid.u32  }
0xa6: {  	s1 =	rddreg [dreg:$0x1];
	p0 =	sne.s32 s2, $0x0  }
0xa7: {  	s3 =	rddreg [dreg:$0x2];
	[bflag:$0x3] =	sbarrier.arrive $0xFFFF;
	s2 =	simm.s32 @!p0 $0x1C05  }
0xa8: {  	[timem:s3], [sflag:s2] =	dma.local @!p0 [hbm:s0], s1  }
0xa9: {  	s0 =	simm.s32 @!p0 $0x5  }
0xaa: {  	_ =	swait.ge @!p0 [sflag:s0], s1  }
0xab: {  	s1 =	ssub.s32 @!p0 $0x0, s1;
	[sflag:s0] =	ssyncset.done @!p0 $0x0  }
0xac: {  	[sflag:s0] =	ssyncadd.s32 @!p0 s1  }
0xad: {  	[bflag:$0x3] =	sbarrier.arrive $0xFFFF  }
0xae: {  	_ =	shalt  }

// kernel: kernel.3.cloned.1.call-start
scs
__scs_entry_jumppad:
0x0: {  	(pc) =	sbr.rel $0x88, $3  }
0x1: {  	(tag) =	ssettag $0x0;
	lr =	simm.s32 $0x1  }
0x2: {  	[smem:$0x3F94] =	sst lr;
	_ =	strace $0xD0000000  }
0x3: {  	_ = 	snop  }
0x4: {  	_ = 	snop  }
0x5: {  	_ = 	snop  }
0x6: {  	_ = 	snop  }
0x7: {  	_ = 	snop  }
__scs_overlays_trampoline_lowered:
0x8: {  	[smem:$0x3FA3] =	sst s0  }
0x9: {  	[smem:$0x3FA4] =	sst s1  }
0xa: {  	[smem:$0x3FA5] =	sst s2  }
0xb: {  	[smem:$0x3FA6] =	sst s3  }
0xc: {  	[smem:$0x3FA7] =	sst s4  }
0xd: {  	[smem:$0x3FA8] =	sst s5  }
0xe: {  	[smem:$0x3FA9] =	sst s6  }
0xf: {  	[smem:$0x3FAA] =	sst s7  }
0x10: {  	[smem:$0x3FAB] =	sst s8  }
0x11: {  	[smem:$0x3FAC] =	sst s9;
	s0 =	simm.s32 @!p0 $0x0  }
0x12: {  	s1 =	sld [smem:$0x3F92];
	s0 =	simm.s32 @p0 $0x1  }
0x13: {  	[smem:$0x3FAD] =	sst s0;
	s0 =	simm.s32 @!p1 $0x0  }
0x14: {  	s2 =	sld [smem:$0x3F91];
	s0 =	simm.s32 @p1 $0x1  }
0x15: {  	[smem:$0x3FAE] =	sst s0;
	s0 =	simm.s32 @!p2 $0x0  }
0x16: {  	s3 =	sld [smem:$0x3FDB];
	s0 =	simm.s32 @p2 $0x1  }
0x17: {  	s4 =	simm.s32 $0x1BF5;
	[smem:$0x3FB0] =	sst s0  }
0x18: {  	s0 =	sld [smem:$0x3F93];
	_ =	swait.ge [sflag:s4], $0x0  }
0x19: {  	s7 =	sld [smem:$0x3F94]  }
0x1a: {  	s8 =	sadd.s32 $0xFFFFE003, lr  }
0x1b: {  	s9 =	sadd.s32 $0xFFFFFEF7, lr;
	s5 =	simm.s32 $0xFFFFFFFF;
	p2 =	slt.u32 s8, $0xFFFFF086  }
0x1c: {  	p1 =	slt.u32 s9, $0xF7A;
	s5 =	simm.s32 @!p2 $0x0  }
0x1d: {  	s5 =	simm.s32 @p1 $0x1;
	p0 =	seq.s32 s7, s2  }
0x1e: {  	s7 =	smul.u32 @!p0 $0xF7A, s2;
	p2 =	seq.s32 @!p0 s5, $0x0  }
0x1f: {  	s9 =	smul.u32 $0xF7A, s1;
	s8 =	simm.s32 @!p0 $0x1BF5;
	p2 =	por !p2, p0  }
0x20: {  	[sflag:s8] =	ssyncset.s32 @!p0 $0xFFFFF086;
	s6 =	sadd.s32 @!p0 s3, s7;
	s7 =	simm.s32 @!p0 $0x108  }
0x21: {  	s3 =	sadd.s32 s3, s9;
	s6 =	sadd.s32 @!p0 $0x88, s6;
	s7 =	simm.s32 @p2 $0x1082  }
0x22: {  	[simem:s7], [sflag:s8] =	dma.local @!p0 [hbm:s6], $0xF7A  }
0x23: {  	s9 =	sor.u32 $0xD0000000, s2;
	s6 =	simm.s32 $0x108;
	_ =	swait.ge @!p0 [sflag:s8], $0x0  }
0x24: {  	s3 =	sadd.s32 $0x88, s3;
	s6 =	simm.s32 @!p1 $0x1082;
	[sflag:s4] =	ssyncset.s32 $0xFFFFF086  }
0x25: {  	[simem:s6], [sflag:s4] =	dma.local [hbm:s3], $0xF7A  }
0x26: {  	[smem:$0x3F94] =	sst s1;
	(tag) =	ssettag s2;
	_ =	strace s9  }
0x27: {  	s1 =	sld [smem:$0x3FA4]  }
0x28: {  	s2 =	sld [smem:$0x3FA5]  }
0x29: {  	s4 =	sld [smem:$0x3FA7]  }
0x2a: {  	p0 =	seq.s32 s5, $0x0;
	s5 =	sld [smem:$0x3FA8]  }
0x2b: {  	s6 =	sld [smem:$0x3FA9]  }
0x2c: {  	s7 =	sld [smem:$0x3FAA]  }
0x2d: {  	s3 =	simm.s32 $0x108;
	s8 =	sld [smem:$0x3FAB]  }
0x2e: {  	s3 =	simm.s32 @!p0 $0x1082;
	s9 =	sld [smem:$0x3FAC]  }
0x2f: {  	lr =	sadd.s32 s0, s3;
	s0 =	sld [smem:$0x3FA3]  }
0x30: {  	s3 =	sld [smem:$0x3FA6]  }
0x31: {  	[smem:$0x3FAF] =	sst s10  }
0x32: {  	s10 =	sld [smem:$0x3FAD];
	_ =	sdelay $0x3  }
0x33: {  	p0 =	seq.s32 s10, $0x1;
	s10 =	sld [smem:$0x3FAF];
	_ =	sdelay $0x3  }
0x34: {  	[smem:$0x3FAF] =	sst s10  }
0x35: {  	s10 =	sld [smem:$0x3FAE];
	_ =	sdelay $0x3  }
0x36: {  	p1 =	seq.s32 s10, $0x1;
	s10 =	sld [smem:$0x3FAF];
	_ =	sdelay $0x3  }
0x37: {  	[smem:$0x3FAF] =	sst s10  }
0x38: {  	s10 =	sld [smem:$0x3FB0]  }
0x39: {  	_ = 	snop;
	(pc) =	sbr.ind lr, $3  }
0x3a: {  	_ = 	snop  }
0x3b: {  	_ = 	snop  }
0x3c: {  	p2 =	seq.s32 s10, $0x1;
	s10 =	sld [smem:$0x3FAF]  }
0x3d: {  	_ =	shalt  }
0x3e: {  	_ =	shalt  }
0x3f: {  	_ =	shalt  }
0x40: {  	_ =	shalt  }
0x41: {  	_ =	shalt  }
0x42: {  	_ =	shalt  }
0x43: {  	_ =	shalt  }
0x44: {  	_ =	shalt  }
0x45: {  	_ =	shalt  }
0x46: {  	_ =	shalt  }
0x47: {  	_ =	shalt  }
0x48: {  	_ =	shalt  }
0x49: {  	_ =	shalt  }
0x4a: {  	_ =	shalt  }
0x4b: {  	_ =	shalt  }
0x4c: {  	_ =	shalt  }
0x4d: {  	_ =	shalt  }
0x4e: {  	_ =	shalt  }
0x4f: {  	_ =	shalt  }
0x50: {  	_ =	shalt  }
0x51: {  	_ =	shalt  }
0x52: {  	_ =	shalt  }
0x53: {  	_ =	shalt  }
0x54: {  	_ =	shalt  }
0x55: {  	_ =	shalt  }
0x56: {  	_ =	shalt  }
0x57: {  	_ =	shalt  }
0x58: {  	_ =	shalt  }
0x59: {  	_ =	shalt  }
0x5a: {  	_ =	shalt  }
0x5b: {  	_ =	shalt  }
0x5c: {  	_ =	shalt  }
0x5d: {  	_ =	shalt  }
0x5e: {  	_ =	shalt  }
0x5f: {  	_ =	shalt  }
0x60: {  	_ =	shalt  }
0x61: {  	_ =	shalt  }
0x62: {  	_ =	shalt  }
0x63: {  	_ =	shalt  }
0x64: {  	_ =	shalt  }
0x65: {  	_ =	shalt  }
0x66: {  	_ =	shalt  }
0x67: {  	_ =	shalt  }
0x68: {  	_ =	shalt  }
0x69: {  	_ =	shalt  }
0x6a: {  	_ =	shalt  }
0x6b: {  	_ =	shalt  }
0x6c: {  	_ =	shalt  }
0x6d: {  	_ =	shalt  }
0x6e: {  	_ =	shalt  }
0x6f: {  	_ =	shalt  }
0x70: {  	_ =	shalt  }
0x71: {  	_ =	shalt  }
0x72: {  	_ =	shalt  }
0x73: {  	_ =	shalt  }
0x74: {  	_ =	shalt  }
0x75: {  	_ =	shalt  }
0x76: {  	_ =	shalt  }
0x77: {  	_ =	shalt  }
0x78: {  	_ =	shalt  }
0x79: {  	_ =	shalt  }
0x7a: {  	_ =	shalt  }
0x7b: {  	_ =	shalt  }
0x7c: {  	_ =	shalt  }
0x7d: {  	_ =	shalt  }
0x7e: {  	_ =	shalt  }
0x7f: {  	_ =	shalt  }
0x80: {  	_ =	shalt  }
0x81: {  	_ =	shalt  }
0x82: {  	_ =	shalt  }
0x83: {  	_ =	shalt  }
0x84: {  	_ =	shalt  }
0x85: {  	_ =	shalt  }
0x86: {  	_ =	shalt  }
0x87: {  	_ =	shalt  }
.Lfunc_end0:
.L_simem_size_0:
called_computation.2_lowered:
.L_overlay_start_0:
0x88: {  	s2 =	sld [smem:$0x3FD9]  }
0x89: {  	s3 =	sld [smem:$0x3FFE];
	_ =	sdelay $0x1  }
0x8a: {  	s1 =	srdreg.scid  }
0x8b: {  	s0 =	sand.u32 $0x1, s1  }
0x8c: {  	s16 =	sshll.u32 s0, $0xA;
	s2 =	sadd.s32 s3, s2  }
0x8d: {  	s2 =	sadd.s32 s2, s16  }
0x8e: {  	[smem:$0x3FBB] =	sst s2  }
0x8f: {  	_ = 	snop  }
0x90: {  	(tm) =	ssettm $0x1  }
0x91: {  	s17 =	sld [smem:$0x3FFB];
	_ =	sdelay $0x3  }
0x92: {  	_ =	strace s17  }
0x93: {  	s2 =	sld [smem:$0x3FFC];
	_ =	sdelay $0x3  }
0x94: {  	_ =	strace s2  }
0x95: {  	s2 =	sld [smem:$0x3FFD];
	_ =	sdelay $0x3  }
0x96: {  	_ =	strace s2  }
0x97: {  	_ =	strace $0x8FFFFFFF  }
0x98: {  	s18 =	sld [smem:$0x3FDB];
	_ =	sdelay $0x1  }
0x99: {  	s19 =	simm.s32 $_scs_section_size  }
0x9a: {  	s4 =	simm.s32 $_size__tile_overlayer_lowered;
	s5 =	simm.s32 $_tile_overlayer_lowered  }
0x9b: {  	s22 =	simm.s32 $0x1BFF;
	s21 =	sshll.u32 s5, $0x1;
	s2 =	sadd.s32 s19, s18  }
0x9c: {  	s6 =	simm.s32 $0x0;
	s20 =	sshll.u32 s4, $0x1;
	s4 =	sadd.s32 s21, s2  }
0x9d: {  	[timem:s6], [sflag:s22] =	dma.local [hbm:s4], s20  }
0x9e: {  	_ =	swait.ge [sflag:s22], s20  }
0x9f: {  	s3 =	ssub.s32 $0x0, s20;
	[sflag:s22] =	ssyncset.done $0x0  }
0xa0: {  	[sflag:s22] =	ssyncadd.s32 s3;
	_ =	sdelay $0x1  }
0xa1: {  	s23 =	simm.s32 $0x1B8B  }
0xa2: {  	_ =	swait.ge [sflag:s23], $0x1  }
0xa3: {  	[sflag:s23] =	ssyncset.done $0x0  }
0xa4: {  	s25 =	simm.s32 $0x1B8E;
	s24 =	sld [smem:$0x3FFE];
	[sflag:s23] =	ssyncadd.s32 $0xFFFFFFFF  }
0xa5: {  	s26 =	simm.s32 $execute0_lowered;
	[smem:$0x3FD2] =	sst s25  }
0xa6: {  	s4 =	sshll.u32 s26, $0x1;
	_ =	strace $0x80000046;
	[dreg:$0x1] =	wrdreg $0xFFFFFFFF  }
0xa7: {  	s28 =	simm.s32 $_size_execute0_lowered;
	s2 =	sadd.s32 s2, s4;
	[dreg:$0x0] =	wrdreg $0x0  }
0xa8: {  	s4 =	sshll.u32 s28, $0x1;
	[dreg:$0x2] =	wrdreg s2  }
0xa9: {  	[dreg:$0x3] =	wrdreg s4  }
0xaa: {  	[dreg:$0x4] =	wrdreg $0xC0  }
0xab: {  	_ =	task [dreg:s6], $0x5FFFF  }
0xac: {  	[dreg:$0x1] =	wrdreg $0xFFFFFFFF  }
0xad: {  	[dreg:$0x0] =	wrdreg $0x60  }
0xae: {  	[dreg:$0x2] =	wrdreg s24  }
0xaf: {  	[dreg:$0x3] =	wrdreg $0x12000  }
0xb0: {  	[dreg:$0x4] =	wrdreg $0x9  }
0xb1: {  	_ =	task.clear_ibuf [dreg:s6], $0x5FFFF;
	_ =	strace $0x90000046  }
0xb2: {  	s29 =	simm.s32 $0x9;
	_ =	strace $0x80000048  }
0xb3: {  	_ =	swait.ge [sflag:s29], $0x1  }
0xb4: {  	[sflag:s29] =	ssyncadd.s32 $0xFFFFFFFF  }
0xb5: {  	_ =	strace $0x90000048  }
0xb6: {  	_ =	sfence  }
0xb7: {  	s30 =	sld [smem:$0x0];
	_ =	sdelay $0x2  }
0xb8: {  	s31 =	sshll.u32 s1, $0xD;
	s1 =	sshrl.u32 s1, $0x2  }
0xb9: {  	s3 =	sand.u32 $0x4000, s31;
	s1 =	sadd.s32 s1, s30  }
0xba: {  	s0 =	sor.u32 s3, s0;
	s1 =	sshll.u32 s1, $0x11  }
0xbb: {  	s0 =	sor.u32 s1, s0  }
0xbc: {  	s0 =	sadd.s32 $0x8F2B, s0  }
0xbd: {  	[sflag:s0] =	ssyncadd.remote.s32 $0x1  }
0xbe: {  	_ =	sfence.sel $0xFFFF  }
0xbf: {  	[dreg:$0x0] =	wrdreg $0xFFFFFFFF;
	(pc) =	sbr.abs _section_cstart, $3  }
0xc0: {  	[dreg:$0x1] =	wrdreg $0xFFFFFFFF  }
0xc1: {  	_ =	task.clear_ibuf [dreg:s6], $0x2FFFF;
	_ =	strace $0x9FFFFFFF  }
0xc2: {  	(tm) =	ssettm $0x7FFFFFFF  }
0xc3: {  	_ =	shalt  }
tec
execute0_lowered:
.L_overlay_start_1:
0x0: {  	(tag) =	ssettag $0x1  }
0x1: {  	s7 =	rddreg [dreg:$0x0]  }
0x2: {  	s1 =	rddreg [dreg:$0x1];
	s2 =	srdreg.scid  }
0x3: {  	s0 =	rddreg [dreg:$0x2];
	s3 =	simm.s32 $0x0;
	s22 =	simm.s32 $0x200  }
0x4: {  	s23 =	simm.s32 $0x80;
	s15 =	sand.u32 $0x1, s2;
	s2 =	stileid.u32  }
0x5: {  	s24 =	simm.s32 $0x0;
	[smem:$0x7FF] =	sst s3;
	s12 =	smul.u32 $0x2780, s2  }
0x6: {  	s4 =	sadd.s32 $0x1C00, s7;
	s16 =	sadd.s32 $0xC000, s7;
	s19 =	smul.u32 $0x27800, s15  }
0x7: {  	s5 =	sshll.u32 s15, $0x4;
	_ =	strace $0x80000047;
	s30 =	smul.u32 $0x28000, s15  }
0x8: {  	s8 =	ssub.s32 $0x2, s15;
	s31 =	smul.u32 $0x2800, s2;
	s6 =	sor.u32 s2, s5  }
0x9: {  	s5 =	sadd.s32 $0xBE00, s7;
	s9 =	sshrl.u32 s8, $0x1;
	s18 =	smul.u32 $0xFFFFFFB0, s6  }
0xa: {  	s6 =	sadd.s32 $0xBC00, s7;
	s17 =	ssub.s32 s8, s9;
	s7 =	sadd.s32 s12, s1  }
0xb: {  	s13 =	sadd.s32 $0x800, s12;
	s14 =	sadd.s32 $0x1000, s12;
	s20 =	sadd.s32 $0x1800, s12  }
0xc: {  	s21 =	sadd.s32 $0x2000, s12;
	s12 =	sadd.s32 s12, s19;
	s8 =	sadd.s32 s13, s1  }
0xd: {  	s9 =	sadd.s32 s14, s1;
	s10 =	sadd.s32 s20, s1;
	s11 =	sadd.s32 s21, s1  }
0xe: {  	s12 =	sshrl.u32 s12, $0x3;
	s13 =	sadd.s32 s19, s13;
	s14 =	sadd.s32 s19, s14  }
0xf: {  	s20 =	sadd.s32 s19, s20;
	s19 =	sadd.s32 s19, s21;
	s17 =	smax.u32 s17, $0x1  }
0x10: {  	s21 =	simm.s32 $0x1;
	p0 =	slt.s32 s18, $0xFFFFF68C;
	s12 =	sadd.s32 s16, s12  }
0x11: {  	s13 =	sshrl.u32 s13, $0x3;
	s14 =	sshrl.u32 s14, $0x3;
	s20 =	sshrl.u32 s20, $0x3  }
0x12: {  	s19 =	sshrl.u32 s19, $0x3;
	s18 =	simm.s32 @!p0 $0xFFFFF68C;
	s13 =	sadd.s32 s16, s13  }
0x13: {  	s14 =	sadd.s32 s16, s14;
	s15 =	sadd.s32 s16, s20;
	s16 =	sadd.s32 s16, s19  }
0x14: {  	s19 =	sadd.s32 s31, s30;
	s20 =	simm.s32 $0xA00;
	s18 =	sadd.s32 $0x9C3, s18  }
.LBB2_1:
0x15: {  	[tilespmem:s20], [sflag:$0x1] =	stream.linear.gather [hbm4b:s5+s3], $0x800, $0x38;
	[tilespmem:$0x3980] =	vst v63  }
0x16: {  	_ =	swait.ge [sflag:s21], $0x800  }
0x17: {  	[sflag:s21] =	ssyncset.done $0x0  }
0x18: {  	[sflag:s21] =	ssyncadd.s32 $0xFFFFF800  }
0x19: {  	[spmem:s7] =	stream.linear.scatter [tilespmem:s20], [sflag:$0x1], $0x800, $0x38;
	[tilespmem:$0x3980] =	vst v63  }
0x1a: {  	_ =	swait.ge [sflag:s21], $0x800  }
0x1b: {  	[sflag:s21] =	ssyncset.done $0x0  }
0x1c: {  	[sflag:s21] =	ssyncadd.s32 $0xFFFFF800  }
0x1d: {  	[spmem:s8] =	stream.linear.scatter [tilespmem:s20], [sflag:$0x1], $0x800, $0x38;
	[tilespmem:$0x3980] =	vst v63  }
0x1e: {  	_ =	swait.ge [sflag:s21], $0x800  }
0x1f: {  	[sflag:s21] =	ssyncset.done $0x0  }
0x20: {  	[sflag:s21] =	ssyncadd.s32 $0xFFFFF800  }
0x21: {  	[spmem:s9] =	stream.linear.scatter [tilespmem:s20], [sflag:$0x1], $0x800, $0x38;
	[tilespmem:$0x3980] =	vst v63  }
0x22: {  	_ =	swait.ge [sflag:s21], $0x800  }
0x23: {  	[sflag:s21] =	ssyncset.done $0x0  }
0x24: {  	[sflag:s21] =	ssyncadd.s32 $0xFFFFF800  }
0x25: {  	[spmem:s10] =	stream.linear.scatter [tilespmem:s20], [sflag:$0x1], $0x800, $0x38;
	[tilespmem:$0x3980] =	vst v63  }
0x26: {  	_ =	swait.ge [sflag:s21], $0x800  }
0x27: {  	[sflag:s21] =	ssyncset.done $0x0  }
0x28: {  	[sflag:s21] =	ssyncadd.s32 $0xFFFFF800  }
0x29: {  	[spmem:s11] =	stream.linear.scatter [tilespmem:s20], [sflag:$0x1], $0x780, $0x38;
	[tilespmem:$0x3980] =	vst v63  }
0x2a: {  	_ =	swait.ge [sflag:s21], $0x780  }
0x2b: {  	s25 =	simm.s32 $0x0;
	[sflag:s21] =	ssyncset.done $0x0  }
0x2c: {  	s26 =	sand.u32 $0x3, s25;
	[sflag:s21] =	ssyncadd.s32 $0xFFFFF880  }
0x2d: {  	[tilespmem:s22], [sflag:$0x1] =	stream.linear.gather [hbm4b:s6+s3], $0x800, $0x38;
	[tilespmem:$0x3980] =	vst v63  }
0x2e: {  	p0 =	sne.s32 s26, $0x0;
	_ =	swait.ge [sflag:s21], $0x800  }
0x2f: {  	p1 =	sgt.u32 s18, $0x0;
	s28 =	sshrl.u32 @!p0 s19, $0x3;
	[sflag:s21] =	ssyncset.done $0x0  }
.Ltmp0:
0x30: {  	s30 =	simm.s32 @!p0 $0x0;
	[sflag:s21] =	ssyncadd.s32 $0xFFFFF800;
	(pc) =	sbr.rel @!p1 .LBB2_3-.Ltmp0, $4  }
0x31: {  	s29 =	simm.s32 @!p0 $0x1;
	s28 =	sadd.s32 @!p0 s4, s28;
	[bflag:$0x0] =	sbarrier.arrive $0xFFFF  }
0x32: {  	[tilespmem:s30], [sflag:$0x1] =	stream.linear.gather @!p0 [hbm4b:s28+s30], $0x200, $0x38;
	[tilespmem:$0x3980] =	vst v63  }
0x33: {  	_ =	swait.ge @!p0 [sflag:s29], $0x200  }
0x34: {  	s28 =	sshll.u32 s26, $0x7;
	s26 =	smov.u32 s19;
	[sflag:s29] =	ssyncset.done @!p0 $0x0  }
.LBB2_2:
0x35: {  	s25 =	sadd.s32 $0x1, s25;
	[sflag:s29] =	ssyncadd.s32 @!p0 $0xFFFFFE00;
	s26 =	sadd.s32 $0x80, s26  }
0x36: {  	[spmem:s1] =	stream.indirect.scatter.add.f32 [tilespmem:s22], [sflag:$0x1], $0x10, s28, s23, $0xb8;
	[tilespmem:$0x3980] =	vst v63  }
0x37: {  	s28 =	sand.u32 $0x3, s25;
	p1 =	slt.u32 s25, s18;
	_ =	swait.ge [sflag:s21], $0x800  }
0x38: {  	p0 =	sne.s32 s28, $0x0;
	s28 =	sshll.u32 s28, $0x7;
	[sflag:s21] =	ssyncset.done $0x0  }
.Ltmp1:
0x39: {  	s29 =	sshrl.u32 @!p0 s26, $0x3;
	[sflag:s21] =	ssyncadd.s32 $0xFFFFF800;
	(pc) =	sbr.rel @p1 .LBB2_2-.Ltmp1, $4  }
0x3a: {  	s31 =	simm.s32 @!p0 $0x0;
	s30 =	sadd.s32 @!p0 s4, s29;
	s29 =	simm.s32 @!p0 $0x1  }
0x3b: {  	[tilespmem:s31], [sflag:$0x1] =	stream.linear.gather @!p0 [hbm4b:s30+s31], $0x200, $0x38;
	[tilespmem:$0x3980] =	vst v63  }
0x3c: {  	_ =	swait.ge @!p0 [sflag:s29], $0x200  }
0x3d: {  	[sflag:s29] =	ssyncset.done @!p0 $0x0  }
.LBB2_3:
0x3e: {  	[sflag:s29] =	ssyncadd.s32 @!p0 $0xFFFFFE00  }
0x3f: {  	[spmem:s1] =	stream.indirect.scatter.add.f32 [tilespmem:s22], [sflag:$0x1], $0x10, s28, s23, $0xb8;
	[tilespmem:$0x3980] =	vst v63  }
0x40: {  	_ =	swait.ge [sflag:s21], $0x800  }
0x41: {  	[sflag:s21] =	ssyncset.done $0x0  }
0x42: {  	[sflag:s21] =	ssyncadd.s32 $0xFFFFF800  }
0x43: {  	[bflag:$0x0] =	sbarrier.arrive $0xFFFF  }
0x44: {  	[tilespmem:s20], [sflag:$0x1] =	stream.linear.gather [spmem:s7], $0x800, $0x38;
	[tilespmem:$0x3980] =	vst v63  }
0x45: {  	_ =	swait.ge [sflag:s21], $0x800  }
0x46: {  	[sflag:s21] =	ssyncset.done $0x0  }
0x47: {  	[sflag:s21] =	ssyncadd.s32 $0xFFFFF800  }
0x48: {  	[hbm4b:s12+s3] =	stream.linear.scatter [tilespmem:s20], [sflag:$0x1], $0x800, $0x38;
	[tilespmem:$0x3980] =	vst v63  }
0x49: {  	_ =	swait.ge [sflag:s21], $0x800  }
0x4a: {  	[sflag:s21] =	ssyncset.done $0x0  }
0x4b: {  	[sflag:s21] =	ssyncadd.s32 $0xFFFFF800  }
0x4c: {  	[tilespmem:s20], [sflag:$0x1] =	stream.linear.gather [spmem:s8], $0x800, $0x38;
	[tilespmem:$0x3980] =	vst v63  }
0x4d: {  	_ =	swait.ge [sflag:s21], $0x800  }
0x4e: {  	[sflag:s21] =	ssyncset.done $0x0  }
0x4f: {  	[sflag:s21] =	ssyncadd.s32 $0xFFFFF800  }
0x50: {  	[hbm4b:s13+s3] =	stream.linear.scatter [tilespmem:s20], [sflag:$0x1], $0x800, $0x38;
	[tilespmem:$0x3980] =	vst v63  }
0x51: {  	_ =	swait.ge [sflag:s21], $0x800  }
0x52: {  	[sflag:s21] =	ssyncset.done $0x0  }
0x53: {  	[sflag:s21] =	ssyncadd.s32 $0xFFFFF800  }
0x54: {  	[tilespmem:s20], [sflag:$0x1] =	stream.linear.gather [spmem:s9], $0x800, $0x38;
	[tilespmem:$0x3980] =	vst v63  }
0x55: {  	_ =	swait.ge [sflag:s21], $0x800  }
0x56: {  	[sflag:s21] =	ssyncset.done $0x0  }
0x57: {  	[sflag:s21] =	ssyncadd.s32 $0xFFFFF800  }
0x58: {  	[hbm4b:s14+s3] =	stream.linear.scatter [tilespmem:s20], [sflag:$0x1], $0x800, $0x38;
	[tilespmem:$0x3980] =	vst v63  }
0x59: {  	_ =	swait.ge [sflag:s21], $0x800  }
0x5a: {  	[sflag:s21] =	ssyncset.done $0x0  }
0x5b: {  	[sflag:s21] =	ssyncadd.s32 $0xFFFFF800  }
0x5c: {  	[tilespmem:s20], [sflag:$0x1] =	stream.linear.gather [spmem:s10], $0x800, $0x38;
	[tilespmem:$0x3980] =	vst v63  }
0x5d: {  	_ =	swait.ge [sflag:s21], $0x800  }
0x5e: {  	[sflag:s21] =	ssyncset.done $0x0  }
0x5f: {  	[sflag:s21] =	ssyncadd.s32 $0xFFFFF800  }
0x60: {  	[hbm4b:s15+s3] =	stream.linear.scatter [tilespmem:s20], [sflag:$0x1], $0x800, $0x38;
	[tilespmem:$0x3980] =	vst v63  }
0x61: {  	_ =	swait.ge [sflag:s21], $0x800  }
0x62: {  	[sflag:s21] =	ssyncset.done $0x0  }
0x63: {  	[sflag:s21] =	ssyncadd.s32 $0xFFFFF800  }
0x64: {  	[tilespmem:s20], [sflag:$0x1] =	stream.linear.gather [spmem:s11], $0x780, $0x38;
	[tilespmem:$0x3980] =	vst v63  }
0x65: {  	s24 =	sadd.s32 $0x1, s24;
	_ =	swait.ge [sflag:s21], $0x780  }
0x66: {  	p0 =	sne.s32 s24, s17;
	[sflag:s21] =	ssyncset.done $0x0  }
.Ltmp2:
0x67: {  	[sflag:s21] =	ssyncadd.s32 $0xFFFFF880;
	(pc) =	sbr.rel @p0 .LBB2_1-.Ltmp2, $4  }
0x68: {  	[hbm4b:s16+s3] =	stream.linear.scatter [tilespmem:s20], [sflag:$0x1], $0x780, $0x38;
	[tilespmem:$0x3980] =	vst v63  }
0x69: {  	_ =	swait.ge [sflag:s21], $0x780  }
0x6a: {  	[sflag:s21] =	ssyncset.done $0x0  }
0x6b: {  	[sflag:s21] =	ssyncadd.s32 $0xFFFFF880  }
0x6c: {  	_ =	sfence.sel $0x180000  }
0x6d: {  	[bflag:$0x0] =	sbarrier.arrive $0xFFFF  }
0x6e: {  	p0 =	sne.s32 s2, $0x0;
	_ =	strace $0x90000047  }
0x6f: {  	s0 =	sadd.s32 @!p0 $0x100000, s0;
	[bflag:$0x2] =	sbarrier.arrive $0xFFFF  }
0x70: {  	[sflag:s0] =	ssyncadd.tile.s32 @!p0 $0x1;
	_ =	shalt  }
.Lfunc_end2:
_tile_overlayer_lowered:
.L_overlay_start_2:
0x71: {  	(tag) =	ssettag $0x2  }
0x72: {  	s0 =	rddreg [dreg:$0x0];
	s2 =	stileid.u32  }
0x73: {  	s1 =	rddreg [dreg:$0x1];
	p0 =	sne.s32 s2, $0x0  }
0x74: {  	s3 =	rddreg [dreg:$0x2];
	[bflag:$0x3] =	sbarrier.arrive $0xFFFF;
	s2 =	simm.s32 @!p0 $0x1C01  }
0x75: {  	[timem:s3], [sflag:s2] =	dma.local @!p0 [hbm:s0], s1  }
0x76: {  	s0 =	simm.s32 @!p0 $0x1  }
0x77: {  	_ =	swait.ge @!p0 [sflag:s0], s1  }
0x78: {  	s1 =	ssub.s32 @!p0 $0x0, s1;
	[sflag:s0] =	ssyncset.done @!p0 $0x0  }
0x79: {  	[sflag:s0] =	ssyncadd.s32 @!p0 s1  }
0x7a: {  	[bflag:$0x3] =	sbarrier.arrive $0xFFFF  }
0x7b: {  	_ =	shalt  }

</sc_bundles>
